<compile_context>
chip_gen: v7x
topology: tpu7x:2x2x1
jax: 0.10.2.dev20260603
libtpu: 0.0.44.dev20260713+nightly
codegen_flags: <defaults>
</compile_context>

<pallas_src>
import functools

import jax
import jax.numpy as jnp
from jax import lax
from jax.experimental import pallas as pl
from jax.experimental.pallas import tpu as pltpu
from jax.experimental.pallas import tpu_sc as plsc

N_NODES_K = 10000
N_EDGES_K = 160000
D = 256

NC = 2
NS = 16
NW = NC * NS
W_WIN = 313
ACC_ROWS = 320
TRASH = 316
SCAN = 1024
NSCAN = 158
NCH_PAD = 160
E_PAD = NCH_PAD * SCAN
G = 64
FLUSH_AT = 2048
CAP = 3328
DST_SENTINEL = 1 << 30

_sc_mesh = plsc.VectorSubcoreMesh(core_axis_name="c", subcore_axis_name="s")


@functools.partial(
    pl.kernel,
    out_type=[
        jax.ShapeDtypeStruct((NW, ACC_ROWS, D), jnp.float32),
        jax.ShapeDtypeStruct((NW, ACC_ROWS), jnp.float32),
    ],
    mesh=_sc_mesh,
    scratch_types=[
        pltpu.VMEM((ACC_ROWS, D), jnp.float32),
        pltpu.VMEM((G, D), jnp.float32),
        pltpu.VMEM((G, D), jnp.float32),
        pltpu.VMEM((SCAN,), jnp.int32),
        pltpu.VMEM((SCAN,), jnp.int32),
        pltpu.VMEM((SCAN,), jnp.int32),
        pltpu.VMEM((SCAN,), jnp.int32),
        pltpu.VMEM((CAP,), jnp.int32),
        pltpu.VMEM((CAP,), jnp.int32),
        pltpu.VMEM((G,), jnp.int32),
        pltpu.VMEM((G,), jnp.float32),
        pltpu.VMEM((ACC_ROWS,), jnp.float32),
        pltpu.VMEM_SHARED((NS * ACC_ROWS,), jnp.float32),
        pltpu.SemaphoreType.DMA,
        pltpu.SemaphoreType.DMA,
        pltpu.SemaphoreType.DMA,
        pltpu.SemaphoreType.DMA,
    ],
    compiler_params=pltpu.CompilerParams(needs_layout_passes=False),
)
def _sc_aggregate(feat_hbm, src_hbm, dst_hbm, sum_hbm, deg_hbm,
                  acc, rowsA, rowsB, dstA, srcA, dstB, srcB,
                  csrc, cld, cidx, ones, degf, degsp,
                  semA, semB, semGA, semGB):
    c = lax.axis_index("c")
    s = lax.axis_index("s")
    w = s * NC + c
    base = w * W_WIN
    dbase = s * ACC_ROWS
    zero16 = jnp.zeros((16,), jnp.float32)
    one16 = jnp.ones((16,), jnp.float32)
    trash16 = jnp.full((16,), TRASH, jnp.int32)
    zero16i = jnp.zeros((16,), jnp.int32)
    iota16 = lax.iota(jnp.int32, 16)

    def _zrow(i, carry):
        for j in range(D // 16):
            acc[i, pl.ds(j * 16, 16)] = zero16
        return carry
    lax.fori_loop(0, ACC_ROWS, _zrow, 0)
    for j in range(ACC_ROWS // 16):
        degf[pl.ds(j * 16, 16)] = zero16
    for j in range(G // 16):
        ones[pl.ds(j * 16, 16)] = one16
    def _zc(i, carry):
        csrc[pl.ds(i * 16, 16)] = zero16i
        return carry
    lax.fori_loop(0, CAP // 16, _zc, 0)
    pltpu.sync_copy(degf, degsp.at[pl.ds(dbase, ACC_ROWS)])

    def _wait_scan(sem, dbuf, sbuf):
        pltpu.make_async_copy(dst_hbm.at[pl.ds(0, SCAN)], dbuf, sem).wait()
        pltpu.make_async_copy(src_hbm.at[pl.ds(0, SCAN)], sbuf, sem).wait()

    def _flush(n):
        a0 = (n // 16) * 16
        keep = iota16 < (n - a0)
        csrc[pl.ds(a0, 16)] = jnp.where(keep, csrc[pl.ds(a0, 16)], zero16i)
        cld[pl.ds(a0, 16)] = jnp.where(keep, cld[pl.ds(a0, 16)], trash16)
        for t in range(1, G // 16):
            csrc[pl.ds(a0 + 16 * t, 16)] = zero16i
            cld[pl.ds(a0 + 16 * t, 16)] = trash16
        nch = (n + G - 1) // G
        nh = (nch + 1) // 2

        def _chunk(p0, rbuf):
            for j in range(G // 16):
                cidx[pl.ds(j * 16, 16)] = cld[pl.ds(p0 + j * 16, 16)] + dbase
            pltpu.sync_copy(ones, degsp.at[cidx], add=True)

            def _edge(e, carry2):
                rv = cld[pl.ds(p0 + e, 16)]
                r = rv[0]
                for j in range(D // 16):
                    plsc.addupdate(acc.at[r, pl.ds(j * 16, 16)],
                                   rbuf[e, pl.ds(j * 16, 16)])
                return carry2
            lax.fori_loop(0, G, _edge, 0)

        def _pair(g2, carry):
            pA = (2 * g2) * G
            pB = pA + G
            cpA = pltpu.async_copy(feat_hbm.at[csrc.at[pl.ds(pA, G)]],
                                   rowsA, semGA)
            cpB = pltpu.async_copy(feat_hbm.at[csrc.at[pl.ds(pB, G)]],
                                   rowsB, semGB)
            cpA.wait()
            pl.when(2 * g2 < nch)(lambda: _chunk(pA, rowsA))
            cpB.wait()
            pl.when(2 * g2 + 1 < nch)(lambda: _chunk(pB, rowsB))
            return carry
        lax.fori_loop(0, nh, _pair, 0)

    def _proc(dbuf, sbuf, cnt):
        def _step(i, cnt2):
            d = dbuf[pl.ds(i * 16, 16)]
            ld = d - base
            m = plsc.bitcast(ld, jnp.uint32) < jnp.uint32(W_WIN)
            incl = plsc.cumsum(jnp.where(m, 1, 0).astype(jnp.int32))
            pos = cnt2 + incl - 1
            plsc.store_scatter(csrc, [pos], sbuf[pl.ds(i * 16, 16)], mask=m)
            plsc.store_scatter(cld, [pos], ld, mask=m)
            return cnt2 + jnp.max(incl)
        cnt = lax.fori_loop(0, SCAN // 16, _step, cnt)
        do_flush = cnt >= FLUSH_AT
        pl.when(do_flush)(lambda: _flush(cnt))
        return jnp.where(do_flush, 0, cnt)

    pltpu.async_copy(dst_hbm.at[pl.ds(0, SCAN)], dstA, semA)
    pltpu.async_copy(src_hbm.at[pl.ds(0, SCAN)], srcA, semA)

    def _scan2(h, cnt):
        offB = (2 * h + 1) * SCAN
        offA2 = (2 * h + 2) * SCAN
        pltpu.async_copy(dst_hbm.at[pl.ds(offB, SCAN)], dstB, semB)
        pltpu.async_copy(src_hbm.at[pl.ds(offB, SCAN)], srcB, semB)
        _wait_scan(semA, dstA, srcA)
        cnt = _proc(dstA, srcA, cnt)
        pltpu.async_copy(dst_hbm.at[pl.ds(offA2, SCAN)], dstA, semA)
        pltpu.async_copy(src_hbm.at[pl.ds(offA2, SCAN)], srcA, semA)
        _wait_scan(semB, dstB, srcB)
        cnt = _proc(dstB, srcB, cnt)
        return cnt
    cnt = lax.fori_loop(0, NSCAN // 2, _scan2, jnp.int32(0))
    _wait_scan(semA, dstA, srcA)
    pl.when(cnt > 0)(lambda: _flush(cnt))

    pltpu.sync_copy(acc, sum_hbm.at[w])
    pltpu.sync_copy(degsp.at[pl.ds(dbase, ACC_ROWS)], degf)
    pltpu.sync_copy(degf, deg_hbm.at[w])


def _tc_self_body(feat_ref, wst_ref, b_ref, out_ref):
    out_ref[...] = (
        jnp.dot(feat_ref[...], wst_ref[...], preferred_element_type=jnp.float32)
        + b_ref[...]
    )


def _tc_neigh_body(self_ref, sum_ref, deg_ref, wnt_ref, out_ref):
    rcp = 1.0 / jnp.maximum(deg_ref[...], 1.0)
    h = sum_ref[...] * rcp
    out_ref[...] = self_ref[...] + jnp.dot(
        h, wnt_ref[...], preferred_element_type=jnp.float32)


_BLK = 200
_tc_self = pl.pallas_call(
    _tc_self_body,
    grid=(N_NODES_K // _BLK,),
    in_specs=[
        pl.BlockSpec((_BLK, D), lambda i: (i, 0)),
        pl.BlockSpec((D, D), lambda i: (0, 0)),
        pl.BlockSpec((1, D), lambda i: (0, 0)),
    ],
    out_specs=pl.BlockSpec((_BLK, D), lambda i: (i, 0)),
    out_shape=jax.ShapeDtypeStruct((N_NODES_K, D), jnp.float32),
)
_tc_neigh = pl.pallas_call(
    _tc_neigh_body,
    grid=(N_NODES_K // _BLK,),
    in_specs=[
        pl.BlockSpec((_BLK, D), lambda i: (i, 0)),
        pl.BlockSpec((_BLK, D), lambda i: (i, 0)),
        pl.BlockSpec((_BLK, 1), lambda i: (i, 0)),
        pl.BlockSpec((D, D), lambda i: (0, 0)),
    ],
    out_specs=pl.BlockSpec((_BLK, D), lambda i: (i, 0)),
    out_shape=jax.ShapeDtypeStruct((N_NODES_K, D), jnp.float32),
)


@jax.jit
def kernel(feat, edge_index, W_self, W_neigh, b):
    npad = E_PAD - N_EDGES_K
    srcp = jnp.concatenate([edge_index[0], jnp.zeros((npad,), jnp.int32)])
    dstp = jnp.concatenate(
        [edge_index[1], jnp.full((npad,), DST_SENTINEL, jnp.int32)])
    sum_pad, deg_pad = _sc_aggregate(feat, srcp, dstp)
    self_part = _tc_self(feat, W_self.T, b.reshape(1, D))
    summed = sum_pad[:, :W_WIN].reshape(NW * W_WIN, D)[:N_NODES_K]
    deg = deg_pad[:, :W_WIN].reshape(NW * W_WIN)[:N_NODES_K]
    return _tc_neigh(self_part, summed, deg.reshape(N_NODES_K, 1), W_neigh.T)

# --- scband reference (transcript-rebuilt; emitter-appended) ---
"""Pipeline reference for scband-sageconv-hp-42348377539230 (READ-ONLY COPY).

The authoritative reference and input builder live on the scoring server;
editing this copy changes nothing except your own understanding.
"""

import jax, jax.numpy as jnp
import numpy as np

N_NODES = 10000
N_EDGES = 160000
D_IN = 256
D_OUT = 256


def setup_inputs(seed: int = 0) -> dict:
    key = jax.random.key(seed)
    k1, k2, k3, k4 = jax.random.split(key, 4)
    feat = jax.random.normal(k1, (N_NODES, D_IN), dtype=jnp.float32)
    edge_index = jax.random.randint(k2, (2, N_EDGES), 0, N_NODES, dtype=jnp.int32)
    # Glorot-style scaling for the two linear weights (fc_self, fc_neigh), bias zeros
    scale = float(np.sqrt(2.0 / (D_IN + D_OUT)))
    W_self = jax.random.normal(k3, (D_OUT, D_IN), dtype=jnp.float32) * scale
    W_neigh = jax.random.normal(k4, (D_OUT, D_IN), dtype=jnp.float32) * scale
    b = jnp.zeros((D_OUT,), dtype=jnp.float32)
    return {"feat": feat, "edge_index": edge_index, "W_self": W_self, "W_neigh": W_neigh, "b": b}


def reference(feat, edge_index, W_self, W_neigh, b):
    # SAGEConv with 'mean' aggregator, feat_drop=0 (identity), no norm/activation.
    # h_neigh_i = mean_{j in N(i)} feat_j ; message flows src -> dst.
    src = edge_index[0]
    dst = edge_index[1]
    msgs = jnp.take(feat, src, axis=0)                              # gather: copy_u
    summed = jax.ops.segment_sum(msgs, dst, num_segments=N_NODES)    # scatter-add
    deg = jax.ops.segment_sum(jnp.ones((N_EDGES,), jnp.float32), dst, num_segments=N_NODES)
    h_neigh = summed / jnp.clip(deg, 1.0, None)[:, None]             # mean reduce
    h_self = feat
    out = h_self @ W_self.T + h_neigh @ W_neigh.T + b
    return out

if __name__ == "__main__":
    import jax
    _d = setup_inputs()
    print(jax.jit(kernel)(*tuple(_d.values())))

</pallas_src>

<mosaic_0001>
#map = affine_map<(d0, d1) -> (0, 0)>
#map1 = affine_map<(d0, d1) -> (0)>
#map2 = affine_map<(d0, d1) -> (0, 0, 0)>
module attributes {stable_mosaic.version = 14 : i64} {
  func.func @_sc_aggregate(%arg0: i32, %arg1: i32, %arg2: memref<10000x256xf32, #tpu.memory_space<hbm>>, %arg3: memref<163840xi32, #tpu.memory_space<hbm>>, %arg4: memref<163840xi32, #tpu.memory_space<hbm>>, %arg5: memref<32x320x256xf32, #tpu.memory_space<hbm>>, %arg6: memref<32x320xf32, #tpu.memory_space<hbm>>, %arg7: memref<320x256xf32, #tpu.memory_space<vmem>>, %arg8: memref<64x256xf32, #tpu.memory_space<vmem>>, %arg9: memref<64x256xf32, #tpu.memory_space<vmem>>, %arg10: memref<1024xi32, #tpu.memory_space<vmem>>, %arg11: memref<1024xi32, #tpu.memory_space<vmem>>, %arg12: memref<1024xi32, #tpu.memory_space<vmem>>, %arg13: memref<1024xi32, #tpu.memory_space<vmem>>, %arg14: memref<3328xi32, #tpu.memory_space<vmem>>, %arg15: memref<3328xi32, #tpu.memory_space<vmem>>, %arg16: memref<64xi32, #tpu.memory_space<vmem>>, %arg17: memref<64xf32, #tpu.memory_space<vmem>>, %arg18: memref<320xf32, #tpu.memory_space<vmem>>, %arg19: memref<5120xf32, #tpu.memory_space<vmem_shared>>, %arg20: memref<!tpu.dma_semaphore, #tpu.memory_space<semaphore_mem>>, %arg21: memref<!tpu.dma_semaphore, #tpu.memory_space<semaphore_mem>>, %arg22: memref<!tpu.dma_semaphore, #tpu.memory_space<semaphore_mem>>, %arg23: memref<!tpu.dma_semaphore, #tpu.memory_space<semaphore_mem>>) attributes {dimension_semantics = [#tpu.dimension_semantics<core_parallel>, #tpu.dimension_semantics<subcore_parallel>], iteration_bounds = array<i64: 2, 16>, scalar_prefetch = 0 : i64, scratch_operands = 17 : i64, tpu.core_type = #tpu.core_type<sc_vector_subcore>, window_params = [{transform_indices = #map}, {transform_indices = #map1}, {transform_indices = #map1}, {transform_indices = #map2}, {transform_indices = #map}]} {
    %mul3A = arith.constant 2 : i32
    %mul3A_0 = arith.muli %arg1, %mul3A : i32
    %add3A = arith.addi %mul3A_0, %arg0 : i32
    %mul3A_1 = arith.constant 313 : i32
    %mul3A_2 = arith.muli %add3A, %mul3A_1 : i32
    %mul3A_3 = arith.constant 320 : i32
    %mul3A_4 = arith.muli %arg1, %mul3A_3 : i32
    %broadcast_in_dim3A = arith.constant 0.000000e+00 : f32
    %broadcast_in_dim3A_5 = vector.broadcast %broadcast_in_dim3A : f32 to vector<16xf32>
    %broadcast_in_dim3A_6 = arith.constant 1.000000e+00 : f32
    %broadcast_in_dim3A_7 = vector.broadcast %broadcast_in_dim3A_6 : f32 to vector<16xf32>
    %broadcast_in_dim3A_8 = arith.constant 316 : i32
    %broadcast_in_dim3A_9 = vector.broadcast %broadcast_in_dim3A_8 : i32 to vector<16xi32>
    %broadcast_in_dim3A_10 = arith.constant 0 : i32
    %broadcast_in_dim3A_11 = vector.broadcast %broadcast_in_dim3A_10 : i32 to vector<16xi32>
    %iota3A = tpu.iota {dimensions = array<i32: 0>} : vector<16xi32>
    %scan3A = arith.constant 0 : i32
    %scan3A_12 = arith.constant 0 : i32
    %scan3A_13 = arith.constant 320 : i32
    %scan3A_14 = arith.addi %scan3A_12, %scan3A_13 : i32
    %scan3A_15 = arith.constant 1 : i32
    scf.for %scan3A_93 = %scan3A_12 to %scan3A_14 step %scan3A_15  : i32 {
      %swap3A_94 = arith.index_cast %scan3A_93 : i32 to index
      %swap3A_95 = arith.constant 0 : index
      %swap3A_96 = tpu.vector_load %arg7[%swap3A_94, %swap3A_95] {strides = array<i32>} : memref<320x256xf32, #tpu.memory_space<vmem>>, vector<16xf32>,
      tpu.vector_store %arg7[%swap3A_94, %swap3A_95], %broadcast_in_dim3A_5 {strides = array<i32>} : memref<320x256xf32, #tpu.memory_space<vmem>>, vector<16xf32>,
      %swap3A_97 = arith.index_cast %scan3A_93 : i32 to index
      %swap3A_98 = arith.constant 16 : index
      %swap3A_99 = tpu.vector_load %arg7[%swap3A_97, %swap3A_98] {strides = array<i32>} : memref<320x256xf32, #tpu.memory_space<vmem>>, vector<16xf32>,
      tpu.vector_store %arg7[%swap3A_97, %swap3A_98], %broadcast_in_dim3A_5 {strides = array<i32>} : memref<320x256xf32, #tpu.memory_space<vmem>>, vector<16xf32>,
      %swap3A_100 = arith.index_cast %scan3A_93 : i32 to index
      %swap3A_101 = arith.constant 32 : index
      %swap3A_102 = tpu.vector_load %arg7[%swap3A_100, %swap3A_101] {strides = array<i32>} : memref<320x256xf32, #tpu.memory_space<vmem>>, vector<16xf32>,
      tpu.vector_store %arg7[%swap3A_100, %swap3A_101], %broadcast_in_dim3A_5 {strides = array<i32>} : memref<320x256xf32, #tpu.memory_space<vmem>>, vector<16xf32>,
      %swap3A_103 = arith.index_cast %scan3A_93 : i32 to index
      %swap3A_104 = arith.constant 48 : index
      %swap3A_105 = tpu.vector_load %arg7[%swap3A_103, %swap3A_104] {strides = array<i32>} : memref<320x256xf32, #tpu.memory_space<vmem>>, vector<16xf32>,
      tpu.vector_store %arg7[%swap3A_103, %swap3A_104], %broadcast_in_dim3A_5 {strides = array<i32>} : memref<320x256xf32, #tpu.memory_space<vmem>>, vector<16xf32>,
      %swap3A_106 = arith.index_cast %scan3A_93 : i32 to index
      %swap3A_107 = arith.constant 64 : index
      %swap3A_108 = tpu.vector_load %arg7[%swap3A_106, %swap3A_107] {strides = array<i32>} : memref<320x256xf32, #tpu.memory_space<vmem>>, vector<16xf32>,
      tpu.vector_store %arg7[%swap3A_106, %swap3A_107], %broadcast_in_dim3A_5 {strides = array<i32>} : memref<320x256xf32, #tpu.memory_space<vmem>>, vector<16xf32>,
      %swap3A_109 = arith.index_cast %scan3A_93 : i32 to index
      %swap3A_110 = arith.constant 80 : index
      %swap3A_111 = tpu.vector_load %arg7[%swap3A_109, %swap3A_110] {strides = array<i32>} : memref<320x256xf32, #tpu.memory_space<vmem>>, vector<16xf32>,
      tpu.vector_store %arg7[%swap3A_109, %swap3A_110], %broadcast_in_dim3A_5 {strides = array<i32>} : memref<320x256xf32, #tpu.memory_space<vmem>>, vector<16xf32>,
      %swap3A_112 = arith.index_cast %scan3A_93 : i32 to index
      %swap3A_113 = arith.constant 96 : index
      %swap3A_114 = tpu.vector_load %arg7[%swap3A_112, %swap3A_113] {strides = array<i32>} : memref<320x256xf32, #tpu.memory_space<vmem>>, vector<16xf32>,
      tpu.vector_store %arg7[%swap3A_112, %swap3A_113], %broadcast_in_dim3A_5 {strides = array<i32>} : memref<320x256xf32, #tpu.memory_space<vmem>>, vector<16xf32>,
      %swap3A_115 = arith.index_cast %scan3A_93 : i32 to index
      %swap3A_116 = arith.constant 112 : index
      %swap3A_117 = tpu.vector_load %arg7[%swap3A_115, %swap3A_116] {strides = array<i32>} : memref<320x256xf32, #tpu.memory_space<vmem>>, vector<16xf32>,
      tpu.vector_store %arg7[%swap3A_115, %swap3A_116], %broadcast_in_dim3A_5 {strides = array<i32>} : memref<320x256xf32, #tpu.memory_space<vmem>>, vector<16xf32>,
      %swap3A_118 = arith.index_cast %scan3A_93 : i32 to index
      %swap3A_119 = arith.constant 128 : index
      %swap3A_120 = tpu.vector_load %arg7[%swap3A_118, %swap3A_119] {strides = array<i32>} : memref<320x256xf32, #tpu.memory_space<vmem>>, vector<16xf32>,
      tpu.vector_store %arg7[%swap3A_118, %swap3A_119], %broadcast_in_dim3A_5 {strides = array<i32>} : memref<320x256xf32, #tpu.memory_space<vmem>>, vector<16xf32>,
      %swap3A_121 = arith.index_cast %scan3A_93 : i32 to index
      %swap3A_122 = arith.constant 144 : index
      %swap3A_123 = tpu.vector_load %arg7[%swap3A_121, %swap3A_122] {strides = array<i32>} : memref<320x256xf32, #tpu.memory_space<vmem>>, vector<16xf32>,
      tpu.vector_store %arg7[%swap3A_121, %swap3A_122], %broadcast_in_dim3A_5 {strides = array<i32>} : memref<320x256xf32, #tpu.memory_space<vmem>>, vector<16xf32>,
      %swap3A_124 = arith.index_cast %scan3A_93 : i32 to index
      %swap3A_125 = arith.constant 160 : index
      %swap3A_126 = tpu.vector_load %arg7[%swap3A_124, %swap3A_125] {strides = array<i32>} : memref<320x256xf32, #tpu.memory_space<vmem>>, vector<16xf32>,
      tpu.vector_store %arg7[%swap3A_124, %swap3A_125], %broadcast_in_dim3A_5 {strides = array<i32>} : memref<320x256xf32, #tpu.memory_space<vmem>>, vector<16xf32>,
      %swap3A_127 = arith.index_cast %scan3A_93 : i32 to index
      %swap3A_128 = arith.constant 176 : index
      %swap3A_129 = tpu.vector_load %arg7[%swap3A_127, %swap3A_128] {strides = array<i32>} : memref<320x256xf32, #tpu.memory_space<vmem>>, vector<16xf32>,
      tpu.vector_store %arg7[%swap3A_127, %swap3A_128], %broadcast_in_dim3A_5 {strides = array<i32>} : memref<320x256xf32, #tpu.memory_space<vmem>>, vector<16xf32>,
      %swap3A_130 = arith.index_cast %scan3A_93 : i32 to index
      %swap3A_131 = arith.constant 192 : index
      %swap3A_132 = tpu.vector_load %arg7[%swap3A_130, %swap3A_131] {strides = array<i32>} : memref<320x256xf32, #tpu.memory_space<vmem>>, vector<16xf32>,
      tpu.vector_store %arg7[%swap3A_130, %swap3A_131], %broadcast_in_dim3A_5 {strides = array<i32>} : memref<320x256xf32, #tpu.memory_space<vmem>>, vector<16xf32>,
      %swap3A_133 = arith.index_cast %scan3A_93 : i32 to index
      %swap3A_134 = arith.constant 208 : index
      %swap3A_135 = tpu.vector_load %arg7[%swap3A_133, %swap3A_134] {strides = array<i32>} : memref<320x256xf32, #tpu.memory_space<vmem>>, vector<16xf32>,
      tpu.vector_store %arg7[%swap3A_133, %swap3A_134], %broadcast_in_dim3A_5 {strides = array<i32>} : memref<320x256xf32, #tpu.memory_space<vmem>>, vector<16xf32>,
      %swap3A_136 = arith.index_cast %scan3A_93 : i32 to index
      %swap3A_137 = arith.constant 224 : index
      %swap3A_138 = tpu.vector_load %arg7[%swap3A_136, %swap3A_137] {strides = array<i32>} : memref<320x256xf32, #tpu.memory_space<vmem>>, vector<16xf32>,
      tpu.vector_store %arg7[%swap3A_136, %swap3A_137], %broadcast_in_dim3A_5 {strides = array<i32>} : memref<320x256xf32, #tpu.memory_space<vmem>>, vector<16xf32>,
      %swap3A_139 = arith.index_cast %scan3A_93 : i32 to index
      %swap3A_140 = arith.constant 240 : index
      %swap3A_141 = tpu.vector_load %arg7[%swap3A_139, %swap3A_140] {strides = array<i32>} : memref<320x256xf32, #tpu.memory_space<vmem>>, vector<16xf32>,
      tpu.vector_store %arg7[%swap3A_139, %swap3A_140], %broadcast_in_dim3A_5 {strides = array<i32>} : memref<320x256xf32, #tpu.memory_space<vmem>>, vector<16xf32>,
    }
    %scan3A_16 = arith.constant 320 : i32
    %swap3A = arith.constant 0 : index
    %swap3A_17 = tpu.vector_load %arg18[%swap3A] {strides = array<i32>} : memref<320xf32, #tpu.memory_space<vmem>>, vector<16xf32>,
    tpu.vector_store %arg18[%swap3A], %broadcast_in_dim3A_5 {strides = array<i32>} : memref<320xf32, #tpu.memory_space<vmem>>, vector<16xf32>,
    %swap3A_18 = arith.constant 16 : index
    %swap3A_19 = tpu.vector_load %arg18[%swap3A_18] {strides = array<i32>} : memref<320xf32, #tpu.memory_space<vmem>>, vector<16xf32>,
    tpu.vector_store %arg18[%swap3A_18], %broadcast_in_dim3A_5 {strides = array<i32>} : memref<320xf32, #tpu.memory_space<vmem>>, vector<16xf32>,
    %swap3A_20 = arith.constant 32 : index
    %swap3A_21 = tpu.vector_load %arg18[%swap3A_20] {strides = array<i32>} : memref<320xf32, #tpu.memory_space<vmem>>, vector<16xf32>,
    tpu.vector_store %arg18[%swap3A_20], %broadcast_in_dim3A_5 {strides = array<i32>} : memref<320xf32, #tpu.memory_space<vmem>>, vector<16xf32>,
    %swap3A_22 = arith.constant 48 : index
    %swap3A_23 = tpu.vector_load %arg18[%swap3A_22] {strides = array<i32>} : memref<320xf32, #tpu.memory_space<vmem>>, vector<16xf32>,
    tpu.vector_store %arg18[%swap3A_22], %broadcast_in_dim3A_5 {strides = array<i32>} : memref<320xf32, #tpu.memory_space<vmem>>, vector<16xf32>,
    %swap3A_24 = arith.constant 64 : index
    %swap3A_25 = tpu.vector_load %arg18[%swap3A_24] {strides = array<i32>} : memref<320xf32, #tpu.memory_space<vmem>>, vector<16xf32>,
    tpu.vector_store %arg18[%swap3A_24], %broadcast_in_dim3A_5 {strides = array<i32>} : memref<320xf32, #tpu.memory_space<vmem>>, vector<16xf32>,
    %swap3A_26 = arith.constant 80 : index
    %swap3A_27 = tpu.vector_load %arg18[%swap3A_26] {strides = array<i32>} : memref<320xf32, #tpu.memory_space<vmem>>, vector<16xf32>,
    tpu.vector_store %arg18[%swap3A_26], %broadcast_in_dim3A_5 {strides = array<i32>} : memref<320xf32, #tpu.memory_space<vmem>>, vector<16xf32>,
    %swap3A_28 = arith.constant 96 : index
    %swap3A_29 = tpu.vector_load %arg18[%swap3A_28] {strides = array<i32>} : memref<320xf32, #tpu.memory_space<vmem>>, vector<16xf32>,
    tpu.vector_store %arg18[%swap3A_28], %broadcast_in_dim3A_5 {strides = array<i32>} : memref<320xf32, #tpu.memory_space<vmem>>, vector<16xf32>,
    %swap3A_30 = arith.constant 112 : index
    %swap3A_31 = tpu.vector_load %arg18[%swap3A_30] {strides = array<i32>} : memref<320xf32, #tpu.memory_space<vmem>>, vector<16xf32>,
    tpu.vector_store %arg18[%swap3A_30], %broadcast_in_dim3A_5 {strides = array<i32>} : memref<320xf32, #tpu.memory_space<vmem>>, vector<16xf32>,
    %swap3A_32 = arith.constant 128 : index
    %swap3A_33 = tpu.vector_load %arg18[%swap3A_32] {strides = array<i32>} : memref<320xf32, #tpu.memory_space<vmem>>, vector<16xf32>,
    tpu.vector_store %arg18[%swap3A_32], %broadcast_in_dim3A_5 {strides = array<i32>} : memref<320xf32, #tpu.memory_space<vmem>>, vector<16xf32>,
    %swap3A_34 = arith.constant 144 : index
    %swap3A_35 = tpu.vector_load %arg18[%swap3A_34] {strides = array<i32>} : memref<320xf32, #tpu.memory_space<vmem>>, vector<16xf32>,
    tpu.vector_store %arg18[%swap3A_34], %broadcast_in_dim3A_5 {strides = array<i32>} : memref<320xf32, #tpu.memory_space<vmem>>, vector<16xf32>,
    %swap3A_36 = arith.constant 160 : index
    %swap3A_37 = tpu.vector_load %arg18[%swap3A_36] {strides = array<i32>} : memref<320xf32, #tpu.memory_space<vmem>>, vector<16xf32>,
    tpu.vector_store %arg18[%swap3A_36], %broadcast_in_dim3A_5 {strides = array<i32>} : memref<320xf32, #tpu.memory_space<vmem>>, vector<16xf32>,
    %swap3A_38 = arith.constant 176 : index
    %swap3A_39 = tpu.vector_load %arg18[%swap3A_38] {strides = array<i32>} : memref<320xf32, #tpu.memory_space<vmem>>, vector<16xf32>,
    tpu.vector_store %arg18[%swap3A_38], %broadcast_in_dim3A_5 {strides = array<i32>} : memref<320xf32, #tpu.memory_space<vmem>>, vector<16xf32>,
    %swap3A_40 = arith.constant 192 : index
    %swap3A_41 = tpu.vector_load %arg18[%swap3A_40] {strides = array<i32>} : memref<320xf32, #tpu.memory_space<vmem>>, vector<16xf32>,
    tpu.vector_store %arg18[%swap3A_40], %broadcast_in_dim3A_5 {strides = array<i32>} : memref<320xf32, #tpu.memory_space<vmem>>, vector<16xf32>,
    %swap3A_42 = arith.constant 208 : index
    %swap3A_43 = tpu.vector_load %arg18[%swap3A_42] {strides = array<i32>} : memref<320xf32, #tpu.memory_space<vmem>>, vector<16xf32>,
    tpu.vector_store %arg18[%swap3A_42], %broadcast_in_dim3A_5 {strides = array<i32>} : memref<320xf32, #tpu.memory_space<vmem>>, vector<16xf32>,
    %swap3A_44 = arith.constant 224 : index
    %swap3A_45 = tpu.vector_load %arg18[%swap3A_44] {strides = array<i32>} : memref<320xf32, #tpu.memory_space<vmem>>, vector<16xf32>,
    tpu.vector_store %arg18[%swap3A_44], %broadcast_in_dim3A_5 {strides = array<i32>} : memref<320xf32, #tpu.memory_space<vmem>>, vector<16xf32>,
    %swap3A_46 = arith.constant 240 : index
    %swap3A_47 = tpu.vector_load %arg18[%swap3A_46] {strides = array<i32>} : memref<320xf32, #tpu.memory_space<vmem>>, vector<16xf32>,
    tpu.vector_store %arg18[%swap3A_46], %broadcast_in_dim3A_5 {strides = array<i32>} : memref<320xf32, #tpu.memory_space<vmem>>, vector<16xf32>,
    %swap3A_48 = arith.constant 256 : index
    %swap3A_49 = tpu.vector_load %arg18[%swap3A_48] {strides = array<i32>} : memref<320xf32, #tpu.memory_space<vmem>>, vector<16xf32>,
    tpu.vector_store %arg18[%swap3A_48], %broadcast_in_dim3A_5 {strides = array<i32>} : memref<320xf32, #tpu.memory_space<vmem>>, vector<16xf32>,
    %swap3A_50 = arith.constant 272 : index
    %swap3A_51 = tpu.vector_load %arg18[%swap3A_50] {strides = array<i32>} : memref<320xf32, #tpu.memory_space<vmem>>, vector<16xf32>,
    tpu.vector_store %arg18[%swap3A_50], %broadcast_in_dim3A_5 {strides = array<i32>} : memref<320xf32, #tpu.memory_space<vmem>>, vector<16xf32>,
    %swap3A_52 = arith.constant 288 : index
    %swap3A_53 = tpu.vector_load %arg18[%swap3A_52] {strides = array<i32>} : memref<320xf32, #tpu.memory_space<vmem>>, vector<16xf32>,
    tpu.vector_store %arg18[%swap3A_52], %broadcast_in_dim3A_5 {strides = array<i32>} : memref<320xf32, #tpu.memory_space<vmem>>, vector<16xf32>,
    %swap3A_54 = arith.constant 304 : index
    %swap3A_55 = tpu.vector_load %arg18[%swap3A_54] {strides = array<i32>} : memref<320xf32, #tpu.memory_space<vmem>>, vector<16xf32>,
    tpu.vector_store %arg18[%swap3A_54], %broadcast_in_dim3A_5 {strides = array<i32>} : memref<320xf32, #tpu.memory_space<vmem>>, vector<16xf32>,
    %swap3A_56 = arith.constant 0 : index
    %swap3A_57 = tpu.vector_load %arg17[%swap3A_56] {strides = array<i32>} : memref<64xf32, #tpu.memory_space<vmem>>, vector<16xf32>,
    tpu.vector_store %arg17[%swap3A_56], %broadcast_in_dim3A_7 {strides = array<i32>} : memref<64xf32, #tpu.memory_space<vmem>>, vector<16xf32>,
    %swap3A_58 = arith.constant 16 : index
    %swap3A_59 = tpu.vector_load %arg17[%swap3A_58] {strides = array<i32>} : memref<64xf32, #tpu.memory_space<vmem>>, vector<16xf32>,
    tpu.vector_store %arg17[%swap3A_58], %broadcast_in_dim3A_7 {strides = array<i32>} : memref<64xf32, #tpu.memory_space<vmem>>, vector<16xf32>,
    %swap3A_60 = arith.constant 32 : index
    %swap3A_61 = tpu.vector_load %arg17[%swap3A_60] {strides = array<i32>} : memref<64xf32, #tpu.memory_space<vmem>>, vector<16xf32>,
    tpu.vector_store %arg17[%swap3A_60], %broadcast_in_dim3A_7 {strides = array<i32>} : memref<64xf32, #tpu.memory_space<vmem>>, vector<16xf32>,
    %swap3A_62 = arith.constant 48 : index
    %swap3A_63 = tpu.vector_load %arg17[%swap3A_62] {strides = array<i32>} : memref<64xf32, #tpu.memory_space<vmem>>, vector<16xf32>,
    tpu.vector_store %arg17[%swap3A_62], %broadcast_in_dim3A_7 {strides = array<i32>} : memref<64xf32, #tpu.memory_space<vmem>>, vector<16xf32>,
    %scan3A_64 = arith.constant 0 : i32
    %scan3A_65 = arith.constant 0 : i32
    %scan3A_66 = arith.constant 208 : i32
    %scan3A_67 = arith.addi %scan3A_65, %scan3A_66 : i32
    %scan3A_68 = arith.constant 1 : i32
    scf.for %scan3A_93 = %scan3A_65 to %scan3A_67 step %scan3A_68  : i32 {
      %mul3A_94 = arith.constant 16 : i32
      %mul3A_95 = arith.muli %scan3A_93, %mul3A_94 : i32
      %swap3A_96 = arith.index_cast %mul3A_95 : i32 to index
      %swap3A_97 = tpu.vector_load %arg14[%swap3A_96] {strides = array<i32>} : memref<3328xi32, #tpu.memory_space<vmem>>, vector<16xi32>,
      tpu.vector_store %arg14[%swap3A_96], %broadcast_in_dim3A_11 {strides = array<i32>} : memref<3328xi32, #tpu.memory_space<vmem>>, vector<16xi32>,
    }
    %scan3A_69 = arith.constant 208 : i32
    "tpu.region"() ({
      %run_scoped3A = tpu.sem_alloc : memref<!tpu.dma_semaphore, #tpu.memory_space<semaphore_mem>>
      %dma_start3A_93 = tpu.memref_slice %arg19[%mul3A_4] : memref<5120xf32, #tpu.memory_space<vmem_shared>> -> memref<320xf32, #tpu.memory_space<vmem_shared>>
      %dma_start3A_94 = tpu.memref_slice %arg19[%mul3A_4] : memref<5120xf32, #tpu.memory_space<vmem_shared>> -> memref<320xf32, #tpu.memory_space<vmem_shared>>
      tpu.enqueue_dma source(%arg18 : memref<320xf32, #tpu.memory_space<vmem>>) target(%dma_start3A_94 : memref<320xf32, #tpu.memory_space<vmem_shared>>) target_semaphore(%run_scoped3A : memref<!tpu.dma_semaphore, #tpu.memory_space<semaphore_mem>>)
      %dma_wait3A_95 = tpu.memref_slice %arg19[%mul3A_4] : memref<5120xf32, #tpu.memory_space<vmem_shared>> -> memref<320xf32, #tpu.memory_space<vmem_shared>>
      %dma_wait3A_96 = tpu.memref_slice %arg19[%mul3A_4] : memref<5120xf32, #tpu.memory_space<vmem_shared>> -> memref<320xf32, #tpu.memory_space<vmem_shared>>
      tpu.wait_dma2 semaphore(%run_scoped3A : memref<!tpu.dma_semaphore, #tpu.memory_space<semaphore_mem>>) src(%arg18 : memref<320xf32, #tpu.memory_space<vmem>>) dst(%dma_wait3A_96 : memref<320xf32, #tpu.memory_space<vmem_shared>>)
      tpu.yield
    }) : () -> ()
    %dma_start3A = arith.constant 0 : i32
    %dma_start3A_70 = tpu.memref_slice %arg4[%dma_start3A] : memref<163840xi32, #tpu.memory_space<hbm>> -> memref<1024xi32, #tpu.memory_space<hbm>>
    %dma_start3A_71 = arith.constant 0 : i32
    %dma_start3A_72 = tpu.memref_slice %arg4[%dma_start3A_71] : memref<163840xi32, #tpu.memory_space<hbm>> -> memref<1024xi32, #tpu.memory_space<hbm>>
    tpu.enqueue_dma source(%dma_start3A_72 : memref<1024xi32, #tpu.memory_space<hbm>>) target(%arg10 : memref<1024xi32, #tpu.memory_space<vmem>>) target_semaphore(%arg20 : memref<!tpu.dma_semaphore, #tpu.memory_space<semaphore_mem>>)
    %dma_start3A_73 = arith.constant 0 : i32
    %dma_start3A_74 = tpu.memref_slice %arg3[%dma_start3A_73] : memref<163840xi32, #tpu.memory_space<hbm>> -> memref<1024xi32, #tpu.memory_space<hbm>>
    %dma_start3A_75 = arith.constant 0 : i32
    %dma_start3A_76 = tpu.memref_slice %arg3[%dma_start3A_75] : memref<163840xi32, #tpu.memory_space<hbm>> -> memref<1024xi32, #tpu.memory_space<hbm>>
    tpu.enqueue_dma source(%dma_start3A_76 : memref<1024xi32, #tpu.memory_space<hbm>>) target(%arg11 : memref<1024xi32, #tpu.memory_space<vmem>>) target_semaphore(%arg20 : memref<!tpu.dma_semaphore, #tpu.memory_space<semaphore_mem>>)
    %scan3A_77 = arith.constant 0 : i32
    %scan3A_78 = arith.constant 0 : i32
    %scan3A_79 = arith.constant 79 : i32
    %scan3A_80 = arith.addi %scan3A_78, %scan3A_79 : i32
    %scan3A_81 = arith.constant 1 : i32
    %scan3A_82 = scf.for %scan3A_93 = %scan3A_78 to %scan3A_80 step %scan3A_81 iter_args(%scan3A_94 = %scan3A_77) -> (i32)  : i32 {
      %mul3A_95 = arith.constant 2 : i32
      %mul3A_96 = arith.muli %mul3A_95, %scan3A_93 : i32
      %add3A_97 = arith.constant 1 : i32
      %add3A_98 = arith.addi %mul3A_96, %add3A_97 : i32
      %mul3A_99 = arith.constant 1024 : i32
      %mul3A_100 = arith.muli %add3A_98, %mul3A_99 : i32
      %mul3A_101 = arith.constant 2 : i32
      %mul3A_102 = arith.muli %mul3A_101, %scan3A_93 : i32
      %add3A_103 = arith.constant 2 : i32
      %add3A_104 = arith.addi %mul3A_102, %add3A_103 : i32
      %mul3A_105 = arith.constant 1024 : i32
      %mul3A_106 = arith.muli %add3A_104, %mul3A_105 : i32
      %dma_start3A_107 = tpu.memref_slice %arg4[%mul3A_100] : memref<163840xi32, #tpu.memory_space<hbm>> -> memref<1024xi32, #tpu.memory_space<hbm>>
      %dma_start3A_108 = tpu.memref_slice %arg4[%mul3A_100] : memref<163840xi32, #tpu.memory_space<hbm>> -> memref<1024xi32, #tpu.memory_space<hbm>>
      tpu.enqueue_dma source(%dma_start3A_108 : memref<1024xi32, #tpu.memory_space<hbm>>) target(%arg12 : memref<1024xi32, #tpu.memory_space<vmem>>) target_semaphore(%arg21 : memref<!tpu.dma_semaphore, #tpu.memory_space<semaphore_mem>>)
      %dma_start3A_109 = tpu.memref_slice %arg3[%mul3A_100] : memref<163840xi32, #tpu.memory_space<hbm>> -> memref<1024xi32, #tpu.memory_space<hbm>>
      %dma_start3A_110 = tpu.memref_slice %arg3[%mul3A_100] : memref<163840xi32, #tpu.memory_space<hbm>> -> memref<1024xi32, #tpu.memory_space<hbm>>
      tpu.enqueue_dma source(%dma_start3A_110 : memref<1024xi32, #tpu.memory_space<hbm>>) target(%arg13 : memref<1024xi32, #tpu.memory_space<vmem>>) target_semaphore(%arg21 : memref<!tpu.dma_semaphore, #tpu.memory_space<semaphore_mem>>)
      %dma_wait3A_111 = arith.constant 0 : i32
      %dma_wait3A_112 = tpu.memref_slice %arg4[%dma_wait3A_111] : memref<163840xi32, #tpu.memory_space<hbm>> -> memref<1024xi32, #tpu.memory_space<hbm>>
      %dma_wait3A_113 = arith.constant 0 : i32
      %dma_wait3A_114 = tpu.memref_slice %arg4[%dma_wait3A_113] : memref<163840xi32, #tpu.memory_space<hbm>> -> memref<1024xi32, #tpu.memory_space<hbm>>
      tpu.wait_dma2 semaphore(%arg20 : memref<!tpu.dma_semaphore, #tpu.memory_space<semaphore_mem>>) src(%dma_wait3A_114 : memref<1024xi32, #tpu.memory_space<hbm>>) dst(%arg10 : memref<1024xi32, #tpu.memory_space<vmem>>)
      %dma_wait3A_115 = arith.constant 0 : i32
      %dma_wait3A_116 = tpu.memref_slice %arg3[%dma_wait3A_115] : memref<163840xi32, #tpu.memory_space<hbm>> -> memref<1024xi32, #tpu.memory_space<hbm>>
      %dma_wait3A_117 = arith.constant 0 : i32
      %dma_wait3A_118 = tpu.memref_slice %arg3[%dma_wait3A_117] : memref<163840xi32, #tpu.memory_space<hbm>> -> memref<1024xi32, #tpu.memory_space<hbm>>
      tpu.wait_dma2 semaphore(%arg20 : memref<!tpu.dma_semaphore, #tpu.memory_space<semaphore_mem>>) src(%dma_wait3A_118 : memref<1024xi32, #tpu.memory_space<hbm>>) dst(%arg11 : memref<1024xi32, #tpu.memory_space<vmem>>)
      %scan3A_119 = arith.constant 0 : i32
      %scan3A_120 = arith.constant 64 : i32
      %scan3A_121 = arith.addi %scan3A_119, %scan3A_120 : i32
      %scan3A_122 = arith.constant 1 : i32
      %scan3A_123 = scf.for %scan3A_154 = %scan3A_119 to %scan3A_121 step %scan3A_122 iter_args(%scan3A_155 = %scan3A_94) -> (i32)  : i32 {
        %mul3A_156 = arith.constant 16 : i32
        %mul3A_157 = arith.muli %scan3A_154, %mul3A_156 : i32
        %get3A = arith.index_cast %mul3A_157 : i32 to index
        %get3A_158 = tpu.vector_load %arg10[%get3A] {strides = array<i32>} : memref<1024xi32, #tpu.memory_space<vmem>>, vector<16xi32>,
        %sub3A = vector.broadcast %mul3A_2 : i32 to vector<16xi32>
        %sub3A_159 = arith.subi %get3A_158, %sub3A : vector<16xi32>
        %bitcast3A = vector.bitcast %sub3A_159 : vector<16xi32> to vector<16xi32>
        %lt3A = arith.constant 313 : i32
        %lt3A_160 = vector.broadcast %lt3A : i32 to vector<16xi32>
        %lt3A_161 = arith.cmpi ult, %bitcast3A, %lt3A_160 : vector<16xi32>
        %jit3A_162 = arith.constant 1 : i32
        %jit3A_163 = arith.constant 0 : i32
        %broadcast_in_dim3A_164 = vector.broadcast %jit3A_162 : i32 to vector<16xi32>
        %broadcast_in_dim3A_165 = vector.broadcast %jit3A_163 : i32 to vector<16xi32>
        %select_n3A_166 = arith.select %lt3A_161, %broadcast_in_dim3A_164, %broadcast_in_dim3A_165 : vector<16xi1>, vector<16xi32>
        %broadcast_in_dim3A_167 = arith.constant true
        %broadcast_in_dim3A_168 = vector.broadcast %broadcast_in_dim3A_167 : i1 to vector<16xi1>
        %masked_cumsum3A = tpu.scan <sum>, %select_n3A_166 masked %broadcast_in_dim3A_168 : vector<16xi32>, vector<16xi1> -> vector<16xi32>
        %add3A_169 = vector.broadcast %scan3A_155 : i32 to vector<16xi32>
        %add3A_170 = arith.addi %add3A_169, %masked_cumsum3A : vector<16xi32>
        %sub3A_171 = arith.constant 1 : i32
        %sub3A_172 = vector.broadcast %sub3A_171 : i32 to vector<16xi32>
        %sub3A_173 = arith.subi %add3A_170, %sub3A_172 : vector<16xi32>
        %mul3A_174 = arith.constant 16 : i32
        %mul3A_175 = arith.muli %scan3A_154, %mul3A_174 : i32
        %get3A_176 = arith.index_cast %mul3A_175 : i32 to index
        %get3A_177 = tpu.vector_load %arg11[%get3A_176] {strides = array<i32>} : memref<1024xi32, #tpu.memory_space<vmem>>, vector<16xi32>,
        tpu.vector_store_idx %arg14[%sub3A_173], %get3A_177 masked %lt3A_161 : memref<3328xi32, #tpu.memory_space<vmem>>[vector<16xi32>], vector<16xi32>, vector<16xi1>
        tpu.vector_store_idx %arg15[%sub3A_173], %sub3A_159 masked %lt3A_161 : memref<3328xi32, #tpu.memory_space<vmem>>[vector<16xi32>], vector<16xi32>, vector<16xi1>
        %reduce_max3A = arith.constant true
        %reduce_max3A_178 = vector.broadcast %reduce_max3A : i1 to vector<16xi1>
        %reduce_max3A_179 = arith.constant -2147483648 : i32
        %reduce_max3A_180 = vector.broadcast %reduce_max3A_179 : i32 to vector<16xi32>
        %reduce_max3A_181 = arith.xori %masked_cumsum3A, %reduce_max3A_180 : vector<16xi32>
        %reduce_max3A_182 = tpu.scan <max>, %reduce_max3A_181 masked %reduce_max3A_178 : vector<16xi32>, vector<16xi1> -> vector<16xi32>
        %reduce_max3A_183 = arith.xori %reduce_max3A_182, %reduce_max3A_180 : vector<16xi32>
        %reduce_max3A_184 = vector.extract %reduce_max3A_183[15] : i32 from vector<16xi32>
        %add3A_185 = arith.addi %scan3A_155, %reduce_max3A_184 : i32
        scf.yield %add3A_185 : i32
      }
      %scan3A_124 = arith.constant 64 : i32
      %ge3A = arith.constant 2048 : i32
      %ge3A_125 = arith.cmpi sge, %scan3A_123, %ge3A : i32
      %convert_element_type3A_126 = arith.extui %ge3A_125 : i1 to i32
      %cond3A_127 = arith.constant 0 : i32
      %cond3A_128 = arith.cmpi ne, %convert_element_type3A_126, %cond3A_127 : i32
      scf.if %cond3A_128 {
        %jit3A_154 = arith.constant 16 : i32
        %div3A = arith.divsi %scan3A_123, %jit3A_154 : i32
        %sign3A = arith.constant 0 : i32
        %sign3A_155 = arith.cmpi sgt, %scan3A_123, %sign3A : i32
        %sign3A_156 = arith.extui %sign3A_155 : i1 to i32
        %sign3A_157 = arith.constant 0 : i32
        %sign3A_158 = arith.cmpi slt, %scan3A_123, %sign3A_157 : i32
        %sign3A_159 = arith.extui %sign3A_158 : i1 to i32
        %sign3A_160 = arith.subi %sign3A_156, %sign3A_159 : i32
        %sign3A_161 = arith.constant 0 : i32
        %sign3A_162 = arith.cmpi sgt, %jit3A_154, %sign3A_161 : i32
        %sign3A_163 = arith.extui %sign3A_162 : i1 to i32
        %sign3A_164 = arith.constant 0 : i32
        %sign3A_165 = arith.cmpi slt, %jit3A_154, %sign3A_164 : i32
        %sign3A_166 = arith.extui %sign3A_165 : i1 to i32
        %sign3A_167 = arith.subi %sign3A_163, %sign3A_166 : i32
        %ne3A = arith.cmpi ne, %sign3A_160, %sign3A_167 : i32
        %rem3A = arith.remsi %scan3A_123, %jit3A_154 : i32
        %ne3A_168 = arith.constant 0 : i32
        %ne3A_169 = arith.cmpi ne, %rem3A, %ne3A_168 : i32
        %and3A = arith.andi %ne3A, %ne3A_169 : i1
        %sub3A = arith.constant 1 : i32
        %sub3A_170 = arith.subi %div3A, %sub3A : i32
        %select_n3A_171 = arith.select %and3A, %sub3A_170, %div3A : i32
        %mul3A_172 = arith.constant 16 : i32
        %mul3A_173 = arith.muli %select_n3A_171, %mul3A_172 : i32
        %sub3A_174 = arith.subi %scan3A_123, %mul3A_173 : i32
        %lt3A = vector.broadcast %sub3A_174 : i32 to vector<16xi32>
        %lt3A_175 = arith.cmpi slt, %iota3A, %lt3A : vector<16xi32>
        %get3A = arith.index_cast %mul3A_173 : i32 to index
        %get3A_176 = tpu.vector_load %arg14[%get3A] {strides = array<i32>} : memref<3328xi32, #tpu.memory_space<vmem>>, vector<16xi32>,
        %select_n3A_177 = arith.select %lt3A_175, %get3A_176, %broadcast_in_dim3A_11 : vector<16xi1>, vector<16xi32>
        %swap3A_178 = arith.index_cast %mul3A_173 : i32 to index
        %swap3A_179 = tpu.vector_load %arg14[%swap3A_178] {strides = array<i32>} : memref<3328xi32, #tpu.memory_space<vmem>>, vector<16xi32>,
        tpu.vector_store %arg14[%swap3A_178], %select_n3A_177 {strides = array<i32>} : memref<3328xi32, #tpu.memory_space<vmem>>, vector<16xi32>,
        %get3A_180 = arith.index_cast %mul3A_173 : i32 to index
        %get3A_181 = tpu.vector_load %arg15[%get3A_180] {strides = array<i32>} : memref<3328xi32, #tpu.memory_space<vmem>>, vector<16xi32>,
        %select_n3A_182 = arith.select %lt3A_175, %get3A_181, %broadcast_in_dim3A_9 : vector<16xi1>, vector<16xi32>
        %swap3A_183 = arith.index_cast %mul3A_173 : i32 to index
        %swap3A_184 = tpu.vector_load %arg15[%swap3A_183] {strides = array<i32>} : memref<3328xi32, #tpu.memory_space<vmem>>, vector<16xi32>,
        tpu.vector_store %arg15[%swap3A_183], %select_n3A_182 {strides = array<i32>} : memref<3328xi32, #tpu.memory_space<vmem>>, vector<16xi32>,
        %add3A_185 = arith.constant 16 : i32
        %add3A_186 = arith.addi %mul3A_173, %add3A_185 : i32
        %swap3A_187 = arith.index_cast %add3A_186 : i32 to index
        %swap3A_188 = tpu.vector_load %arg14[%swap3A_187] {strides = array<i32>} : memref<3328xi32, #tpu.memory_space<vmem>>, vector<16xi32>,
        tpu.vector_store %arg14[%swap3A_187], %broadcast_in_dim3A_11 {strides = array<i32>} : memref<3328xi32, #tpu.memory_space<vmem>>, vector<16xi32>,
        %add3A_189 = arith.constant 16 : i32
        %add3A_190 = arith.addi %mul3A_173, %add3A_189 : i32
        %swap3A_191 = arith.index_cast %add3A_190 : i32 to index
        %swap3A_192 = tpu.vector_load %arg15[%swap3A_191] {strides = array<i32>} : memref<3328xi32, #tpu.memory_space<vmem>>, vector<16xi32>,
        tpu.vector_store %arg15[%swap3A_191], %broadcast_in_dim3A_9 {strides = array<i32>} : memref<3328xi32, #tpu.memory_space<vmem>>, vector<16xi32>,
        %add3A_193 = arith.constant 32 : i32
        %add3A_194 = arith.addi %mul3A_173, %add3A_193 : i32
        %swap3A_195 = arith.index_cast %add3A_194 : i32 to index
        %swap3A_196 = tpu.vector_load %arg14[%swap3A_195] {strides = array<i32>} : memref<3328xi32, #tpu.memory_space<vmem>>, vector<16xi32>,
        tpu.vector_store %arg14[%swap3A_195], %broadcast_in_dim3A_11 {strides = array<i32>} : memref<3328xi32, #tpu.memory_space<vmem>>, vector<16xi32>,
        %add3A_197 = arith.constant 32 : i32
        %add3A_198 = arith.addi %mul3A_173, %add3A_197 : i32
        %swap3A_199 = arith.index_cast %add3A_198 : i32 to index
        %swap3A_200 = tpu.vector_load %arg15[%swap3A_199] {strides = array<i32>} : memref<3328xi32, #tpu.memory_space<vmem>>, vector<16xi32>,
        tpu.vector_store %arg15[%swap3A_199], %broadcast_in_dim3A_9 {strides = array<i32>} : memref<3328xi32, #tpu.memory_space<vmem>>, vector<16xi32>,
        %add3A_201 = arith.constant 48 : i32
        %add3A_202 = arith.addi %mul3A_173, %add3A_201 : i32
        %swap3A_203 = arith.index_cast %add3A_202 : i32 to index
        %swap3A_204 = tpu.vector_load %arg14[%swap3A_203] {strides = array<i32>} : memref<3328xi32, #tpu.memory_space<vmem>>, vector<16xi32>,
        tpu.vector_store %arg14[%swap3A_203], %broadcast_in_dim3A_11 {strides = array<i32>} : memref<3328xi32, #tpu.memory_space<vmem>>, vector<16xi32>,
        %add3A_205 = arith.constant 48 : i32
        %add3A_206 = arith.addi %mul3A_173, %add3A_205 : i32
        %swap3A_207 = arith.index_cast %add3A_206 : i32 to index
        %swap3A_208 = tpu.vector_load %arg15[%swap3A_207] {strides = array<i32>} : memref<3328xi32, #tpu.memory_space<vmem>>, vector<16xi32>,
        tpu.vector_store %arg15[%swap3A_207], %broadcast_in_dim3A_9 {strides = array<i32>} : memref<3328xi32, #tpu.memory_space<vmem>>, vector<16xi32>,
        %add3A_209 = arith.constant 64 : i32
        %add3A_210 = arith.addi %scan3A_123, %add3A_209 : i32
        %sub3A_211 = arith.constant 1 : i32
        %sub3A_212 = arith.subi %add3A_210, %sub3A_211 : i32
        %jit3A_213 = arith.constant 64 : i32
        %div3A_214 = arith.divsi %sub3A_212, %jit3A_213 : i32
        %sign3A_215 = arith.constant 0 : i32
        %sign3A_216 = arith.cmpi sgt, %sub3A_212, %sign3A_215 : i32
        %sign3A_217 = arith.extui %sign3A_216 : i1 to i32
        %sign3A_218 = arith.constant 0 : i32
        %sign3A_219 = arith.cmpi slt, %sub3A_212, %sign3A_218 : i32
        %sign3A_220 = arith.extui %sign3A_219 : i1 to i32
        %sign3A_221 = arith.subi %sign3A_217, %sign3A_220 : i32
        %sign3A_222 = arith.constant 0 : i32
        %sign3A_223 = arith.cmpi sgt, %jit3A_213, %sign3A_222 : i32
        %sign3A_224 = arith.extui %sign3A_223 : i1 to i32
        %sign3A_225 = arith.constant 0 : i32
        %sign3A_226 = arith.cmpi slt, %jit3A_213, %sign3A_225 : i32
        %sign3A_227 = arith.extui %sign3A_226 : i1 to i32
        %sign3A_228 = arith.subi %sign3A_224, %sign3A_227 : i32
        %ne3A_229 = arith.cmpi ne, %sign3A_221, %sign3A_228 : i32
        %rem3A_230 = arith.remsi %sub3A_212, %jit3A_213 : i32
        %ne3A_231 = arith.constant 0 : i32
        %ne3A_232 = arith.cmpi ne, %rem3A_230, %ne3A_231 : i32
        %and3A_233 = arith.andi %ne3A_229, %ne3A_232 : i1
        %sub3A_234 = arith.constant 1 : i32
        %sub3A_235 = arith.subi %div3A_214, %sub3A_234 : i32
        %select_n3A_236 = arith.select %and3A_233, %sub3A_235, %div3A_214 : i32
        %add3A_237 = arith.constant 1 : i32
        %add3A_238 = arith.addi %select_n3A_236, %add3A_237 : i32
        %jit3A_239 = arith.constant 2 : i32
        %div3A_240 = arith.divsi %add3A_238, %jit3A_239 : i32
        %sign3A_241 = arith.constant 0 : i32
        %sign3A_242 = arith.cmpi sgt, %add3A_238, %sign3A_241 : i32
        %sign3A_243 = arith.extui %sign3A_242 : i1 to i32
        %sign3A_244 = arith.constant 0 : i32
        %sign3A_245 = arith.cmpi slt, %add3A_238, %sign3A_244 : i32
        %sign3A_246 = arith.extui %sign3A_245 : i1 to i32
        %sign3A_247 = arith.subi %sign3A_243, %sign3A_246 : i32
        %sign3A_248 = arith.constant 0 : i32
        %sign3A_249 = arith.cmpi sgt, %jit3A_239, %sign3A_248 : i32
        %sign3A_250 = arith.extui %sign3A_249 : i1 to i32
        %sign3A_251 = arith.constant 0 : i32
        %sign3A_252 = arith.cmpi slt, %jit3A_239, %sign3A_251 : i32
        %sign3A_253 = arith.extui %sign3A_252 : i1 to i32
        %sign3A_254 = arith.subi %sign3A_250, %sign3A_253 : i32
        %ne3A_255 = arith.cmpi ne, %sign3A_247, %sign3A_254 : i32
        %rem3A_256 = arith.remsi %add3A_238, %jit3A_239 : i32
        %ne3A_257 = arith.constant 0 : i32
        %ne3A_258 = arith.cmpi ne, %rem3A_256, %ne3A_257 : i32
        %and3A_259 = arith.andi %ne3A_255, %ne3A_258 : i1
        %sub3A_260 = arith.constant 1 : i32
        %sub3A_261 = arith.subi %div3A_240, %sub3A_260 : i32
        %select_n3A_262 = arith.select %and3A_259, %sub3A_261, %div3A_240 : i32
        %while3A = arith.constant 0 : i32
        %while3A_263 = arith.constant 0 : i32
        %while3A_264 = arith.subi %select_n3A_262, %while3A_263 : i32
        %while3A_265 = arith.addi %while3A_263, %while3A_264 : i32
        %while3A_266 = arith.constant 1 : i32
        %while3A_267 = arith.divsi %while3A_264, %while3A_266 : i32
        %while3A_268 = arith.muli %while3A_267, %while3A_266 : i32
        %while3A_269 = arith.addi %while3A_263, %while3A_268 : i32
        %while3A_270 = arith.constant 1 : i32
        scf.for %while3A_272 = %while3A_263 to %while3A_269 step %while3A_270  : i32 {
          %mul3A_273 = arith.constant 2 : i32
          %mul3A_274 = arith.muli %mul3A_273, %while3A_272 : i32
          %mul3A_275 = arith.constant 64 : i32
          %mul3A_276 = arith.muli %mul3A_274, %mul3A_275 : i32
          %add3A_277 = arith.constant 64 : i32
          %add3A_278 = arith.addi %mul3A_276, %add3A_277 : i32
          %dma_start3A_279 = tpu.memref_slice %arg14[%mul3A_276] : memref<3328xi32, #tpu.memory_space<vmem>> -> memref<64xi32, #tpu.memory_space<vmem>>
          %dma_start3A_280 = arith.constant 0 : i32
          %dma_start3A_281 = arith.constant 0 : i32
          %dma_start3A_282 = tpu.memref_slice %arg2[%dma_start3A_280, %dma_start3A_281] : memref<10000x256xf32, #tpu.memory_space<hbm>> -> memref<10000x256xf32, #tpu.memory_space<hbm>>
          tpu.enqueue_indirect_dma source(%dma_start3A_282 : memref<10000x256xf32, #tpu.memory_space<hbm>>) target(%arg8 : memref<64x256xf32, #tpu.memory_space<vmem>>) offsets(%dma_start3A_279 : memref<64xi32, #tpu.memory_space<vmem>>) semaphore(%arg22 : memref<!tpu.dma_semaphore, #tpu.memory_space<semaphore_mem>>)
          %dma_start3A_283 = tpu.memref_slice %arg14[%add3A_278] : memref<3328xi32, #tpu.memory_space<vmem>> -> memref<64xi32, #tpu.memory_space<vmem>>
          %dma_start3A_284 = arith.constant 0 : i32
          %dma_start3A_285 = arith.constant 0 : i32
          %dma_start3A_286 = tpu.memref_slice %arg2[%dma_start3A_284, %dma_start3A_285] : memref<10000x256xf32, #tpu.memory_space<hbm>> -> memref<10000x256xf32, #tpu.memory_space<hbm>>
          tpu.enqueue_indirect_dma source(%dma_start3A_286 : memref<10000x256xf32, #tpu.memory_space<hbm>>) target(%arg9 : memref<64x256xf32, #tpu.memory_space<vmem>>) offsets(%dma_start3A_283 : memref<64xi32, #tpu.memory_space<vmem>>) semaphore(%arg23 : memref<!tpu.dma_semaphore, #tpu.memory_space<semaphore_mem>>)
          %dma_wait3A_287 = tpu.memref_slice %arg14[%mul3A_276] : memref<3328xi32, #tpu.memory_space<vmem>> -> memref<64xi32, #tpu.memory_space<vmem>>
          %dma_wait3A_288 = arith.constant 0 : i32
          %dma_wait3A_289 = arith.constant 0 : i32
          %dma_wait3A_290 = tpu.memref_slice %arg2[%dma_wait3A_288, %dma_wait3A_289] : memref<10000x256xf32, #tpu.memory_space<hbm>> -> memref<10000x256xf32, #tpu.memory_space<hbm>>
          tpu.wait_indirect_dma semaphore(%arg22 : memref<!tpu.dma_semaphore, #tpu.memory_space<semaphore_mem>>) src(%dma_wait3A_290 : memref<10000x256xf32, #tpu.memory_space<hbm>>) dst(%arg8 : memref<64x256xf32, #tpu.memory_space<vmem>>)
          %mul3A_291 = arith.constant 2 : i32
          %mul3A_292 = arith.muli %mul3A_291, %while3A_272 : i32
          %lt3A_293 = arith.cmpi slt, %mul3A_292, %select_n3A_236 : i32
          %convert_element_type3A_294 = arith.extui %lt3A_293 : i1 to i32
          %cond3A_295 = arith.constant 0 : i32
          %cond3A_296 = arith.cmpi ne, %convert_element_type3A_294, %cond3A_295 : i32
          scf.if %cond3A_296 {
            %add3A_309 = arith.constant 0 : i32
            %add3A_310 = arith.addi %mul3A_276, %add3A_309 : i32
            %get3A_311 = arith.index_cast %add3A_310 : i32 to index
            %get3A_312 = tpu.vector_load %arg15[%get3A_311] {strides = array<i32>} : memref<3328xi32, #tpu.memory_space<vmem>>, vector<16xi32>,
            %add3A_313 = vector.broadcast %mul3A_4 : i32 to vector<16xi32>
            %add3A_314 = arith.addi %get3A_312, %add3A_313 : vector<16xi32>
            %swap3A_315 = arith.constant 0 : index
            %swap3A_316 = tpu.vector_load %arg16[%swap3A_315] {strides = array<i32>} : memref<64xi32, #tpu.memory_space<vmem>>, vector<16xi32>,
            tpu.vector_store %arg16[%swap3A_315], %add3A_314 {strides = array<i32>} : memref<64xi32, #tpu.memory_space<vmem>>, vector<16xi32>,
            %add3A_317 = arith.constant 16 : i32
            %add3A_318 = arith.addi %mul3A_276, %add3A_317 : i32
            %get3A_319 = arith.index_cast %add3A_318 : i32 to index
            %get3A_320 = tpu.vector_load %arg15[%get3A_319] {strides = array<i32>} : memref<3328xi32, #tpu.memory_space<vmem>>, vector<16xi32>,
            %add3A_321 = vector.broadcast %mul3A_4 : i32 to vector<16xi32>
            %add3A_322 = arith.addi %get3A_320, %add3A_321 : vector<16xi32>
            %swap3A_323 = arith.constant 16 : index
            %swap3A_324 = tpu.vector_load %arg16[%swap3A_323] {strides = array<i32>} : memref<64xi32, #tpu.memory_space<vmem>>, vector<16xi32>,
            tpu.vector_store %arg16[%swap3A_323], %add3A_322 {strides = array<i32>} : memref<64xi32, #tpu.memory_space<vmem>>, vector<16xi32>,
            %add3A_325 = arith.constant 32 : i32
            %add3A_326 = arith.addi %mul3A_276, %add3A_325 : i32
            %get3A_327 = arith.index_cast %add3A_326 : i32 to index
            %get3A_328 = tpu.vector_load %arg15[%get3A_327] {strides = array<i32>} : memref<3328xi32, #tpu.memory_space<vmem>>, vector<16xi32>,
            %add3A_329 = vector.broadcast %mul3A_4 : i32 to vector<16xi32>
            %add3A_330 = arith.addi %get3A_328, %add3A_329 : vector<16xi32>
            %swap3A_331 = arith.constant 32 : index
            %swap3A_332 = tpu.vector_load %arg16[%swap3A_331] {strides = array<i32>} : memref<64xi32, #tpu.memory_space<vmem>>, vector<16xi32>,
            tpu.vector_store %arg16[%swap3A_331], %add3A_330 {strides = array<i32>} : memref<64xi32, #tpu.memory_space<vmem>>, vector<16xi32>,
            %add3A_333 = arith.constant 48 : i32
            %add3A_334 = arith.addi %mul3A_276, %add3A_333 : i32
            %get3A_335 = arith.index_cast %add3A_334 : i32 to index
            %get3A_336 = tpu.vector_load %arg15[%get3A_335] {strides = array<i32>} : memref<3328xi32, #tpu.memory_space<vmem>>, vector<16xi32>,
            %add3A_337 = vector.broadcast %mul3A_4 : i32 to vector<16xi32>
            %add3A_338 = arith.addi %get3A_336, %add3A_337 : vector<16xi32>
            %swap3A_339 = arith.constant 48 : index
            %swap3A_340 = tpu.vector_load %arg16[%swap3A_339] {strides = array<i32>} : memref<64xi32, #tpu.memory_space<vmem>>, vector<16xi32>,
            tpu.vector_store %arg16[%swap3A_339], %add3A_338 {strides = array<i32>} : memref<64xi32, #tpu.memory_space<vmem>>, vector<16xi32>,
            "tpu.region"() ({
              %run_scoped3A = tpu.sem_alloc : memref<!tpu.dma_semaphore, #tpu.memory_space<semaphore_mem>>
              %dma_start3A_347 = arith.constant 0 : i32
              %dma_start3A_348 = tpu.memref_slice %arg19[%dma_start3A_347] : memref<5120xf32, #tpu.memory_space<vmem_shared>> -> memref<5120xf32, #tpu.memory_space<vmem_shared>>
              tpu.enqueue_indirect_dma source(%arg17 : memref<64xf32, #tpu.memory_space<vmem>>) target(%dma_start3A_348 : memref<5120xf32, #tpu.memory_space<vmem_shared>>) offsets(%arg16 : memref<64xi32, #tpu.memory_space<vmem>>) semaphore(%run_scoped3A : memref<!tpu.dma_semaphore, #tpu.memory_space<semaphore_mem>>) {add = true}
              %dma_wait3A_349 = arith.constant 0 : i32
              %dma_wait3A_350 = tpu.memref_slice %arg19[%dma_wait3A_349] : memref<5120xf32, #tpu.memory_space<vmem_shared>> -> memref<5120xf32, #tpu.memory_space<vmem_shared>>
              tpu.wait_indirect_dma semaphore(%run_scoped3A : memref<!tpu.dma_semaphore, #tpu.memory_space<semaphore_mem>>) src(%arg17 : memref<64xf32, #tpu.memory_space<vmem>>) dst(%dma_wait3A_350 : memref<5120xf32, #tpu.memory_space<vmem_shared>>)
              tpu.yield
            }) : () -> ()
            %scan3A_341 = arith.constant 0 : i32
            %scan3A_342 = arith.constant 0 : i32
            %scan3A_343 = arith.constant 64 : i32
            %scan3A_344 = arith.addi %scan3A_342, %scan3A_343 : i32
            %scan3A_345 = arith.constant 1 : i32
            scf.for %scan3A_347 = %scan3A_342 to %scan3A_344 step %scan3A_345  : i32 {
              %add3A_348 = arith.addi %mul3A_276, %scan3A_347 : i32
              %get3A_349 = arith.index_cast %add3A_348 : i32 to index
              %get3A_350 = tpu.vector_load %arg15[%get3A_349] {strides = array<i32>} : memref<3328xi32, #tpu.memory_space<vmem>>, vector<16xi32>,
              %slice3A = vector.extract_strided_slice %get3A_350 {offsets = [0], sizes = [1], strides = [1]} : vector<16xi32> to vector<1xi32>
              %squeeze3A = vector.extract %slice3A[0] : i32 from vector<1xi32>
              %get3A_351 = arith.index_cast %scan3A_347 : i32 to index
              %get3A_352 = arith.constant 0 : index
              %get3A_353 = tpu.vector_load %arg8[%get3A_351, %get3A_352] {strides = array<i32>} : memref<64x256xf32, #tpu.memory_space<vmem>>, vector<16xf32>,
              %swap3A_354 = arith.index_cast %squeeze3A : i32 to index
              %swap3A_355 = arith.constant 0 : index
              %swap3A_356 = tpu.vector_load %arg7[%swap3A_354, %swap3A_355] {strides = array<i32>} : memref<320x256xf32, #tpu.memory_space<vmem>>, vector<16xf32>,
              tpu.vector_store %arg7[%swap3A_354, %swap3A_355], %get3A_353 {add = true, strides = array<i32>} : memref<320x256xf32, #tpu.memory_space<vmem>>, vector<16xf32>,
              %get3A_357 = arith.index_cast %scan3A_347 : i32 to index
              %get3A_358 = arith.constant 16 : index
              %get3A_359 = tpu.vector_load %arg8[%get3A_357, %get3A_358] {strides = array<i32>} : memref<64x256xf32, #tpu.memory_space<vmem>>, vector<16xf32>,
              %swap3A_360 = arith.index_cast %squeeze3A : i32 to index
              %swap3A_361 = arith.constant 16 : index
              %swap3A_362 = tpu.vector_load %arg7[%swap3A_360, %swap3A_361] {strides = array<i32>} : memref<320x256xf32, #tpu.memory_space<vmem>>, vector<16xf32>,
              tpu.vector_store %arg7[%swap3A_360, %swap3A_361], %get3A_359 {add = true, strides = array<i32>} : memref<320x256xf32, #tpu.memory_space<vmem>>, vector<16xf32>,
              %get3A_363 = arith.index_cast %scan3A_347 : i32 to index
              %get3A_364 = arith.constant 32 : index
              %get3A_365 = tpu.vector_load %arg8[%get3A_363, %get3A_364] {strides = array<i32>} : memref<64x256xf32, #tpu.memory_space<vmem>>, vector<16xf32>,
              %swap3A_366 = arith.index_cast %squeeze3A : i32 to index
              %swap3A_367 = arith.constant 32 : index
              %swap3A_368 = tpu.vector_load %arg7[%swap3A_366, %swap3A_367] {strides = array<i32>} : memref<320x256xf32, #tpu.memory_space<vmem>>, vector<16xf32>,
              tpu.vector_store %arg7[%swap3A_366, %swap3A_367], %get3A_365 {add = true, strides = array<i32>} : memref<320x256xf32, #tpu.memory_space<vmem>>, vector<16xf32>,
              %get3A_369 = arith.index_cast %scan3A_347 : i32 to index
              %get3A_370 = arith.constant 48 : index
              %get3A_371 = tpu.vector_load %arg8[%get3A_369, %get3A_370] {strides = array<i32>} : memref<64x256xf32, #tpu.memory_space<vmem>>, vector<16xf32>,
              %swap3A_372 = arith.index_cast %squeeze3A : i32 to index
              %swap3A_373 = arith.constant 48 : index
              %swap3A_374 = tpu.vector_load %arg7[%swap3A_372, %swap3A_373] {strides = array<i32>} : memref<320x256xf32, #tpu.memory_space<vmem>>, vector<16xf32>,
              tpu.vector_store %arg7[%swap3A_372, %swap3A_373], %get3A_371 {add = true, strides = array<i32>} : memref<320x256xf32, #tpu.memory_space<vmem>>, vector<16xf32>,
              %get3A_375 = arith.index_cast %scan3A_347 : i32 to index
              %get3A_376 = arith.constant 64 : index
              %get3A_377 = tpu.vector_load %arg8[%get3A_375, %get3A_376] {strides = array<i32>} : memref<64x256xf32, #tpu.memory_space<vmem>>, vector<16xf32>,
              %swap3A_378 = arith.index_cast %squeeze3A : i32 to index
              %swap3A_379 = arith.constant 64 : index
              %swap3A_380 = tpu.vector_load %arg7[%swap3A_378, %swap3A_379] {strides = array<i32>} : memref<320x256xf32, #tpu.memory_space<vmem>>, vector<16xf32>,
              tpu.vector_store %arg7[%swap3A_378, %swap3A_379], %get3A_377 {add = true, strides = array<i32>} : memref<320x256xf32, #tpu.memory_space<vmem>>, vector<16xf32>,
              %get3A_381 = arith.index_cast %scan3A_347 : i32 to index
              %get3A_382 = arith.constant 80 : index
              %get3A_383 = tpu.vector_load %arg8[%get3A_381, %get3A_382] {strides = array<i32>} : memref<64x256xf32, #tpu.memory_space<vmem>>, vector<16xf32>,
              %swap3A_384 = arith.index_cast %squeeze3A : i32 to index
              %swap3A_385 = arith.constant 80 : index
              %swap3A_386 = tpu.vector_load %arg7[%swap3A_384, %swap3A_385] {strides = array<i32>} : memref<320x256xf32, #tpu.memory_space<vmem>>, vector<16xf32>,
              tpu.vector_store %arg7[%swap3A_384, %swap3A_385], %get3A_383 {add = true, strides = array<i32>} : memref<320x256xf32, #tpu.memory_space<vmem>>, vector<16xf32>,
              %get3A_387 = arith.index_cast %scan3A_347 : i32 to index
              %get3A_388 = arith.constant 96 : index
              %get3A_389 = tpu.vector_load %arg8[%get3A_387, %get3A_388] {strides = array<i32>} : memref<64x256xf32, #tpu.memory_space<vmem>>, vector<16xf32>,
              %swap3A_390 = arith.index_cast %squeeze3A : i32 to index
              %swap3A_391 = arith.constant 96 : index
              %swap3A_392 = tpu.vector_load %arg7[%swap3A_390, %swap3A_391] {strides = array<i32>} : memref<320x256xf32, #tpu.memory_space<vmem>>, vector<16xf32>,
              tpu.vector_store %arg7[%swap3A_390, %swap3A_391], %get3A_389 {add = true, strides = array<i32>} : memref<320x256xf32, #tpu.memory_space<vmem>>, vector<16xf32>,
              %get3A_393 = arith.index_cast %scan3A_347 : i32 to index
              %get3A_394 = arith.constant 112 : index
              %get3A_395 = tpu.vector_load %arg8[%get3A_393, %get3A_394] {strides = array<i32>} : memref<64x256xf32, #tpu.memory_space<vmem>>, vector<16xf32>,
              %swap3A_396 = arith.index_cast %squeeze3A : i32 to index
              %swap3A_397 = arith.constant 112 : index
              %swap3A_398 = tpu.vector_load %arg7[%swap3A_396, %swap3A_397] {strides = array<i32>} : memref<320x256xf32, #tpu.memory_space<vmem>>, vector<16xf32>,
              tpu.vector_store %arg7[%swap3A_396, %swap3A_397], %get3A_395 {add = true, strides = array<i32>} : memref<320x256xf32, #tpu.memory_space<vmem>>, vector<16xf32>,
              %get3A_399 = arith.index_cast %scan3A_347 : i32 to index
              %get3A_400 = arith.constant 128 : index
              %get3A_401 = tpu.vector_load %arg8[%get3A_399, %get3A_400] {strides = array<i32>} : memref<64x256xf32, #tpu.memory_space<vmem>>, vector<16xf32>,
              %swap3A_402 = arith.index_cast %squeeze3A : i32 to index
              %swap3A_403 = arith.constant 128 : index
              %swap3A_404 = tpu.vector_load %arg7[%swap3A_402, %swap3A_403] {strides = array<i32>} : memref<320x256xf32, #tpu.memory_space<vmem>>, vector<16xf32>,
              tpu.vector_store %arg7[%swap3A_402, %swap3A_403], %get3A_401 {add = true, strides = array<i32>} : memref<320x256xf32, #tpu.memory_space<vmem>>, vector<16xf32>,
              %get3A_405 = arith.index_cast %scan3A_347 : i32 to index
              %get3A_406 = arith.constant 144 : index
              %get3A_407 = tpu.vector_load %arg8[%get3A_405, %get3A_406] {strides = array<i32>} : memref<64x256xf32, #tpu.memory_space<vmem>>, vector<16xf32>,
              %swap3A_408 = arith.index_cast %squeeze3A : i32 to index
              %swap3A_409 = arith.constant 144 : index
              %swap3A_410 = tpu.vector_load %arg7[%swap3A_408, %swap3A_409] {strides = array<i32>} : memref<320x256xf32, #tpu.memory_space<vmem>>, vector<16xf32>,
              tpu.vector_store %arg7[%swap3A_408, %swap3A_409], %get3A_407 {add = true, strides = array<i32>} : memref<320x256xf32, #tpu.memory_space<vmem>>, vector<16xf32>,
              %get3A_411 = arith.index_cast %scan3A_347 : i32 to index
              %get3A_412 = arith.constant 160 : index
              %get3A_413 = tpu.vector_load %arg8[%get3A_411, %get3A_412] {strides = array<i32>} : memref<64x256xf32, #tpu.memory_space<vmem>>, vector<16xf32>,
              %swap3A_414 = arith.index_cast %squeeze3A : i32 to index
              %swap3A_415 = arith.constant 160 : index
              %swap3A_416 = tpu.vector_load %arg7[%swap3A_414, %swap3A_415] {strides = array<i32>} : memref<320x256xf32, #tpu.memory_space<vmem>>, vector<16xf32>,
              tpu.vector_store %arg7[%swap3A_414, %swap3A_415], %get3A_413 {add = true, strides = array<i32>} : memref<320x256xf32, #tpu.memory_space<vmem>>, vector<16xf32>,
              %get3A_417 = arith.index_cast %scan3A_347 : i32 to index
              %get3A_418 = arith.constant 176 : index
              %get3A_419 = tpu.vector_load %arg8[%get3A_417, %get3A_418] {strides = array<i32>} : memref<64x256xf32, #tpu.memory_space<vmem>>, vector<16xf32>,
              %swap3A_420 = arith.index_cast %squeeze3A : i32 to index
              %swap3A_421 = arith.constant 176 : index
              %swap3A_422 = tpu.vector_load %arg7[%swap3A_420, %swap3A_421] {strides = array<i32>} : memref<320x256xf32, #tpu.memory_space<vmem>>, vector<16xf32>,
              tpu.vector_store %arg7[%swap3A_420, %swap3A_421], %get3A_419 {add = true, strides = array<i32>} : memref<320x256xf32, #tpu.memory_space<vmem>>, vector<16xf32>,
              %get3A_423 = arith.index_cast %scan3A_347 : i32 to index
              %get3A_424 = arith.constant 192 : index
              %get3A_425 = tpu.vector_load %arg8[%get3A_423, %get3A_424] {strides = array<i32>} : memref<64x256xf32, #tpu.memory_space<vmem>>, vector<16xf32>,
              %swap3A_426 = arith.index_cast %squeeze3A : i32 to index
              %swap3A_427 = arith.constant 192 : index
              %swap3A_428 = tpu.vector_load %arg7[%swap3A_426, %swap3A_427] {strides = array<i32>} : memref<320x256xf32, #tpu.memory_space<vmem>>, vector<16xf32>,
              tpu.vector_store %arg7[%swap3A_426, %swap3A_427], %get3A_425 {add = true, strides = array<i32>} : memref<320x256xf32, #tpu.memory_space<vmem>>, vector<16xf32>,
              %get3A_429 = arith.index_cast %scan3A_347 : i32 to index
              %get3A_430 = arith.constant 208 : index
              %get3A_431 = tpu.vector_load %arg8[%get3A_429, %get3A_430] {strides = array<i32>} : memref<64x256xf32, #tpu.memory_space<vmem>>, vector<16xf32>,
              %swap3A_432 = arith.index_cast %squeeze3A : i32 to index
              %swap3A_433 = arith.constant 208 : index
              %swap3A_434 = tpu.vector_load %arg7[%swap3A_432, %swap3A_433] {strides = array<i32>} : memref<320x256xf32, #tpu.memory_space<vmem>>, vector<16xf32>,
              tpu.vector_store %arg7[%swap3A_432, %swap3A_433], %get3A_431 {add = true, strides = array<i32>} : memref<320x256xf32, #tpu.memory_space<vmem>>, vector<16xf32>,
              %get3A_435 = arith.index_cast %scan3A_347 : i32 to index
              %get3A_436 = arith.constant 224 : index
              %get3A_437 = tpu.vector_load %arg8[%get3A_435, %get3A_436] {strides = array<i32>} : memref<64x256xf32, #tpu.memory_space<vmem>>, vector<16xf32>,
              %swap3A_438 = arith.index_cast %squeeze3A : i32 to index
              %swap3A_439 = arith.constant 224 : index
              %swap3A_440 = tpu.vector_load %arg7[%swap3A_438, %swap3A_439] {strides = array<i32>} : memref<320x256xf32, #tpu.memory_space<vmem>>, vector<16xf32>,
              tpu.vector_store %arg7[%swap3A_438, %swap3A_439], %get3A_437 {add = true, strides = array<i32>} : memref<320x256xf32, #tpu.memory_space<vmem>>, vector<16xf32>,
              %get3A_441 = arith.index_cast %scan3A_347 : i32 to index
              %get3A_442 = arith.constant 240 : index
              %get3A_443 = tpu.vector_load %arg8[%get3A_441, %get3A_442] {strides = array<i32>} : memref<64x256xf32, #tpu.memory_space<vmem>>, vector<16xf32>,
              %swap3A_444 = arith.index_cast %squeeze3A : i32 to index
              %swap3A_445 = arith.constant 240 : index
              %swap3A_446 = tpu.vector_load %arg7[%swap3A_444, %swap3A_445] {strides = array<i32>} : memref<320x256xf32, #tpu.memory_space<vmem>>, vector<16xf32>,
              tpu.vector_store %arg7[%swap3A_444, %swap3A_445], %get3A_443 {add = true, strides = array<i32>} : memref<320x256xf32, #tpu.memory_space<vmem>>, vector<16xf32>,
            }
            %scan3A_346 = arith.constant 64 : i32
          } else {
          }
          %dma_wait3A_297 = tpu.memref_slice %arg14[%add3A_278] : memref<3328xi32, #tpu.memory_space<vmem>> -> memref<64xi32, #tpu.memory_space<vmem>>
          %dma_wait3A_298 = arith.constant 0 : i32
          %dma_wait3A_299 = arith.constant 0 : i32
          %dma_wait3A_300 = tpu.memref_slice %arg2[%dma_wait3A_298, %dma_wait3A_299] : memref<10000x256xf32, #tpu.memory_space<hbm>> -> memref<10000x256xf32, #tpu.memory_space<hbm>>
          tpu.wait_indirect_dma semaphore(%arg23 : memref<!tpu.dma_semaphore, #tpu.memory_space<semaphore_mem>>) src(%dma_wait3A_300 : memref<10000x256xf32, #tpu.memory_space<hbm>>) dst(%arg9 : memref<64x256xf32, #tpu.memory_space<vmem>>)
          %mul3A_301 = arith.constant 2 : i32
          %mul3A_302 = arith.muli %mul3A_301, %while3A_272 : i32
          %add3A_303 = arith.constant 1 : i32
          %add3A_304 = arith.addi %mul3A_302, %add3A_303 : i32
          %lt3A_305 = arith.cmpi slt, %add3A_304, %select_n3A_236 : i32
          %convert_element_type3A_306 = arith.extui %lt3A_305 : i1 to i32
          %cond3A_307 = arith.constant 0 : i32
          %cond3A_308 = arith.cmpi ne, %convert_element_type3A_306, %cond3A_307 : i32
          scf.if %cond3A_308 {
            %add3A_309 = arith.constant 0 : i32
            %add3A_310 = arith.addi %add3A_278, %add3A_309 : i32
            %get3A_311 = arith.index_cast %add3A_310 : i32 to index
            %get3A_312 = tpu.vector_load %arg15[%get3A_311] {strides = array<i32>} : memref<3328xi32, #tpu.memory_space<vmem>>, vector<16xi32>,
            %add3A_313 = vector.broadcast %mul3A_4 : i32 to vector<16xi32>
            %add3A_314 = arith.addi %get3A_312, %add3A_313 : vector<16xi32>
            %swap3A_315 = arith.constant 0 : index
            %swap3A_316 = tpu.vector_load %arg16[%swap3A_315] {strides = array<i32>} : memref<64xi32, #tpu.memory_space<vmem>>, vector<16xi32>,
            tpu.vector_store %arg16[%swap3A_315], %add3A_314 {strides = array<i32>} : memref<64xi32, #tpu.memory_space<vmem>>, vector<16xi32>,
            %add3A_317 = arith.constant 16 : i32
            %add3A_318 = arith.addi %add3A_278, %add3A_317 : i32
            %get3A_319 = arith.index_cast %add3A_318 : i32 to index
            %get3A_320 = tpu.vector_load %arg15[%get3A_319] {strides = array<i32>} : memref<3328xi32, #tpu.memory_space<vmem>>, vector<16xi32>,
            %add3A_321 = vector.broadcast %mul3A_4 : i32 to vector<16xi32>
            %add3A_322 = arith.addi %get3A_320, %add3A_321 : vector<16xi32>
            %swap3A_323 = arith.constant 16 : index
            %swap3A_324 = tpu.vector_load %arg16[%swap3A_323] {strides = array<i32>} : memref<64xi32, #tpu.memory_space<vmem>>, vector<16xi32>,
            tpu.vector_store %arg16[%swap3A_323], %add3A_322 {strides = array<i32>} : memref<64xi32, #tpu.memory_space<vmem>>, vector<16xi32>,
            %add3A_325 = arith.constant 32 : i32
            %add3A_326 = arith.addi %add3A_278, %add3A_325 : i32
            %get3A_327 = arith.index_cast %add3A_326 : i32 to index
            %get3A_328 = tpu.vector_load %arg15[%get3A_327] {strides = array<i32>} : memref<3328xi32, #tpu.memory_space<vmem>>, vector<16xi32>,
            %add3A_329 = vector.broadcast %mul3A_4 : i32 to vector<16xi32>
            %add3A_330 = arith.addi %get3A_328, %add3A_329 : vector<16xi32>
            %swap3A_331 = arith.constant 32 : index
            %swap3A_332 = tpu.vector_load %arg16[%swap3A_331] {strides = array<i32>} : memref<64xi32, #tpu.memory_space<vmem>>, vector<16xi32>,
            tpu.vector_store %arg16[%swap3A_331], %add3A_330 {strides = array<i32>} : memref<64xi32, #tpu.memory_space<vmem>>, vector<16xi32>,
            %add3A_333 = arith.constant 48 : i32
            %add3A_334 = arith.addi %add3A_278, %add3A_333 : i32
            %get3A_335 = arith.index_cast %add3A_334 : i32 to index
            %get3A_336 = tpu.vector_load %arg15[%get3A_335] {strides = array<i32>} : memref<3328xi32, #tpu.memory_space<vmem>>, vector<16xi32>,
            %add3A_337 = vector.broadcast %mul3A_4 : i32 to vector<16xi32>
            %add3A_338 = arith.addi %get3A_336, %add3A_337 : vector<16xi32>
            %swap3A_339 = arith.constant 48 : index
            %swap3A_340 = tpu.vector_load %arg16[%swap3A_339] {strides = array<i32>} : memref<64xi32, #tpu.memory_space<vmem>>, vector<16xi32>,
            tpu.vector_store %arg16[%swap3A_339], %add3A_338 {strides = array<i32>} : memref<64xi32, #tpu.memory_space<vmem>>, vector<16xi32>,
            "tpu.region"() ({
              %run_scoped3A = tpu.sem_alloc : memref<!tpu.dma_semaphore, #tpu.memory_space<semaphore_mem>>
              %dma_start3A_347 = arith.constant 0 : i32
              %dma_start3A_348 = tpu.memref_slice %arg19[%dma_start3A_347] : memref<5120xf32, #tpu.memory_space<vmem_shared>> -> memref<5120xf32, #tpu.memory_space<vmem_shared>>
              tpu.enqueue_indirect_dma source(%arg17 : memref<64xf32, #tpu.memory_space<vmem>>) target(%dma_start3A_348 : memref<5120xf32, #tpu.memory_space<vmem_shared>>) offsets(%arg16 : memref<64xi32, #tpu.memory_space<vmem>>) semaphore(%run_scoped3A : memref<!tpu.dma_semaphore, #tpu.memory_space<semaphore_mem>>) {add = true}
              %dma_wait3A_349 = arith.constant 0 : i32
              %dma_wait3A_350 = tpu.memref_slice %arg19[%dma_wait3A_349] : memref<5120xf32, #tpu.memory_space<vmem_shared>> -> memref<5120xf32, #tpu.memory_space<vmem_shared>>
              tpu.wait_indirect_dma semaphore(%run_scoped3A : memref<!tpu.dma_semaphore, #tpu.memory_space<semaphore_mem>>) src(%arg17 : memref<64xf32, #tpu.memory_space<vmem>>) dst(%dma_wait3A_350 : memref<5120xf32, #tpu.memory_space<vmem_shared>>)
              tpu.yield
            }) : () -> ()
            %scan3A_341 = arith.constant 0 : i32
            %scan3A_342 = arith.constant 0 : i32
            %scan3A_343 = arith.constant 64 : i32
            %scan3A_344 = arith.addi %scan3A_342, %scan3A_343 : i32
            %scan3A_345 = arith.constant 1 : i32
            scf.for %scan3A_347 = %scan3A_342 to %scan3A_344 step %scan3A_345  : i32 {
              %add3A_348 = arith.addi %add3A_278, %scan3A_347 : i32
              %get3A_349 = arith.index_cast %add3A_348 : i32 to index
              %get3A_350 = tpu.vector_load %arg15[%get3A_349] {strides = array<i32>} : memref<3328xi32, #tpu.memory_space<vmem>>, vector<16xi32>,
              %slice3A = vector.extract_strided_slice %get3A_350 {offsets = [0], sizes = [1], strides = [1]} : vector<16xi32> to vector<1xi32>
              %squeeze3A = vector.extract %slice3A[0] : i32 from vector<1xi32>
              %get3A_351 = arith.index_cast %scan3A_347 : i32 to index
              %get3A_352 = arith.constant 0 : index
              %get3A_353 = tpu.vector_load %arg9[%get3A_351, %get3A_352] {strides = array<i32>} : memref<64x256xf32, #tpu.memory_space<vmem>>, vector<16xf32>,
              %swap3A_354 = arith.index_cast %squeeze3A : i32 to index
              %swap3A_355 = arith.constant 0 : index
              %swap3A_356 = tpu.vector_load %arg7[%swap3A_354, %swap3A_355] {strides = array<i32>} : memref<320x256xf32, #tpu.memory_space<vmem>>, vector<16xf32>,
              tpu.vector_store %arg7[%swap3A_354, %swap3A_355], %get3A_353 {add = true, strides = array<i32>} : memref<320x256xf32, #tpu.memory_space<vmem>>, vector<16xf32>,
              %get3A_357 = arith.index_cast %scan3A_347 : i32 to index
              %get3A_358 = arith.constant 16 : index
              %get3A_359 = tpu.vector_load %arg9[%get3A_357, %get3A_358] {strides = array<i32>} : memref<64x256xf32, #tpu.memory_space<vmem>>, vector<16xf32>,
              %swap3A_360 = arith.index_cast %squeeze3A : i32 to index
              %swap3A_361 = arith.constant 16 : index
              %swap3A_362 = tpu.vector_load %arg7[%swap3A_360, %swap3A_361] {strides = array<i32>} : memref<320x256xf32, #tpu.memory_space<vmem>>, vector<16xf32>,
              tpu.vector_store %arg7[%swap3A_360, %swap3A_361], %get3A_359 {add = true, strides = array<i32>} : memref<320x256xf32, #tpu.memory_space<vmem>>, vector<16xf32>,
              %get3A_363 = arith.index_cast %scan3A_347 : i32 to index
              %get3A_364 = arith.constant 32 : index
              %get3A_365 = tpu.vector_load %arg9[%get3A_363, %get3A_364] {strides = array<i32>} : memref<64x256xf32, #tpu.memory_space<vmem>>, vector<16xf32>,
              %swap3A_366 = arith.index_cast %squeeze3A : i32 to index
              %swap3A_367 = arith.constant 32 : index
              %swap3A_368 = tpu.vector_load %arg7[%swap3A_366, %swap3A_367] {strides = array<i32>} : memref<320x256xf32, #tpu.memory_space<vmem>>, vector<16xf32>,
              tpu.vector_store %arg7[%swap3A_366, %swap3A_367], %get3A_365 {add = true, strides = array<i32>} : memref<320x256xf32, #tpu.memory_space<vmem>>, vector<16xf32>,
              %get3A_369 = arith.index_cast %scan3A_347 : i32 to index
              %get3A_370 = arith.constant 48 : index
              %get3A_371 = tpu.vector_load %arg9[%get3A_369, %get3A_370] {strides = array<i32>} : memref<64x256xf32, #tpu.memory_space<vmem>>, vector<16xf32>,
              %swap3A_372 = arith.index_cast %squeeze3A : i32 to index
              %swap3A_373 = arith.constant 48 : index
              %swap3A_374 = tpu.vector_load %arg7[%swap3A_372, %swap3A_373] {strides = array<i32>} : memref<320x256xf32, #tpu.memory_space<vmem>>, vector<16xf32>,
              tpu.vector_store %arg7[%swap3A_372, %swap3A_373], %get3A_371 {add = true, strides = array<i32>} : memref<320x256xf32, #tpu.memory_space<vmem>>, vector<16xf32>,
              %get3A_375 = arith.index_cast %scan3A_347 : i32 to index
              %get3A_376 = arith.constant 64 : index
              %get3A_377 = tpu.vector_load %arg9[%get3A_375, %get3A_376] {strides = array<i32>} : memref<64x256xf32, #tpu.memory_space<vmem>>, vector<16xf32>,
              %swap3A_378 = arith.index_cast %squeeze3A : i32 to index
              %swap3A_379 = arith.constant 64 : index
              %swap3A_380 = tpu.vector_load %arg7[%swap3A_378, %swap3A_379] {strides = array<i32>} : memref<320x256xf32, #tpu.memory_space<vmem>>, vector<16xf32>,
              tpu.vector_store %arg7[%swap3A_378, %swap3A_379], %get3A_377 {add = true, strides = array<i32>} : memref<320x256xf32, #tpu.memory_space<vmem>>, vector<16xf32>,
              %get3A_381 = arith.index_cast %scan3A_347 : i32 to index
              %get3A_382 = arith.constant 80 : index
              %get3A_383 = tpu.vector_load %arg9[%get3A_381, %get3A_382] {strides = array<i32>} : memref<64x256xf32, #tpu.memory_space<vmem>>, vector<16xf32>,
              %swap3A_384 = arith.index_cast %squeeze3A : i32 to index
              %swap3A_385 = arith.constant 80 : index
              %swap3A_386 = tpu.vector_load %arg7[%swap3A_384, %swap3A_385] {strides = array<i32>} : memref<320x256xf32, #tpu.memory_space<vmem>>, vector<16xf32>,
              tpu.vector_store %arg7[%swap3A_384, %swap3A_385], %get3A_383 {add = true, strides = array<i32>} : memref<320x256xf32, #tpu.memory_space<vmem>>, vector<16xf32>,
              %get3A_387 = arith.index_cast %scan3A_347 : i32 to index
              %get3A_388 = arith.constant 96 : index
              %get3A_389 = tpu.vector_load %arg9[%get3A_387, %get3A_388] {strides = array<i32>} : memref<64x256xf32, #tpu.memory_space<vmem>>, vector<16xf32>,
              %swap3A_390 = arith.index_cast %squeeze3A : i32 to index
              %swap3A_391 = arith.constant 96 : index
              %swap3A_392 = tpu.vector_load %arg7[%swap3A_390, %swap3A_391] {strides = array<i32>} : memref<320x256xf32, #tpu.memory_space<vmem>>, vector<16xf32>,
              tpu.vector_store %arg7[%swap3A_390, %swap3A_391], %get3A_389 {add = true, strides = array<i32>} : memref<320x256xf32, #tpu.memory_space<vmem>>, vector<16xf32>,
              %get3A_393 = arith.index_cast %scan3A_347 : i32 to index
              %get3A_394 = arith.constant 112 : index
              %get3A_395 = tpu.vector_load %arg9[%get3A_393, %get3A_394] {strides = array<i32>} : memref<64x256xf32, #tpu.memory_space<vmem>>, vector<16xf32>,
              %swap3A_396 = arith.index_cast %squeeze3A : i32 to index
              %swap3A_397 = arith.constant 112 : index
              %swap3A_398 = tpu.vector_load %arg7[%swap3A_396, %swap3A_397] {strides = array<i32>} : memref<320x256xf32, #tpu.memory_space<vmem>>, vector<16xf32>,
              tpu.vector_store %arg7[%swap3A_396, %swap3A_397], %get3A_395 {add = true, strides = array<i32>} : memref<320x256xf32, #tpu.memory_space<vmem>>, vector<16xf32>,
              %get3A_399 = arith.index_cast %scan3A_347 : i32 to index
              %get3A_400 = arith.constant 128 : index
              %get3A_401 = tpu.vector_load %arg9[%get3A_399, %get3A_400] {strides = array<i32>} : memref<64x256xf32, #tpu.memory_space<vmem>>, vector<16xf32>,
              %swap3A_402 = arith.index_cast %squeeze3A : i32 to index
              %swap3A_403 = arith.constant 128 : index
              %swap3A_404 = tpu.vector_load %arg7[%swap3A_402, %swap3A_403] {strides = array<i32>} : memref<320x256xf32, #tpu.memory_space<vmem>>, vector<16xf32>,
              tpu.vector_store %arg7[%swap3A_402, %swap3A_403], %get3A_401 {add = true, strides = array<i32>} : memref<320x256xf32, #tpu.memory_space<vmem>>, vector<16xf32>,
              %get3A_405 = arith.index_cast %scan3A_347 : i32 to index
              %get3A_406 = arith.constant 144 : index
              %get3A_407 = tpu.vector_load %arg9[%get3A_405, %get3A_406] {strides = array<i32>} : memref<64x256xf32, #tpu.memory_space<vmem>>, vector<16xf32>,
              %swap3A_408 = arith.index_cast %squeeze3A : i32 to index
              %swap3A_409 = arith.constant 144 : index
              %swap3A_410 = tpu.vector_load %arg7[%swap3A_408, %swap3A_409] {strides = array<i32>} : memref<320x256xf32, #tpu.memory_space<vmem>>, vector<16xf32>,
              tpu.vector_store %arg7[%swap3A_408, %swap3A_409], %get3A_407 {add = true, strides = array<i32>} : memref<320x256xf32, #tpu.memory_space<vmem>>, vector<16xf32>,
              %get3A_411 = arith.index_cast %scan3A_347 : i32 to index
              %get3A_412 = arith.constant 160 : index
              %get3A_413 = tpu.vector_load %arg9[%get3A_411, %get3A_412] {strides = array<i32>} : memref<64x256xf32, #tpu.memory_space<vmem>>, vector<16xf32>,
              %swap3A_414 = arith.index_cast %squeeze3A : i32 to index
              %swap3A_415 = arith.constant 160 : index
              %swap3A_416 = tpu.vector_load %arg7[%swap3A_414, %swap3A_415] {strides = array<i32>} : memref<320x256xf32, #tpu.memory_space<vmem>>, vector<16xf32>,
              tpu.vector_store %arg7[%swap3A_414, %swap3A_415], %get3A_413 {add = true, strides = array<i32>} : memref<320x256xf32, #tpu.memory_space<vmem>>, vector<16xf32>,
              %get3A_417 = arith.index_cast %scan3A_347 : i32 to index
              %get3A_418 = arith.constant 176 : index
              %get3A_419 = tpu.vector_load %arg9[%get3A_417, %get3A_418] {strides = array<i32>} : memref<64x256xf32, #tpu.memory_space<vmem>>, vector<16xf32>,
              %swap3A_420 = arith.index_cast %squeeze3A : i32 to index
              %swap3A_421 = arith.constant 176 : index
              %swap3A_422 = tpu.vector_load %arg7[%swap3A_420, %swap3A_421] {strides = array<i32>} : memref<320x256xf32, #tpu.memory_space<vmem>>, vector<16xf32>,
              tpu.vector_store %arg7[%swap3A_420, %swap3A_421], %get3A_419 {add = true, strides = array<i32>} : memref<320x256xf32, #tpu.memory_space<vmem>>, vector<16xf32>,
              %get3A_423 = arith.index_cast %scan3A_347 : i32 to index
              %get3A_424 = arith.constant 192 : index
              %get3A_425 = tpu.vector_load %arg9[%get3A_423, %get3A_424] {strides = array<i32>} : memref<64x256xf32, #tpu.memory_space<vmem>>, vector<16xf32>,
              %swap3A_426 = arith.index_cast %squeeze3A : i32 to index
              %swap3A_427 = arith.constant 192 : index
              %swap3A_428 = tpu.vector_load %arg7[%swap3A_426, %swap3A_427] {strides = array<i32>} : memref<320x256xf32, #tpu.memory_space<vmem>>, vector<16xf32>,
              tpu.vector_store %arg7[%swap3A_426, %swap3A_427], %get3A_425 {add = true, strides = array<i32>} : memref<320x256xf32, #tpu.memory_space<vmem>>, vector<16xf32>,
              %get3A_429 = arith.index_cast %scan3A_347 : i32 to index
              %get3A_430 = arith.constant 208 : index
              %get3A_431 = tpu.vector_load %arg9[%get3A_429, %get3A_430] {strides = array<i32>} : memref<64x256xf32, #tpu.memory_space<vmem>>, vector<16xf32>,
              %swap3A_432 = arith.index_cast %squeeze3A : i32 to index
              %swap3A_433 = arith.constant 208 : index
              %swap3A_434 = tpu.vector_load %arg7[%swap3A_432, %swap3A_433] {strides = array<i32>} : memref<320x256xf32, #tpu.memory_space<vmem>>, vector<16xf32>,
              tpu.vector_store %arg7[%swap3A_432, %swap3A_433], %get3A_431 {add = true, strides = array<i32>} : memref<320x256xf32, #tpu.memory_space<vmem>>, vector<16xf32>,
              %get3A_435 = arith.index_cast %scan3A_347 : i32 to index
              %get3A_436 = arith.constant 224 : index
              %get3A_437 = tpu.vector_load %arg9[%get3A_435, %get3A_436] {strides = array<i32>} : memref<64x256xf32, #tpu.memory_space<vmem>>, vector<16xf32>,
              %swap3A_438 = arith.index_cast %squeeze3A : i32 to index
              %swap3A_439 = arith.constant 224 : index
              %swap3A_440 = tpu.vector_load %arg7[%swap3A_438, %swap3A_439] {strides = array<i32>} : memref<320x256xf32, #tpu.memory_space<vmem>>, vector<16xf32>,
              tpu.vector_store %arg7[%swap3A_438, %swap3A_439], %get3A_437 {add = true, strides = array<i32>} : memref<320x256xf32, #tpu.memory_space<vmem>>, vector<16xf32>,
              %get3A_441 = arith.index_cast %scan3A_347 : i32 to index
              %get3A_442 = arith.constant 240 : index
              %get3A_443 = tpu.vector_load %arg9[%get3A_441, %get3A_442] {strides = array<i32>} : memref<64x256xf32, #tpu.memory_space<vmem>>, vector<16xf32>,
              %swap3A_444 = arith.index_cast %squeeze3A : i32 to index
              %swap3A_445 = arith.constant 240 : index
              %swap3A_446 = tpu.vector_load %arg7[%swap3A_444, %swap3A_445] {strides = array<i32>} : memref<320x256xf32, #tpu.memory_space<vmem>>, vector<16xf32>,
              tpu.vector_store %arg7[%swap3A_444, %swap3A_445], %get3A_443 {add = true, strides = array<i32>} : memref<320x256xf32, #tpu.memory_space<vmem>>, vector<16xf32>,
            }
            %scan3A_346 = arith.constant 64 : i32
          } else {
          }
        }
        %while3A_271 = arith.constant 1 : i32
        scf.for %while3A_272 = %while3A_269 to %while3A_265 step %while3A_271  : i32 {
          %mul3A_273 = arith.constant 2 : i32
          %mul3A_274 = arith.muli %mul3A_273, %while3A_272 : i32
          %mul3A_275 = arith.constant 64 : i32
          %mul3A_276 = arith.muli %mul3A_274, %mul3A_275 : i32
          %add3A_277 = arith.constant 64 : i32
          %add3A_278 = arith.addi %mul3A_276, %add3A_277 : i32
          %dma_start3A_279 = tpu.memref_slice %arg14[%mul3A_276] : memref<3328xi32, #tpu.memory_space<vmem>> -> memref<64xi32, #tpu.memory_space<vmem>>
          %dma_start3A_280 = arith.constant 0 : i32
          %dma_start3A_281 = arith.constant 0 : i32
          %dma_start3A_282 = tpu.memref_slice %arg2[%dma_start3A_280, %dma_start3A_281] : memref<10000x256xf32, #tpu.memory_space<hbm>> -> memref<10000x256xf32, #tpu.memory_space<hbm>>
          tpu.enqueue_indirect_dma source(%dma_start3A_282 : memref<10000x256xf32, #tpu.memory_space<hbm>>) target(%arg8 : memref<64x256xf32, #tpu.memory_space<vmem>>) offsets(%dma_start3A_279 : memref<64xi32, #tpu.memory_space<vmem>>) semaphore(%arg22 : memref<!tpu.dma_semaphore, #tpu.memory_space<semaphore_mem>>)
          %dma_start3A_283 = tpu.memref_slice %arg14[%add3A_278] : memref<3328xi32, #tpu.memory_space<vmem>> -> memref<64xi32, #tpu.memory_space<vmem>>
          %dma_start3A_284 = arith.constant 0 : i32
          %dma_start3A_285 = arith.constant 0 : i32
          %dma_start3A_286 = tpu.memref_slice %arg2[%dma_start3A_284, %dma_start3A_285] : memref<10000x256xf32, #tpu.memory_space<hbm>> -> memref<10000x256xf32, #tpu.memory_space<hbm>>
          tpu.enqueue_indirect_dma source(%dma_start3A_286 : memref<10000x256xf32, #tpu.memory_space<hbm>>) target(%arg9 : memref<64x256xf32, #tpu.memory_space<vmem>>) offsets(%dma_start3A_283 : memref<64xi32, #tpu.memory_space<vmem>>) semaphore(%arg23 : memref<!tpu.dma_semaphore, #tpu.memory_space<semaphore_mem>>)
          %dma_wait3A_287 = tpu.memref_slice %arg14[%mul3A_276] : memref<3328xi32, #tpu.memory_space<vmem>> -> memref<64xi32, #tpu.memory_space<vmem>>
          %dma_wait3A_288 = arith.constant 0 : i32
          %dma_wait3A_289 = arith.constant 0 : i32
          %dma_wait3A_290 = tpu.memref_slice %arg2[%dma_wait3A_288, %dma_wait3A_289] : memref<10000x256xf32, #tpu.memory_space<hbm>> -> memref<10000x256xf32, #tpu.memory_space<hbm>>
          tpu.wait_indirect_dma semaphore(%arg22 : memref<!tpu.dma_semaphore, #tpu.memory_space<semaphore_mem>>) src(%dma_wait3A_290 : memref<10000x256xf32, #tpu.memory_space<hbm>>) dst(%arg8 : memref<64x256xf32, #tpu.memory_space<vmem>>)
          %mul3A_291 = arith.constant 2 : i32
          %mul3A_292 = arith.muli %mul3A_291, %while3A_272 : i32
          %lt3A_293 = arith.cmpi slt, %mul3A_292, %select_n3A_236 : i32
          %convert_element_type3A_294 = arith.extui %lt3A_293 : i1 to i32
          %cond3A_295 = arith.constant 0 : i32
          %cond3A_296 = arith.cmpi ne, %convert_element_type3A_294, %cond3A_295 : i32
          scf.if %cond3A_296 {
            %add3A_309 = arith.constant 0 : i32
            %add3A_310 = arith.addi %mul3A_276, %add3A_309 : i32
            %get3A_311 = arith.index_cast %add3A_310 : i32 to index
            %get3A_312 = tpu.vector_load %arg15[%get3A_311] {strides = array<i32>} : memref<3328xi32, #tpu.memory_space<vmem>>, vector<16xi32>,
            %add3A_313 = vector.broadcast %mul3A_4 : i32 to vector<16xi32>
            %add3A_314 = arith.addi %get3A_312, %add3A_313 : vector<16xi32>
            %swap3A_315 = arith.constant 0 : index
            %swap3A_316 = tpu.vector_load %arg16[%swap3A_315] {strides = array<i32>} : memref<64xi32, #tpu.memory_space<vmem>>, vector<16xi32>,
            tpu.vector_store %arg16[%swap3A_315], %add3A_314 {strides = array<i32>} : memref<64xi32, #tpu.memory_space<vmem>>, vector<16xi32>,
            %add3A_317 = arith.constant 16 : i32
            %add3A_318 = arith.addi %mul3A_276, %add3A_317 : i32
            %get3A_319 = arith.index_cast %add3A_318 : i32 to index
            %get3A_320 = tpu.vector_load %arg15[%get3A_319] {strides = array<i32>} : memref<3328xi32, #tpu.memory_space<vmem>>, vector<16xi32>,
            %add3A_321 = vector.broadcast %mul3A_4 : i32 to vector<16xi32>
            %add3A_322 = arith.addi %get3A_320, %add3A_321 : vector<16xi32>
            %swap3A_323 = arith.constant 16 : index
            %swap3A_324 = tpu.vector_load %arg16[%swap3A_323] {strides = array<i32>} : memref<64xi32, #tpu.memory_space<vmem>>, vector<16xi32>,
            tpu.vector_store %arg16[%swap3A_323], %add3A_322 {strides = array<i32>} : memref<64xi32, #tpu.memory_space<vmem>>, vector<16xi32>,
            %add3A_325 = arith.constant 32 : i32
            %add3A_326 = arith.addi %mul3A_276, %add3A_325 : i32
            %get3A_327 = arith.index_cast %add3A_326 : i32 to index
            %get3A_328 = tpu.vector_load %arg15[%get3A_327] {strides = array<i32>} : memref<3328xi32, #tpu.memory_space<vmem>>, vector<16xi32>,
            %add3A_329 = vector.broadcast %mul3A_4 : i32 to vector<16xi32>
            %add3A_330 = arith.addi %get3A_328, %add3A_329 : vector<16xi32>
            %swap3A_331 = arith.constant 32 : index
            %swap3A_332 = tpu.vector_load %arg16[%swap3A_331] {strides = array<i32>} : memref<64xi32, #tpu.memory_space<vmem>>, vector<16xi32>,
            tpu.vector_store %arg16[%swap3A_331], %add3A_330 {strides = array<i32>} : memref<64xi32, #tpu.memory_space<vmem>>, vector<16xi32>,
            %add3A_333 = arith.constant 48 : i32
            %add3A_334 = arith.addi %mul3A_276, %add3A_333 : i32
            %get3A_335 = arith.index_cast %add3A_334 : i32 to index
            %get3A_336 = tpu.vector_load %arg15[%get3A_335] {strides = array<i32>} : memref<3328xi32, #tpu.memory_space<vmem>>, vector<16xi32>,
            %add3A_337 = vector.broadcast %mul3A_4 : i32 to vector<16xi32>
            %add3A_338 = arith.addi %get3A_336, %add3A_337 : vector<16xi32>
            %swap3A_339 = arith.constant 48 : index
            %swap3A_340 = tpu.vector_load %arg16[%swap3A_339] {strides = array<i32>} : memref<64xi32, #tpu.memory_space<vmem>>, vector<16xi32>,
            tpu.vector_store %arg16[%swap3A_339], %add3A_338 {strides = array<i32>} : memref<64xi32, #tpu.memory_space<vmem>>, vector<16xi32>,
            "tpu.region"() ({
              %run_scoped3A = tpu.sem_alloc : memref<!tpu.dma_semaphore, #tpu.memory_space<semaphore_mem>>
              %dma_start3A_347 = arith.constant 0 : i32
              %dma_start3A_348 = tpu.memref_slice %arg19[%dma_start3A_347] : memref<5120xf32, #tpu.memory_space<vmem_shared>> -> memref<5120xf32, #tpu.memory_space<vmem_shared>>
              tpu.enqueue_indirect_dma source(%arg17 : memref<64xf32, #tpu.memory_space<vmem>>) target(%dma_start3A_348 : memref<5120xf32, #tpu.memory_space<vmem_shared>>) offsets(%arg16 : memref<64xi32, #tpu.memory_space<vmem>>) semaphore(%run_scoped3A : memref<!tpu.dma_semaphore, #tpu.memory_space<semaphore_mem>>) {add = true}
              %dma_wait3A_349 = arith.constant 0 : i32
              %dma_wait3A_350 = tpu.memref_slice %arg19[%dma_wait3A_349] : memref<5120xf32, #tpu.memory_space<vmem_shared>> -> memref<5120xf32, #tpu.memory_space<vmem_shared>>
              tpu.wait_indirect_dma semaphore(%run_scoped3A : memref<!tpu.dma_semaphore, #tpu.memory_space<semaphore_mem>>) src(%arg17 : memref<64xf32, #tpu.memory_space<vmem>>) dst(%dma_wait3A_350 : memref<5120xf32, #tpu.memory_space<vmem_shared>>)
              tpu.yield
            }) : () -> ()
            %scan3A_341 = arith.constant 0 : i32
            %scan3A_342 = arith.constant 0 : i32
            %scan3A_343 = arith.constant 64 : i32
            %scan3A_344 = arith.addi %scan3A_342, %scan3A_343 : i32
            %scan3A_345 = arith.constant 1 : i32
            scf.for %scan3A_347 = %scan3A_342 to %scan3A_344 step %scan3A_345  : i32 {
              %add3A_348 = arith.addi %mul3A_276, %scan3A_347 : i32
              %get3A_349 = arith.index_cast %add3A_348 : i32 to index
              %get3A_350 = tpu.vector_load %arg15[%get3A_349] {strides = array<i32>} : memref<3328xi32, #tpu.memory_space<vmem>>, vector<16xi32>,
              %slice3A = vector.extract_strided_slice %get3A_350 {offsets = [0], sizes = [1], strides = [1]} : vector<16xi32> to vector<1xi32>
              %squeeze3A = vector.extract %slice3A[0] : i32 from vector<1xi32>
              %get3A_351 = arith.index_cast %scan3A_347 : i32 to index
              %get3A_352 = arith.constant 0 : index
              %get3A_353 = tpu.vector_load %arg8[%get3A_351, %get3A_352] {strides = array<i32>} : memref<64x256xf32, #tpu.memory_space<vmem>>, vector<16xf32>,
              %swap3A_354 = arith.index_cast %squeeze3A : i32 to index
              %swap3A_355 = arith.constant 0 : index
              %swap3A_356 = tpu.vector_load %arg7[%swap3A_354, %swap3A_355] {strides = array<i32>} : memref<320x256xf32, #tpu.memory_space<vmem>>, vector<16xf32>,
              tpu.vector_store %arg7[%swap3A_354, %swap3A_355], %get3A_353 {add = true, strides = array<i32>} : memref<320x256xf32, #tpu.memory_space<vmem>>, vector<16xf32>,
              %get3A_357 = arith.index_cast %scan3A_347 : i32 to index
              %get3A_358 = arith.constant 16 : index
              %get3A_359 = tpu.vector_load %arg8[%get3A_357, %get3A_358] {strides = array<i32>} : memref<64x256xf32, #tpu.memory_space<vmem>>, vector<16xf32>,
              %swap3A_360 = arith.index_cast %squeeze3A : i32 to index
              %swap3A_361 = arith.constant 16 : index
              %swap3A_362 = tpu.vector_load %arg7[%swap3A_360, %swap3A_361] {strides = array<i32>} : memref<320x256xf32, #tpu.memory_space<vmem>>, vector<16xf32>,
              tpu.vector_store %arg7[%swap3A_360, %swap3A_361], %get3A_359 {add = true, strides = array<i32>} : memref<320x256xf32, #tpu.memory_space<vmem>>, vector<16xf32>,
              %get3A_363 = arith.index_cast %scan3A_347 : i32 to index
              %get3A_364 = arith.constant 32 : index
              %get3A_365 = tpu.vector_load %arg8[%get3A_363, %get3A_364] {strides = array<i32>} : memref<64x256xf32, #tpu.memory_space<vmem>>, vector<16xf32>,
              %swap3A_366 = arith.index_cast %squeeze3A : i32 to index
              %swap3A_367 = arith.constant 32 : index
              %swap3A_368 = tpu.vector_load %arg7[%swap3A_366, %swap3A_367] {strides = array<i32>} : memref<320x256xf32, #tpu.memory_space<vmem>>, vector<16xf32>,
              tpu.vector_store %arg7[%swap3A_366, %swap3A_367], %get3A_365 {add = true, strides = array<i32>} : memref<320x256xf32, #tpu.memory_space<vmem>>, vector<16xf32>,
              %get3A_369 = arith.index_cast %scan3A_347 : i32 to index
              %get3A_370 = arith.constant 48 : index
              %get3A_371 = tpu.vector_load %arg8[%get3A_369, %get3A_370] {strides = array<i32>} : memref<64x256xf32, #tpu.memory_space<vmem>>, vector<16xf32>,
              %swap3A_372 = arith.index_cast %squeeze3A : i32 to index
              %swap3A_373 = arith.constant 48 : index
              %swap3A_374 = tpu.vector_load %arg7[%swap3A_372, %swap3A_373] {strides = array<i32>} : memref<320x256xf32, #tpu.memory_space<vmem>>, vector<16xf32>,
              tpu.vector_store %arg7[%swap3A_372, %swap3A_373], %get3A_371 {add = true, strides = array<i32>} : memref<320x256xf32, #tpu.memory_space<vmem>>, vector<16xf32>,
              %get3A_375 = arith.index_cast %scan3A_347 : i32 to index
              %get3A_376 = arith.constant 64 : index
              %get3A_377 = tpu.vector_load %arg8[%get3A_375, %get3A_376] {strides = array<i32>} : memref<64x256xf32, #tpu.memory_space<vmem>>, vector<16xf32>,
              %swap3A_378 = arith.index_cast %squeeze3A : i32 to index
              %swap3A_379 = arith.constant 64 : index
              %swap3A_380 = tpu.vector_load %arg7[%swap3A_378, %swap3A_379] {strides = array<i32>} : memref<320x256xf32, #tpu.memory_space<vmem>>, vector<16xf32>,
              tpu.vector_store %arg7[%swap3A_378, %swap3A_379], %get3A_377 {add = true, strides = array<i32>} : memref<320x256xf32, #tpu.memory_space<vmem>>, vector<16xf32>,
              %get3A_381 = arith.index_cast %scan3A_347 : i32 to index
              %get3A_382 = arith.constant 80 : index
              %get3A_383 = tpu.vector_load %arg8[%get3A_381, %get3A_382] {strides = array<i32>} : memref<64x256xf32, #tpu.memory_space<vmem>>, vector<16xf32>,
              %swap3A_384 = arith.index_cast %squeeze3A : i32 to index
              %swap3A_385 = arith.constant 80 : index
              %swap3A_386 = tpu.vector_load %arg7[%swap3A_384, %swap3A_385] {strides = array<i32>} : memref<320x256xf32, #tpu.memory_space<vmem>>, vector<16xf32>,
              tpu.vector_store %arg7[%swap3A_384, %swap3A_385], %get3A_383 {add = true, strides = array<i32>} : memref<320x256xf32, #tpu.memory_space<vmem>>, vector<16xf32>,
              %get3A_387 = arith.index_cast %scan3A_347 : i32 to index
              %get3A_388 = arith.constant 96 : index
              %get3A_389 = tpu.vector_load %arg8[%get3A_387, %get3A_388] {strides = array<i32>} : memref<64x256xf32, #tpu.memory_space<vmem>>, vector<16xf32>,
              %swap3A_390 = arith.index_cast %squeeze3A : i32 to index
              %swap3A_391 = arith.constant 96 : index
              %swap3A_392 = tpu.vector_load %arg7[%swap3A_390, %swap3A_391] {strides = array<i32>} : memref<320x256xf32, #tpu.memory_space<vmem>>, vector<16xf32>,
              tpu.vector_store %arg7[%swap3A_390, %swap3A_391], %get3A_389 {add = true, strides = array<i32>} : memref<320x256xf32, #tpu.memory_space<vmem>>, vector<16xf32>,
              %get3A_393 = arith.index_cast %scan3A_347 : i32 to index
              %get3A_394 = arith.constant 112 : index
              %get3A_395 = tpu.vector_load %arg8[%get3A_393, %get3A_394] {strides = array<i32>} : memref<64x256xf32, #tpu.memory_space<vmem>>, vector<16xf32>,
              %swap3A_396 = arith.index_cast %squeeze3A : i32 to index
              %swap3A_397 = arith.constant 112 : index
              %swap3A_398 = tpu.vector_load %arg7[%swap3A_396, %swap3A_397] {strides = array<i32>} : memref<320x256xf32, #tpu.memory_space<vmem>>, vector<16xf32>,
              tpu.vector_store %arg7[%swap3A_396, %swap3A_397], %get3A_395 {add = true, strides = array<i32>} : memref<320x256xf32, #tpu.memory_space<vmem>>, vector<16xf32>,
              %get3A_399 = arith.index_cast %scan3A_347 : i32 to index
              %get3A_400 = arith.constant 128 : index
              %get3A_401 = tpu.vector_load %arg8[%get3A_399, %get3A_400] {strides = array<i32>} : memref<64x256xf32, #tpu.memory_space<vmem>>, vector<16xf32>,
              %swap3A_402 = arith.index_cast %squeeze3A : i32 to index
              %swap3A_403 = arith.constant 128 : index
              %swap3A_404 = tpu.vector_load %arg7[%swap3A_402, %swap3A_403] {strides = array<i32>} : memref<320x256xf32, #tpu.memory_space<vmem>>, vector<16xf32>,
              tpu.vector_store %arg7[%swap3A_402, %swap3A_403], %get3A_401 {add = true, strides = array<i32>} : memref<320x256xf32, #tpu.memory_space<vmem>>, vector<16xf32>,
              %get3A_405 = arith.index_cast %scan3A_347 : i32 to index
              %get3A_406 = arith.constant 144 : index
              %get3A_407 = tpu.vector_load %arg8[%get3A_405, %get3A_406] {strides = array<i32>} : memref<64x256xf32, #tpu.memory_space<vmem>>, vector<16xf32>,
              %swap3A_408 = arith.index_cast %squeeze3A : i32 to index
              %swap3A_409 = arith.constant 144 : index
              %swap3A_410 = tpu.vector_load %arg7[%swap3A_408, %swap3A_409] {strides = array<i32>} : memref<320x256xf32, #tpu.memory_space<vmem>>, vector<16xf32>,
              tpu.vector_store %arg7[%swap3A_408, %swap3A_409], %get3A_407 {add = true, strides = array<i32>} : memref<320x256xf32, #tpu.memory_space<vmem>>, vector<16xf32>,
              %get3A_411 = arith.index_cast %scan3A_347 : i32 to index
              %get3A_412 = arith.constant 160 : index
              %get3A_413 = tpu.vector_load %arg8[%get3A_411, %get3A_412] {strides = array<i32>} : memref<64x256xf32, #tpu.memory_space<vmem>>, vector<16xf32>,
              %swap3A_414 = arith.index_cast %squeeze3A : i32 to index
              %swap3A_415 = arith.constant 160 : index
              %swap3A_416 = tpu.vector_load %arg7[%swap3A_414, %swap3A_415] {strides = array<i32>} : memref<320x256xf32, #tpu.memory_space<vmem>>, vector<16xf32>,
              tpu.vector_store %arg7[%swap3A_414, %swap3A_415], %get3A_413 {add = true, strides = array<i32>} : memref<320x256xf32, #tpu.memory_space<vmem>>, vector<16xf32>,
              %get3A_417 = arith.index_cast %scan3A_347 : i32 to index
              %get3A_418 = arith.constant 176 : index
              %get3A_419 = tpu.vector_load %arg8[%get3A_417, %get3A_418] {strides = array<i32>} : memref<64x256xf32, #tpu.memory_space<vmem>>, vector<16xf32>,
              %swap3A_420 = arith.index_cast %squeeze3A : i32 to index
              %swap3A_421 = arith.constant 176 : index
              %swap3A_422 = tpu.vector_load %arg7[%swap3A_420, %swap3A_421] {strides = array<i32>} : memref<320x256xf32, #tpu.memory_space<vmem>>, vector<16xf32>,
              tpu.vector_store %arg7[%swap3A_420, %swap3A_421], %get3A_419 {add = true, strides = array<i32>} : memref<320x256xf32, #tpu.memory_space<vmem>>, vector<16xf32>,
              %get3A_423 = arith.index_cast %scan3A_347 : i32 to index
              %get3A_424 = arith.constant 192 : index
              %get3A_425 = tpu.vector_load %arg8[%get3A_423, %get3A_424] {strides = array<i32>} : memref<64x256xf32, #tpu.memory_space<vmem>>, vector<16xf32>,
              %swap3A_426 = arith.index_cast %squeeze3A : i32 to index
              %swap3A_427 = arith.constant 192 : index
              %swap3A_428 = tpu.vector_load %arg7[%swap3A_426, %swap3A_427] {strides = array<i32>} : memref<320x256xf32, #tpu.memory_space<vmem>>, vector<16xf32>,
              tpu.vector_store %arg7[%swap3A_426, %swap3A_427], %get3A_425 {add = true, strides = array<i32>} : memref<320x256xf32, #tpu.memory_space<vmem>>, vector<16xf32>,
              %get3A_429 = arith.index_cast %scan3A_347 : i32 to index
              %get3A_430 = arith.constant 208 : index
              %get3A_431 = tpu.vector_load %arg8[%get3A_429, %get3A_430] {strides = array<i32>} : memref<64x256xf32, #tpu.memory_space<vmem>>, vector<16xf32>,
              %swap3A_432 = arith.index_cast %squeeze3A : i32 to index
              %swap3A_433 = arith.constant 208 : index
              %swap3A_434 = tpu.vector_load %arg7[%swap3A_432, %swap3A_433] {strides = array<i32>} : memref<320x256xf32, #tpu.memory_space<vmem>>, vector<16xf32>,
              tpu.vector_store %arg7[%swap3A_432, %swap3A_433], %get3A_431 {add = true, strides = array<i32>} : memref<320x256xf32, #tpu.memory_space<vmem>>, vector<16xf32>,
              %get3A_435 = arith.index_cast %scan3A_347 : i32 to index
              %get3A_436 = arith.constant 224 : index
              %get3A_437 = tpu.vector_load %arg8[%get3A_435, %get3A_436] {strides = array<i32>} : memref<64x256xf32, #tpu.memory_space<vmem>>, vector<16xf32>,
              %swap3A_438 = arith.index_cast %squeeze3A : i32 to index
              %swap3A_439 = arith.constant 224 : index
              %swap3A_440 = tpu.vector_load %arg7[%swap3A_438, %swap3A_439] {strides = array<i32>} : memref<320x256xf32, #tpu.memory_space<vmem>>, vector<16xf32>,
              tpu.vector_store %arg7[%swap3A_438, %swap3A_439], %get3A_437 {add = true, strides = array<i32>} : memref<320x256xf32, #tpu.memory_space<vmem>>, vector<16xf32>,
              %get3A_441 = arith.index_cast %scan3A_347 : i32 to index
              %get3A_442 = arith.constant 240 : index
              %get3A_443 = tpu.vector_load %arg8[%get3A_441, %get3A_442] {strides = array<i32>} : memref<64x256xf32, #tpu.memory_space<vmem>>, vector<16xf32>,
              %swap3A_444 = arith.index_cast %squeeze3A : i32 to index
              %swap3A_445 = arith.constant 240 : index
              %swap3A_446 = tpu.vector_load %arg7[%swap3A_444, %swap3A_445] {strides = array<i32>} : memref<320x256xf32, #tpu.memory_space<vmem>>, vector<16xf32>,
              tpu.vector_store %arg7[%swap3A_444, %swap3A_445], %get3A_443 {add = true, strides = array<i32>} : memref<320x256xf32, #tpu.memory_space<vmem>>, vector<16xf32>,
            }
            %scan3A_346 = arith.constant 64 : i32
          } else {
          }
          %dma_wait3A_297 = tpu.memref_slice %arg14[%add3A_278] : memref<3328xi32, #tpu.memory_space<vmem>> -> memref<64xi32, #tpu.memory_space<vmem>>
          %dma_wait3A_298 = arith.constant 0 : i32
          %dma_wait3A_299 = arith.constant 0 : i32
          %dma_wait3A_300 = tpu.memref_slice %arg2[%dma_wait3A_298, %dma_wait3A_299] : memref<10000x256xf32, #tpu.memory_space<hbm>> -> memref<10000x256xf32, #tpu.memory_space<hbm>>
          tpu.wait_indirect_dma semaphore(%arg23 : memref<!tpu.dma_semaphore, #tpu.memory_space<semaphore_mem>>) src(%dma_wait3A_300 : memref<10000x256xf32, #tpu.memory_space<hbm>>) dst(%arg9 : memref<64x256xf32, #tpu.memory_space<vmem>>)
          %mul3A_301 = arith.constant 2 : i32
          %mul3A_302 = arith.muli %mul3A_301, %while3A_272 : i32
          %add3A_303 = arith.constant 1 : i32
          %add3A_304 = arith.addi %mul3A_302, %add3A_303 : i32
          %lt3A_305 = arith.cmpi slt, %add3A_304, %select_n3A_236 : i32
          %convert_element_type3A_306 = arith.extui %lt3A_305 : i1 to i32
          %cond3A_307 = arith.constant 0 : i32
          %cond3A_308 = arith.cmpi ne, %convert_element_type3A_306, %cond3A_307 : i32
          scf.if %cond3A_308 {
            %add3A_309 = arith.constant 0 : i32
            %add3A_310 = arith.addi %add3A_278, %add3A_309 : i32
            %get3A_311 = arith.index_cast %add3A_310 : i32 to index
            %get3A_312 = tpu.vector_load %arg15[%get3A_311] {strides = array<i32>} : memref<3328xi32, #tpu.memory_space<vmem>>, vector<16xi32>,
            %add3A_313 = vector.broadcast %mul3A_4 : i32 to vector<16xi32>
            %add3A_314 = arith.addi %get3A_312, %add3A_313 : vector<16xi32>
            %swap3A_315 = arith.constant 0 : index
            %swap3A_316 = tpu.vector_load %arg16[%swap3A_315] {strides = array<i32>} : memref<64xi32, #tpu.memory_space<vmem>>, vector<16xi32>,
            tpu.vector_store %arg16[%swap3A_315], %add3A_314 {strides = array<i32>} : memref<64xi32, #tpu.memory_space<vmem>>, vector<16xi32>,
            %add3A_317 = arith.constant 16 : i32
            %add3A_318 = arith.addi %add3A_278, %add3A_317 : i32
            %get3A_319 = arith.index_cast %add3A_318 : i32 to index
            %get3A_320 = tpu.vector_load %arg15[%get3A_319] {strides = array<i32>} : memref<3328xi32, #tpu.memory_space<vmem>>, vector<16xi32>,
            %add3A_321 = vector.broadcast %mul3A_4 : i32 to vector<16xi32>
            %add3A_322 = arith.addi %get3A_320, %add3A_321 : vector<16xi32>
            %swap3A_323 = arith.constant 16 : index
            %swap3A_324 = tpu.vector_load %arg16[%swap3A_323] {strides = array<i32>} : memref<64xi32, #tpu.memory_space<vmem>>, vector<16xi32>,
            tpu.vector_store %arg16[%swap3A_323], %add3A_322 {strides = array<i32>} : memref<64xi32, #tpu.memory_space<vmem>>, vector<16xi32>,
            %add3A_325 = arith.constant 32 : i32
            %add3A_326 = arith.addi %add3A_278, %add3A_325 : i32
            %get3A_327 = arith.index_cast %add3A_326 : i32 to index
            %get3A_328 = tpu.vector_load %arg15[%get3A_327] {strides = array<i32>} : memref<3328xi32, #tpu.memory_space<vmem>>, vector<16xi32>,
            %add3A_329 = vector.broadcast %mul3A_4 : i32 to vector<16xi32>
            %add3A_330 = arith.addi %get3A_328, %add3A_329 : vector<16xi32>
            %swap3A_331 = arith.constant 32 : index
            %swap3A_332 = tpu.vector_load %arg16[%swap3A_331] {strides = array<i32>} : memref<64xi32, #tpu.memory_space<vmem>>, vector<16xi32>,
            tpu.vector_store %arg16[%swap3A_331], %add3A_330 {strides = array<i32>} : memref<64xi32, #tpu.memory_space<vmem>>, vector<16xi32>,
            %add3A_333 = arith.constant 48 : i32
            %add3A_334 = arith.addi %add3A_278, %add3A_333 : i32
            %get3A_335 = arith.index_cast %add3A_334 : i32 to index
            %get3A_336 = tpu.vector_load %arg15[%get3A_335] {strides = array<i32>} : memref<3328xi32, #tpu.memory_space<vmem>>, vector<16xi32>,
            %add3A_337 = vector.broadcast %mul3A_4 : i32 to vector<16xi32>
            %add3A_338 = arith.addi %get3A_336, %add3A_337 : vector<16xi32>
            %swap3A_339 = arith.constant 48 : index
            %swap3A_340 = tpu.vector_load %arg16[%swap3A_339] {strides = array<i32>} : memref<64xi32, #tpu.memory_space<vmem>>, vector<16xi32>,
            tpu.vector_store %arg16[%swap3A_339], %add3A_338 {strides = array<i32>} : memref<64xi32, #tpu.memory_space<vmem>>, vector<16xi32>,
            "tpu.region"() ({
              %run_scoped3A = tpu.sem_alloc : memref<!tpu.dma_semaphore, #tpu.memory_space<semaphore_mem>>
              %dma_start3A_347 = arith.constant 0 : i32
              %dma_start3A_348 = tpu.memref_slice %arg19[%dma_start3A_347] : memref<5120xf32, #tpu.memory_space<vmem_shared>> -> memref<5120xf32, #tpu.memory_space<vmem_shared>>
              tpu.enqueue_indirect_dma source(%arg17 : memref<64xf32, #tpu.memory_space<vmem>>) target(%dma_start3A_348 : memref<5120xf32, #tpu.memory_space<vmem_shared>>) offsets(%arg16 : memref<64xi32, #tpu.memory_space<vmem>>) semaphore(%run_scoped3A : memref<!tpu.dma_semaphore, #tpu.memory_space<semaphore_mem>>) {add = true}
              %dma_wait3A_349 = arith.constant 0 : i32
              %dma_wait3A_350 = tpu.memref_slice %arg19[%dma_wait3A_349] : memref<5120xf32, #tpu.memory_space<vmem_shared>> -> memref<5120xf32, #tpu.memory_space<vmem_shared>>
              tpu.wait_indirect_dma semaphore(%run_scoped3A : memref<!tpu.dma_semaphore, #tpu.memory_space<semaphore_mem>>) src(%arg17 : memref<64xf32, #tpu.memory_space<vmem>>) dst(%dma_wait3A_350 : memref<5120xf32, #tpu.memory_space<vmem_shared>>)
              tpu.yield
            }) : () -> ()
            %scan3A_341 = arith.constant 0 : i32
            %scan3A_342 = arith.constant 0 : i32
            %scan3A_343 = arith.constant 64 : i32
            %scan3A_344 = arith.addi %scan3A_342, %scan3A_343 : i32
            %scan3A_345 = arith.constant 1 : i32
            scf.for %scan3A_347 = %scan3A_342 to %scan3A_344 step %scan3A_345  : i32 {
              %add3A_348 = arith.addi %add3A_278, %scan3A_347 : i32
              %get3A_349 = arith.index_cast %add3A_348 : i32 to index
              %get3A_350 = tpu.vector_load %arg15[%get3A_349] {strides = array<i32>} : memref<3328xi32, #tpu.memory_space<vmem>>, vector<16xi32>,
              %slice3A = vector.extract_strided_slice %get3A_350 {offsets = [0], sizes = [1], strides = [1]} : vector<16xi32> to vector<1xi32>
              %squeeze3A = vector.extract %slice3A[0] : i32 from vector<1xi32>
              %get3A_351 = arith.index_cast %scan3A_347 : i32 to index
              %get3A_352 = arith.constant 0 : index
              %get3A_353 = tpu.vector_load %arg9[%get3A_351, %get3A_352] {strides = array<i32>} : memref<64x256xf32, #tpu.memory_space<vmem>>, vector<16xf32>,
              %swap3A_354 = arith.index_cast %squeeze3A : i32 to index
              %swap3A_355 = arith.constant 0 : index
              %swap3A_356 = tpu.vector_load %arg7[%swap3A_354, %swap3A_355] {strides = array<i32>} : memref<320x256xf32, #tpu.memory_space<vmem>>, vector<16xf32>,
              tpu.vector_store %arg7[%swap3A_354, %swap3A_355], %get3A_353 {add = true, strides = array<i32>} : memref<320x256xf32, #tpu.memory_space<vmem>>, vector<16xf32>,
              %get3A_357 = arith.index_cast %scan3A_347 : i32 to index
              %get3A_358 = arith.constant 16 : index
              %get3A_359 = tpu.vector_load %arg9[%get3A_357, %get3A_358] {strides = array<i32>} : memref<64x256xf32, #tpu.memory_space<vmem>>, vector<16xf32>,
              %swap3A_360 = arith.index_cast %squeeze3A : i32 to index
              %swap3A_361 = arith.constant 16 : index
              %swap3A_362 = tpu.vector_load %arg7[%swap3A_360, %swap3A_361] {strides = array<i32>} : memref<320x256xf32, #tpu.memory_space<vmem>>, vector<16xf32>,
              tpu.vector_store %arg7[%swap3A_360, %swap3A_361], %get3A_359 {add = true, strides = array<i32>} : memref<320x256xf32, #tpu.memory_space<vmem>>, vector<16xf32>,
              %get3A_363 = arith.index_cast %scan3A_347 : i32 to index
              %get3A_364 = arith.constant 32 : index
              %get3A_365 = tpu.vector_load %arg9[%get3A_363, %get3A_364] {strides = array<i32>} : memref<64x256xf32, #tpu.memory_space<vmem>>, vector<16xf32>,
              %swap3A_366 = arith.index_cast %squeeze3A : i32 to index
              %swap3A_367 = arith.constant 32 : index
              %swap3A_368 = tpu.vector_load %arg7[%swap3A_366, %swap3A_367] {strides = array<i32>} : memref<320x256xf32, #tpu.memory_space<vmem>>, vector<16xf32>,
              tpu.vector_store %arg7[%swap3A_366, %swap3A_367], %get3A_365 {add = true, strides = array<i32>} : memref<320x256xf32, #tpu.memory_space<vmem>>, vector<16xf32>,
              %get3A_369 = arith.index_cast %scan3A_347 : i32 to index
              %get3A_370 = arith.constant 48 : index
              %get3A_371 = tpu.vector_load %arg9[%get3A_369, %get3A_370] {strides = array<i32>} : memref<64x256xf32, #tpu.memory_space<vmem>>, vector<16xf32>,
              %swap3A_372 = arith.index_cast %squeeze3A : i32 to index
              %swap3A_373 = arith.constant 48 : index
              %swap3A_374 = tpu.vector_load %arg7[%swap3A_372, %swap3A_373] {strides = array<i32>} : memref<320x256xf32, #tpu.memory_space<vmem>>, vector<16xf32>,
              tpu.vector_store %arg7[%swap3A_372, %swap3A_373], %get3A_371 {add = true, strides = array<i32>} : memref<320x256xf32, #tpu.memory_space<vmem>>, vector<16xf32>,
              %get3A_375 = arith.index_cast %scan3A_347 : i32 to index
              %get3A_376 = arith.constant 64 : index
              %get3A_377 = tpu.vector_load %arg9[%get3A_375, %get3A_376] {strides = array<i32>} : memref<64x256xf32, #tpu.memory_space<vmem>>, vector<16xf32>,
              %swap3A_378 = arith.index_cast %squeeze3A : i32 to index
              %swap3A_379 = arith.constant 64 : index
              %swap3A_380 = tpu.vector_load %arg7[%swap3A_378, %swap3A_379] {strides = array<i32>} : memref<320x256xf32, #tpu.memory_space<vmem>>, vector<16xf32>,
              tpu.vector_store %arg7[%swap3A_378, %swap3A_379], %get3A_377 {add = true, strides = array<i32>} : memref<320x256xf32, #tpu.memory_space<vmem>>, vector<16xf32>,
              %get3A_381 = arith.index_cast %scan3A_347 : i32 to index
              %get3A_382 = arith.constant 80 : index
              %get3A_383 = tpu.vector_load %arg9[%get3A_381, %get3A_382] {strides = array<i32>} : memref<64x256xf32, #tpu.memory_space<vmem>>, vector<16xf32>,
              %swap3A_384 = arith.index_cast %squeeze3A : i32 to index
              %swap3A_385 = arith.constant 80 : index
              %swap3A_386 = tpu.vector_load %arg7[%swap3A_384, %swap3A_385] {strides = array<i32>} : memref<320x256xf32, #tpu.memory_space<vmem>>, vector<16xf32>,
              tpu.vector_store %arg7[%swap3A_384, %swap3A_385], %get3A_383 {add = true, strides = array<i32>} : memref<320x256xf32, #tpu.memory_space<vmem>>, vector<16xf32>,
              %get3A_387 = arith.index_cast %scan3A_347 : i32 to index
              %get3A_388 = arith.constant 96 : index
              %get3A_389 = tpu.vector_load %arg9[%get3A_387, %get3A_388] {strides = array<i32>} : memref<64x256xf32, #tpu.memory_space<vmem>>, vector<16xf32>,
              %swap3A_390 = arith.index_cast %squeeze3A : i32 to index
              %swap3A_391 = arith.constant 96 : index
              %swap3A_392 = tpu.vector_load %arg7[%swap3A_390, %swap3A_391] {strides = array<i32>} : memref<320x256xf32, #tpu.memory_space<vmem>>, vector<16xf32>,
              tpu.vector_store %arg7[%swap3A_390, %swap3A_391], %get3A_389 {add = true, strides = array<i32>} : memref<320x256xf32, #tpu.memory_space<vmem>>, vector<16xf32>,
              %get3A_393 = arith.index_cast %scan3A_347 : i32 to index
              %get3A_394 = arith.constant 112 : index
              %get3A_395 = tpu.vector_load %arg9[%get3A_393, %get3A_394] {strides = array<i32>} : memref<64x256xf32, #tpu.memory_space<vmem>>, vector<16xf32>,
              %swap3A_396 = arith.index_cast %squeeze3A : i32 to index
              %swap3A_397 = arith.constant 112 : index
              %swap3A_398 = tpu.vector_load %arg7[%swap3A_396, %swap3A_397] {strides = array<i32>} : memref<320x256xf32, #tpu.memory_space<vmem>>, vector<16xf32>,
              tpu.vector_store %arg7[%swap3A_396, %swap3A_397], %get3A_395 {add = true, strides = array<i32>} : memref<320x256xf32, #tpu.memory_space<vmem>>, vector<16xf32>,
              %get3A_399 = arith.index_cast %scan3A_347 : i32 to index
              %get3A_400 = arith.constant 128 : index
              %get3A_401 = tpu.vector_load %arg9[%get3A_399, %get3A_400] {strides = array<i32>} : memref<64x256xf32, #tpu.memory_space<vmem>>, vector<16xf32>,
              %swap3A_402 = arith.index_cast %squeeze3A : i32 to index
              %swap3A_403 = arith.constant 128 : index
              %swap3A_404 = tpu.vector_load %arg7[%swap3A_402, %swap3A_403] {strides = array<i32>} : memref<320x256xf32, #tpu.memory_space<vmem>>, vector<16xf32>,
              tpu.vector_store %arg7[%swap3A_402, %swap3A_403], %get3A_401 {add = true, strides = array<i32>} : memref<320x256xf32, #tpu.memory_space<vmem>>, vector<16xf32>,
              %get3A_405 = arith.index_cast %scan3A_347 : i32 to index
              %get3A_406 = arith.constant 144 : index
              %get3A_407 = tpu.vector_load %arg9[%get3A_405, %get3A_406] {strides = array<i32>} : memref<64x256xf32, #tpu.memory_space<vmem>>, vector<16xf32>,
              %swap3A_408 = arith.index_cast %squeeze3A : i32 to index
              %swap3A_409 = arith.constant 144 : index
              %swap3A_410 = tpu.vector_load %arg7[%swap3A_408, %swap3A_409] {strides = array<i32>} : memref<320x256xf32, #tpu.memory_space<vmem>>, vector<16xf32>,
              tpu.vector_store %arg7[%swap3A_408, %swap3A_409], %get3A_407 {add = true, strides = array<i32>} : memref<320x256xf32, #tpu.memory_space<vmem>>, vector<16xf32>,
              %get3A_411 = arith.index_cast %scan3A_347 : i32 to index
              %get3A_412 = arith.constant 160 : index
              %get3A_413 = tpu.vector_load %arg9[%get3A_411, %get3A_412] {strides = array<i32>} : memref<64x256xf32, #tpu.memory_space<vmem>>, vector<16xf32>,
              %swap3A_414 = arith.index_cast %squeeze3A : i32 to index
              %swap3A_415 = arith.constant 160 : index
              %swap3A_416 = tpu.vector_load %arg7[%swap3A_414, %swap3A_415] {strides = array<i32>} : memref<320x256xf32, #tpu.memory_space<vmem>>, vector<16xf32>,
              tpu.vector_store %arg7[%swap3A_414, %swap3A_415], %get3A_413 {add = true, strides = array<i32>} : memref<320x256xf32, #tpu.memory_space<vmem>>, vector<16xf32>,
              %get3A_417 = arith.index_cast %scan3A_347 : i32 to index
              %get3A_418 = arith.constant 176 : index
              %get3A_419 = tpu.vector_load %arg9[%get3A_417, %get3A_418] {strides = array<i32>} : memref<64x256xf32, #tpu.memory_space<vmem>>, vector<16xf32>,
              %swap3A_420 = arith.index_cast %squeeze3A : i32 to index
              %swap3A_421 = arith.constant 176 : index
              %swap3A_422 = tpu.vector_load %arg7[%swap3A_420, %swap3A_421] {strides = array<i32>} : memref<320x256xf32, #tpu.memory_space<vmem>>, vector<16xf32>,
              tpu.vector_store %arg7[%swap3A_420, %swap3A_421], %get3A_419 {add = true, strides = array<i32>} : memref<320x256xf32, #tpu.memory_space<vmem>>, vector<16xf32>,
              %get3A_423 = arith.index_cast %scan3A_347 : i32 to index
              %get3A_424 = arith.constant 192 : index
              %get3A_425 = tpu.vector_load %arg9[%get3A_423, %get3A_424] {strides = array<i32>} : memref<64x256xf32, #tpu.memory_space<vmem>>, vector<16xf32>,
              %swap3A_426 = arith.index_cast %squeeze3A : i32 to index
              %swap3A_427 = arith.constant 192 : index
              %swap3A_428 = tpu.vector_load %arg7[%swap3A_426, %swap3A_427] {strides = array<i32>} : memref<320x256xf32, #tpu.memory_space<vmem>>, vector<16xf32>,
              tpu.vector_store %arg7[%swap3A_426, %swap3A_427], %get3A_425 {add = true, strides = array<i32>} : memref<320x256xf32, #tpu.memory_space<vmem>>, vector<16xf32>,
              %get3A_429 = arith.index_cast %scan3A_347 : i32 to index
              %get3A_430 = arith.constant 208 : index
              %get3A_431 = tpu.vector_load %arg9[%get3A_429, %get3A_430] {strides = array<i32>} : memref<64x256xf32, #tpu.memory_space<vmem>>, vector<16xf32>,
              %swap3A_432 = arith.index_cast %squeeze3A : i32 to index
              %swap3A_433 = arith.constant 208 : index
              %swap3A_434 = tpu.vector_load %arg7[%swap3A_432, %swap3A_433] {strides = array<i32>} : memref<320x256xf32, #tpu.memory_space<vmem>>, vector<16xf32>,
              tpu.vector_store %arg7[%swap3A_432, %swap3A_433], %get3A_431 {add = true, strides = array<i32>} : memref<320x256xf32, #tpu.memory_space<vmem>>, vector<16xf32>,
              %get3A_435 = arith.index_cast %scan3A_347 : i32 to index
              %get3A_436 = arith.constant 224 : index
              %get3A_437 = tpu.vector_load %arg9[%get3A_435, %get3A_436] {strides = array<i32>} : memref<64x256xf32, #tpu.memory_space<vmem>>, vector<16xf32>,
              %swap3A_438 = arith.index_cast %squeeze3A : i32 to index
              %swap3A_439 = arith.constant 224 : index
              %swap3A_440 = tpu.vector_load %arg7[%swap3A_438, %swap3A_439] {strides = array<i32>} : memref<320x256xf32, #tpu.memory_space<vmem>>, vector<16xf32>,
              tpu.vector_store %arg7[%swap3A_438, %swap3A_439], %get3A_437 {add = true, strides = array<i32>} : memref<320x256xf32, #tpu.memory_space<vmem>>, vector<16xf32>,
              %get3A_441 = arith.index_cast %scan3A_347 : i32 to index
              %get3A_442 = arith.constant 240 : index
              %get3A_443 = tpu.vector_load %arg9[%get3A_441, %get3A_442] {strides = array<i32>} : memref<64x256xf32, #tpu.memory_space<vmem>>, vector<16xf32>,
              %swap3A_444 = arith.index_cast %squeeze3A : i32 to index
              %swap3A_445 = arith.constant 240 : index
              %swap3A_446 = tpu.vector_load %arg7[%swap3A_444, %swap3A_445] {strides = array<i32>} : memref<320x256xf32, #tpu.memory_space<vmem>>, vector<16xf32>,
              tpu.vector_store %arg7[%swap3A_444, %swap3A_445], %get3A_443 {add = true, strides = array<i32>} : memref<320x256xf32, #tpu.memory_space<vmem>>, vector<16xf32>,
            }
            %scan3A_346 = arith.constant 64 : i32
          } else {
          }
        }
      } else {
      }
      %jit3A = arith.constant 0 : i32
      %select_n3A = arith.select %ge3A_125, %jit3A, %scan3A_123 : i32
      %dma_start3A_129 = tpu.memref_slice %arg4[%mul3A_106] : memref<163840xi32, #tpu.memory_space<hbm>> -> memref<1024xi32, #tpu.memory_space<hbm>>
      %dma_start3A_130 = tpu.memref_slice %arg4[%mul3A_106] : memref<163840xi32, #tpu.memory_space<hbm>> -> memref<1024xi32, #tpu.memory_space<hbm>>
      tpu.enqueue_dma source(%dma_start3A_130 : memref<1024xi32, #tpu.memory_space<hbm>>) target(%arg10 : memref<1024xi32, #tpu.memory_space<vmem>>) target_semaphore(%arg20 : memref<!tpu.dma_semaphore, #tpu.memory_space<semaphore_mem>>)
      %dma_start3A_131 = tpu.memref_slice %arg3[%mul3A_106] : memref<163840xi32, #tpu.memory_space<hbm>> -> memref<1024xi32, #tpu.memory_space<hbm>>
      %dma_start3A_132 = tpu.memref_slice %arg3[%mul3A_106] : memref<163840xi32, #tpu.memory_space<hbm>> -> memref<1024xi32, #tpu.memory_space<hbm>>
      tpu.enqueue_dma source(%dma_start3A_132 : memref<1024xi32, #tpu.memory_space<hbm>>) target(%arg11 : memref<1024xi32, #tpu.memory_space<vmem>>) target_semaphore(%arg20 : memref<!tpu.dma_semaphore, #tpu.memory_space<semaphore_mem>>)
      %dma_wait3A_133 = arith.constant 0 : i32
      %dma_wait3A_134 = tpu.memref_slice %arg4[%dma_wait3A_133] : memref<163840xi32, #tpu.memory_space<hbm>> -> memref<1024xi32, #tpu.memory_space<hbm>>
      %dma_wait3A_135 = arith.constant 0 : i32
      %dma_wait3A_136 = tpu.memref_slice %arg4[%dma_wait3A_135] : memref<163840xi32, #tpu.memory_space<hbm>> -> memref<1024xi32, #tpu.memory_space<hbm>>
      tpu.wait_dma2 semaphore(%arg21 : memref<!tpu.dma_semaphore, #tpu.memory_space<semaphore_mem>>) src(%dma_wait3A_136 : memref<1024xi32, #tpu.memory_space<hbm>>) dst(%arg12 : memref<1024xi32, #tpu.memory_space<vmem>>)
      %dma_wait3A_137 = arith.constant 0 : i32
      %dma_wait3A_138 = tpu.memref_slice %arg3[%dma_wait3A_137] : memref<163840xi32, #tpu.memory_space<hbm>> -> memref<1024xi32, #tpu.memory_space<hbm>>
      %dma_wait3A_139 = arith.constant 0 : i32
      %dma_wait3A_140 = tpu.memref_slice %arg3[%dma_wait3A_139] : memref<163840xi32, #tpu.memory_space<hbm>> -> memref<1024xi32, #tpu.memory_space<hbm>>
      tpu.wait_dma2 semaphore(%arg21 : memref<!tpu.dma_semaphore, #tpu.memory_space<semaphore_mem>>) src(%dma_wait3A_140 : memref<1024xi32, #tpu.memory_space<hbm>>) dst(%arg13 : memref<1024xi32, #tpu.memory_space<vmem>>)
      %scan3A_141 = arith.constant 0 : i32
      %scan3A_142 = arith.constant 64 : i32
      %scan3A_143 = arith.addi %scan3A_141, %scan3A_142 : i32
      %scan3A_144 = arith.constant 1 : i32
      %scan3A_145 = scf.for %scan3A_154 = %scan3A_141 to %scan3A_143 step %scan3A_144 iter_args(%scan3A_155 = %select_n3A) -> (i32)  : i32 {
        %mul3A_156 = arith.constant 16 : i32
        %mul3A_157 = arith.muli %scan3A_154, %mul3A_156 : i32
        %get3A = arith.index_cast %mul3A_157 : i32 to index
        %get3A_158 = tpu.vector_load %arg12[%get3A] {strides = array<i32>} : memref<1024xi32, #tpu.memory_space<vmem>>, vector<16xi32>,
        %sub3A = vector.broadcast %mul3A_2 : i32 to vector<16xi32>
        %sub3A_159 = arith.subi %get3A_158, %sub3A : vector<16xi32>
        %bitcast3A = vector.bitcast %sub3A_159 : vector<16xi32> to vector<16xi32>
        %lt3A = arith.constant 313 : i32
        %lt3A_160 = vector.broadcast %lt3A : i32 to vector<16xi32>
        %lt3A_161 = arith.cmpi ult, %bitcast3A, %lt3A_160 : vector<16xi32>
        %jit3A_162 = arith.constant 1 : i32
        %jit3A_163 = arith.constant 0 : i32
        %broadcast_in_dim3A_164 = vector.broadcast %jit3A_162 : i32 to vector<16xi32>
        %broadcast_in_dim3A_165 = vector.broadcast %jit3A_163 : i32 to vector<16xi32>
        %select_n3A_166 = arith.select %lt3A_161, %broadcast_in_dim3A_164, %broadcast_in_dim3A_165 : vector<16xi1>, vector<16xi32>
        %broadcast_in_dim3A_167 = arith.constant true
        %broadcast_in_dim3A_168 = vector.broadcast %broadcast_in_dim3A_167 : i1 to vector<16xi1>
        %masked_cumsum3A = tpu.scan <sum>, %select_n3A_166 masked %broadcast_in_dim3A_168 : vector<16xi32>, vector<16xi1> -> vector<16xi32>
        %add3A_169 = vector.broadcast %scan3A_155 : i32 to vector<16xi32>
        %add3A_170 = arith.addi %add3A_169, %masked_cumsum3A : vector<16xi32>
        %sub3A_171 = arith.constant 1 : i32
        %sub3A_172 = vector.broadcast %sub3A_171 : i32 to vector<16xi32>
        %sub3A_173 = arith.subi %add3A_170, %sub3A_172 : vector<16xi32>
        %mul3A_174 = arith.constant 16 : i32
        %mul3A_175 = arith.muli %scan3A_154, %mul3A_174 : i32
        %get3A_176 = arith.index_cast %mul3A_175 : i32 to index
        %get3A_177 = tpu.vector_load %arg13[%get3A_176] {strides = array<i32>} : memref<1024xi32, #tpu.memory_space<vmem>>, vector<16xi32>,
        tpu.vector_store_idx %arg14[%sub3A_173], %get3A_177 masked %lt3A_161 : memref<3328xi32, #tpu.memory_space<vmem>>[vector<16xi32>], vector<16xi32>, vector<16xi1>
        tpu.vector_store_idx %arg15[%sub3A_173], %sub3A_159 masked %lt3A_161 : memref<3328xi32, #tpu.memory_space<vmem>>[vector<16xi32>], vector<16xi32>, vector<16xi1>
        %reduce_max3A = arith.constant true
        %reduce_max3A_178 = vector.broadcast %reduce_max3A : i1 to vector<16xi1>
        %reduce_max3A_179 = arith.constant -2147483648 : i32
        %reduce_max3A_180 = vector.broadcast %reduce_max3A_179 : i32 to vector<16xi32>
        %reduce_max3A_181 = arith.xori %masked_cumsum3A, %reduce_max3A_180 : vector<16xi32>
        %reduce_max3A_182 = tpu.scan <max>, %reduce_max3A_181 masked %reduce_max3A_178 : vector<16xi32>, vector<16xi1> -> vector<16xi32>
        %reduce_max3A_183 = arith.xori %reduce_max3A_182, %reduce_max3A_180 : vector<16xi32>
        %reduce_max3A_184 = vector.extract %reduce_max3A_183[15] : i32 from vector<16xi32>
        %add3A_185 = arith.addi %scan3A_155, %reduce_max3A_184 : i32
        scf.yield %add3A_185 : i32
      }
      %scan3A_146 = arith.constant 64 : i32
      %ge3A_147 = arith.constant 2048 : i32
      %ge3A_148 = arith.cmpi sge, %scan3A_145, %ge3A_147 : i32
      %convert_element_type3A_149 = arith.extui %ge3A_148 : i1 to i32
      %cond3A_150 = arith.constant 0 : i32
      %cond3A_151 = arith.cmpi ne, %convert_element_type3A_149, %cond3A_150 : i32
      scf.if %cond3A_151 {
        %jit3A_154 = arith.constant 16 : i32
        %div3A = arith.divsi %scan3A_145, %jit3A_154 : i32
        %sign3A = arith.constant 0 : i32
        %sign3A_155 = arith.cmpi sgt, %scan3A_145, %sign3A : i32
        %sign3A_156 = arith.extui %sign3A_155 : i1 to i32
        %sign3A_157 = arith.constant 0 : i32
        %sign3A_158 = arith.cmpi slt, %scan3A_145, %sign3A_157 : i32
        %sign3A_159 = arith.extui %sign3A_158 : i1 to i32
        %sign3A_160 = arith.subi %sign3A_156, %sign3A_159 : i32
        %sign3A_161 = arith.constant 0 : i32
        %sign3A_162 = arith.cmpi sgt, %jit3A_154, %sign3A_161 : i32
        %sign3A_163 = arith.extui %sign3A_162 : i1 to i32
        %sign3A_164 = arith.constant 0 : i32
        %sign3A_165 = arith.cmpi slt, %jit3A_154, %sign3A_164 : i32
        %sign3A_166 = arith.extui %sign3A_165 : i1 to i32
        %sign3A_167 = arith.subi %sign3A_163, %sign3A_166 : i32
        %ne3A = arith.cmpi ne, %sign3A_160, %sign3A_167 : i32
        %rem3A = arith.remsi %scan3A_145, %jit3A_154 : i32
        %ne3A_168 = arith.constant 0 : i32
        %ne3A_169 = arith.cmpi ne, %rem3A, %ne3A_168 : i32
        %and3A = arith.andi %ne3A, %ne3A_169 : i1
        %sub3A = arith.constant 1 : i32
        %sub3A_170 = arith.subi %div3A, %sub3A : i32
        %select_n3A_171 = arith.select %and3A, %sub3A_170, %div3A : i32
        %mul3A_172 = arith.constant 16 : i32
        %mul3A_173 = arith.muli %select_n3A_171, %mul3A_172 : i32
        %sub3A_174 = arith.subi %scan3A_145, %mul3A_173 : i32
        %lt3A = vector.broadcast %sub3A_174 : i32 to vector<16xi32>
        %lt3A_175 = arith.cmpi slt, %iota3A, %lt3A : vector<16xi32>
        %get3A = arith.index_cast %mul3A_173 : i32 to index
        %get3A_176 = tpu.vector_load %arg14[%get3A] {strides = array<i32>} : memref<3328xi32, #tpu.memory_space<vmem>>, vector<16xi32>,
        %select_n3A_177 = arith.select %lt3A_175, %get3A_176, %broadcast_in_dim3A_11 : vector<16xi1>, vector<16xi32>
        %swap3A_178 = arith.index_cast %mul3A_173 : i32 to index
        %swap3A_179 = tpu.vector_load %arg14[%swap3A_178] {strides = array<i32>} : memref<3328xi32, #tpu.memory_space<vmem>>, vector<16xi32>,
        tpu.vector_store %arg14[%swap3A_178], %select_n3A_177 {strides = array<i32>} : memref<3328xi32, #tpu.memory_space<vmem>>, vector<16xi32>,
        %get3A_180 = arith.index_cast %mul3A_173 : i32 to index
        %get3A_181 = tpu.vector_load %arg15[%get3A_180] {strides = array<i32>} : memref<3328xi32, #tpu.memory_space<vmem>>, vector<16xi32>,
        %select_n3A_182 = arith.select %lt3A_175, %get3A_181, %broadcast_in_dim3A_9 : vector<16xi1>, vector<16xi32>
        %swap3A_183 = arith.index_cast %mul3A_173 : i32 to index
        %swap3A_184 = tpu.vector_load %arg15[%swap3A_183] {strides = array<i32>} : memref<3328xi32, #tpu.memory_space<vmem>>, vector<16xi32>,
        tpu.vector_store %arg15[%swap3A_183], %select_n3A_182 {strides = array<i32>} : memref<3328xi32, #tpu.memory_space<vmem>>, vector<16xi32>,
        %add3A_185 = arith.constant 16 : i32
        %add3A_186 = arith.addi %mul3A_173, %add3A_185 : i32
        %swap3A_187 = arith.index_cast %add3A_186 : i32 to index
        %swap3A_188 = tpu.vector_load %arg14[%swap3A_187] {strides = array<i32>} : memref<3328xi32, #tpu.memory_space<vmem>>, vector<16xi32>,
        tpu.vector_store %arg14[%swap3A_187], %broadcast_in_dim3A_11 {strides = array<i32>} : memref<3328xi32, #tpu.memory_space<vmem>>, vector<16xi32>,
        %add3A_189 = arith.constant 16 : i32
        %add3A_190 = arith.addi %mul3A_173, %add3A_189 : i32
        %swap3A_191 = arith.index_cast %add3A_190 : i32 to index
        %swap3A_192 = tpu.vector_load %arg15[%swap3A_191] {strides = array<i32>} : memref<3328xi32, #tpu.memory_space<vmem>>, vector<16xi32>,
        tpu.vector_store %arg15[%swap3A_191], %broadcast_in_dim3A_9 {strides = array<i32>} : memref<3328xi32, #tpu.memory_space<vmem>>, vector<16xi32>,
        %add3A_193 = arith.constant 32 : i32
        %add3A_194 = arith.addi %mul3A_173, %add3A_193 : i32
        %swap3A_195 = arith.index_cast %add3A_194 : i32 to index
        %swap3A_196 = tpu.vector_load %arg14[%swap3A_195] {strides = array<i32>} : memref<3328xi32, #tpu.memory_space<vmem>>, vector<16xi32>,
        tpu.vector_store %arg14[%swap3A_195], %broadcast_in_dim3A_11 {strides = array<i32>} : memref<3328xi32, #tpu.memory_space<vmem>>, vector<16xi32>,
        %add3A_197 = arith.constant 32 : i32
        %add3A_198 = arith.addi %mul3A_173, %add3A_197 : i32
        %swap3A_199 = arith.index_cast %add3A_198 : i32 to index
        %swap3A_200 = tpu.vector_load %arg15[%swap3A_199] {strides = array<i32>} : memref<3328xi32, #tpu.memory_space<vmem>>, vector<16xi32>,
        tpu.vector_store %arg15[%swap3A_199], %broadcast_in_dim3A_9 {strides = array<i32>} : memref<3328xi32, #tpu.memory_space<vmem>>, vector<16xi32>,
        %add3A_201 = arith.constant 48 : i32
        %add3A_202 = arith.addi %mul3A_173, %add3A_201 : i32
        %swap3A_203 = arith.index_cast %add3A_202 : i32 to index
        %swap3A_204 = tpu.vector_load %arg14[%swap3A_203] {strides = array<i32>} : memref<3328xi32, #tpu.memory_space<vmem>>, vector<16xi32>,
        tpu.vector_store %arg14[%swap3A_203], %broadcast_in_dim3A_11 {strides = array<i32>} : memref<3328xi32, #tpu.memory_space<vmem>>, vector<16xi32>,
        %add3A_205 = arith.constant 48 : i32
        %add3A_206 = arith.addi %mul3A_173, %add3A_205 : i32
        %swap3A_207 = arith.index_cast %add3A_206 : i32 to index
        %swap3A_208 = tpu.vector_load %arg15[%swap3A_207] {strides = array<i32>} : memref<3328xi32, #tpu.memory_space<vmem>>, vector<16xi32>,
        tpu.vector_store %arg15[%swap3A_207], %broadcast_in_dim3A_9 {strides = array<i32>} : memref<3328xi32, #tpu.memory_space<vmem>>, vector<16xi32>,
        %add3A_209 = arith.constant 64 : i32
        %add3A_210 = arith.addi %scan3A_145, %add3A_209 : i32
        %sub3A_211 = arith.constant 1 : i32
        %sub3A_212 = arith.subi %add3A_210, %sub3A_211 : i32
        %jit3A_213 = arith.constant 64 : i32
        %div3A_214 = arith.divsi %sub3A_212, %jit3A_213 : i32
        %sign3A_215 = arith.constant 0 : i32
        %sign3A_216 = arith.cmpi sgt, %sub3A_212, %sign3A_215 : i32
        %sign3A_217 = arith.extui %sign3A_216 : i1 to i32
        %sign3A_218 = arith.constant 0 : i32
        %sign3A_219 = arith.cmpi slt, %sub3A_212, %sign3A_218 : i32
        %sign3A_220 = arith.extui %sign3A_219 : i1 to i32
        %sign3A_221 = arith.subi %sign3A_217, %sign3A_220 : i32
        %sign3A_222 = arith.constant 0 : i32
        %sign3A_223 = arith.cmpi sgt, %jit3A_213, %sign3A_222 : i32
        %sign3A_224 = arith.extui %sign3A_223 : i1 to i32
        %sign3A_225 = arith.constant 0 : i32
        %sign3A_226 = arith.cmpi slt, %jit3A_213, %sign3A_225 : i32
        %sign3A_227 = arith.extui %sign3A_226 : i1 to i32
        %sign3A_228 = arith.subi %sign3A_224, %sign3A_227 : i32
        %ne3A_229 = arith.cmpi ne, %sign3A_221, %sign3A_228 : i32
        %rem3A_230 = arith.remsi %sub3A_212, %jit3A_213 : i32
        %ne3A_231 = arith.constant 0 : i32
        %ne3A_232 = arith.cmpi ne, %rem3A_230, %ne3A_231 : i32
        %and3A_233 = arith.andi %ne3A_229, %ne3A_232 : i1
        %sub3A_234 = arith.constant 1 : i32
        %sub3A_235 = arith.subi %div3A_214, %sub3A_234 : i32
        %select_n3A_236 = arith.select %and3A_233, %sub3A_235, %div3A_214 : i32
        %add3A_237 = arith.constant 1 : i32
        %add3A_238 = arith.addi %select_n3A_236, %add3A_237 : i32
        %jit3A_239 = arith.constant 2 : i32
        %div3A_240 = arith.divsi %add3A_238, %jit3A_239 : i32
        %sign3A_241 = arith.constant 0 : i32
        %sign3A_242 = arith.cmpi sgt, %add3A_238, %sign3A_241 : i32
        %sign3A_243 = arith.extui %sign3A_242 : i1 to i32
        %sign3A_244 = arith.constant 0 : i32
        %sign3A_245 = arith.cmpi slt, %add3A_238, %sign3A_244 : i32
        %sign3A_246 = arith.extui %sign3A_245 : i1 to i32
        %sign3A_247 = arith.subi %sign3A_243, %sign3A_246 : i32
        %sign3A_248 = arith.constant 0 : i32
        %sign3A_249 = arith.cmpi sgt, %jit3A_239, %sign3A_248 : i32
        %sign3A_250 = arith.extui %sign3A_249 : i1 to i32
        %sign3A_251 = arith.constant 0 : i32
        %sign3A_252 = arith.cmpi slt, %jit3A_239, %sign3A_251 : i32
        %sign3A_253 = arith.extui %sign3A_252 : i1 to i32
        %sign3A_254 = arith.subi %sign3A_250, %sign3A_253 : i32
        %ne3A_255 = arith.cmpi ne, %sign3A_247, %sign3A_254 : i32
        %rem3A_256 = arith.remsi %add3A_238, %jit3A_239 : i32
        %ne3A_257 = arith.constant 0 : i32
        %ne3A_258 = arith.cmpi ne, %rem3A_256, %ne3A_257 : i32
        %and3A_259 = arith.andi %ne3A_255, %ne3A_258 : i1
        %sub3A_260 = arith.constant 1 : i32
        %sub3A_261 = arith.subi %div3A_240, %sub3A_260 : i32
        %select_n3A_262 = arith.select %and3A_259, %sub3A_261, %div3A_240 : i32
        %while3A = arith.constant 0 : i32
        %while3A_263 = arith.constant 0 : i32
        %while3A_264 = arith.subi %select_n3A_262, %while3A_263 : i32
        %while3A_265 = arith.addi %while3A_263, %while3A_264 : i32
        %while3A_266 = arith.constant 1 : i32
        %while3A_267 = arith.divsi %while3A_264, %while3A_266 : i32
        %while3A_268 = arith.muli %while3A_267, %while3A_266 : i32
        %while3A_269 = arith.addi %while3A_263, %while3A_268 : i32
        %while3A_270 = arith.constant 1 : i32
        scf.for %while3A_272 = %while3A_263 to %while3A_269 step %while3A_270  : i32 {
          %mul3A_273 = arith.constant 2 : i32
          %mul3A_274 = arith.muli %mul3A_273, %while3A_272 : i32
          %mul3A_275 = arith.constant 64 : i32
          %mul3A_276 = arith.muli %mul3A_274, %mul3A_275 : i32
          %add3A_277 = arith.constant 64 : i32
          %add3A_278 = arith.addi %mul3A_276, %add3A_277 : i32
          %dma_start3A_279 = tpu.memref_slice %arg14[%mul3A_276] : memref<3328xi32, #tpu.memory_space<vmem>> -> memref<64xi32, #tpu.memory_space<vmem>>
          %dma_start3A_280 = arith.constant 0 : i32
          %dma_start3A_281 = arith.constant 0 : i32
          %dma_start3A_282 = tpu.memref_slice %arg2[%dma_start3A_280, %dma_start3A_281] : memref<10000x256xf32, #tpu.memory_space<hbm>> -> memref<10000x256xf32, #tpu.memory_space<hbm>>
          tpu.enqueue_indirect_dma source(%dma_start3A_282 : memref<10000x256xf32, #tpu.memory_space<hbm>>) target(%arg8 : memref<64x256xf32, #tpu.memory_space<vmem>>) offsets(%dma_start3A_279 : memref<64xi32, #tpu.memory_space<vmem>>) semaphore(%arg22 : memref<!tpu.dma_semaphore, #tpu.memory_space<semaphore_mem>>)
          %dma_start3A_283 = tpu.memref_slice %arg14[%add3A_278] : memref<3328xi32, #tpu.memory_space<vmem>> -> memref<64xi32, #tpu.memory_space<vmem>>
          %dma_start3A_284 = arith.constant 0 : i32
          %dma_start3A_285 = arith.constant 0 : i32
          %dma_start3A_286 = tpu.memref_slice %arg2[%dma_start3A_284, %dma_start3A_285] : memref<10000x256xf32, #tpu.memory_space<hbm>> -> memref<10000x256xf32, #tpu.memory_space<hbm>>
          tpu.enqueue_indirect_dma source(%dma_start3A_286 : memref<10000x256xf32, #tpu.memory_space<hbm>>) target(%arg9 : memref<64x256xf32, #tpu.memory_space<vmem>>) offsets(%dma_start3A_283 : memref<64xi32, #tpu.memory_space<vmem>>) semaphore(%arg23 : memref<!tpu.dma_semaphore, #tpu.memory_space<semaphore_mem>>)
          %dma_wait3A_287 = tpu.memref_slice %arg14[%mul3A_276] : memref<3328xi32, #tpu.memory_space<vmem>> -> memref<64xi32, #tpu.memory_space<vmem>>
          %dma_wait3A_288 = arith.constant 0 : i32
          %dma_wait3A_289 = arith.constant 0 : i32
          %dma_wait3A_290 = tpu.memref_slice %arg2[%dma_wait3A_288, %dma_wait3A_289] : memref<10000x256xf32, #tpu.memory_space<hbm>> -> memref<10000x256xf32, #tpu.memory_space<hbm>>
          tpu.wait_indirect_dma semaphore(%arg22 : memref<!tpu.dma_semaphore, #tpu.memory_space<semaphore_mem>>) src(%dma_wait3A_290 : memref<10000x256xf32, #tpu.memory_space<hbm>>) dst(%arg8 : memref<64x256xf32, #tpu.memory_space<vmem>>)
          %mul3A_291 = arith.constant 2 : i32
          %mul3A_292 = arith.muli %mul3A_291, %while3A_272 : i32
          %lt3A_293 = arith.cmpi slt, %mul3A_292, %select_n3A_236 : i32
          %convert_element_type3A_294 = arith.extui %lt3A_293 : i1 to i32
          %cond3A_295 = arith.constant 0 : i32
          %cond3A_296 = arith.cmpi ne, %convert_element_type3A_294, %cond3A_295 : i32
          scf.if %cond3A_296 {
            %add3A_309 = arith.constant 0 : i32
            %add3A_310 = arith.addi %mul3A_276, %add3A_309 : i32
            %get3A_311 = arith.index_cast %add3A_310 : i32 to index
            %get3A_312 = tpu.vector_load %arg15[%get3A_311] {strides = array<i32>} : memref<3328xi32, #tpu.memory_space<vmem>>, vector<16xi32>,
            %add3A_313 = vector.broadcast %mul3A_4 : i32 to vector<16xi32>
            %add3A_314 = arith.addi %get3A_312, %add3A_313 : vector<16xi32>
            %swap3A_315 = arith.constant 0 : index
            %swap3A_316 = tpu.vector_load %arg16[%swap3A_315] {strides = array<i32>} : memref<64xi32, #tpu.memory_space<vmem>>, vector<16xi32>,
            tpu.vector_store %arg16[%swap3A_315], %add3A_314 {strides = array<i32>} : memref<64xi32, #tpu.memory_space<vmem>>, vector<16xi32>,
            %add3A_317 = arith.constant 16 : i32
            %add3A_318 = arith.addi %mul3A_276, %add3A_317 : i32
            %get3A_319 = arith.index_cast %add3A_318 : i32 to index
            %get3A_320 = tpu.vector_load %arg15[%get3A_319] {strides = array<i32>} : memref<3328xi32, #tpu.memory_space<vmem>>, vector<16xi32>,
            %add3A_321 = vector.broadcast %mul3A_4 : i32 to vector<16xi32>
            %add3A_322 = arith.addi %get3A_320, %add3A_321 : vector<16xi32>
            %swap3A_323 = arith.constant 16 : index
            %swap3A_324 = tpu.vector_load %arg16[%swap3A_323] {strides = array<i32>} : memref<64xi32, #tpu.memory_space<vmem>>, vector<16xi32>,
            tpu.vector_store %arg16[%swap3A_323], %add3A_322 {strides = array<i32>} : memref<64xi32, #tpu.memory_space<vmem>>, vector<16xi32>,
            %add3A_325 = arith.constant 32 : i32
            %add3A_326 = arith.addi %mul3A_276, %add3A_325 : i32
            %get3A_327 = arith.index_cast %add3A_326 : i32 to index
            %get3A_328 = tpu.vector_load %arg15[%get3A_327] {strides = array<i32>} : memref<3328xi32, #tpu.memory_space<vmem>>, vector<16xi32>,
            %add3A_329 = vector.broadcast %mul3A_4 : i32 to vector<16xi32>
            %add3A_330 = arith.addi %get3A_328, %add3A_329 : vector<16xi32>
            %swap3A_331 = arith.constant 32 : index
            %swap3A_332 = tpu.vector_load %arg16[%swap3A_331] {strides = array<i32>} : memref<64xi32, #tpu.memory_space<vmem>>, vector<16xi32>,
            tpu.vector_store %arg16[%swap3A_331], %add3A_330 {strides = array<i32>} : memref<64xi32, #tpu.memory_space<vmem>>, vector<16xi32>,
            %add3A_333 = arith.constant 48 : i32
            %add3A_334 = arith.addi %mul3A_276, %add3A_333 : i32
            %get3A_335 = arith.index_cast %add3A_334 : i32 to index
            %get3A_336 = tpu.vector_load %arg15[%get3A_335] {strides = array<i32>} : memref<3328xi32, #tpu.memory_space<vmem>>, vector<16xi32>,
            %add3A_337 = vector.broadcast %mul3A_4 : i32 to vector<16xi32>
            %add3A_338 = arith.addi %get3A_336, %add3A_337 : vector<16xi32>
            %swap3A_339 = arith.constant 48 : index
            %swap3A_340 = tpu.vector_load %arg16[%swap3A_339] {strides = array<i32>} : memref<64xi32, #tpu.memory_space<vmem>>, vector<16xi32>,
            tpu.vector_store %arg16[%swap3A_339], %add3A_338 {strides = array<i32>} : memref<64xi32, #tpu.memory_space<vmem>>, vector<16xi32>,
            "tpu.region"() ({
              %run_scoped3A = tpu.sem_alloc : memref<!tpu.dma_semaphore, #tpu.memory_space<semaphore_mem>>
              %dma_start3A_347 = arith.constant 0 : i32
              %dma_start3A_348 = tpu.memref_slice %arg19[%dma_start3A_347] : memref<5120xf32, #tpu.memory_space<vmem_shared>> -> memref<5120xf32, #tpu.memory_space<vmem_shared>>
              tpu.enqueue_indirect_dma source(%arg17 : memref<64xf32, #tpu.memory_space<vmem>>) target(%dma_start3A_348 : memref<5120xf32, #tpu.memory_space<vmem_shared>>) offsets(%arg16 : memref<64xi32, #tpu.memory_space<vmem>>) semaphore(%run_scoped3A : memref<!tpu.dma_semaphore, #tpu.memory_space<semaphore_mem>>) {add = true}
              %dma_wait3A_349 = arith.constant 0 : i32
              %dma_wait3A_350 = tpu.memref_slice %arg19[%dma_wait3A_349] : memref<5120xf32, #tpu.memory_space<vmem_shared>> -> memref<5120xf32, #tpu.memory_space<vmem_shared>>
              tpu.wait_indirect_dma semaphore(%run_scoped3A : memref<!tpu.dma_semaphore, #tpu.memory_space<semaphore_mem>>) src(%arg17 : memref<64xf32, #tpu.memory_space<vmem>>) dst(%dma_wait3A_350 : memref<5120xf32, #tpu.memory_space<vmem_shared>>)
              tpu.yield
            }) : () -> ()
            %scan3A_341 = arith.constant 0 : i32
            %scan3A_342 = arith.constant 0 : i32
            %scan3A_343 = arith.constant 64 : i32
            %scan3A_344 = arith.addi %scan3A_342, %scan3A_343 : i32
            %scan3A_345 = arith.constant 1 : i32
            scf.for %scan3A_347 = %scan3A_342 to %scan3A_344 step %scan3A_345  : i32 {
              %add3A_348 = arith.addi %mul3A_276, %scan3A_347 : i32
              %get3A_349 = arith.index_cast %add3A_348 : i32 to index
              %get3A_350 = tpu.vector_load %arg15[%get3A_349] {strides = array<i32>} : memref<3328xi32, #tpu.memory_space<vmem>>, vector<16xi32>,
              %slice3A = vector.extract_strided_slice %get3A_350 {offsets = [0], sizes = [1], strides = [1]} : vector<16xi32> to vector<1xi32>
              %squeeze3A = vector.extract %slice3A[0] : i32 from vector<1xi32>
              %get3A_351 = arith.index_cast %scan3A_347 : i32 to index
              %get3A_352 = arith.constant 0 : index
              %get3A_353 = tpu.vector_load %arg8[%get3A_351, %get3A_352] {strides = array<i32>} : memref<64x256xf32, #tpu.memory_space<vmem>>, vector<16xf32>,
              %swap3A_354 = arith.index_cast %squeeze3A : i32 to index
              %swap3A_355 = arith.constant 0 : index
              %swap3A_356 = tpu.vector_load %arg7[%swap3A_354, %swap3A_355] {strides = array<i32>} : memref<320x256xf32, #tpu.memory_space<vmem>>, vector<16xf32>,
              tpu.vector_store %arg7[%swap3A_354, %swap3A_355], %get3A_353 {add = true, strides = array<i32>} : memref<320x256xf32, #tpu.memory_space<vmem>>, vector<16xf32>,
              %get3A_357 = arith.index_cast %scan3A_347 : i32 to index
              %get3A_358 = arith.constant 16 : index
              %get3A_359 = tpu.vector_load %arg8[%get3A_357, %get3A_358] {strides = array<i32>} : memref<64x256xf32, #tpu.memory_space<vmem>>, vector<16xf32>,
              %swap3A_360 = arith.index_cast %squeeze3A : i32 to index
              %swap3A_361 = arith.constant 16 : index
              %swap3A_362 = tpu.vector_load %arg7[%swap3A_360, %swap3A_361] {strides = array<i32>} : memref<320x256xf32, #tpu.memory_space<vmem>>, vector<16xf32>,
              tpu.vector_store %arg7[%swap3A_360, %swap3A_361], %get3A_359 {add = true, strides = array<i32>} : memref<320x256xf32, #tpu.memory_space<vmem>>, vector<16xf32>,
              %get3A_363 = arith.index_cast %scan3A_347 : i32 to index
              %get3A_364 = arith.constant 32 : index
              %get3A_365 = tpu.vector_load %arg8[%get3A_363, %get3A_364] {strides = array<i32>} : memref<64x256xf32, #tpu.memory_space<vmem>>, vector<16xf32>,
              %swap3A_366 = arith.index_cast %squeeze3A : i32 to index
              %swap3A_367 = arith.constant 32 : index
              %swap3A_368 = tpu.vector_load %arg7[%swap3A_366, %swap3A_367] {strides = array<i32>} : memref<320x256xf32, #tpu.memory_space<vmem>>, vector<16xf32>,
              tpu.vector_store %arg7[%swap3A_366, %swap3A_367], %get3A_365 {add = true, strides = array<i32>} : memref<320x256xf32, #tpu.memory_space<vmem>>, vector<16xf32>,
              %get3A_369 = arith.index_cast %scan3A_347 : i32 to index
              %get3A_370 = arith.constant 48 : index
              %get3A_371 = tpu.vector_load %arg8[%get3A_369, %get3A_370] {strides = array<i32>} : memref<64x256xf32, #tpu.memory_space<vmem>>, vector<16xf32>,
              %swap3A_372 = arith.index_cast %squeeze3A : i32 to index
              %swap3A_373 = arith.constant 48 : index
              %swap3A_374 = tpu.vector_load %arg7[%swap3A_372, %swap3A_373] {strides = array<i32>} : memref<320x256xf32, #tpu.memory_space<vmem>>, vector<16xf32>,
              tpu.vector_store %arg7[%swap3A_372, %swap3A_373], %get3A_371 {add = true, strides = array<i32>} : memref<320x256xf32, #tpu.memory_space<vmem>>, vector<16xf32>,
              %get3A_375 = arith.index_cast %scan3A_347 : i32 to index
              %get3A_376 = arith.constant 64 : index
              %get3A_377 = tpu.vector_load %arg8[%get3A_375, %get3A_376] {strides = array<i32>} : memref<64x256xf32, #tpu.memory_space<vmem>>, vector<16xf32>,
              %swap3A_378 = arith.index_cast %squeeze3A : i32 to index
              %swap3A_379 = arith.constant 64 : index
              %swap3A_380 = tpu.vector_load %arg7[%swap3A_378, %swap3A_379] {strides = array<i32>} : memref<320x256xf32, #tpu.memory_space<vmem>>, vector<16xf32>,
              tpu.vector_store %arg7[%swap3A_378, %swap3A_379], %get3A_377 {add = true, strides = array<i32>} : memref<320x256xf32, #tpu.memory_space<vmem>>, vector<16xf32>,
              %get3A_381 = arith.index_cast %scan3A_347 : i32 to index
              %get3A_382 = arith.constant 80 : index
              %get3A_383 = tpu.vector_load %arg8[%get3A_381, %get3A_382] {strides = array<i32>} : memref<64x256xf32, #tpu.memory_space<vmem>>, vector<16xf32>,
              %swap3A_384 = arith.index_cast %squeeze3A : i32 to index
              %swap3A_385 = arith.constant 80 : index
              %swap3A_386 = tpu.vector_load %arg7[%swap3A_384, %swap3A_385] {strides = array<i32>} : memref<320x256xf32, #tpu.memory_space<vmem>>, vector<16xf32>,
              tpu.vector_store %arg7[%swap3A_384, %swap3A_385], %get3A_383 {add = true, strides = array<i32>} : memref<320x256xf32, #tpu.memory_space<vmem>>, vector<16xf32>,
              %get3A_387 = arith.index_cast %scan3A_347 : i32 to index
              %get3A_388 = arith.constant 96 : index
              %get3A_389 = tpu.vector_load %arg8[%get3A_387, %get3A_388] {strides = array<i32>} : memref<64x256xf32, #tpu.memory_space<vmem>>, vector<16xf32>,
              %swap3A_390 = arith.index_cast %squeeze3A : i32 to index
              %swap3A_391 = arith.constant 96 : index
              %swap3A_392 = tpu.vector_load %arg7[%swap3A_390, %swap3A_391] {strides = array<i32>} : memref<320x256xf32, #tpu.memory_space<vmem>>, vector<16xf32>,
              tpu.vector_store %arg7[%swap3A_390, %swap3A_391], %get3A_389 {add = true, strides = array<i32>} : memref<320x256xf32, #tpu.memory_space<vmem>>, vector<16xf32>,
              %get3A_393 = arith.index_cast %scan3A_347 : i32 to index
              %get3A_394 = arith.constant 112 : index
              %get3A_395 = tpu.vector_load %arg8[%get3A_393, %get3A_394] {strides = array<i32>} : memref<64x256xf32, #tpu.memory_space<vmem>>, vector<16xf32>,
              %swap3A_396 = arith.index_cast %squeeze3A : i32 to index
              %swap3A_397 = arith.constant 112 : index
              %swap3A_398 = tpu.vector_load %arg7[%swap3A_396, %swap3A_397] {strides = array<i32>} : memref<320x256xf32, #tpu.memory_space<vmem>>, vector<16xf32>,
              tpu.vector_store %arg7[%swap3A_396, %swap3A_397], %get3A_395 {add = true, strides = array<i32>} : memref<320x256xf32, #tpu.memory_space<vmem>>, vector<16xf32>,
              %get3A_399 = arith.index_cast %scan3A_347 : i32 to index
              %get3A_400 = arith.constant 128 : index
              %get3A_401 = tpu.vector_load %arg8[%get3A_399, %get3A_400] {strides = array<i32>} : memref<64x256xf32, #tpu.memory_space<vmem>>, vector<16xf32>,
              %swap3A_402 = arith.index_cast %squeeze3A : i32 to index
              %swap3A_403 = arith.constant 128 : index
              %swap3A_404 = tpu.vector_load %arg7[%swap3A_402, %swap3A_403] {strides = array<i32>} : memref<320x256xf32, #tpu.memory_space<vmem>>, vector<16xf32>,
              tpu.vector_store %arg7[%swap3A_402, %swap3A_403], %get3A_401 {add = true, strides = array<i32>} : memref<320x256xf32, #tpu.memory_space<vmem>>, vector<16xf32>,
              %get3A_405 = arith.index_cast %scan3A_347 : i32 to index
              %get3A_406 = arith.constant 144 : index
              %get3A_407 = tpu.vector_load %arg8[%get3A_405, %get3A_406] {strides = array<i32>} : memref<64x256xf32, #tpu.memory_space<vmem>>, vector<16xf32>,
              %swap3A_408 = arith.index_cast %squeeze3A : i32 to index
              %swap3A_409 = arith.constant 144 : index
              %swap3A_410 = tpu.vector_load %arg7[%swap3A_408, %swap3A_409] {strides = array<i32>} : memref<320x256xf32, #tpu.memory_space<vmem>>, vector<16xf32>,
              tpu.vector_store %arg7[%swap3A_408, %swap3A_409], %get3A_407 {add = true, strides = array<i32>} : memref<320x256xf32, #tpu.memory_space<vmem>>, vector<16xf32>,
              %get3A_411 = arith.index_cast %scan3A_347 : i32 to index
              %get3A_412 = arith.constant 160 : index
              %get3A_413 = tpu.vector_load %arg8[%get3A_411, %get3A_412] {strides = array<i32>} : memref<64x256xf32, #tpu.memory_space<vmem>>, vector<16xf32>,
              %swap3A_414 = arith.index_cast %squeeze3A : i32 to index
              %swap3A_415 = arith.constant 160 : index
              %swap3A_416 = tpu.vector_load %arg7[%swap3A_414, %swap3A_415] {strides = array<i32>} : memref<320x256xf32, #tpu.memory_space<vmem>>, vector<16xf32>,
              tpu.vector_store %arg7[%swap3A_414, %swap3A_415], %get3A_413 {add = true, strides = array<i32>} : memref<320x256xf32, #tpu.memory_space<vmem>>, vector<16xf32>,
              %get3A_417 = arith.index_cast %scan3A_347 : i32 to index
              %get3A_418 = arith.constant 176 : index
              %get3A_419 = tpu.vector_load %arg8[%get3A_417, %get3A_418] {strides = array<i32>} : memref<64x256xf32, #tpu.memory_space<vmem>>, vector<16xf32>,
              %swap3A_420 = arith.index_cast %squeeze3A : i32 to index
              %swap3A_421 = arith.constant 176 : index
              %swap3A_422 = tpu.vector_load %arg7[%swap3A_420, %swap3A_421] {strides = array<i32>} : memref<320x256xf32, #tpu.memory_space<vmem>>, vector<16xf32>,
              tpu.vector_store %arg7[%swap3A_420, %swap3A_421], %get3A_419 {add = true, strides = array<i32>} : memref<320x256xf32, #tpu.memory_space<vmem>>, vector<16xf32>,
              %get3A_423 = arith.index_cast %scan3A_347 : i32 to index
              %get3A_424 = arith.constant 192 : index
              %get3A_425 = tpu.vector_load %arg8[%get3A_423, %get3A_424] {strides = array<i32>} : memref<64x256xf32, #tpu.memory_space<vmem>>, vector<16xf32>,
              %swap3A_426 = arith.index_cast %squeeze3A : i32 to index
              %swap3A_427 = arith.constant 192 : index
              %swap3A_428 = tpu.vector_load %arg7[%swap3A_426, %swap3A_427] {strides = array<i32>} : memref<320x256xf32, #tpu.memory_space<vmem>>, vector<16xf32>,
              tpu.vector_store %arg7[%swap3A_426, %swap3A_427], %get3A_425 {add = true, strides = array<i32>} : memref<320x256xf32, #tpu.memory_space<vmem>>, vector<16xf32>,
              %get3A_429 = arith.index_cast %scan3A_347 : i32 to index
              %get3A_430 = arith.constant 208 : index
              %get3A_431 = tpu.vector_load %arg8[%get3A_429, %get3A_430] {strides = array<i32>} : memref<64x256xf32, #tpu.memory_space<vmem>>, vector<16xf32>,
              %swap3A_432 = arith.index_cast %squeeze3A : i32 to index
              %swap3A_433 = arith.constant 208 : index
              %swap3A_434 = tpu.vector_load %arg7[%swap3A_432, %swap3A_433] {strides = array<i32>} : memref<320x256xf32, #tpu.memory_space<vmem>>, vector<16xf32>,
              tpu.vector_store %arg7[%swap3A_432, %swap3A_433], %get3A_431 {add = true, strides = array<i32>} : memref<320x256xf32, #tpu.memory_space<vmem>>, vector<16xf32>,
              %get3A_435 = arith.index_cast %scan3A_347 : i32 to index
              %get3A_436 = arith.constant 224 : index
              %get3A_437 = tpu.vector_load %arg8[%get3A_435, %get3A_436] {strides = array<i32>} : memref<64x256xf32, #tpu.memory_space<vmem>>, vector<16xf32>,
              %swap3A_438 = arith.index_cast %squeeze3A : i32 to index
              %swap3A_439 = arith.constant 224 : index
              %swap3A_440 = tpu.vector_load %arg7[%swap3A_438, %swap3A_439] {strides = array<i32>} : memref<320x256xf32, #tpu.memory_space<vmem>>, vector<16xf32>,
              tpu.vector_store %arg7[%swap3A_438, %swap3A_439], %get3A_437 {add = true, strides = array<i32>} : memref<320x256xf32, #tpu.memory_space<vmem>>, vector<16xf32>,
              %get3A_441 = arith.index_cast %scan3A_347 : i32 to index
              %get3A_442 = arith.constant 240 : index
              %get3A_443 = tpu.vector_load %arg8[%get3A_441, %get3A_442] {strides = array<i32>} : memref<64x256xf32, #tpu.memory_space<vmem>>, vector<16xf32>,
              %swap3A_444 = arith.index_cast %squeeze3A : i32 to index
              %swap3A_445 = arith.constant 240 : index
              %swap3A_446 = tpu.vector_load %arg7[%swap3A_444, %swap3A_445] {strides = array<i32>} : memref<320x256xf32, #tpu.memory_space<vmem>>, vector<16xf32>,
              tpu.vector_store %arg7[%swap3A_444, %swap3A_445], %get3A_443 {add = true, strides = array<i32>} : memref<320x256xf32, #tpu.memory_space<vmem>>, vector<16xf32>,
            }
            %scan3A_346 = arith.constant 64 : i32
          } else {
          }
          %dma_wait3A_297 = tpu.memref_slice %arg14[%add3A_278] : memref<3328xi32, #tpu.memory_space<vmem>> -> memref<64xi32, #tpu.memory_space<vmem>>
          %dma_wait3A_298 = arith.constant 0 : i32
          %dma_wait3A_299 = arith.constant 0 : i32
          %dma_wait3A_300 = tpu.memref_slice %arg2[%dma_wait3A_298, %dma_wait3A_299] : memref<10000x256xf32, #tpu.memory_space<hbm>> -> memref<10000x256xf32, #tpu.memory_space<hbm>>
          tpu.wait_indirect_dma semaphore(%arg23 : memref<!tpu.dma_semaphore, #tpu.memory_space<semaphore_mem>>) src(%dma_wait3A_300 : memref<10000x256xf32, #tpu.memory_space<hbm>>) dst(%arg9 : memref<64x256xf32, #tpu.memory_space<vmem>>)
          %mul3A_301 = arith.constant 2 : i32
          %mul3A_302 = arith.muli %mul3A_301, %while3A_272 : i32
          %add3A_303 = arith.constant 1 : i32
          %add3A_304 = arith.addi %mul3A_302, %add3A_303 : i32
          %lt3A_305 = arith.cmpi slt, %add3A_304, %select_n3A_236 : i32
          %convert_element_type3A_306 = arith.extui %lt3A_305 : i1 to i32
          %cond3A_307 = arith.constant 0 : i32
          %cond3A_308 = arith.cmpi ne, %convert_element_type3A_306, %cond3A_307 : i32
          scf.if %cond3A_308 {
            %add3A_309 = arith.constant 0 : i32
            %add3A_310 = arith.addi %add3A_278, %add3A_309 : i32
            %get3A_311 = arith.index_cast %add3A_310 : i32 to index
            %get3A_312 = tpu.vector_load %arg15[%get3A_311] {strides = array<i32>} : memref<3328xi32, #tpu.memory_space<vmem>>, vector<16xi32>,
            %add3A_313 = vector.broadcast %mul3A_4 : i32 to vector<16xi32>
            %add3A_314 = arith.addi %get3A_312, %add3A_313 : vector<16xi32>
            %swap3A_315 = arith.constant 0 : index
            %swap3A_316 = tpu.vector_load %arg16[%swap3A_315] {strides = array<i32>} : memref<64xi32, #tpu.memory_space<vmem>>, vector<16xi32>,
            tpu.vector_store %arg16[%swap3A_315], %add3A_314 {strides = array<i32>} : memref<64xi32, #tpu.memory_space<vmem>>, vector<16xi32>,
            %add3A_317 = arith.constant 16 : i32
            %add3A_318 = arith.addi %add3A_278, %add3A_317 : i32
            %get3A_319 = arith.index_cast %add3A_318 : i32 to index
            %get3A_320 = tpu.vector_load %arg15[%get3A_319] {strides = array<i32>} : memref<3328xi32, #tpu.memory_space<vmem>>, vector<16xi32>,
            %add3A_321 = vector.broadcast %mul3A_4 : i32 to vector<16xi32>
            %add3A_322 = arith.addi %get3A_320, %add3A_321 : vector<16xi32>
            %swap3A_323 = arith.constant 16 : index
            %swap3A_324 = tpu.vector_load %arg16[%swap3A_323] {strides = array<i32>} : memref<64xi32, #tpu.memory_space<vmem>>, vector<16xi32>,
            tpu.vector_store %arg16[%swap3A_323], %add3A_322 {strides = array<i32>} : memref<64xi32, #tpu.memory_space<vmem>>, vector<16xi32>,
            %add3A_325 = arith.constant 32 : i32
            %add3A_326 = arith.addi %add3A_278, %add3A_325 : i32
            %get3A_327 = arith.index_cast %add3A_326 : i32 to index
            %get3A_328 = tpu.vector_load %arg15[%get3A_327] {strides = array<i32>} : memref<3328xi32, #tpu.memory_space<vmem>>, vector<16xi32>,
            %add3A_329 = vector.broadcast %mul3A_4 : i32 to vector<16xi32>
            %add3A_330 = arith.addi %get3A_328, %add3A_329 : vector<16xi32>
            %swap3A_331 = arith.constant 32 : index
            %swap3A_332 = tpu.vector_load %arg16[%swap3A_331] {strides = array<i32>} : memref<64xi32, #tpu.memory_space<vmem>>, vector<16xi32>,
            tpu.vector_store %arg16[%swap3A_331], %add3A_330 {strides = array<i32>} : memref<64xi32, #tpu.memory_space<vmem>>, vector<16xi32>,
            %add3A_333 = arith.constant 48 : i32
            %add3A_334 = arith.addi %add3A_278, %add3A_333 : i32
            %get3A_335 = arith.index_cast %add3A_334 : i32 to index
            %get3A_336 = tpu.vector_load %arg15[%get3A_335] {strides = array<i32>} : memref<3328xi32, #tpu.memory_space<vmem>>, vector<16xi32>,
            %add3A_337 = vector.broadcast %mul3A_4 : i32 to vector<16xi32>
            %add3A_338 = arith.addi %get3A_336, %add3A_337 : vector<16xi32>
            %swap3A_339 = arith.constant 48 : index
            %swap3A_340 = tpu.vector_load %arg16[%swap3A_339] {strides = array<i32>} : memref<64xi32, #tpu.memory_space<vmem>>, vector<16xi32>,
            tpu.vector_store %arg16[%swap3A_339], %add3A_338 {strides = array<i32>} : memref<64xi32, #tpu.memory_space<vmem>>, vector<16xi32>,
            "tpu.region"() ({
              %run_scoped3A = tpu.sem_alloc : memref<!tpu.dma_semaphore, #tpu.memory_space<semaphore_mem>>
              %dma_start3A_347 = arith.constant 0 : i32
              %dma_start3A_348 = tpu.memref_slice %arg19[%dma_start3A_347] : memref<5120xf32, #tpu.memory_space<vmem_shared>> -> memref<5120xf32, #tpu.memory_space<vmem_shared>>
              tpu.enqueue_indirect_dma source(%arg17 : memref<64xf32, #tpu.memory_space<vmem>>) target(%dma_start3A_348 : memref<5120xf32, #tpu.memory_space<vmem_shared>>) offsets(%arg16 : memref<64xi32, #tpu.memory_space<vmem>>) semaphore(%run_scoped3A : memref<!tpu.dma_semaphore, #tpu.memory_space<semaphore_mem>>) {add = true}
              %dma_wait3A_349 = arith.constant 0 : i32
              %dma_wait3A_350 = tpu.memref_slice %arg19[%dma_wait3A_349] : memref<5120xf32, #tpu.memory_space<vmem_shared>> -> memref<5120xf32, #tpu.memory_space<vmem_shared>>
              tpu.wait_indirect_dma semaphore(%run_scoped3A : memref<!tpu.dma_semaphore, #tpu.memory_space<semaphore_mem>>) src(%arg17 : memref<64xf32, #tpu.memory_space<vmem>>) dst(%dma_wait3A_350 : memref<5120xf32, #tpu.memory_space<vmem_shared>>)
              tpu.yield
            }) : () -> ()
            %scan3A_341 = arith.constant 0 : i32
            %scan3A_342 = arith.constant 0 : i32
            %scan3A_343 = arith.constant 64 : i32
            %scan3A_344 = arith.addi %scan3A_342, %scan3A_343 : i32
            %scan3A_345 = arith.constant 1 : i32
            scf.for %scan3A_347 = %scan3A_342 to %scan3A_344 step %scan3A_345  : i32 {
              %add3A_348 = arith.addi %add3A_278, %scan3A_347 : i32
              %get3A_349 = arith.index_cast %add3A_348 : i32 to index
              %get3A_350 = tpu.vector_load %arg15[%get3A_349] {strides = array<i32>} : memref<3328xi32, #tpu.memory_space<vmem>>, vector<16xi32>,
              %slice3A = vector.extract_strided_slice %get3A_350 {offsets = [0], sizes = [1], strides = [1]} : vector<16xi32> to vector<1xi32>
              %squeeze3A = vector.extract %slice3A[0] : i32 from vector<1xi32>
              %get3A_351 = arith.index_cast %scan3A_347 : i32 to index
              %get3A_352 = arith.constant 0 : index
              %get3A_353 = tpu.vector_load %arg9[%get3A_351, %get3A_352] {strides = array<i32>} : memref<64x256xf32, #tpu.memory_space<vmem>>, vector<16xf32>,
              %swap3A_354 = arith.index_cast %squeeze3A : i32 to index
              %swap3A_355 = arith.constant 0 : index
              %swap3A_356 = tpu.vector_load %arg7[%swap3A_354, %swap3A_355] {strides = array<i32>} : memref<320x256xf32, #tpu.memory_space<vmem>>, vector<16xf32>,
              tpu.vector_store %arg7[%swap3A_354, %swap3A_355], %get3A_353 {add = true, strides = array<i32>} : memref<320x256xf32, #tpu.memory_space<vmem>>, vector<16xf32>,
              %get3A_357 = arith.index_cast %scan3A_347 : i32 to index
              %get3A_358 = arith.constant 16 : index
              %get3A_359 = tpu.vector_load %arg9[%get3A_357, %get3A_358] {strides = array<i32>} : memref<64x256xf32, #tpu.memory_space<vmem>>, vector<16xf32>,
              %swap3A_360 = arith.index_cast %squeeze3A : i32 to index
              %swap3A_361 = arith.constant 16 : index
              %swap3A_362 = tpu.vector_load %arg7[%swap3A_360, %swap3A_361] {strides = array<i32>} : memref<320x256xf32, #tpu.memory_space<vmem>>, vector<16xf32>,
              tpu.vector_store %arg7[%swap3A_360, %swap3A_361], %get3A_359 {add = true, strides = array<i32>} : memref<320x256xf32, #tpu.memory_space<vmem>>, vector<16xf32>,
              %get3A_363 = arith.index_cast %scan3A_347 : i32 to index
              %get3A_364 = arith.constant 32 : index
              %get3A_365 = tpu.vector_load %arg9[%get3A_363, %get3A_364] {strides = array<i32>} : memref<64x256xf32, #tpu.memory_space<vmem>>, vector<16xf32>,
              %swap3A_366 = arith.index_cast %squeeze3A : i32 to index
              %swap3A_367 = arith.constant 32 : index
              %swap3A_368 = tpu.vector_load %arg7[%swap3A_366, %swap3A_367] {strides = array<i32>} : memref<320x256xf32, #tpu.memory_space<vmem>>, vector<16xf32>,
              tpu.vector_store %arg7[%swap3A_366, %swap3A_367], %get3A_365 {add = true, strides = array<i32>} : memref<320x256xf32, #tpu.memory_space<vmem>>, vector<16xf32>,
              %get3A_369 = arith.index_cast %scan3A_347 : i32 to index
              %get3A_370 = arith.constant 48 : index
              %get3A_371 = tpu.vector_load %arg9[%get3A_369, %get3A_370] {strides = array<i32>} : memref<64x256xf32, #tpu.memory_space<vmem>>, vector<16xf32>,
              %swap3A_372 = arith.index_cast %squeeze3A : i32 to index
              %swap3A_373 = arith.constant 48 : index
              %swap3A_374 = tpu.vector_load %arg7[%swap3A_372, %swap3A_373] {strides = array<i32>} : memref<320x256xf32, #tpu.memory_space<vmem>>, vector<16xf32>,
              tpu.vector_store %arg7[%swap3A_372, %swap3A_373], %get3A_371 {add = true, strides = array<i32>} : memref<320x256xf32, #tpu.memory_space<vmem>>, vector<16xf32>,
              %get3A_375 = arith.index_cast %scan3A_347 : i32 to index
              %get3A_376 = arith.constant 64 : index
              %get3A_377 = tpu.vector_load %arg9[%get3A_375, %get3A_376] {strides = array<i32>} : memref<64x256xf32, #tpu.memory_space<vmem>>, vector<16xf32>,
              %swap3A_378 = arith.index_cast %squeeze3A : i32 to index
              %swap3A_379 = arith.constant 64 : index
              %swap3A_380 = tpu.vector_load %arg7[%swap3A_378, %swap3A_379] {strides = array<i32>} : memref<320x256xf32, #tpu.memory_space<vmem>>, vector<16xf32>,
              tpu.vector_store %arg7[%swap3A_378, %swap3A_379], %get3A_377 {add = true, strides = array<i32>} : memref<320x256xf32, #tpu.memory_space<vmem>>, vector<16xf32>,
              %get3A_381 = arith.index_cast %scan3A_347 : i32 to index
              %get3A_382 = arith.constant 80 : index
              %get3A_383 = tpu.vector_load %arg9[%get3A_381, %get3A_382] {strides = array<i32>} : memref<64x256xf32, #tpu.memory_space<vmem>>, vector<16xf32>,
              %swap3A_384 = arith.index_cast %squeeze3A : i32 to index
              %swap3A_385 = arith.constant 80 : index
              %swap3A_386 = tpu.vector_load %arg7[%swap3A_384, %swap3A_385] {strides = array<i32>} : memref<320x256xf32, #tpu.memory_space<vmem>>, vector<16xf32>,
              tpu.vector_store %arg7[%swap3A_384, %swap3A_385], %get3A_383 {add = true, strides = array<i32>} : memref<320x256xf32, #tpu.memory_space<vmem>>, vector<16xf32>,
              %get3A_387 = arith.index_cast %scan3A_347 : i32 to index
              %get3A_388 = arith.constant 96 : index
              %get3A_389 = tpu.vector_load %arg9[%get3A_387, %get3A_388] {strides = array<i32>} : memref<64x256xf32, #tpu.memory_space<vmem>>, vector<16xf32>,
              %swap3A_390 = arith.index_cast %squeeze3A : i32 to index
              %swap3A_391 = arith.constant 96 : index
              %swap3A_392 = tpu.vector_load %arg7[%swap3A_390, %swap3A_391] {strides = array<i32>} : memref<320x256xf32, #tpu.memory_space<vmem>>, vector<16xf32>,
              tpu.vector_store %arg7[%swap3A_390, %swap3A_391], %get3A_389 {add = true, strides = array<i32>} : memref<320x256xf32, #tpu.memory_space<vmem>>, vector<16xf32>,
              %get3A_393 = arith.index_cast %scan3A_347 : i32 to index
              %get3A_394 = arith.constant 112 : index
              %get3A_395 = tpu.vector_load %arg9[%get3A_393, %get3A_394] {strides = array<i32>} : memref<64x256xf32, #tpu.memory_space<vmem>>, vector<16xf32>,
              %swap3A_396 = arith.index_cast %squeeze3A : i32 to index
              %swap3A_397 = arith.constant 112 : index
              %swap3A_398 = tpu.vector_load %arg7[%swap3A_396, %swap3A_397] {strides = array<i32>} : memref<320x256xf32, #tpu.memory_space<vmem>>, vector<16xf32>,
              tpu.vector_store %arg7[%swap3A_396, %swap3A_397], %get3A_395 {add = true, strides = array<i32>} : memref<320x256xf32, #tpu.memory_space<vmem>>, vector<16xf32>,
              %get3A_399 = arith.index_cast %scan3A_347 : i32 to index
              %get3A_400 = arith.constant 128 : index
              %get3A_401 = tpu.vector_load %arg9[%get3A_399, %get3A_400] {strides = array<i32>} : memref<64x256xf32, #tpu.memory_space<vmem>>, vector<16xf32>,
              %swap3A_402 = arith.index_cast %squeeze3A : i32 to index
              %swap3A_403 = arith.constant 128 : index
              %swap3A_404 = tpu.vector_load %arg7[%swap3A_402, %swap3A_403] {strides = array<i32>} : memref<320x256xf32, #tpu.memory_space<vmem>>, vector<16xf32>,
              tpu.vector_store %arg7[%swap3A_402, %swap3A_403], %get3A_401 {add = true, strides = array<i32>} : memref<320x256xf32, #tpu.memory_space<vmem>>, vector<16xf32>,
              %get3A_405 = arith.index_cast %scan3A_347 : i32 to index
              %get3A_406 = arith.constant 144 : index
              %get3A_407 = tpu.vector_load %arg9[%get3A_405, %get3A_406] {strides = array<i32>} : memref<64x256xf32, #tpu.memory_space<vmem>>, vector<16xf32>,
              %swap3A_408 = arith.index_cast %squeeze3A : i32 to index
              %swap3A_409 = arith.constant 144 : index
              %swap3A_410 = tpu.vector_load %arg7[%swap3A_408, %swap3A_409] {strides = array<i32>} : memref<320x256xf32, #tpu.memory_space<vmem>>, vector<16xf32>,
              tpu.vector_store %arg7[%swap3A_408, %swap3A_409], %get3A_407 {add = true, strides = array<i32>} : memref<320x256xf32, #tpu.memory_space<vmem>>, vector<16xf32>,
              %get3A_411 = arith.index_cast %scan3A_347 : i32 to index
              %get3A_412 = arith.constant 160 : index
              %get3A_413 = tpu.vector_load %arg9[%get3A_411, %get3A_412] {strides = array<i32>} : memref<64x256xf32, #tpu.memory_space<vmem>>, vector<16xf32>,
              %swap3A_414 = arith.index_cast %squeeze3A : i32 to index
              %swap3A_415 = arith.constant 160 : index
              %swap3A_416 = tpu.vector_load %arg7[%swap3A_414, %swap3A_415] {strides = array<i32>} : memref<320x256xf32, #tpu.memory_space<vmem>>, vector<16xf32>,
              tpu.vector_store %arg7[%swap3A_414, %swap3A_415], %get3A_413 {add = true, strides = array<i32>} : memref<320x256xf32, #tpu.memory_space<vmem>>, vector<16xf32>,
              %get3A_417 = arith.index_cast %scan3A_347 : i32 to index
              %get3A_418 = arith.constant 176 : index
              %get3A_419 = tpu.vector_load %arg9[%get3A_417, %get3A_418] {strides = array<i32>} : memref<64x256xf32, #tpu.memory_space<vmem>>, vector<16xf32>,
              %swap3A_420 = arith.index_cast %squeeze3A : i32 to index
              %swap3A_421 = arith.constant 176 : index
              %swap3A_422 = tpu.vector_load %arg7[%swap3A_420, %swap3A_421] {strides = array<i32>} : memref<320x256xf32, #tpu.memory_space<vmem>>, vector<16xf32>,
              tpu.vector_store %arg7[%swap3A_420, %swap3A_421], %get3A_419 {add = true, strides = array<i32>} : memref<320x256xf32, #tpu.memory_space<vmem>>, vector<16xf32>,
              %get3A_423 = arith.index_cast %scan3A_347 : i32 to index
              %get3A_424 = arith.constant 192 : index
              %get3A_425 = tpu.vector_load %arg9[%get3A_423, %get3A_424] {strides = array<i32>} : memref<64x256xf32, #tpu.memory_space<vmem>>, vector<16xf32>,
              %swap3A_426 = arith.index_cast %squeeze3A : i32 to index
              %swap3A_427 = arith.constant 192 : index
              %swap3A_428 = tpu.vector_load %arg7[%swap3A_426, %swap3A_427] {strides = array<i32>} : memref<320x256xf32, #tpu.memory_space<vmem>>, vector<16xf32>,
              tpu.vector_store %arg7[%swap3A_426, %swap3A_427], %get3A_425 {add = true, strides = array<i32>} : memref<320x256xf32, #tpu.memory_space<vmem>>, vector<16xf32>,
              %get3A_429 = arith.index_cast %scan3A_347 : i32 to index
              %get3A_430 = arith.constant 208 : index
              %get3A_431 = tpu.vector_load %arg9[%get3A_429, %get3A_430] {strides = array<i32>} : memref<64x256xf32, #tpu.memory_space<vmem>>, vector<16xf32>,
              %swap3A_432 = arith.index_cast %squeeze3A : i32 to index
              %swap3A_433 = arith.constant 208 : index
              %swap3A_434 = tpu.vector_load %arg7[%swap3A_432, %swap3A_433] {strides = array<i32>} : memref<320x256xf32, #tpu.memory_space<vmem>>, vector<16xf32>,
              tpu.vector_store %arg7[%swap3A_432, %swap3A_433], %get3A_431 {add = true, strides = array<i32>} : memref<320x256xf32, #tpu.memory_space<vmem>>, vector<16xf32>,
              %get3A_435 = arith.index_cast %scan3A_347 : i32 to index
              %get3A_436 = arith.constant 224 : index
              %get3A_437 = tpu.vector_load %arg9[%get3A_435, %get3A_436] {strides = array<i32>} : memref<64x256xf32, #tpu.memory_space<vmem>>, vector<16xf32>,
              %swap3A_438 = arith.index_cast %squeeze3A : i32 to index
              %swap3A_439 = arith.constant 224 : index
              %swap3A_440 = tpu.vector_load %arg7[%swap3A_438, %swap3A_439] {strides = array<i32>} : memref<320x256xf32, #tpu.memory_space<vmem>>, vector<16xf32>,
              tpu.vector_store %arg7[%swap3A_438, %swap3A_439], %get3A_437 {add = true, strides = array<i32>} : memref<320x256xf32, #tpu.memory_space<vmem>>, vector<16xf32>,
              %get3A_441 = arith.index_cast %scan3A_347 : i32 to index
              %get3A_442 = arith.constant 240 : index
              %get3A_443 = tpu.vector_load %arg9[%get3A_441, %get3A_442] {strides = array<i32>} : memref<64x256xf32, #tpu.memory_space<vmem>>, vector<16xf32>,
              %swap3A_444 = arith.index_cast %squeeze3A : i32 to index
              %swap3A_445 = arith.constant 240 : index
              %swap3A_446 = tpu.vector_load %arg7[%swap3A_444, %swap3A_445] {strides = array<i32>} : memref<320x256xf32, #tpu.memory_space<vmem>>, vector<16xf32>,
              tpu.vector_store %arg7[%swap3A_444, %swap3A_445], %get3A_443 {add = true, strides = array<i32>} : memref<320x256xf32, #tpu.memory_space<vmem>>, vector<16xf32>,
            }
            %scan3A_346 = arith.constant 64 : i32
          } else {
          }
        }
        %while3A_271 = arith.constant 1 : i32
        scf.for %while3A_272 = %while3A_269 to %while3A_265 step %while3A_271  : i32 {
          %mul3A_273 = arith.constant 2 : i32
          %mul3A_274 = arith.muli %mul3A_273, %while3A_272 : i32
          %mul3A_275 = arith.constant 64 : i32
          %mul3A_276 = arith.muli %mul3A_274, %mul3A_275 : i32
          %add3A_277 = arith.constant 64 : i32
          %add3A_278 = arith.addi %mul3A_276, %add3A_277 : i32
          %dma_start3A_279 = tpu.memref_slice %arg14[%mul3A_276] : memref<3328xi32, #tpu.memory_space<vmem>> -> memref<64xi32, #tpu.memory_space<vmem>>
          %dma_start3A_280 = arith.constant 0 : i32
          %dma_start3A_281 = arith.constant 0 : i32
          %dma_start3A_282 = tpu.memref_slice %arg2[%dma_start3A_280, %dma_start3A_281] : memref<10000x256xf32, #tpu.memory_space<hbm>> -> memref<10000x256xf32, #tpu.memory_space<hbm>>
          tpu.enqueue_indirect_dma source(%dma_start3A_282 : memref<10000x256xf32, #tpu.memory_space<hbm>>) target(%arg8 : memref<64x256xf32, #tpu.memory_space<vmem>>) offsets(%dma_start3A_279 : memref<64xi32, #tpu.memory_space<vmem>>) semaphore(%arg22 : memref<!tpu.dma_semaphore, #tpu.memory_space<semaphore_mem>>)
          %dma_start3A_283 = tpu.memref_slice %arg14[%add3A_278] : memref<3328xi32, #tpu.memory_space<vmem>> -> memref<64xi32, #tpu.memory_space<vmem>>
          %dma_start3A_284 = arith.constant 0 : i32
          %dma_start3A_285 = arith.constant 0 : i32
          %dma_start3A_286 = tpu.memref_slice %arg2[%dma_start3A_284, %dma_start3A_285] : memref<10000x256xf32, #tpu.memory_space<hbm>> -> memref<10000x256xf32, #tpu.memory_space<hbm>>
          tpu.enqueue_indirect_dma source(%dma_start3A_286 : memref<10000x256xf32, #tpu.memory_space<hbm>>) target(%arg9 : memref<64x256xf32, #tpu.memory_space<vmem>>) offsets(%dma_start3A_283 : memref<64xi32, #tpu.memory_space<vmem>>) semaphore(%arg23 : memref<!tpu.dma_semaphore, #tpu.memory_space<semaphore_mem>>)
          %dma_wait3A_287 = tpu.memref_slice %arg14[%mul3A_276] : memref<3328xi32, #tpu.memory_space<vmem>> -> memref<64xi32, #tpu.memory_space<vmem>>
          %dma_wait3A_288 = arith.constant 0 : i32
          %dma_wait3A_289 = arith.constant 0 : i32
          %dma_wait3A_290 = tpu.memref_slice %arg2[%dma_wait3A_288, %dma_wait3A_289] : memref<10000x256xf32, #tpu.memory_space<hbm>> -> memref<10000x256xf32, #tpu.memory_space<hbm>>
          tpu.wait_indirect_dma semaphore(%arg22 : memref<!tpu.dma_semaphore, #tpu.memory_space<semaphore_mem>>) src(%dma_wait3A_290 : memref<10000x256xf32, #tpu.memory_space<hbm>>) dst(%arg8 : memref<64x256xf32, #tpu.memory_space<vmem>>)
          %mul3A_291 = arith.constant 2 : i32
          %mul3A_292 = arith.muli %mul3A_291, %while3A_272 : i32
          %lt3A_293 = arith.cmpi slt, %mul3A_292, %select_n3A_236 : i32
          %convert_element_type3A_294 = arith.extui %lt3A_293 : i1 to i32
          %cond3A_295 = arith.constant 0 : i32
          %cond3A_296 = arith.cmpi ne, %convert_element_type3A_294, %cond3A_295 : i32
          scf.if %cond3A_296 {
            %add3A_309 = arith.constant 0 : i32
            %add3A_310 = arith.addi %mul3A_276, %add3A_309 : i32
            %get3A_311 = arith.index_cast %add3A_310 : i32 to index
            %get3A_312 = tpu.vector_load %arg15[%get3A_311] {strides = array<i32>} : memref<3328xi32, #tpu.memory_space<vmem>>, vector<16xi32>,
            %add3A_313 = vector.broadcast %mul3A_4 : i32 to vector<16xi32>
            %add3A_314 = arith.addi %get3A_312, %add3A_313 : vector<16xi32>
            %swap3A_315 = arith.constant 0 : index
            %swap3A_316 = tpu.vector_load %arg16[%swap3A_315] {strides = array<i32>} : memref<64xi32, #tpu.memory_space<vmem>>, vector<16xi32>,
            tpu.vector_store %arg16[%swap3A_315], %add3A_314 {strides = array<i32>} : memref<64xi32, #tpu.memory_space<vmem>>, vector<16xi32>,
            %add3A_317 = arith.constant 16 : i32
            %add3A_318 = arith.addi %mul3A_276, %add3A_317 : i32
            %get3A_319 = arith.index_cast %add3A_318 : i32 to index
            %get3A_320 = tpu.vector_load %arg15[%get3A_319] {strides = array<i32>} : memref<3328xi32, #tpu.memory_space<vmem>>, vector<16xi32>,
            %add3A_321 = vector.broadcast %mul3A_4 : i32 to vector<16xi32>
            %add3A_322 = arith.addi %get3A_320, %add3A_321 : vector<16xi32>
            %swap3A_323 = arith.constant 16 : index
            %swap3A_324 = tpu.vector_load %arg16[%swap3A_323] {strides = array<i32>} : memref<64xi32, #tpu.memory_space<vmem>>, vector<16xi32>,
            tpu.vector_store %arg16[%swap3A_323], %add3A_322 {strides = array<i32>} : memref<64xi32, #tpu.memory_space<vmem>>, vector<16xi32>,
            %add3A_325 = arith.constant 32 : i32
            %add3A_326 = arith.addi %mul3A_276, %add3A_325 : i32
            %get3A_327 = arith.index_cast %add3A_326 : i32 to index
            %get3A_328 = tpu.vector_load %arg15[%get3A_327] {strides = array<i32>} : memref<3328xi32, #tpu.memory_space<vmem>>, vector<16xi32>,
            %add3A_329 = vector.broadcast %mul3A_4 : i32 to vector<16xi32>
            %add3A_330 = arith.addi %get3A_328, %add3A_329 : vector<16xi32>
            %swap3A_331 = arith.constant 32 : index
            %swap3A_332 = tpu.vector_load %arg16[%swap3A_331] {strides = array<i32>} : memref<64xi32, #tpu.memory_space<vmem>>, vector<16xi32>,
            tpu.vector_store %arg16[%swap3A_331], %add3A_330 {strides = array<i32>} : memref<64xi32, #tpu.memory_space<vmem>>, vector<16xi32>,
            %add3A_333 = arith.constant 48 : i32
            %add3A_334 = arith.addi %mul3A_276, %add3A_333 : i32
            %get3A_335 = arith.index_cast %add3A_334 : i32 to index
            %get3A_336 = tpu.vector_load %arg15[%get3A_335] {strides = array<i32>} : memref<3328xi32, #tpu.memory_space<vmem>>, vector<16xi32>,
            %add3A_337 = vector.broadcast %mul3A_4 : i32 to vector<16xi32>
            %add3A_338 = arith.addi %get3A_336, %add3A_337 : vector<16xi32>
            %swap3A_339 = arith.constant 48 : index
            %swap3A_340 = tpu.vector_load %arg16[%swap3A_339] {strides = array<i32>} : memref<64xi32, #tpu.memory_space<vmem>>, vector<16xi32>,
            tpu.vector_store %arg16[%swap3A_339], %add3A_338 {strides = array<i32>} : memref<64xi32, #tpu.memory_space<vmem>>, vector<16xi32>,
            "tpu.region"() ({
              %run_scoped3A = tpu.sem_alloc : memref<!tpu.dma_semaphore, #tpu.memory_space<semaphore_mem>>
              %dma_start3A_347 = arith.constant 0 : i32
              %dma_start3A_348 = tpu.memref_slice %arg19[%dma_start3A_347] : memref<5120xf32, #tpu.memory_space<vmem_shared>> -> memref<5120xf32, #tpu.memory_space<vmem_shared>>
              tpu.enqueue_indirect_dma source(%arg17 : memref<64xf32, #tpu.memory_space<vmem>>) target(%dma_start3A_348 : memref<5120xf32, #tpu.memory_space<vmem_shared>>) offsets(%arg16 : memref<64xi32, #tpu.memory_space<vmem>>) semaphore(%run_scoped3A : memref<!tpu.dma_semaphore, #tpu.memory_space<semaphore_mem>>) {add = true}
              %dma_wait3A_349 = arith.constant 0 : i32
              %dma_wait3A_350 = tpu.memref_slice %arg19[%dma_wait3A_349] : memref<5120xf32, #tpu.memory_space<vmem_shared>> -> memref<5120xf32, #tpu.memory_space<vmem_shared>>
              tpu.wait_indirect_dma semaphore(%run_scoped3A : memref<!tpu.dma_semaphore, #tpu.memory_space<semaphore_mem>>) src(%arg17 : memref<64xf32, #tpu.memory_space<vmem>>) dst(%dma_wait3A_350 : memref<5120xf32, #tpu.memory_space<vmem_shared>>)
              tpu.yield
            }) : () -> ()
            %scan3A_341 = arith.constant 0 : i32
            %scan3A_342 = arith.constant 0 : i32
            %scan3A_343 = arith.constant 64 : i32
            %scan3A_344 = arith.addi %scan3A_342, %scan3A_343 : i32
            %scan3A_345 = arith.constant 1 : i32
            scf.for %scan3A_347 = %scan3A_342 to %scan3A_344 step %scan3A_345  : i32 {
              %add3A_348 = arith.addi %mul3A_276, %scan3A_347 : i32
              %get3A_349 = arith.index_cast %add3A_348 : i32 to index
              %get3A_350 = tpu.vector_load %arg15[%get3A_349] {strides = array<i32>} : memref<3328xi32, #tpu.memory_space<vmem>>, vector<16xi32>,
              %slice3A = vector.extract_strided_slice %get3A_350 {offsets = [0], sizes = [1], strides = [1]} : vector<16xi32> to vector<1xi32>
              %squeeze3A = vector.extract %slice3A[0] : i32 from vector<1xi32>
              %get3A_351 = arith.index_cast %scan3A_347 : i32 to index
              %get3A_352 = arith.constant 0 : index
              %get3A_353 = tpu.vector_load %arg8[%get3A_351, %get3A_352] {strides = array<i32>} : memref<64x256xf32, #tpu.memory_space<vmem>>, vector<16xf32>,
              %swap3A_354 = arith.index_cast %squeeze3A : i32 to index
              %swap3A_355 = arith.constant 0 : index
              %swap3A_356 = tpu.vector_load %arg7[%swap3A_354, %swap3A_355] {strides = array<i32>} : memref<320x256xf32, #tpu.memory_space<vmem>>, vector<16xf32>,
              tpu.vector_store %arg7[%swap3A_354, %swap3A_355], %get3A_353 {add = true, strides = array<i32>} : memref<320x256xf32, #tpu.memory_space<vmem>>, vector<16xf32>,
              %get3A_357 = arith.index_cast %scan3A_347 : i32 to index
              %get3A_358 = arith.constant 16 : index
              %get3A_359 = tpu.vector_load %arg8[%get3A_357, %get3A_358] {strides = array<i32>} : memref<64x256xf32, #tpu.memory_space<vmem>>, vector<16xf32>,
              %swap3A_360 = arith.index_cast %squeeze3A : i32 to index
              %swap3A_361 = arith.constant 16 : index
              %swap3A_362 = tpu.vector_load %arg7[%swap3A_360, %swap3A_361] {strides = array<i32>} : memref<320x256xf32, #tpu.memory_space<vmem>>, vector<16xf32>,
              tpu.vector_store %arg7[%swap3A_360, %swap3A_361], %get3A_359 {add = true, strides = array<i32>} : memref<320x256xf32, #tpu.memory_space<vmem>>, vector<16xf32>,
              %get3A_363 = arith.index_cast %scan3A_347 : i32 to index
              %get3A_364 = arith.constant 32 : index
              %get3A_365 = tpu.vector_load %arg8[%get3A_363, %get3A_364] {strides = array<i32>} : memref<64x256xf32, #tpu.memory_space<vmem>>, vector<16xf32>,
              %swap3A_366 = arith.index_cast %squeeze3A : i32 to index
              %swap3A_367 = arith.constant 32 : index
              %swap3A_368 = tpu.vector_load %arg7[%swap3A_366, %swap3A_367] {strides = array<i32>} : memref<320x256xf32, #tpu.memory_space<vmem>>, vector<16xf32>,
              tpu.vector_store %arg7[%swap3A_366, %swap3A_367], %get3A_365 {add = true, strides = array<i32>} : memref<320x256xf32, #tpu.memory_space<vmem>>, vector<16xf32>,
              %get3A_369 = arith.index_cast %scan3A_347 : i32 to index
              %get3A_370 = arith.constant 48 : index
              %get3A_371 = tpu.vector_load %arg8[%get3A_369, %get3A_370] {strides = array<i32>} : memref<64x256xf32, #tpu.memory_space<vmem>>, vector<16xf32>,
              %swap3A_372 = arith.index_cast %squeeze3A : i32 to index
              %swap3A_373 = arith.constant 48 : index
              %swap3A_374 = tpu.vector_load %arg7[%swap3A_372, %swap3A_373] {strides = array<i32>} : memref<320x256xf32, #tpu.memory_space<vmem>>, vector<16xf32>,
              tpu.vector_store %arg7[%swap3A_372, %swap3A_373], %get3A_371 {add = true, strides = array<i32>} : memref<320x256xf32, #tpu.memory_space<vmem>>, vector<16xf32>,
              %get3A_375 = arith.index_cast %scan3A_347 : i32 to index
              %get3A_376 = arith.constant 64 : index
              %get3A_377 = tpu.vector_load %arg8[%get3A_375, %get3A_376] {strides = array<i32>} : memref<64x256xf32, #tpu.memory_space<vmem>>, vector<16xf32>,
              %swap3A_378 = arith.index_cast %squeeze3A : i32 to index
              %swap3A_379 = arith.constant 64 : index
              %swap3A_380 = tpu.vector_load %arg7[%swap3A_378, %swap3A_379] {strides = array<i32>} : memref<320x256xf32, #tpu.memory_space<vmem>>, vector<16xf32>,
              tpu.vector_store %arg7[%swap3A_378, %swap3A_379], %get3A_377 {add = true, strides = array<i32>} : memref<320x256xf32, #tpu.memory_space<vmem>>, vector<16xf32>,
              %get3A_381 = arith.index_cast %scan3A_347 : i32 to index
              %get3A_382 = arith.constant 80 : index
              %get3A_383 = tpu.vector_load %arg8[%get3A_381, %get3A_382] {strides = array<i32>} : memref<64x256xf32, #tpu.memory_space<vmem>>, vector<16xf32>,
              %swap3A_384 = arith.index_cast %squeeze3A : i32 to index
              %swap3A_385 = arith.constant 80 : index
              %swap3A_386 = tpu.vector_load %arg7[%swap3A_384, %swap3A_385] {strides = array<i32>} : memref<320x256xf32, #tpu.memory_space<vmem>>, vector<16xf32>,
              tpu.vector_store %arg7[%swap3A_384, %swap3A_385], %get3A_383 {add = true, strides = array<i32>} : memref<320x256xf32, #tpu.memory_space<vmem>>, vector<16xf32>,
              %get3A_387 = arith.index_cast %scan3A_347 : i32 to index
              %get3A_388 = arith.constant 96 : index
              %get3A_389 = tpu.vector_load %arg8[%get3A_387, %get3A_388] {strides = array<i32>} : memref<64x256xf32, #tpu.memory_space<vmem>>, vector<16xf32>,
              %swap3A_390 = arith.index_cast %squeeze3A : i32 to index
              %swap3A_391 = arith.constant 96 : index
              %swap3A_392 = tpu.vector_load %arg7[%swap3A_390, %swap3A_391] {strides = array<i32>} : memref<320x256xf32, #tpu.memory_space<vmem>>, vector<16xf32>,
              tpu.vector_store %arg7[%swap3A_390, %swap3A_391], %get3A_389 {add = true, strides = array<i32>} : memref<320x256xf32, #tpu.memory_space<vmem>>, vector<16xf32>,
              %get3A_393 = arith.index_cast %scan3A_347 : i32 to index
              %get3A_394 = arith.constant 112 : index
              %get3A_395 = tpu.vector_load %arg8[%get3A_393, %get3A_394] {strides = array<i32>} : memref<64x256xf32, #tpu.memory_space<vmem>>, vector<16xf32>,
              %swap3A_396 = arith.index_cast %squeeze3A : i32 to index
              %swap3A_397 = arith.constant 112 : index
              %swap3A_398 = tpu.vector_load %arg7[%swap3A_396, %swap3A_397] {strides = array<i32>} : memref<320x256xf32, #tpu.memory_space<vmem>>, vector<16xf32>,
              tpu.vector_store %arg7[%swap3A_396, %swap3A_397], %get3A_395 {add = true, strides = array<i32>} : memref<320x256xf32, #tpu.memory_space<vmem>>, vector<16xf32>,
              %get3A_399 = arith.index_cast %scan3A_347 : i32 to index
              %get3A_400 = arith.constant 128 : index
              %get3A_401 = tpu.vector_load %arg8[%get3A_399, %get3A_400] {strides = array<i32>} : memref<64x256xf32, #tpu.memory_space<vmem>>, vector<16xf32>,
              %swap3A_402 = arith.index_cast %squeeze3A : i32 to index
              %swap3A_403 = arith.constant 128 : index
              %swap3A_404 = tpu.vector_load %arg7[%swap3A_402, %swap3A_403] {strides = array<i32>} : memref<320x256xf32, #tpu.memory_space<vmem>>, vector<16xf32>,
              tpu.vector_store %arg7[%swap3A_402, %swap3A_403], %get3A_401 {add = true, strides = array<i32>} : memref<320x256xf32, #tpu.memory_space<vmem>>, vector<16xf32>,
              %get3A_405 = arith.index_cast %scan3A_347 : i32 to index
              %get3A_406 = arith.constant 144 : index
              %get3A_407 = tpu.vector_load %arg8[%get3A_405, %get3A_406] {strides = array<i32>} : memref<64x256xf32, #tpu.memory_space<vmem>>, vector<16xf32>,
              %swap3A_408 = arith.index_cast %squeeze3A : i32 to index
              %swap3A_409 = arith.constant 144 : index
              %swap3A_410 = tpu.vector_load %arg7[%swap3A_408, %swap3A_409] {strides = array<i32>} : memref<320x256xf32, #tpu.memory_space<vmem>>, vector<16xf32>,
              tpu.vector_store %arg7[%swap3A_408, %swap3A_409], %get3A_407 {add = true, strides = array<i32>} : memref<320x256xf32, #tpu.memory_space<vmem>>, vector<16xf32>,
              %get3A_411 = arith.index_cast %scan3A_347 : i32 to index
              %get3A_412 = arith.constant 160 : index
              %get3A_413 = tpu.vector_load %arg8[%get3A_411, %get3A_412] {strides = array<i32>} : memref<64x256xf32, #tpu.memory_space<vmem>>, vector<16xf32>,
              %swap3A_414 = arith.index_cast %squeeze3A : i32 to index
              %swap3A_415 = arith.constant 160 : index
              %swap3A_416 = tpu.vector_load %arg7[%swap3A_414, %swap3A_415] {strides = array<i32>} : memref<320x256xf32, #tpu.memory_space<vmem>>, vector<16xf32>,
              tpu.vector_store %arg7[%swap3A_414, %swap3A_415], %get3A_413 {add = true, strides = array<i32>} : memref<320x256xf32, #tpu.memory_space<vmem>>, vector<16xf32>,
              %get3A_417 = arith.index_cast %scan3A_347 : i32 to index
              %get3A_418 = arith.constant 176 : index
              %get3A_419 = tpu.vector_load %arg8[%get3A_417, %get3A_418] {strides = array<i32>} : memref<64x256xf32, #tpu.memory_space<vmem>>, vector<16xf32>,
              %swap3A_420 = arith.index_cast %squeeze3A : i32 to index
              %swap3A_421 = arith.constant 176 : index
              %swap3A_422 = tpu.vector_load %arg7[%swap3A_420, %swap3A_421] {strides = array<i32>} : memref<320x256xf32, #tpu.memory_space<vmem>>, vector<16xf32>,
              tpu.vector_store %arg7[%swap3A_420, %swap3A_421], %get3A_419 {add = true, strides = array<i32>} : memref<320x256xf32, #tpu.memory_space<vmem>>, vector<16xf32>,
              %get3A_423 = arith.index_cast %scan3A_347 : i32 to index
              %get3A_424 = arith.constant 192 : index
              %get3A_425 = tpu.vector_load %arg8[%get3A_423, %get3A_424] {strides = array<i32>} : memref<64x256xf32, #tpu.memory_space<vmem>>, vector<16xf32>,
              %swap3A_426 = arith.index_cast %squeeze3A : i32 to index
              %swap3A_427 = arith.constant 192 : index
              %swap3A_428 = tpu.vector_load %arg7[%swap3A_426, %swap3A_427] {strides = array<i32>} : memref<320x256xf32, #tpu.memory_space<vmem>>, vector<16xf32>,
              tpu.vector_store %arg7[%swap3A_426, %swap3A_427], %get3A_425 {add = true, strides = array<i32>} : memref<320x256xf32, #tpu.memory_space<vmem>>, vector<16xf32>,
              %get3A_429 = arith.index_cast %scan3A_347 : i32 to index
              %get3A_430 = arith.constant 208 : index
              %get3A_431 = tpu.vector_load %arg8[%get3A_429, %get3A_430] {strides = array<i32>} : memref<64x256xf32, #tpu.memory_space<vmem>>, vector<16xf32>,
              %swap3A_432 = arith.index_cast %squeeze3A : i32 to index
              %swap3A_433 = arith.constant 208 : index
              %swap3A_434 = tpu.vector_load %arg7[%swap3A_432, %swap3A_433] {strides = array<i32>} : memref<320x256xf32, #tpu.memory_space<vmem>>, vector<16xf32>,
              tpu.vector_store %arg7[%swap3A_432, %swap3A_433], %get3A_431 {add = true, strides = array<i32>} : memref<320x256xf32, #tpu.memory_space<vmem>>, vector<16xf32>,
              %get3A_435 = arith.index_cast %scan3A_347 : i32 to index
              %get3A_436 = arith.constant 224 : index
              %get3A_437 = tpu.vector_load %arg8[%get3A_435, %get3A_436] {strides = array<i32>} : memref<64x256xf32, #tpu.memory_space<vmem>>, vector<16xf32>,
              %swap3A_438 = arith.index_cast %squeeze3A : i32 to index
              %swap3A_439 = arith.constant 224 : index
              %swap3A_440 = tpu.vector_load %arg7[%swap3A_438, %swap3A_439] {strides = array<i32>} : memref<320x256xf32, #tpu.memory_space<vmem>>, vector<16xf32>,
              tpu.vector_store %arg7[%swap3A_438, %swap3A_439], %get3A_437 {add = true, strides = array<i32>} : memref<320x256xf32, #tpu.memory_space<vmem>>, vector<16xf32>,
              %get3A_441 = arith.index_cast %scan3A_347 : i32 to index
              %get3A_442 = arith.constant 240 : index
              %get3A_443 = tpu.vector_load %arg8[%get3A_441, %get3A_442] {strides = array<i32>} : memref<64x256xf32, #tpu.memory_space<vmem>>, vector<16xf32>,
              %swap3A_444 = arith.index_cast %squeeze3A : i32 to index
              %swap3A_445 = arith.constant 240 : index
              %swap3A_446 = tpu.vector_load %arg7[%swap3A_444, %swap3A_445] {strides = array<i32>} : memref<320x256xf32, #tpu.memory_space<vmem>>, vector<16xf32>,
              tpu.vector_store %arg7[%swap3A_444, %swap3A_445], %get3A_443 {add = true, strides = array<i32>} : memref<320x256xf32, #tpu.memory_space<vmem>>, vector<16xf32>,
            }
            %scan3A_346 = arith.constant 64 : i32
          } else {
          }
          %dma_wait3A_297 = tpu.memref_slice %arg14[%add3A_278] : memref<3328xi32, #tpu.memory_space<vmem>> -> memref<64xi32, #tpu.memory_space<vmem>>
          %dma_wait3A_298 = arith.constant 0 : i32
          %dma_wait3A_299 = arith.constant 0 : i32
          %dma_wait3A_300 = tpu.memref_slice %arg2[%dma_wait3A_298, %dma_wait3A_299] : memref<10000x256xf32, #tpu.memory_space<hbm>> -> memref<10000x256xf32, #tpu.memory_space<hbm>>
          tpu.wait_indirect_dma semaphore(%arg23 : memref<!tpu.dma_semaphore, #tpu.memory_space<semaphore_mem>>) src(%dma_wait3A_300 : memref<10000x256xf32, #tpu.memory_space<hbm>>) dst(%arg9 : memref<64x256xf32, #tpu.memory_space<vmem>>)
          %mul3A_301 = arith.constant 2 : i32
          %mul3A_302 = arith.muli %mul3A_301, %while3A_272 : i32
          %add3A_303 = arith.constant 1 : i32
          %add3A_304 = arith.addi %mul3A_302, %add3A_303 : i32
          %lt3A_305 = arith.cmpi slt, %add3A_304, %select_n3A_236 : i32
          %convert_element_type3A_306 = arith.extui %lt3A_305 : i1 to i32
          %cond3A_307 = arith.constant 0 : i32
          %cond3A_308 = arith.cmpi ne, %convert_element_type3A_306, %cond3A_307 : i32
          scf.if %cond3A_308 {
            %add3A_309 = arith.constant 0 : i32
            %add3A_310 = arith.addi %add3A_278, %add3A_309 : i32
            %get3A_311 = arith.index_cast %add3A_310 : i32 to index
            %get3A_312 = tpu.vector_load %arg15[%get3A_311] {strides = array<i32>} : memref<3328xi32, #tpu.memory_space<vmem>>, vector<16xi32>,
            %add3A_313 = vector.broadcast %mul3A_4 : i32 to vector<16xi32>
            %add3A_314 = arith.addi %get3A_312, %add3A_313 : vector<16xi32>
            %swap3A_315 = arith.constant 0 : index
            %swap3A_316 = tpu.vector_load %arg16[%swap3A_315] {strides = array<i32>} : memref<64xi32, #tpu.memory_space<vmem>>, vector<16xi32>,
            tpu.vector_store %arg16[%swap3A_315], %add3A_314 {strides = array<i32>} : memref<64xi32, #tpu.memory_space<vmem>>, vector<16xi32>,
            %add3A_317 = arith.constant 16 : i32
            %add3A_318 = arith.addi %add3A_278, %add3A_317 : i32
            %get3A_319 = arith.index_cast %add3A_318 : i32 to index
            %get3A_320 = tpu.vector_load %arg15[%get3A_319] {strides = array<i32>} : memref<3328xi32, #tpu.memory_space<vmem>>, vector<16xi32>,
            %add3A_321 = vector.broadcast %mul3A_4 : i32 to vector<16xi32>
            %add3A_322 = arith.addi %get3A_320, %add3A_321 : vector<16xi32>
            %swap3A_323 = arith.constant 16 : index
            %swap3A_324 = tpu.vector_load %arg16[%swap3A_323] {strides = array<i32>} : memref<64xi32, #tpu.memory_space<vmem>>, vector<16xi32>,
            tpu.vector_store %arg16[%swap3A_323], %add3A_322 {strides = array<i32>} : memref<64xi32, #tpu.memory_space<vmem>>, vector<16xi32>,
            %add3A_325 = arith.constant 32 : i32
            %add3A_326 = arith.addi %add3A_278, %add3A_325 : i32
            %get3A_327 = arith.index_cast %add3A_326 : i32 to index
            %get3A_328 = tpu.vector_load %arg15[%get3A_327] {strides = array<i32>} : memref<3328xi32, #tpu.memory_space<vmem>>, vector<16xi32>,
            %add3A_329 = vector.broadcast %mul3A_4 : i32 to vector<16xi32>
            %add3A_330 = arith.addi %get3A_328, %add3A_329 : vector<16xi32>
            %swap3A_331 = arith.constant 32 : index
            %swap3A_332 = tpu.vector_load %arg16[%swap3A_331] {strides = array<i32>} : memref<64xi32, #tpu.memory_space<vmem>>, vector<16xi32>,
            tpu.vector_store %arg16[%swap3A_331], %add3A_330 {strides = array<i32>} : memref<64xi32, #tpu.memory_space<vmem>>, vector<16xi32>,
            %add3A_333 = arith.constant 48 : i32
            %add3A_334 = arith.addi %add3A_278, %add3A_333 : i32
            %get3A_335 = arith.index_cast %add3A_334 : i32 to index
            %get3A_336 = tpu.vector_load %arg15[%get3A_335] {strides = array<i32>} : memref<3328xi32, #tpu.memory_space<vmem>>, vector<16xi32>,
            %add3A_337 = vector.broadcast %mul3A_4 : i32 to vector<16xi32>
            %add3A_338 = arith.addi %get3A_336, %add3A_337 : vector<16xi32>
            %swap3A_339 = arith.constant 48 : index
            %swap3A_340 = tpu.vector_load %arg16[%swap3A_339] {strides = array<i32>} : memref<64xi32, #tpu.memory_space<vmem>>, vector<16xi32>,
            tpu.vector_store %arg16[%swap3A_339], %add3A_338 {strides = array<i32>} : memref<64xi32, #tpu.memory_space<vmem>>, vector<16xi32>,
            "tpu.region"() ({
              %run_scoped3A = tpu.sem_alloc : memref<!tpu.dma_semaphore, #tpu.memory_space<semaphore_mem>>
              %dma_start3A_347 = arith.constant 0 : i32
              %dma_start3A_348 = tpu.memref_slice %arg19[%dma_start3A_347] : memref<5120xf32, #tpu.memory_space<vmem_shared>> -> memref<5120xf32, #tpu.memory_space<vmem_shared>>
              tpu.enqueue_indirect_dma source(%arg17 : memref<64xf32, #tpu.memory_space<vmem>>) target(%dma_start3A_348 : memref<5120xf32, #tpu.memory_space<vmem_shared>>) offsets(%arg16 : memref<64xi32, #tpu.memory_space<vmem>>) semaphore(%run_scoped3A : memref<!tpu.dma_semaphore, #tpu.memory_space<semaphore_mem>>) {add = true}
              %dma_wait3A_349 = arith.constant 0 : i32
              %dma_wait3A_350 = tpu.memref_slice %arg19[%dma_wait3A_349] : memref<5120xf32, #tpu.memory_space<vmem_shared>> -> memref<5120xf32, #tpu.memory_space<vmem_shared>>
              tpu.wait_indirect_dma semaphore(%run_scoped3A : memref<!tpu.dma_semaphore, #tpu.memory_space<semaphore_mem>>) src(%arg17 : memref<64xf32, #tpu.memory_space<vmem>>) dst(%dma_wait3A_350 : memref<5120xf32, #tpu.memory_space<vmem_shared>>)
              tpu.yield
            }) : () -> ()
            %scan3A_341 = arith.constant 0 : i32
            %scan3A_342 = arith.constant 0 : i32
            %scan3A_343 = arith.constant 64 : i32
            %scan3A_344 = arith.addi %scan3A_342, %scan3A_343 : i32
            %scan3A_345 = arith.constant 1 : i32
            scf.for %scan3A_347 = %scan3A_342 to %scan3A_344 step %scan3A_345  : i32 {
              %add3A_348 = arith.addi %add3A_278, %scan3A_347 : i32
              %get3A_349 = arith.index_cast %add3A_348 : i32 to index
              %get3A_350 = tpu.vector_load %arg15[%get3A_349] {strides = array<i32>} : memref<3328xi32, #tpu.memory_space<vmem>>, vector<16xi32>,
              %slice3A = vector.extract_strided_slice %get3A_350 {offsets = [0], sizes = [1], strides = [1]} : vector<16xi32> to vector<1xi32>
              %squeeze3A = vector.extract %slice3A[0] : i32 from vector<1xi32>
              %get3A_351 = arith.index_cast %scan3A_347 : i32 to index
              %get3A_352 = arith.constant 0 : index
              %get3A_353 = tpu.vector_load %arg9[%get3A_351, %get3A_352] {strides = array<i32>} : memref<64x256xf32, #tpu.memory_space<vmem>>, vector<16xf32>,
              %swap3A_354 = arith.index_cast %squeeze3A : i32 to index
              %swap3A_355 = arith.constant 0 : index
              %swap3A_356 = tpu.vector_load %arg7[%swap3A_354, %swap3A_355] {strides = array<i32>} : memref<320x256xf32, #tpu.memory_space<vmem>>, vector<16xf32>,
              tpu.vector_store %arg7[%swap3A_354, %swap3A_355], %get3A_353 {add = true, strides = array<i32>} : memref<320x256xf32, #tpu.memory_space<vmem>>, vector<16xf32>,
              %get3A_357 = arith.index_cast %scan3A_347 : i32 to index
              %get3A_358 = arith.constant 16 : index
              %get3A_359 = tpu.vector_load %arg9[%get3A_357, %get3A_358] {strides = array<i32>} : memref<64x256xf32, #tpu.memory_space<vmem>>, vector<16xf32>,
              %swap3A_360 = arith.index_cast %squeeze3A : i32 to index
              %swap3A_361 = arith.constant 16 : index
              %swap3A_362 = tpu.vector_load %arg7[%swap3A_360, %swap3A_361] {strides = array<i32>} : memref<320x256xf32, #tpu.memory_space<vmem>>, vector<16xf32>,
              tpu.vector_store %arg7[%swap3A_360, %swap3A_361], %get3A_359 {add = true, strides = array<i32>} : memref<320x256xf32, #tpu.memory_space<vmem>>, vector<16xf32>,
              %get3A_363 = arith.index_cast %scan3A_347 : i32 to index
              %get3A_364 = arith.constant 32 : index
              %get3A_365 = tpu.vector_load %arg9[%get3A_363, %get3A_364] {strides = array<i32>} : memref<64x256xf32, #tpu.memory_space<vmem>>, vector<16xf32>,
              %swap3A_366 = arith.index_cast %squeeze3A : i32 to index
              %swap3A_367 = arith.constant 32 : index
              %swap3A_368 = tpu.vector_load %arg7[%swap3A_366, %swap3A_367] {strides = array<i32>} : memref<320x256xf32, #tpu.memory_space<vmem>>, vector<16xf32>,
              tpu.vector_store %arg7[%swap3A_366, %swap3A_367], %get3A_365 {add = true, strides = array<i32>} : memref<320x256xf32, #tpu.memory_space<vmem>>, vector<16xf32>,
              %get3A_369 = arith.index_cast %scan3A_347 : i32 to index
              %get3A_370 = arith.constant 48 : index
              %get3A_371 = tpu.vector_load %arg9[%get3A_369, %get3A_370] {strides = array<i32>} : memref<64x256xf32, #tpu.memory_space<vmem>>, vector<16xf32>,
              %swap3A_372 = arith.index_cast %squeeze3A : i32 to index
              %swap3A_373 = arith.constant 48 : index
              %swap3A_374 = tpu.vector_load %arg7[%swap3A_372, %swap3A_373] {strides = array<i32>} : memref<320x256xf32, #tpu.memory_space<vmem>>, vector<16xf32>,
              tpu.vector_store %arg7[%swap3A_372, %swap3A_373], %get3A_371 {add = true, strides = array<i32>} : memref<320x256xf32, #tpu.memory_space<vmem>>, vector<16xf32>,
              %get3A_375 = arith.index_cast %scan3A_347 : i32 to index
              %get3A_376 = arith.constant 64 : index
              %get3A_377 = tpu.vector_load %arg9[%get3A_375, %get3A_376] {strides = array<i32>} : memref<64x256xf32, #tpu.memory_space<vmem>>, vector<16xf32>,
              %swap3A_378 = arith.index_cast %squeeze3A : i32 to index
              %swap3A_379 = arith.constant 64 : index
              %swap3A_380 = tpu.vector_load %arg7[%swap3A_378, %swap3A_379] {strides = array<i32>} : memref<320x256xf32, #tpu.memory_space<vmem>>, vector<16xf32>,
              tpu.vector_store %arg7[%swap3A_378, %swap3A_379], %get3A_377 {add = true, strides = array<i32>} : memref<320x256xf32, #tpu.memory_space<vmem>>, vector<16xf32>,
              %get3A_381 = arith.index_cast %scan3A_347 : i32 to index
              %get3A_382 = arith.constant 80 : index
              %get3A_383 = tpu.vector_load %arg9[%get3A_381, %get3A_382] {strides = array<i32>} : memref<64x256xf32, #tpu.memory_space<vmem>>, vector<16xf32>,
              %swap3A_384 = arith.index_cast %squeeze3A : i32 to index
              %swap3A_385 = arith.constant 80 : index
              %swap3A_386 = tpu.vector_load %arg7[%swap3A_384, %swap3A_385] {strides = array<i32>} : memref<320x256xf32, #tpu.memory_space<vmem>>, vector<16xf32>,
              tpu.vector_store %arg7[%swap3A_384, %swap3A_385], %get3A_383 {add = true, strides = array<i32>} : memref<320x256xf32, #tpu.memory_space<vmem>>, vector<16xf32>,
              %get3A_387 = arith.index_cast %scan3A_347 : i32 to index
              %get3A_388 = arith.constant 96 : index
              %get3A_389 = tpu.vector_load %arg9[%get3A_387, %get3A_388] {strides = array<i32>} : memref<64x256xf32, #tpu.memory_space<vmem>>, vector<16xf32>,
              %swap3A_390 = arith.index_cast %squeeze3A : i32 to index
              %swap3A_391 = arith.constant 96 : index
              %swap3A_392 = tpu.vector_load %arg7[%swap3A_390, %swap3A_391] {strides = array<i32>} : memref<320x256xf32, #tpu.memory_space<vmem>>, vector<16xf32>,
              tpu.vector_store %arg7[%swap3A_390, %swap3A_391], %get3A_389 {add = true, strides = array<i32>} : memref<320x256xf32, #tpu.memory_space<vmem>>, vector<16xf32>,
              %get3A_393 = arith.index_cast %scan3A_347 : i32 to index
              %get3A_394 = arith.constant 112 : index
              %get3A_395 = tpu.vector_load %arg9[%get3A_393, %get3A_394] {strides = array<i32>} : memref<64x256xf32, #tpu.memory_space<vmem>>, vector<16xf32>,
              %swap3A_396 = arith.index_cast %squeeze3A : i32 to index
              %swap3A_397 = arith.constant 112 : index
              %swap3A_398 = tpu.vector_load %arg7[%swap3A_396, %swap3A_397] {strides = array<i32>} : memref<320x256xf32, #tpu.memory_space<vmem>>, vector<16xf32>,
              tpu.vector_store %arg7[%swap3A_396, %swap3A_397], %get3A_395 {add = true, strides = array<i32>} : memref<320x256xf32, #tpu.memory_space<vmem>>, vector<16xf32>,
              %get3A_399 = arith.index_cast %scan3A_347 : i32 to index
              %get3A_400 = arith.constant 128 : index
              %get3A_401 = tpu.vector_load %arg9[%get3A_399, %get3A_400] {strides = array<i32>} : memref<64x256xf32, #tpu.memory_space<vmem>>, vector<16xf32>,
              %swap3A_402 = arith.index_cast %squeeze3A : i32 to index
              %swap3A_403 = arith.constant 128 : index
              %swap3A_404 = tpu.vector_load %arg7[%swap3A_402, %swap3A_403] {strides = array<i32>} : memref<320x256xf32, #tpu.memory_space<vmem>>, vector<16xf32>,
              tpu.vector_store %arg7[%swap3A_402, %swap3A_403], %get3A_401 {add = true, strides = array<i32>} : memref<320x256xf32, #tpu.memory_space<vmem>>, vector<16xf32>,
              %get3A_405 = arith.index_cast %scan3A_347 : i32 to index
              %get3A_406 = arith.constant 144 : index
              %get3A_407 = tpu.vector_load %arg9[%get3A_405, %get3A_406] {strides = array<i32>} : memref<64x256xf32, #tpu.memory_space<vmem>>, vector<16xf32>,
              %swap3A_408 = arith.index_cast %squeeze3A : i32 to index
              %swap3A_409 = arith.constant 144 : index
              %swap3A_410 = tpu.vector_load %arg7[%swap3A_408, %swap3A_409] {strides = array<i32>} : memref<320x256xf32, #tpu.memory_space<vmem>>, vector<16xf32>,
              tpu.vector_store %arg7[%swap3A_408, %swap3A_409], %get3A_407 {add = true, strides = array<i32>} : memref<320x256xf32, #tpu.memory_space<vmem>>, vector<16xf32>,
              %get3A_411 = arith.index_cast %scan3A_347 : i32 to index
              %get3A_412 = arith.constant 160 : index
              %get3A_413 = tpu.vector_load %arg9[%get3A_411, %get3A_412] {strides = array<i32>} : memref<64x256xf32, #tpu.memory_space<vmem>>, vector<16xf32>,
              %swap3A_414 = arith.index_cast %squeeze3A : i32 to index
              %swap3A_415 = arith.constant 160 : index
              %swap3A_416 = tpu.vector_load %arg7[%swap3A_414, %swap3A_415] {strides = array<i32>} : memref<320x256xf32, #tpu.memory_space<vmem>>, vector<16xf32>,
              tpu.vector_store %arg7[%swap3A_414, %swap3A_415], %get3A_413 {add = true, strides = array<i32>} : memref<320x256xf32, #tpu.memory_space<vmem>>, vector<16xf32>,
              %get3A_417 = arith.index_cast %scan3A_347 : i32 to index
              %get3A_418 = arith.constant 176 : index
              %get3A_419 = tpu.vector_load %arg9[%get3A_417, %get3A_418] {strides = array<i32>} : memref<64x256xf32, #tpu.memory_space<vmem>>, vector<16xf32>,
              %swap3A_420 = arith.index_cast %squeeze3A : i32 to index
              %swap3A_421 = arith.constant 176 : index
              %swap3A_422 = tpu.vector_load %arg7[%swap3A_420, %swap3A_421] {strides = array<i32>} : memref<320x256xf32, #tpu.memory_space<vmem>>, vector<16xf32>,
              tpu.vector_store %arg7[%swap3A_420, %swap3A_421], %get3A_419 {add = true, strides = array<i32>} : memref<320x256xf32, #tpu.memory_space<vmem>>, vector<16xf32>,
              %get3A_423 = arith.index_cast %scan3A_347 : i32 to index
              %get3A_424 = arith.constant 192 : index
              %get3A_425 = tpu.vector_load %arg9[%get3A_423, %get3A_424] {strides = array<i32>} : memref<64x256xf32, #tpu.memory_space<vmem>>, vector<16xf32>,
              %swap3A_426 = arith.index_cast %squeeze3A : i32 to index
              %swap3A_427 = arith.constant 192 : index
              %swap3A_428 = tpu.vector_load %arg7[%swap3A_426, %swap3A_427] {strides = array<i32>} : memref<320x256xf32, #tpu.memory_space<vmem>>, vector<16xf32>,
              tpu.vector_store %arg7[%swap3A_426, %swap3A_427], %get3A_425 {add = true, strides = array<i32>} : memref<320x256xf32, #tpu.memory_space<vmem>>, vector<16xf32>,
              %get3A_429 = arith.index_cast %scan3A_347 : i32 to index
              %get3A_430 = arith.constant 208 : index
              %get3A_431 = tpu.vector_load %arg9[%get3A_429, %get3A_430] {strides = array<i32>} : memref<64x256xf32, #tpu.memory_space<vmem>>, vector<16xf32>,
              %swap3A_432 = arith.index_cast %squeeze3A : i32 to index
              %swap3A_433 = arith.constant 208 : index
              %swap3A_434 = tpu.vector_load %arg7[%swap3A_432, %swap3A_433] {strides = array<i32>} : memref<320x256xf32, #tpu.memory_space<vmem>>, vector<16xf32>,
              tpu.vector_store %arg7[%swap3A_432, %swap3A_433], %get3A_431 {add = true, strides = array<i32>} : memref<320x256xf32, #tpu.memory_space<vmem>>, vector<16xf32>,
              %get3A_435 = arith.index_cast %scan3A_347 : i32 to index
              %get3A_436 = arith.constant 224 : index
              %get3A_437 = tpu.vector_load %arg9[%get3A_435, %get3A_436] {strides = array<i32>} : memref<64x256xf32, #tpu.memory_space<vmem>>, vector<16xf32>,
              %swap3A_438 = arith.index_cast %squeeze3A : i32 to index
              %swap3A_439 = arith.constant 224 : index
              %swap3A_440 = tpu.vector_load %arg7[%swap3A_438, %swap3A_439] {strides = array<i32>} : memref<320x256xf32, #tpu.memory_space<vmem>>, vector<16xf32>,
              tpu.vector_store %arg7[%swap3A_438, %swap3A_439], %get3A_437 {add = true, strides = array<i32>} : memref<320x256xf32, #tpu.memory_space<vmem>>, vector<16xf32>,
              %get3A_441 = arith.index_cast %scan3A_347 : i32 to index
              %get3A_442 = arith.constant 240 : index
              %get3A_443 = tpu.vector_load %arg9[%get3A_441, %get3A_442] {strides = array<i32>} : memref<64x256xf32, #tpu.memory_space<vmem>>, vector<16xf32>,
              %swap3A_444 = arith.index_cast %squeeze3A : i32 to index
              %swap3A_445 = arith.constant 240 : index
              %swap3A_446 = tpu.vector_load %arg7[%swap3A_444, %swap3A_445] {strides = array<i32>} : memref<320x256xf32, #tpu.memory_space<vmem>>, vector<16xf32>,
              tpu.vector_store %arg7[%swap3A_444, %swap3A_445], %get3A_443 {add = true, strides = array<i32>} : memref<320x256xf32, #tpu.memory_space<vmem>>, vector<16xf32>,
            }
            %scan3A_346 = arith.constant 64 : i32
          } else {
          }
        }
      } else {
      }
      %jit3A_152 = arith.constant 0 : i32
      %select_n3A_153 = arith.select %ge3A_148, %jit3A_152, %scan3A_145 : i32
      scf.yield %select_n3A_153 : i32
    }
    %scan3A_83 = arith.constant 79 : i32
    %dma_wait3A = arith.constant 0 : i32
    %dma_wait3A_84 = tpu.memref_slice %arg4[%dma_wait3A] : memref<163840xi32, #tpu.memory_space<hbm>> -> memref<1024xi32, #tpu.memory_space<hbm>>
    %dma_wait3A_85 = arith.constant 0 : i32
    %dma_wait3A_86 = tpu.memref_slice %arg4[%dma_wait3A_85] : memref<163840xi32, #tpu.memory_space<hbm>> -> memref<1024xi32, #tpu.memory_space<hbm>>
    tpu.wait_dma2 semaphore(%arg20 : memref<!tpu.dma_semaphore, #tpu.memory_space<semaphore_mem>>) src(%dma_wait3A_86 : memref<1024xi32, #tpu.memory_space<hbm>>) dst(%arg10 : memref<1024xi32, #tpu.memory_space<vmem>>)
    %dma_wait3A_87 = arith.constant 0 : i32
    %dma_wait3A_88 = tpu.memref_slice %arg3[%dma_wait3A_87] : memref<163840xi32, #tpu.memory_space<hbm>> -> memref<1024xi32, #tpu.memory_space<hbm>>
    %dma_wait3A_89 = arith.constant 0 : i32
    %dma_wait3A_90 = tpu.memref_slice %arg3[%dma_wait3A_89] : memref<163840xi32, #tpu.memory_space<hbm>> -> memref<1024xi32, #tpu.memory_space<hbm>>
    tpu.wait_dma2 semaphore(%arg20 : memref<!tpu.dma_semaphore, #tpu.memory_space<semaphore_mem>>) src(%dma_wait3A_90 : memref<1024xi32, #tpu.memory_space<hbm>>) dst(%arg11 : memref<1024xi32, #tpu.memory_space<vmem>>)
    %gt3A = arith.constant 0 : i32
    %gt3A_91 = arith.cmpi sgt, %scan3A_82, %gt3A : i32
    %convert_element_type3A = arith.extui %gt3A_91 : i1 to i32
    %cond3A = arith.constant 0 : i32
    %cond3A_92 = arith.cmpi ne, %convert_element_type3A, %cond3A : i32
    scf.if %cond3A_92 {
      %jit3A = arith.constant 16 : i32
      %div3A = arith.divsi %scan3A_82, %jit3A : i32
      %sign3A = arith.constant 0 : i32
      %sign3A_93 = arith.cmpi sgt, %scan3A_82, %sign3A : i32
      %sign3A_94 = arith.extui %sign3A_93 : i1 to i32
      %sign3A_95 = arith.constant 0 : i32
      %sign3A_96 = arith.cmpi slt, %scan3A_82, %sign3A_95 : i32
      %sign3A_97 = arith.extui %sign3A_96 : i1 to i32
      %sign3A_98 = arith.subi %sign3A_94, %sign3A_97 : i32
      %sign3A_99 = arith.constant 0 : i32
      %sign3A_100 = arith.cmpi sgt, %jit3A, %sign3A_99 : i32
      %sign3A_101 = arith.extui %sign3A_100 : i1 to i32
      %sign3A_102 = arith.constant 0 : i32
      %sign3A_103 = arith.cmpi slt, %jit3A, %sign3A_102 : i32
      %sign3A_104 = arith.extui %sign3A_103 : i1 to i32
      %sign3A_105 = arith.subi %sign3A_101, %sign3A_104 : i32
      %ne3A = arith.cmpi ne, %sign3A_98, %sign3A_105 : i32
      %rem3A = arith.remsi %scan3A_82, %jit3A : i32
      %ne3A_106 = arith.constant 0 : i32
      %ne3A_107 = arith.cmpi ne, %rem3A, %ne3A_106 : i32
      %and3A = arith.andi %ne3A, %ne3A_107 : i1
      %sub3A = arith.constant 1 : i32
      %sub3A_108 = arith.subi %div3A, %sub3A : i32
      %select_n3A = arith.select %and3A, %sub3A_108, %div3A : i32
      %mul3A_109 = arith.constant 16 : i32
      %mul3A_110 = arith.muli %select_n3A, %mul3A_109 : i32
      %sub3A_111 = arith.subi %scan3A_82, %mul3A_110 : i32
      %lt3A = vector.broadcast %sub3A_111 : i32 to vector<16xi32>
      %lt3A_112 = arith.cmpi slt, %iota3A, %lt3A : vector<16xi32>
      %get3A = arith.index_cast %mul3A_110 : i32 to index
      %get3A_113 = tpu.vector_load %arg14[%get3A] {strides = array<i32>} : memref<3328xi32, #tpu.memory_space<vmem>>, vector<16xi32>,
      %select_n3A_114 = arith.select %lt3A_112, %get3A_113, %broadcast_in_dim3A_11 : vector<16xi1>, vector<16xi32>
      %swap3A_115 = arith.index_cast %mul3A_110 : i32 to index
      %swap3A_116 = tpu.vector_load %arg14[%swap3A_115] {strides = array<i32>} : memref<3328xi32, #tpu.memory_space<vmem>>, vector<16xi32>,
      tpu.vector_store %arg14[%swap3A_115], %select_n3A_114 {strides = array<i32>} : memref<3328xi32, #tpu.memory_space<vmem>>, vector<16xi32>,
      %get3A_117 = arith.index_cast %mul3A_110 : i32 to index
      %get3A_118 = tpu.vector_load %arg15[%get3A_117] {strides = array<i32>} : memref<3328xi32, #tpu.memory_space<vmem>>, vector<16xi32>,
      %select_n3A_119 = arith.select %lt3A_112, %get3A_118, %broadcast_in_dim3A_9 : vector<16xi1>, vector<16xi32>
      %swap3A_120 = arith.index_cast %mul3A_110 : i32 to index
      %swap3A_121 = tpu.vector_load %arg15[%swap3A_120] {strides = array<i32>} : memref<3328xi32, #tpu.memory_space<vmem>>, vector<16xi32>,
      tpu.vector_store %arg15[%swap3A_120], %select_n3A_119 {strides = array<i32>} : memref<3328xi32, #tpu.memory_space<vmem>>, vector<16xi32>,
      %add3A_122 = arith.constant 16 : i32
      %add3A_123 = arith.addi %mul3A_110, %add3A_122 : i32
      %swap3A_124 = arith.index_cast %add3A_123 : i32 to index
      %swap3A_125 = tpu.vector_load %arg14[%swap3A_124] {strides = array<i32>} : memref<3328xi32, #tpu.memory_space<vmem>>, vector<16xi32>,
      tpu.vector_store %arg14[%swap3A_124], %broadcast_in_dim3A_11 {strides = array<i32>} : memref<3328xi32, #tpu.memory_space<vmem>>, vector<16xi32>,
      %add3A_126 = arith.constant 16 : i32
      %add3A_127 = arith.addi %mul3A_110, %add3A_126 : i32
      %swap3A_128 = arith.index_cast %add3A_127 : i32 to index
      %swap3A_129 = tpu.vector_load %arg15[%swap3A_128] {strides = array<i32>} : memref<3328xi32, #tpu.memory_space<vmem>>, vector<16xi32>,
      tpu.vector_store %arg15[%swap3A_128], %broadcast_in_dim3A_9 {strides = array<i32>} : memref<3328xi32, #tpu.memory_space<vmem>>, vector<16xi32>,
      %add3A_130 = arith.constant 32 : i32
      %add3A_131 = arith.addi %mul3A_110, %add3A_130 : i32
      %swap3A_132 = arith.index_cast %add3A_131 : i32 to index
      %swap3A_133 = tpu.vector_load %arg14[%swap3A_132] {strides = array<i32>} : memref<3328xi32, #tpu.memory_space<vmem>>, vector<16xi32>,
      tpu.vector_store %arg14[%swap3A_132], %broadcast_in_dim3A_11 {strides = array<i32>} : memref<3328xi32, #tpu.memory_space<vmem>>, vector<16xi32>,
      %add3A_134 = arith.constant 32 : i32
      %add3A_135 = arith.addi %mul3A_110, %add3A_134 : i32
      %swap3A_136 = arith.index_cast %add3A_135 : i32 to index
      %swap3A_137 = tpu.vector_load %arg15[%swap3A_136] {strides = array<i32>} : memref<3328xi32, #tpu.memory_space<vmem>>, vector<16xi32>,
      tpu.vector_store %arg15[%swap3A_136], %broadcast_in_dim3A_9 {strides = array<i32>} : memref<3328xi32, #tpu.memory_space<vmem>>, vector<16xi32>,
      %add3A_138 = arith.constant 48 : i32
      %add3A_139 = arith.addi %mul3A_110, %add3A_138 : i32
      %swap3A_140 = arith.index_cast %add3A_139 : i32 to index
      %swap3A_141 = tpu.vector_load %arg14[%swap3A_140] {strides = array<i32>} : memref<3328xi32, #tpu.memory_space<vmem>>, vector<16xi32>,
      tpu.vector_store %arg14[%swap3A_140], %broadcast_in_dim3A_11 {strides = array<i32>} : memref<3328xi32, #tpu.memory_space<vmem>>, vector<16xi32>,
      %add3A_142 = arith.constant 48 : i32
      %add3A_143 = arith.addi %mul3A_110, %add3A_142 : i32
      %swap3A_144 = arith.index_cast %add3A_143 : i32 to index
      %swap3A_145 = tpu.vector_load %arg15[%swap3A_144] {strides = array<i32>} : memref<3328xi32, #tpu.memory_space<vmem>>, vector<16xi32>,
      tpu.vector_store %arg15[%swap3A_144], %broadcast_in_dim3A_9 {strides = array<i32>} : memref<3328xi32, #tpu.memory_space<vmem>>, vector<16xi32>,
      %add3A_146 = arith.constant 64 : i32
      %add3A_147 = arith.addi %scan3A_82, %add3A_146 : i32
      %sub3A_148 = arith.constant 1 : i32
      %sub3A_149 = arith.subi %add3A_147, %sub3A_148 : i32
      %jit3A_150 = arith.constant 64 : i32
      %div3A_151 = arith.divsi %sub3A_149, %jit3A_150 : i32
      %sign3A_152 = arith.constant 0 : i32
      %sign3A_153 = arith.cmpi sgt, %sub3A_149, %sign3A_152 : i32
      %sign3A_154 = arith.extui %sign3A_153 : i1 to i32
      %sign3A_155 = arith.constant 0 : i32
      %sign3A_156 = arith.cmpi slt, %sub3A_149, %sign3A_155 : i32
      %sign3A_157 = arith.extui %sign3A_156 : i1 to i32
      %sign3A_158 = arith.subi %sign3A_154, %sign3A_157 : i32
      %sign3A_159 = arith.constant 0 : i32
      %sign3A_160 = arith.cmpi sgt, %jit3A_150, %sign3A_159 : i32
      %sign3A_161 = arith.extui %sign3A_160 : i1 to i32
      %sign3A_162 = arith.constant 0 : i32
      %sign3A_163 = arith.cmpi slt, %jit3A_150, %sign3A_162 : i32
      %sign3A_164 = arith.extui %sign3A_163 : i1 to i32
      %sign3A_165 = arith.subi %sign3A_161, %sign3A_164 : i32
      %ne3A_166 = arith.cmpi ne, %sign3A_158, %sign3A_165 : i32
      %rem3A_167 = arith.remsi %sub3A_149, %jit3A_150 : i32
      %ne3A_168 = arith.constant 0 : i32
      %ne3A_169 = arith.cmpi ne, %rem3A_167, %ne3A_168 : i32
      %and3A_170 = arith.andi %ne3A_166, %ne3A_169 : i1
      %sub3A_171 = arith.constant 1 : i32
      %sub3A_172 = arith.subi %div3A_151, %sub3A_171 : i32
      %select_n3A_173 = arith.select %and3A_170, %sub3A_172, %div3A_151 : i32
      %add3A_174 = arith.constant 1 : i32
      %add3A_175 = arith.addi %select_n3A_173, %add3A_174 : i32
      %jit3A_176 = arith.constant 2 : i32
      %div3A_177 = arith.divsi %add3A_175, %jit3A_176 : i32
      %sign3A_178 = arith.constant 0 : i32
      %sign3A_179 = arith.cmpi sgt, %add3A_175, %sign3A_178 : i32
      %sign3A_180 = arith.extui %sign3A_179 : i1 to i32
      %sign3A_181 = arith.constant 0 : i32
      %sign3A_182 = arith.cmpi slt, %add3A_175, %sign3A_181 : i32
      %sign3A_183 = arith.extui %sign3A_182 : i1 to i32
      %sign3A_184 = arith.subi %sign3A_180, %sign3A_183 : i32
      %sign3A_185 = arith.constant 0 : i32
      %sign3A_186 = arith.cmpi sgt, %jit3A_176, %sign3A_185 : i32
      %sign3A_187 = arith.extui %sign3A_186 : i1 to i32
      %sign3A_188 = arith.constant 0 : i32
      %sign3A_189 = arith.cmpi slt, %jit3A_176, %sign3A_188 : i32
      %sign3A_190 = arith.extui %sign3A_189 : i1 to i32
      %sign3A_191 = arith.subi %sign3A_187, %sign3A_190 : i32
      %ne3A_192 = arith.cmpi ne, %sign3A_184, %sign3A_191 : i32
      %rem3A_193 = arith.remsi %add3A_175, %jit3A_176 : i32
      %ne3A_194 = arith.constant 0 : i32
      %ne3A_195 = arith.cmpi ne, %rem3A_193, %ne3A_194 : i32
      %and3A_196 = arith.andi %ne3A_192, %ne3A_195 : i1
      %sub3A_197 = arith.constant 1 : i32
      %sub3A_198 = arith.subi %div3A_177, %sub3A_197 : i32
      %select_n3A_199 = arith.select %and3A_196, %sub3A_198, %div3A_177 : i32
      %while3A = arith.constant 0 : i32
      %while3A_200 = arith.constant 0 : i32
      %while3A_201 = arith.subi %select_n3A_199, %while3A_200 : i32
      %while3A_202 = arith.addi %while3A_200, %while3A_201 : i32
      %while3A_203 = arith.constant 1 : i32
      %while3A_204 = arith.divsi %while3A_201, %while3A_203 : i32
      %while3A_205 = arith.muli %while3A_204, %while3A_203 : i32
      %while3A_206 = arith.addi %while3A_200, %while3A_205 : i32
      %while3A_207 = arith.constant 1 : i32
      scf.for %while3A_209 = %while3A_200 to %while3A_206 step %while3A_207  : i32 {
        %mul3A_210 = arith.constant 2 : i32
        %mul3A_211 = arith.muli %mul3A_210, %while3A_209 : i32
        %mul3A_212 = arith.constant 64 : i32
        %mul3A_213 = arith.muli %mul3A_211, %mul3A_212 : i32
        %add3A_214 = arith.constant 64 : i32
        %add3A_215 = arith.addi %mul3A_213, %add3A_214 : i32
        %dma_start3A_216 = tpu.memref_slice %arg14[%mul3A_213] : memref<3328xi32, #tpu.memory_space<vmem>> -> memref<64xi32, #tpu.memory_space<vmem>>
        %dma_start3A_217 = arith.constant 0 : i32
        %dma_start3A_218 = arith.constant 0 : i32
        %dma_start3A_219 = tpu.memref_slice %arg2[%dma_start3A_217, %dma_start3A_218] : memref<10000x256xf32, #tpu.memory_space<hbm>> -> memref<10000x256xf32, #tpu.memory_space<hbm>>
        tpu.enqueue_indirect_dma source(%dma_start3A_219 : memref<10000x256xf32, #tpu.memory_space<hbm>>) target(%arg8 : memref<64x256xf32, #tpu.memory_space<vmem>>) offsets(%dma_start3A_216 : memref<64xi32, #tpu.memory_space<vmem>>) semaphore(%arg22 : memref<!tpu.dma_semaphore, #tpu.memory_space<semaphore_mem>>)
        %dma_start3A_220 = tpu.memref_slice %arg14[%add3A_215] : memref<3328xi32, #tpu.memory_space<vmem>> -> memref<64xi32, #tpu.memory_space<vmem>>
        %dma_start3A_221 = arith.constant 0 : i32
        %dma_start3A_222 = arith.constant 0 : i32
        %dma_start3A_223 = tpu.memref_slice %arg2[%dma_start3A_221, %dma_start3A_222] : memref<10000x256xf32, #tpu.memory_space<hbm>> -> memref<10000x256xf32, #tpu.memory_space<hbm>>
        tpu.enqueue_indirect_dma source(%dma_start3A_223 : memref<10000x256xf32, #tpu.memory_space<hbm>>) target(%arg9 : memref<64x256xf32, #tpu.memory_space<vmem>>) offsets(%dma_start3A_220 : memref<64xi32, #tpu.memory_space<vmem>>) semaphore(%arg23 : memref<!tpu.dma_semaphore, #tpu.memory_space<semaphore_mem>>)
        %dma_wait3A_224 = tpu.memref_slice %arg14[%mul3A_213] : memref<3328xi32, #tpu.memory_space<vmem>> -> memref<64xi32, #tpu.memory_space<vmem>>
        %dma_wait3A_225 = arith.constant 0 : i32
        %dma_wait3A_226 = arith.constant 0 : i32
        %dma_wait3A_227 = tpu.memref_slice %arg2[%dma_wait3A_225, %dma_wait3A_226] : memref<10000x256xf32, #tpu.memory_space<hbm>> -> memref<10000x256xf32, #tpu.memory_space<hbm>>
        tpu.wait_indirect_dma semaphore(%arg22 : memref<!tpu.dma_semaphore, #tpu.memory_space<semaphore_mem>>) src(%dma_wait3A_227 : memref<10000x256xf32, #tpu.memory_space<hbm>>) dst(%arg8 : memref<64x256xf32, #tpu.memory_space<vmem>>)
        %mul3A_228 = arith.constant 2 : i32
        %mul3A_229 = arith.muli %mul3A_228, %while3A_209 : i32
        %lt3A_230 = arith.cmpi slt, %mul3A_229, %select_n3A_173 : i32
        %convert_element_type3A_231 = arith.extui %lt3A_230 : i1 to i32
        %cond3A_232 = arith.constant 0 : i32
        %cond3A_233 = arith.cmpi ne, %convert_element_type3A_231, %cond3A_232 : i32
        scf.if %cond3A_233 {
          %add3A_246 = arith.constant 0 : i32
          %add3A_247 = arith.addi %mul3A_213, %add3A_246 : i32
          %get3A_248 = arith.index_cast %add3A_247 : i32 to index
          %get3A_249 = tpu.vector_load %arg15[%get3A_248] {strides = array<i32>} : memref<3328xi32, #tpu.memory_space<vmem>>, vector<16xi32>,
          %add3A_250 = vector.broadcast %mul3A_4 : i32 to vector<16xi32>
          %add3A_251 = arith.addi %get3A_249, %add3A_250 : vector<16xi32>
          %swap3A_252 = arith.constant 0 : index
          %swap3A_253 = tpu.vector_load %arg16[%swap3A_252] {strides = array<i32>} : memref<64xi32, #tpu.memory_space<vmem>>, vector<16xi32>,
          tpu.vector_store %arg16[%swap3A_252], %add3A_251 {strides = array<i32>} : memref<64xi32, #tpu.memory_space<vmem>>, vector<16xi32>,
          %add3A_254 = arith.constant 16 : i32
          %add3A_255 = arith.addi %mul3A_213, %add3A_254 : i32
          %get3A_256 = arith.index_cast %add3A_255 : i32 to index
          %get3A_257 = tpu.vector_load %arg15[%get3A_256] {strides = array<i32>} : memref<3328xi32, #tpu.memory_space<vmem>>, vector<16xi32>,
          %add3A_258 = vector.broadcast %mul3A_4 : i32 to vector<16xi32>
          %add3A_259 = arith.addi %get3A_257, %add3A_258 : vector<16xi32>
          %swap3A_260 = arith.constant 16 : index
          %swap3A_261 = tpu.vector_load %arg16[%swap3A_260] {strides = array<i32>} : memref<64xi32, #tpu.memory_space<vmem>>, vector<16xi32>,
          tpu.vector_store %arg16[%swap3A_260], %add3A_259 {strides = array<i32>} : memref<64xi32, #tpu.memory_space<vmem>>, vector<16xi32>,
          %add3A_262 = arith.constant 32 : i32
          %add3A_263 = arith.addi %mul3A_213, %add3A_262 : i32
          %get3A_264 = arith.index_cast %add3A_263 : i32 to index
          %get3A_265 = tpu.vector_load %arg15[%get3A_264] {strides = array<i32>} : memref<3328xi32, #tpu.memory_space<vmem>>, vector<16xi32>,
          %add3A_266 = vector.broadcast %mul3A_4 : i32 to vector<16xi32>
          %add3A_267 = arith.addi %get3A_265, %add3A_266 : vector<16xi32>
          %swap3A_268 = arith.constant 32 : index
          %swap3A_269 = tpu.vector_load %arg16[%swap3A_268] {strides = array<i32>} : memref<64xi32, #tpu.memory_space<vmem>>, vector<16xi32>,
          tpu.vector_store %arg16[%swap3A_268], %add3A_267 {strides = array<i32>} : memref<64xi32, #tpu.memory_space<vmem>>, vector<16xi32>,
          %add3A_270 = arith.constant 48 : i32
          %add3A_271 = arith.addi %mul3A_213, %add3A_270 : i32
          %get3A_272 = arith.index_cast %add3A_271 : i32 to index
          %get3A_273 = tpu.vector_load %arg15[%get3A_272] {strides = array<i32>} : memref<3328xi32, #tpu.memory_space<vmem>>, vector<16xi32>,
          %add3A_274 = vector.broadcast %mul3A_4 : i32 to vector<16xi32>
          %add3A_275 = arith.addi %get3A_273, %add3A_274 : vector<16xi32>
          %swap3A_276 = arith.constant 48 : index
          %swap3A_277 = tpu.vector_load %arg16[%swap3A_276] {strides = array<i32>} : memref<64xi32, #tpu.memory_space<vmem>>, vector<16xi32>,
          tpu.vector_store %arg16[%swap3A_276], %add3A_275 {strides = array<i32>} : memref<64xi32, #tpu.memory_space<vmem>>, vector<16xi32>,
          "tpu.region"() ({
            %run_scoped3A = tpu.sem_alloc : memref<!tpu.dma_semaphore, #tpu.memory_space<semaphore_mem>>
            %dma_start3A_284 = arith.constant 0 : i32
            %dma_start3A_285 = tpu.memref_slice %arg19[%dma_start3A_284] : memref<5120xf32, #tpu.memory_space<vmem_shared>> -> memref<5120xf32, #tpu.memory_space<vmem_shared>>
            tpu.enqueue_indirect_dma source(%arg17 : memref<64xf32, #tpu.memory_space<vmem>>) target(%dma_start3A_285 : memref<5120xf32, #tpu.memory_space<vmem_shared>>) offsets(%arg16 : memref<64xi32, #tpu.memory_space<vmem>>) semaphore(%run_scoped3A : memref<!tpu.dma_semaphore, #tpu.memory_space<semaphore_mem>>) {add = true}
            %dma_wait3A_286 = arith.constant 0 : i32
            %dma_wait3A_287 = tpu.memref_slice %arg19[%dma_wait3A_286] : memref<5120xf32, #tpu.memory_space<vmem_shared>> -> memref<5120xf32, #tpu.memory_space<vmem_shared>>
            tpu.wait_indirect_dma semaphore(%run_scoped3A : memref<!tpu.dma_semaphore, #tpu.memory_space<semaphore_mem>>) src(%arg17 : memref<64xf32, #tpu.memory_space<vmem>>) dst(%dma_wait3A_287 : memref<5120xf32, #tpu.memory_space<vmem_shared>>)
            tpu.yield
          }) : () -> ()
          %scan3A_278 = arith.constant 0 : i32
          %scan3A_279 = arith.constant 0 : i32
          %scan3A_280 = arith.constant 64 : i32
          %scan3A_281 = arith.addi %scan3A_279, %scan3A_280 : i32
          %scan3A_282 = arith.constant 1 : i32
          scf.for %scan3A_284 = %scan3A_279 to %scan3A_281 step %scan3A_282  : i32 {
            %add3A_285 = arith.addi %mul3A_213, %scan3A_284 : i32
            %get3A_286 = arith.index_cast %add3A_285 : i32 to index
            %get3A_287 = tpu.vector_load %arg15[%get3A_286] {strides = array<i32>} : memref<3328xi32, #tpu.memory_space<vmem>>, vector<16xi32>,
            %slice3A = vector.extract_strided_slice %get3A_287 {offsets = [0], sizes = [1], strides = [1]} : vector<16xi32> to vector<1xi32>
            %squeeze3A = vector.extract %slice3A[0] : i32 from vector<1xi32>
            %get3A_288 = arith.index_cast %scan3A_284 : i32 to index
            %get3A_289 = arith.constant 0 : index
            %get3A_290 = tpu.vector_load %arg8[%get3A_288, %get3A_289] {strides = array<i32>} : memref<64x256xf32, #tpu.memory_space<vmem>>, vector<16xf32>,
            %swap3A_291 = arith.index_cast %squeeze3A : i32 to index
            %swap3A_292 = arith.constant 0 : index
            %swap3A_293 = tpu.vector_load %arg7[%swap3A_291, %swap3A_292] {strides = array<i32>} : memref<320x256xf32, #tpu.memory_space<vmem>>, vector<16xf32>,
            tpu.vector_store %arg7[%swap3A_291, %swap3A_292], %get3A_290 {add = true, strides = array<i32>} : memref<320x256xf32, #tpu.memory_space<vmem>>, vector<16xf32>,
            %get3A_294 = arith.index_cast %scan3A_284 : i32 to index
            %get3A_295 = arith.constant 16 : index
            %get3A_296 = tpu.vector_load %arg8[%get3A_294, %get3A_295] {strides = array<i32>} : memref<64x256xf32, #tpu.memory_space<vmem>>, vector<16xf32>,
            %swap3A_297 = arith.index_cast %squeeze3A : i32 to index
            %swap3A_298 = arith.constant 16 : index
            %swap3A_299 = tpu.vector_load %arg7[%swap3A_297, %swap3A_298] {strides = array<i32>} : memref<320x256xf32, #tpu.memory_space<vmem>>, vector<16xf32>,
            tpu.vector_store %arg7[%swap3A_297, %swap3A_298], %get3A_296 {add = true, strides = array<i32>} : memref<320x256xf32, #tpu.memory_space<vmem>>, vector<16xf32>,
            %get3A_300 = arith.index_cast %scan3A_284 : i32 to index
            %get3A_301 = arith.constant 32 : index
            %get3A_302 = tpu.vector_load %arg8[%get3A_300, %get3A_301] {strides = array<i32>} : memref<64x256xf32, #tpu.memory_space<vmem>>, vector<16xf32>,
            %swap3A_303 = arith.index_cast %squeeze3A : i32 to index
            %swap3A_304 = arith.constant 32 : index
            %swap3A_305 = tpu.vector_load %arg7[%swap3A_303, %swap3A_304] {strides = array<i32>} : memref<320x256xf32, #tpu.memory_space<vmem>>, vector<16xf32>,
            tpu.vector_store %arg7[%swap3A_303, %swap3A_304], %get3A_302 {add = true, strides = array<i32>} : memref<320x256xf32, #tpu.memory_space<vmem>>, vector<16xf32>,
            %get3A_306 = arith.index_cast %scan3A_284 : i32 to index
            %get3A_307 = arith.constant 48 : index
            %get3A_308 = tpu.vector_load %arg8[%get3A_306, %get3A_307] {strides = array<i32>} : memref<64x256xf32, #tpu.memory_space<vmem>>, vector<16xf32>,
            %swap3A_309 = arith.index_cast %squeeze3A : i32 to index
            %swap3A_310 = arith.constant 48 : index
            %swap3A_311 = tpu.vector_load %arg7[%swap3A_309, %swap3A_310] {strides = array<i32>} : memref<320x256xf32, #tpu.memory_space<vmem>>, vector<16xf32>,
            tpu.vector_store %arg7[%swap3A_309, %swap3A_310], %get3A_308 {add = true, strides = array<i32>} : memref<320x256xf32, #tpu.memory_space<vmem>>, vector<16xf32>,
            %get3A_312 = arith.index_cast %scan3A_284 : i32 to index
            %get3A_313 = arith.constant 64 : index
            %get3A_314 = tpu.vector_load %arg8[%get3A_312, %get3A_313] {strides = array<i32>} : memref<64x256xf32, #tpu.memory_space<vmem>>, vector<16xf32>,
            %swap3A_315 = arith.index_cast %squeeze3A : i32 to index
            %swap3A_316 = arith.constant 64 : index
            %swap3A_317 = tpu.vector_load %arg7[%swap3A_315, %swap3A_316] {strides = array<i32>} : memref<320x256xf32, #tpu.memory_space<vmem>>, vector<16xf32>,
            tpu.vector_store %arg7[%swap3A_315, %swap3A_316], %get3A_314 {add = true, strides = array<i32>} : memref<320x256xf32, #tpu.memory_space<vmem>>, vector<16xf32>,
            %get3A_318 = arith.index_cast %scan3A_284 : i32 to index
            %get3A_319 = arith.constant 80 : index
            %get3A_320 = tpu.vector_load %arg8[%get3A_318, %get3A_319] {strides = array<i32>} : memref<64x256xf32, #tpu.memory_space<vmem>>, vector<16xf32>,
            %swap3A_321 = arith.index_cast %squeeze3A : i32 to index
            %swap3A_322 = arith.constant 80 : index
            %swap3A_323 = tpu.vector_load %arg7[%swap3A_321, %swap3A_322] {strides = array<i32>} : memref<320x256xf32, #tpu.memory_space<vmem>>, vector<16xf32>,
            tpu.vector_store %arg7[%swap3A_321, %swap3A_322], %get3A_320 {add = true, strides = array<i32>} : memref<320x256xf32, #tpu.memory_space<vmem>>, vector<16xf32>,
            %get3A_324 = arith.index_cast %scan3A_284 : i32 to index
            %get3A_325 = arith.constant 96 : index
            %get3A_326 = tpu.vector_load %arg8[%get3A_324, %get3A_325] {strides = array<i32>} : memref<64x256xf32, #tpu.memory_space<vmem>>, vector<16xf32>,
            %swap3A_327 = arith.index_cast %squeeze3A : i32 to index
            %swap3A_328 = arith.constant 96 : index
            %swap3A_329 = tpu.vector_load %arg7[%swap3A_327, %swap3A_328] {strides = array<i32>} : memref<320x256xf32, #tpu.memory_space<vmem>>, vector<16xf32>,
            tpu.vector_store %arg7[%swap3A_327, %swap3A_328], %get3A_326 {add = true, strides = array<i32>} : memref<320x256xf32, #tpu.memory_space<vmem>>, vector<16xf32>,
            %get3A_330 = arith.index_cast %scan3A_284 : i32 to index
            %get3A_331 = arith.constant 112 : index
            %get3A_332 = tpu.vector_load %arg8[%get3A_330, %get3A_331] {strides = array<i32>} : memref<64x256xf32, #tpu.memory_space<vmem>>, vector<16xf32>,
            %swap3A_333 = arith.index_cast %squeeze3A : i32 to index
            %swap3A_334 = arith.constant 112 : index
            %swap3A_335 = tpu.vector_load %arg7[%swap3A_333, %swap3A_334] {strides = array<i32>} : memref<320x256xf32, #tpu.memory_space<vmem>>, vector<16xf32>,
            tpu.vector_store %arg7[%swap3A_333, %swap3A_334], %get3A_332 {add = true, strides = array<i32>} : memref<320x256xf32, #tpu.memory_space<vmem>>, vector<16xf32>,
            %get3A_336 = arith.index_cast %scan3A_284 : i32 to index
            %get3A_337 = arith.constant 128 : index
            %get3A_338 = tpu.vector_load %arg8[%get3A_336, %get3A_337] {strides = array<i32>} : memref<64x256xf32, #tpu.memory_space<vmem>>, vector<16xf32>,
            %swap3A_339 = arith.index_cast %squeeze3A : i32 to index
            %swap3A_340 = arith.constant 128 : index
            %swap3A_341 = tpu.vector_load %arg7[%swap3A_339, %swap3A_340] {strides = array<i32>} : memref<320x256xf32, #tpu.memory_space<vmem>>, vector<16xf32>,
            tpu.vector_store %arg7[%swap3A_339, %swap3A_340], %get3A_338 {add = true, strides = array<i32>} : memref<320x256xf32, #tpu.memory_space<vmem>>, vector<16xf32>,
            %get3A_342 = arith.index_cast %scan3A_284 : i32 to index
            %get3A_343 = arith.constant 144 : index
            %get3A_344 = tpu.vector_load %arg8[%get3A_342, %get3A_343] {strides = array<i32>} : memref<64x256xf32, #tpu.memory_space<vmem>>, vector<16xf32>,
            %swap3A_345 = arith.index_cast %squeeze3A : i32 to index
            %swap3A_346 = arith.constant 144 : index
            %swap3A_347 = tpu.vector_load %arg7[%swap3A_345, %swap3A_346] {strides = array<i32>} : memref<320x256xf32, #tpu.memory_space<vmem>>, vector<16xf32>,
            tpu.vector_store %arg7[%swap3A_345, %swap3A_346], %get3A_344 {add = true, strides = array<i32>} : memref<320x256xf32, #tpu.memory_space<vmem>>, vector<16xf32>,
            %get3A_348 = arith.index_cast %scan3A_284 : i32 to index
            %get3A_349 = arith.constant 160 : index
            %get3A_350 = tpu.vector_load %arg8[%get3A_348, %get3A_349] {strides = array<i32>} : memref<64x256xf32, #tpu.memory_space<vmem>>, vector<16xf32>,
            %swap3A_351 = arith.index_cast %squeeze3A : i32 to index
            %swap3A_352 = arith.constant 160 : index
            %swap3A_353 = tpu.vector_load %arg7[%swap3A_351, %swap3A_352] {strides = array<i32>} : memref<320x256xf32, #tpu.memory_space<vmem>>, vector<16xf32>,
            tpu.vector_store %arg7[%swap3A_351, %swap3A_352], %get3A_350 {add = true, strides = array<i32>} : memref<320x256xf32, #tpu.memory_space<vmem>>, vector<16xf32>,
            %get3A_354 = arith.index_cast %scan3A_284 : i32 to index
            %get3A_355 = arith.constant 176 : index
            %get3A_356 = tpu.vector_load %arg8[%get3A_354, %get3A_355] {strides = array<i32>} : memref<64x256xf32, #tpu.memory_space<vmem>>, vector<16xf32>,
            %swap3A_357 = arith.index_cast %squeeze3A : i32 to index
            %swap3A_358 = arith.constant 176 : index
            %swap3A_359 = tpu.vector_load %arg7[%swap3A_357, %swap3A_358] {strides = array<i32>} : memref<320x256xf32, #tpu.memory_space<vmem>>, vector<16xf32>,
            tpu.vector_store %arg7[%swap3A_357, %swap3A_358], %get3A_356 {add = true, strides = array<i32>} : memref<320x256xf32, #tpu.memory_space<vmem>>, vector<16xf32>,
            %get3A_360 = arith.index_cast %scan3A_284 : i32 to index
            %get3A_361 = arith.constant 192 : index
            %get3A_362 = tpu.vector_load %arg8[%get3A_360, %get3A_361] {strides = array<i32>} : memref<64x256xf32, #tpu.memory_space<vmem>>, vector<16xf32>,
            %swap3A_363 = arith.index_cast %squeeze3A : i32 to index
            %swap3A_364 = arith.constant 192 : index
            %swap3A_365 = tpu.vector_load %arg7[%swap3A_363, %swap3A_364] {strides = array<i32>} : memref<320x256xf32, #tpu.memory_space<vmem>>, vector<16xf32>,
            tpu.vector_store %arg7[%swap3A_363, %swap3A_364], %get3A_362 {add = true, strides = array<i32>} : memref<320x256xf32, #tpu.memory_space<vmem>>, vector<16xf32>,
            %get3A_366 = arith.index_cast %scan3A_284 : i32 to index
            %get3A_367 = arith.constant 208 : index
            %get3A_368 = tpu.vector_load %arg8[%get3A_366, %get3A_367] {strides = array<i32>} : memref<64x256xf32, #tpu.memory_space<vmem>>, vector<16xf32>,
            %swap3A_369 = arith.index_cast %squeeze3A : i32 to index
            %swap3A_370 = arith.constant 208 : index
            %swap3A_371 = tpu.vector_load %arg7[%swap3A_369, %swap3A_370] {strides = array<i32>} : memref<320x256xf32, #tpu.memory_space<vmem>>, vector<16xf32>,
            tpu.vector_store %arg7[%swap3A_369, %swap3A_370], %get3A_368 {add = true, strides = array<i32>} : memref<320x256xf32, #tpu.memory_space<vmem>>, vector<16xf32>,
            %get3A_372 = arith.index_cast %scan3A_284 : i32 to index
            %get3A_373 = arith.constant 224 : index
            %get3A_374 = tpu.vector_load %arg8[%get3A_372, %get3A_373] {strides = array<i32>} : memref<64x256xf32, #tpu.memory_space<vmem>>, vector<16xf32>,
            %swap3A_375 = arith.index_cast %squeeze3A : i32 to index
            %swap3A_376 = arith.constant 224 : index
            %swap3A_377 = tpu.vector_load %arg7[%swap3A_375, %swap3A_376] {strides = array<i32>} : memref<320x256xf32, #tpu.memory_space<vmem>>, vector<16xf32>,
            tpu.vector_store %arg7[%swap3A_375, %swap3A_376], %get3A_374 {add = true, strides = array<i32>} : memref<320x256xf32, #tpu.memory_space<vmem>>, vector<16xf32>,
            %get3A_378 = arith.index_cast %scan3A_284 : i32 to index
            %get3A_379 = arith.constant 240 : index
            %get3A_380 = tpu.vector_load %arg8[%get3A_378, %get3A_379] {strides = array<i32>} : memref<64x256xf32, #tpu.memory_space<vmem>>, vector<16xf32>,
            %swap3A_381 = arith.index_cast %squeeze3A : i32 to index
            %swap3A_382 = arith.constant 240 : index
            %swap3A_383 = tpu.vector_load %arg7[%swap3A_381, %swap3A_382] {strides = array<i32>} : memref<320x256xf32, #tpu.memory_space<vmem>>, vector<16xf32>,
            tpu.vector_store %arg7[%swap3A_381, %swap3A_382], %get3A_380 {add = true, strides = array<i32>} : memref<320x256xf32, #tpu.memory_space<vmem>>, vector<16xf32>,
          }
          %scan3A_283 = arith.constant 64 : i32
        } else {
        }
        %dma_wait3A_234 = tpu.memref_slice %arg14[%add3A_215] : memref<3328xi32, #tpu.memory_space<vmem>> -> memref<64xi32, #tpu.memory_space<vmem>>
        %dma_wait3A_235 = arith.constant 0 : i32
        %dma_wait3A_236 = arith.constant 0 : i32
        %dma_wait3A_237 = tpu.memref_slice %arg2[%dma_wait3A_235, %dma_wait3A_236] : memref<10000x256xf32, #tpu.memory_space<hbm>> -> memref<10000x256xf32, #tpu.memory_space<hbm>>
        tpu.wait_indirect_dma semaphore(%arg23 : memref<!tpu.dma_semaphore, #tpu.memory_space<semaphore_mem>>) src(%dma_wait3A_237 : memref<10000x256xf32, #tpu.memory_space<hbm>>) dst(%arg9 : memref<64x256xf32, #tpu.memory_space<vmem>>)
        %mul3A_238 = arith.constant 2 : i32
        %mul3A_239 = arith.muli %mul3A_238, %while3A_209 : i32
        %add3A_240 = arith.constant 1 : i32
        %add3A_241 = arith.addi %mul3A_239, %add3A_240 : i32
        %lt3A_242 = arith.cmpi slt, %add3A_241, %select_n3A_173 : i32
        %convert_element_type3A_243 = arith.extui %lt3A_242 : i1 to i32
        %cond3A_244 = arith.constant 0 : i32
        %cond3A_245 = arith.cmpi ne, %convert_element_type3A_243, %cond3A_244 : i32
        scf.if %cond3A_245 {
          %add3A_246 = arith.constant 0 : i32
          %add3A_247 = arith.addi %add3A_215, %add3A_246 : i32
          %get3A_248 = arith.index_cast %add3A_247 : i32 to index
          %get3A_249 = tpu.vector_load %arg15[%get3A_248] {strides = array<i32>} : memref<3328xi32, #tpu.memory_space<vmem>>, vector<16xi32>,
          %add3A_250 = vector.broadcast %mul3A_4 : i32 to vector<16xi32>
          %add3A_251 = arith.addi %get3A_249, %add3A_250 : vector<16xi32>
          %swap3A_252 = arith.constant 0 : index
          %swap3A_253 = tpu.vector_load %arg16[%swap3A_252] {strides = array<i32>} : memref<64xi32, #tpu.memory_space<vmem>>, vector<16xi32>,
          tpu.vector_store %arg16[%swap3A_252], %add3A_251 {strides = array<i32>} : memref<64xi32, #tpu.memory_space<vmem>>, vector<16xi32>,
          %add3A_254 = arith.constant 16 : i32
          %add3A_255 = arith.addi %add3A_215, %add3A_254 : i32
          %get3A_256 = arith.index_cast %add3A_255 : i32 to index
          %get3A_257 = tpu.vector_load %arg15[%get3A_256] {strides = array<i32>} : memref<3328xi32, #tpu.memory_space<vmem>>, vector<16xi32>,
          %add3A_258 = vector.broadcast %mul3A_4 : i32 to vector<16xi32>
          %add3A_259 = arith.addi %get3A_257, %add3A_258 : vector<16xi32>
          %swap3A_260 = arith.constant 16 : index
          %swap3A_261 = tpu.vector_load %arg16[%swap3A_260] {strides = array<i32>} : memref<64xi32, #tpu.memory_space<vmem>>, vector<16xi32>,
          tpu.vector_store %arg16[%swap3A_260], %add3A_259 {strides = array<i32>} : memref<64xi32, #tpu.memory_space<vmem>>, vector<16xi32>,
          %add3A_262 = arith.constant 32 : i32
          %add3A_263 = arith.addi %add3A_215, %add3A_262 : i32
          %get3A_264 = arith.index_cast %add3A_263 : i32 to index
          %get3A_265 = tpu.vector_load %arg15[%get3A_264] {strides = array<i32>} : memref<3328xi32, #tpu.memory_space<vmem>>, vector<16xi32>,
          %add3A_266 = vector.broadcast %mul3A_4 : i32 to vector<16xi32>
          %add3A_267 = arith.addi %get3A_265, %add3A_266 : vector<16xi32>
          %swap3A_268 = arith.constant 32 : index
          %swap3A_269 = tpu.vector_load %arg16[%swap3A_268] {strides = array<i32>} : memref<64xi32, #tpu.memory_space<vmem>>, vector<16xi32>,
          tpu.vector_store %arg16[%swap3A_268], %add3A_267 {strides = array<i32>} : memref<64xi32, #tpu.memory_space<vmem>>, vector<16xi32>,
          %add3A_270 = arith.constant 48 : i32
          %add3A_271 = arith.addi %add3A_215, %add3A_270 : i32
          %get3A_272 = arith.index_cast %add3A_271 : i32 to index
          %get3A_273 = tpu.vector_load %arg15[%get3A_272] {strides = array<i32>} : memref<3328xi32, #tpu.memory_space<vmem>>, vector<16xi32>,
          %add3A_274 = vector.broadcast %mul3A_4 : i32 to vector<16xi32>
          %add3A_275 = arith.addi %get3A_273, %add3A_274 : vector<16xi32>
          %swap3A_276 = arith.constant 48 : index
          %swap3A_277 = tpu.vector_load %arg16[%swap3A_276] {strides = array<i32>} : memref<64xi32, #tpu.memory_space<vmem>>, vector<16xi32>,
          tpu.vector_store %arg16[%swap3A_276], %add3A_275 {strides = array<i32>} : memref<64xi32, #tpu.memory_space<vmem>>, vector<16xi32>,
          "tpu.region"() ({
            %run_scoped3A = tpu.sem_alloc : memref<!tpu.dma_semaphore, #tpu.memory_space<semaphore_mem>>
            %dma_start3A_284 = arith.constant 0 : i32
            %dma_start3A_285 = tpu.memref_slice %arg19[%dma_start3A_284] : memref<5120xf32, #tpu.memory_space<vmem_shared>> -> memref<5120xf32, #tpu.memory_space<vmem_shared>>
            tpu.enqueue_indirect_dma source(%arg17 : memref<64xf32, #tpu.memory_space<vmem>>) target(%dma_start3A_285 : memref<5120xf32, #tpu.memory_space<vmem_shared>>) offsets(%arg16 : memref<64xi32, #tpu.memory_space<vmem>>) semaphore(%run_scoped3A : memref<!tpu.dma_semaphore, #tpu.memory_space<semaphore_mem>>) {add = true}
            %dma_wait3A_286 = arith.constant 0 : i32
            %dma_wait3A_287 = tpu.memref_slice %arg19[%dma_wait3A_286] : memref<5120xf32, #tpu.memory_space<vmem_shared>> -> memref<5120xf32, #tpu.memory_space<vmem_shared>>
            tpu.wait_indirect_dma semaphore(%run_scoped3A : memref<!tpu.dma_semaphore, #tpu.memory_space<semaphore_mem>>) src(%arg17 : memref<64xf32, #tpu.memory_space<vmem>>) dst(%dma_wait3A_287 : memref<5120xf32, #tpu.memory_space<vmem_shared>>)
            tpu.yield
          }) : () -> ()
          %scan3A_278 = arith.constant 0 : i32
          %scan3A_279 = arith.constant 0 : i32
          %scan3A_280 = arith.constant 64 : i32
          %scan3A_281 = arith.addi %scan3A_279, %scan3A_280 : i32
          %scan3A_282 = arith.constant 1 : i32
          scf.for %scan3A_284 = %scan3A_279 to %scan3A_281 step %scan3A_282  : i32 {
            %add3A_285 = arith.addi %add3A_215, %scan3A_284 : i32
            %get3A_286 = arith.index_cast %add3A_285 : i32 to index
            %get3A_287 = tpu.vector_load %arg15[%get3A_286] {strides = array<i32>} : memref<3328xi32, #tpu.memory_space<vmem>>, vector<16xi32>,
            %slice3A = vector.extract_strided_slice %get3A_287 {offsets = [0], sizes = [1], strides = [1]} : vector<16xi32> to vector<1xi32>
            %squeeze3A = vector.extract %slice3A[0] : i32 from vector<1xi32>
            %get3A_288 = arith.index_cast %scan3A_284 : i32 to index
            %get3A_289 = arith.constant 0 : index
            %get3A_290 = tpu.vector_load %arg9[%get3A_288, %get3A_289] {strides = array<i32>} : memref<64x256xf32, #tpu.memory_space<vmem>>, vector<16xf32>,
            %swap3A_291 = arith.index_cast %squeeze3A : i32 to index
            %swap3A_292 = arith.constant 0 : index
            %swap3A_293 = tpu.vector_load %arg7[%swap3A_291, %swap3A_292] {strides = array<i32>} : memref<320x256xf32, #tpu.memory_space<vmem>>, vector<16xf32>,
            tpu.vector_store %arg7[%swap3A_291, %swap3A_292], %get3A_290 {add = true, strides = array<i32>} : memref<320x256xf32, #tpu.memory_space<vmem>>, vector<16xf32>,
            %get3A_294 = arith.index_cast %scan3A_284 : i32 to index
            %get3A_295 = arith.constant 16 : index
            %get3A_296 = tpu.vector_load %arg9[%get3A_294, %get3A_295] {strides = array<i32>} : memref<64x256xf32, #tpu.memory_space<vmem>>, vector<16xf32>,
            %swap3A_297 = arith.index_cast %squeeze3A : i32 to index
            %swap3A_298 = arith.constant 16 : index
            %swap3A_299 = tpu.vector_load %arg7[%swap3A_297, %swap3A_298] {strides = array<i32>} : memref<320x256xf32, #tpu.memory_space<vmem>>, vector<16xf32>,
            tpu.vector_store %arg7[%swap3A_297, %swap3A_298], %get3A_296 {add = true, strides = array<i32>} : memref<320x256xf32, #tpu.memory_space<vmem>>, vector<16xf32>,
            %get3A_300 = arith.index_cast %scan3A_284 : i32 to index
            %get3A_301 = arith.constant 32 : index
            %get3A_302 = tpu.vector_load %arg9[%get3A_300, %get3A_301] {strides = array<i32>} : memref<64x256xf32, #tpu.memory_space<vmem>>, vector<16xf32>,
            %swap3A_303 = arith.index_cast %squeeze3A : i32 to index
            %swap3A_304 = arith.constant 32 : index
            %swap3A_305 = tpu.vector_load %arg7[%swap3A_303, %swap3A_304] {strides = array<i32>} : memref<320x256xf32, #tpu.memory_space<vmem>>, vector<16xf32>,
            tpu.vector_store %arg7[%swap3A_303, %swap3A_304], %get3A_302 {add = true, strides = array<i32>} : memref<320x256xf32, #tpu.memory_space<vmem>>, vector<16xf32>,
            %get3A_306 = arith.index_cast %scan3A_284 : i32 to index
            %get3A_307 = arith.constant 48 : index
            %get3A_308 = tpu.vector_load %arg9[%get3A_306, %get3A_307] {strides = array<i32>} : memref<64x256xf32, #tpu.memory_space<vmem>>, vector<16xf32>,
            %swap3A_309 = arith.index_cast %squeeze3A : i32 to index
            %swap3A_310 = arith.constant 48 : index
            %swap3A_311 = tpu.vector_load %arg7[%swap3A_309, %swap3A_310] {strides = array<i32>} : memref<320x256xf32, #tpu.memory_space<vmem>>, vector<16xf32>,
            tpu.vector_store %arg7[%swap3A_309, %swap3A_310], %get3A_308 {add = true, strides = array<i32>} : memref<320x256xf32, #tpu.memory_space<vmem>>, vector<16xf32>,
            %get3A_312 = arith.index_cast %scan3A_284 : i32 to index
            %get3A_313 = arith.constant 64 : index
            %get3A_314 = tpu.vector_load %arg9[%get3A_312, %get3A_313] {strides = array<i32>} : memref<64x256xf32, #tpu.memory_space<vmem>>, vector<16xf32>,
            %swap3A_315 = arith.index_cast %squeeze3A : i32 to index
            %swap3A_316 = arith.constant 64 : index
            %swap3A_317 = tpu.vector_load %arg7[%swap3A_315, %swap3A_316] {strides = array<i32>} : memref<320x256xf32, #tpu.memory_space<vmem>>, vector<16xf32>,
            tpu.vector_store %arg7[%swap3A_315, %swap3A_316], %get3A_314 {add = true, strides = array<i32>} : memref<320x256xf32, #tpu.memory_space<vmem>>, vector<16xf32>,
            %get3A_318 = arith.index_cast %scan3A_284 : i32 to index
            %get3A_319 = arith.constant 80 : index
            %get3A_320 = tpu.vector_load %arg9[%get3A_318, %get3A_319] {strides = array<i32>} : memref<64x256xf32, #tpu.memory_space<vmem>>, vector<16xf32>,
            %swap3A_321 = arith.index_cast %squeeze3A : i32 to index
            %swap3A_322 = arith.constant 80 : index
            %swap3A_323 = tpu.vector_load %arg7[%swap3A_321, %swap3A_322] {strides = array<i32>} : memref<320x256xf32, #tpu.memory_space<vmem>>, vector<16xf32>,
            tpu.vector_store %arg7[%swap3A_321, %swap3A_322], %get3A_320 {add = true, strides = array<i32>} : memref<320x256xf32, #tpu.memory_space<vmem>>, vector<16xf32>,
            %get3A_324 = arith.index_cast %scan3A_284 : i32 to index
            %get3A_325 = arith.constant 96 : index
            %get3A_326 = tpu.vector_load %arg9[%get3A_324, %get3A_325] {strides = array<i32>} : memref<64x256xf32, #tpu.memory_space<vmem>>, vector<16xf32>,
            %swap3A_327 = arith.index_cast %squeeze3A : i32 to index
            %swap3A_328 = arith.constant 96 : index
            %swap3A_329 = tpu.vector_load %arg7[%swap3A_327, %swap3A_328] {strides = array<i32>} : memref<320x256xf32, #tpu.memory_space<vmem>>, vector<16xf32>,
            tpu.vector_store %arg7[%swap3A_327, %swap3A_328], %get3A_326 {add = true, strides = array<i32>} : memref<320x256xf32, #tpu.memory_space<vmem>>, vector<16xf32>,
            %get3A_330 = arith.index_cast %scan3A_284 : i32 to index
            %get3A_331 = arith.constant 112 : index
            %get3A_332 = tpu.vector_load %arg9[%get3A_330, %get3A_331] {strides = array<i32>} : memref<64x256xf32, #tpu.memory_space<vmem>>, vector<16xf32>,
            %swap3A_333 = arith.index_cast %squeeze3A : i32 to index
            %swap3A_334 = arith.constant 112 : index
            %swap3A_335 = tpu.vector_load %arg7[%swap3A_333, %swap3A_334] {strides = array<i32>} : memref<320x256xf32, #tpu.memory_space<vmem>>, vector<16xf32>,
            tpu.vector_store %arg7[%swap3A_333, %swap3A_334], %get3A_332 {add = true, strides = array<i32>} : memref<320x256xf32, #tpu.memory_space<vmem>>, vector<16xf32>,
            %get3A_336 = arith.index_cast %scan3A_284 : i32 to index
            %get3A_337 = arith.constant 128 : index
            %get3A_338 = tpu.vector_load %arg9[%get3A_336, %get3A_337] {strides = array<i32>} : memref<64x256xf32, #tpu.memory_space<vmem>>, vector<16xf32>,
            %swap3A_339 = arith.index_cast %squeeze3A : i32 to index
            %swap3A_340 = arith.constant 128 : index
            %swap3A_341 = tpu.vector_load %arg7[%swap3A_339, %swap3A_340] {strides = array<i32>} : memref<320x256xf32, #tpu.memory_space<vmem>>, vector<16xf32>,
            tpu.vector_store %arg7[%swap3A_339, %swap3A_340], %get3A_338 {add = true, strides = array<i32>} : memref<320x256xf32, #tpu.memory_space<vmem>>, vector<16xf32>,
            %get3A_342 = arith.index_cast %scan3A_284 : i32 to index
            %get3A_343 = arith.constant 144 : index
            %get3A_344 = tpu.vector_load %arg9[%get3A_342, %get3A_343] {strides = array<i32>} : memref<64x256xf32, #tpu.memory_space<vmem>>, vector<16xf32>,
            %swap3A_345 = arith.index_cast %squeeze3A : i32 to index
            %swap3A_346 = arith.constant 144 : index
            %swap3A_347 = tpu.vector_load %arg7[%swap3A_345, %swap3A_346] {strides = array<i32>} : memref<320x256xf32, #tpu.memory_space<vmem>>, vector<16xf32>,
            tpu.vector_store %arg7[%swap3A_345, %swap3A_346], %get3A_344 {add = true, strides = array<i32>} : memref<320x256xf32, #tpu.memory_space<vmem>>, vector<16xf32>,
            %get3A_348 = arith.index_cast %scan3A_284 : i32 to index
            %get3A_349 = arith.constant 160 : index
            %get3A_350 = tpu.vector_load %arg9[%get3A_348, %get3A_349] {strides = array<i32>} : memref<64x256xf32, #tpu.memory_space<vmem>>, vector<16xf32>,
            %swap3A_351 = arith.index_cast %squeeze3A : i32 to index
            %swap3A_352 = arith.constant 160 : index
            %swap3A_353 = tpu.vector_load %arg7[%swap3A_351, %swap3A_352] {strides = array<i32>} : memref<320x256xf32, #tpu.memory_space<vmem>>, vector<16xf32>,
            tpu.vector_store %arg7[%swap3A_351, %swap3A_352], %get3A_350 {add = true, strides = array<i32>} : memref<320x256xf32, #tpu.memory_space<vmem>>, vector<16xf32>,
            %get3A_354 = arith.index_cast %scan3A_284 : i32 to index
            %get3A_355 = arith.constant 176 : index
            %get3A_356 = tpu.vector_load %arg9[%get3A_354, %get3A_355] {strides = array<i32>} : memref<64x256xf32, #tpu.memory_space<vmem>>, vector<16xf32>,
            %swap3A_357 = arith.index_cast %squeeze3A : i32 to index
            %swap3A_358 = arith.constant 176 : index
            %swap3A_359 = tpu.vector_load %arg7[%swap3A_357, %swap3A_358] {strides = array<i32>} : memref<320x256xf32, #tpu.memory_space<vmem>>, vector<16xf32>,
            tpu.vector_store %arg7[%swap3A_357, %swap3A_358], %get3A_356 {add = true, strides = array<i32>} : memref<320x256xf32, #tpu.memory_space<vmem>>, vector<16xf32>,
            %get3A_360 = arith.index_cast %scan3A_284 : i32 to index
            %get3A_361 = arith.constant 192 : index
            %get3A_362 = tpu.vector_load %arg9[%get3A_360, %get3A_361] {strides = array<i32>} : memref<64x256xf32, #tpu.memory_space<vmem>>, vector<16xf32>,
            %swap3A_363 = arith.index_cast %squeeze3A : i32 to index
            %swap3A_364 = arith.constant 192 : index
            %swap3A_365 = tpu.vector_load %arg7[%swap3A_363, %swap3A_364] {strides = array<i32>} : memref<320x256xf32, #tpu.memory_space<vmem>>, vector<16xf32>,
            tpu.vector_store %arg7[%swap3A_363, %swap3A_364], %get3A_362 {add = true, strides = array<i32>} : memref<320x256xf32, #tpu.memory_space<vmem>>, vector<16xf32>,
            %get3A_366 = arith.index_cast %scan3A_284 : i32 to index
            %get3A_367 = arith.constant 208 : index
            %get3A_368 = tpu.vector_load %arg9[%get3A_366, %get3A_367] {strides = array<i32>} : memref<64x256xf32, #tpu.memory_space<vmem>>, vector<16xf32>,
            %swap3A_369 = arith.index_cast %squeeze3A : i32 to index
            %swap3A_370 = arith.constant 208 : index
            %swap3A_371 = tpu.vector_load %arg7[%swap3A_369, %swap3A_370] {strides = array<i32>} : memref<320x256xf32, #tpu.memory_space<vmem>>, vector<16xf32>,
            tpu.vector_store %arg7[%swap3A_369, %swap3A_370], %get3A_368 {add = true, strides = array<i32>} : memref<320x256xf32, #tpu.memory_space<vmem>>, vector<16xf32>,
            %get3A_372 = arith.index_cast %scan3A_284 : i32 to index
            %get3A_373 = arith.constant 224 : index
            %get3A_374 = tpu.vector_load %arg9[%get3A_372, %get3A_373] {strides = array<i32>} : memref<64x256xf32, #tpu.memory_space<vmem>>, vector<16xf32>,
            %swap3A_375 = arith.index_cast %squeeze3A : i32 to index
            %swap3A_376 = arith.constant 224 : index
            %swap3A_377 = tpu.vector_load %arg7[%swap3A_375, %swap3A_376] {strides = array<i32>} : memref<320x256xf32, #tpu.memory_space<vmem>>, vector<16xf32>,
            tpu.vector_store %arg7[%swap3A_375, %swap3A_376], %get3A_374 {add = true, strides = array<i32>} : memref<320x256xf32, #tpu.memory_space<vmem>>, vector<16xf32>,
            %get3A_378 = arith.index_cast %scan3A_284 : i32 to index
            %get3A_379 = arith.constant 240 : index
            %get3A_380 = tpu.vector_load %arg9[%get3A_378, %get3A_379] {strides = array<i32>} : memref<64x256xf32, #tpu.memory_space<vmem>>, vector<16xf32>,
            %swap3A_381 = arith.index_cast %squeeze3A : i32 to index
            %swap3A_382 = arith.constant 240 : index
            %swap3A_383 = tpu.vector_load %arg7[%swap3A_381, %swap3A_382] {strides = array<i32>} : memref<320x256xf32, #tpu.memory_space<vmem>>, vector<16xf32>,
            tpu.vector_store %arg7[%swap3A_381, %swap3A_382], %get3A_380 {add = true, strides = array<i32>} : memref<320x256xf32, #tpu.memory_space<vmem>>, vector<16xf32>,
          }
          %scan3A_283 = arith.constant 64 : i32
        } else {
        }
      }
      %while3A_208 = arith.constant 1 : i32
      scf.for %while3A_209 = %while3A_206 to %while3A_202 step %while3A_208  : i32 {
        %mul3A_210 = arith.constant 2 : i32
        %mul3A_211 = arith.muli %mul3A_210, %while3A_209 : i32
        %mul3A_212 = arith.constant 64 : i32
        %mul3A_213 = arith.muli %mul3A_211, %mul3A_212 : i32
        %add3A_214 = arith.constant 64 : i32
        %add3A_215 = arith.addi %mul3A_213, %add3A_214 : i32
        %dma_start3A_216 = tpu.memref_slice %arg14[%mul3A_213] : memref<3328xi32, #tpu.memory_space<vmem>> -> memref<64xi32, #tpu.memory_space<vmem>>
        %dma_start3A_217 = arith.constant 0 : i32
        %dma_start3A_218 = arith.constant 0 : i32
        %dma_start3A_219 = tpu.memref_slice %arg2[%dma_start3A_217, %dma_start3A_218] : memref<10000x256xf32, #tpu.memory_space<hbm>> -> memref<10000x256xf32, #tpu.memory_space<hbm>>
        tpu.enqueue_indirect_dma source(%dma_start3A_219 : memref<10000x256xf32, #tpu.memory_space<hbm>>) target(%arg8 : memref<64x256xf32, #tpu.memory_space<vmem>>) offsets(%dma_start3A_216 : memref<64xi32, #tpu.memory_space<vmem>>) semaphore(%arg22 : memref<!tpu.dma_semaphore, #tpu.memory_space<semaphore_mem>>)
        %dma_start3A_220 = tpu.memref_slice %arg14[%add3A_215] : memref<3328xi32, #tpu.memory_space<vmem>> -> memref<64xi32, #tpu.memory_space<vmem>>
        %dma_start3A_221 = arith.constant 0 : i32
        %dma_start3A_222 = arith.constant 0 : i32
        %dma_start3A_223 = tpu.memref_slice %arg2[%dma_start3A_221, %dma_start3A_222] : memref<10000x256xf32, #tpu.memory_space<hbm>> -> memref<10000x256xf32, #tpu.memory_space<hbm>>
        tpu.enqueue_indirect_dma source(%dma_start3A_223 : memref<10000x256xf32, #tpu.memory_space<hbm>>) target(%arg9 : memref<64x256xf32, #tpu.memory_space<vmem>>) offsets(%dma_start3A_220 : memref<64xi32, #tpu.memory_space<vmem>>) semaphore(%arg23 : memref<!tpu.dma_semaphore, #tpu.memory_space<semaphore_mem>>)
        %dma_wait3A_224 = tpu.memref_slice %arg14[%mul3A_213] : memref<3328xi32, #tpu.memory_space<vmem>> -> memref<64xi32, #tpu.memory_space<vmem>>
        %dma_wait3A_225 = arith.constant 0 : i32
        %dma_wait3A_226 = arith.constant 0 : i32
        %dma_wait3A_227 = tpu.memref_slice %arg2[%dma_wait3A_225, %dma_wait3A_226] : memref<10000x256xf32, #tpu.memory_space<hbm>> -> memref<10000x256xf32, #tpu.memory_space<hbm>>
        tpu.wait_indirect_dma semaphore(%arg22 : memref<!tpu.dma_semaphore, #tpu.memory_space<semaphore_mem>>) src(%dma_wait3A_227 : memref<10000x256xf32, #tpu.memory_space<hbm>>) dst(%arg8 : memref<64x256xf32, #tpu.memory_space<vmem>>)
        %mul3A_228 = arith.constant 2 : i32
        %mul3A_229 = arith.muli %mul3A_228, %while3A_209 : i32
        %lt3A_230 = arith.cmpi slt, %mul3A_229, %select_n3A_173 : i32
        %convert_element_type3A_231 = arith.extui %lt3A_230 : i1 to i32
        %cond3A_232 = arith.constant 0 : i32
        %cond3A_233 = arith.cmpi ne, %convert_element_type3A_231, %cond3A_232 : i32
        scf.if %cond3A_233 {
          %add3A_246 = arith.constant 0 : i32
          %add3A_247 = arith.addi %mul3A_213, %add3A_246 : i32
          %get3A_248 = arith.index_cast %add3A_247 : i32 to index
          %get3A_249 = tpu.vector_load %arg15[%get3A_248] {strides = array<i32>} : memref<3328xi32, #tpu.memory_space<vmem>>, vector<16xi32>,
          %add3A_250 = vector.broadcast %mul3A_4 : i32 to vector<16xi32>
          %add3A_251 = arith.addi %get3A_249, %add3A_250 : vector<16xi32>
          %swap3A_252 = arith.constant 0 : index
          %swap3A_253 = tpu.vector_load %arg16[%swap3A_252] {strides = array<i32>} : memref<64xi32, #tpu.memory_space<vmem>>, vector<16xi32>,
          tpu.vector_store %arg16[%swap3A_252], %add3A_251 {strides = array<i32>} : memref<64xi32, #tpu.memory_space<vmem>>, vector<16xi32>,
          %add3A_254 = arith.constant 16 : i32
          %add3A_255 = arith.addi %mul3A_213, %add3A_254 : i32
          %get3A_256 = arith.index_cast %add3A_255 : i32 to index
          %get3A_257 = tpu.vector_load %arg15[%get3A_256] {strides = array<i32>} : memref<3328xi32, #tpu.memory_space<vmem>>, vector<16xi32>,
          %add3A_258 = vector.broadcast %mul3A_4 : i32 to vector<16xi32>
          %add3A_259 = arith.addi %get3A_257, %add3A_258 : vector<16xi32>
          %swap3A_260 = arith.constant 16 : index
          %swap3A_261 = tpu.vector_load %arg16[%swap3A_260] {strides = array<i32>} : memref<64xi32, #tpu.memory_space<vmem>>, vector<16xi32>,
          tpu.vector_store %arg16[%swap3A_260], %add3A_259 {strides = array<i32>} : memref<64xi32, #tpu.memory_space<vmem>>, vector<16xi32>,
          %add3A_262 = arith.constant 32 : i32
          %add3A_263 = arith.addi %mul3A_213, %add3A_262 : i32
          %get3A_264 = arith.index_cast %add3A_263 : i32 to index
          %get3A_265 = tpu.vector_load %arg15[%get3A_264] {strides = array<i32>} : memref<3328xi32, #tpu.memory_space<vmem>>, vector<16xi32>,
          %add3A_266 = vector.broadcast %mul3A_4 : i32 to vector<16xi32>
          %add3A_267 = arith.addi %get3A_265, %add3A_266 : vector<16xi32>
          %swap3A_268 = arith.constant 32 : index
          %swap3A_269 = tpu.vector_load %arg16[%swap3A_268] {strides = array<i32>} : memref<64xi32, #tpu.memory_space<vmem>>, vector<16xi32>,
          tpu.vector_store %arg16[%swap3A_268], %add3A_267 {strides = array<i32>} : memref<64xi32, #tpu.memory_space<vmem>>, vector<16xi32>,
          %add3A_270 = arith.constant 48 : i32
          %add3A_271 = arith.addi %mul3A_213, %add3A_270 : i32
          %get3A_272 = arith.index_cast %add3A_271 : i32 to index
          %get3A_273 = tpu.vector_load %arg15[%get3A_272] {strides = array<i32>} : memref<3328xi32, #tpu.memory_space<vmem>>, vector<16xi32>,
          %add3A_274 = vector.broadcast %mul3A_4 : i32 to vector<16xi32>
          %add3A_275 = arith.addi %get3A_273, %add3A_274 : vector<16xi32>
          %swap3A_276 = arith.constant 48 : index
          %swap3A_277 = tpu.vector_load %arg16[%swap3A_276] {strides = array<i32>} : memref<64xi32, #tpu.memory_space<vmem>>, vector<16xi32>,
          tpu.vector_store %arg16[%swap3A_276], %add3A_275 {strides = array<i32>} : memref<64xi32, #tpu.memory_space<vmem>>, vector<16xi32>,
          "tpu.region"() ({
            %run_scoped3A = tpu.sem_alloc : memref<!tpu.dma_semaphore, #tpu.memory_space<semaphore_mem>>
            %dma_start3A_284 = arith.constant 0 : i32
            %dma_start3A_285 = tpu.memref_slice %arg19[%dma_start3A_284] : memref<5120xf32, #tpu.memory_space<vmem_shared>> -> memref<5120xf32, #tpu.memory_space<vmem_shared>>
            tpu.enqueue_indirect_dma source(%arg17 : memref<64xf32, #tpu.memory_space<vmem>>) target(%dma_start3A_285 : memref<5120xf32, #tpu.memory_space<vmem_shared>>) offsets(%arg16 : memref<64xi32, #tpu.memory_space<vmem>>) semaphore(%run_scoped3A : memref<!tpu.dma_semaphore, #tpu.memory_space<semaphore_mem>>) {add = true}
            %dma_wait3A_286 = arith.constant 0 : i32
            %dma_wait3A_287 = tpu.memref_slice %arg19[%dma_wait3A_286] : memref<5120xf32, #tpu.memory_space<vmem_shared>> -> memref<5120xf32, #tpu.memory_space<vmem_shared>>
            tpu.wait_indirect_dma semaphore(%run_scoped3A : memref<!tpu.dma_semaphore, #tpu.memory_space<semaphore_mem>>) src(%arg17 : memref<64xf32, #tpu.memory_space<vmem>>) dst(%dma_wait3A_287 : memref<5120xf32, #tpu.memory_space<vmem_shared>>)
            tpu.yield
          }) : () -> ()
          %scan3A_278 = arith.constant 0 : i32
          %scan3A_279 = arith.constant 0 : i32
          %scan3A_280 = arith.constant 64 : i32
          %scan3A_281 = arith.addi %scan3A_279, %scan3A_280 : i32
          %scan3A_282 = arith.constant 1 : i32
          scf.for %scan3A_284 = %scan3A_279 to %scan3A_281 step %scan3A_282  : i32 {
            %add3A_285 = arith.addi %mul3A_213, %scan3A_284 : i32
            %get3A_286 = arith.index_cast %add3A_285 : i32 to index
            %get3A_287 = tpu.vector_load %arg15[%get3A_286] {strides = array<i32>} : memref<3328xi32, #tpu.memory_space<vmem>>, vector<16xi32>,
            %slice3A = vector.extract_strided_slice %get3A_287 {offsets = [0], sizes = [1], strides = [1]} : vector<16xi32> to vector<1xi32>
            %squeeze3A = vector.extract %slice3A[0] : i32 from vector<1xi32>
            %get3A_288 = arith.index_cast %scan3A_284 : i32 to index
            %get3A_289 = arith.constant 0 : index
            %get3A_290 = tpu.vector_load %arg8[%get3A_288, %get3A_289] {strides = array<i32>} : memref<64x256xf32, #tpu.memory_space<vmem>>, vector<16xf32>,
            %swap3A_291 = arith.index_cast %squeeze3A : i32 to index
            %swap3A_292 = arith.constant 0 : index
            %swap3A_293 = tpu.vector_load %arg7[%swap3A_291, %swap3A_292] {strides = array<i32>} : memref<320x256xf32, #tpu.memory_space<vmem>>, vector<16xf32>,
            tpu.vector_store %arg7[%swap3A_291, %swap3A_292], %get3A_290 {add = true, strides = array<i32>} : memref<320x256xf32, #tpu.memory_space<vmem>>, vector<16xf32>,
            %get3A_294 = arith.index_cast %scan3A_284 : i32 to index
            %get3A_295 = arith.constant 16 : index
            %get3A_296 = tpu.vector_load %arg8[%get3A_294, %get3A_295] {strides = array<i32>} : memref<64x256xf32, #tpu.memory_space<vmem>>, vector<16xf32>,
            %swap3A_297 = arith.index_cast %squeeze3A : i32 to index
            %swap3A_298 = arith.constant 16 : index
            %swap3A_299 = tpu.vector_load %arg7[%swap3A_297, %swap3A_298] {strides = array<i32>} : memref<320x256xf32, #tpu.memory_space<vmem>>, vector<16xf32>,
            tpu.vector_store %arg7[%swap3A_297, %swap3A_298], %get3A_296 {add = true, strides = array<i32>} : memref<320x256xf32, #tpu.memory_space<vmem>>, vector<16xf32>,
            %get3A_300 = arith.index_cast %scan3A_284 : i32 to index
            %get3A_301 = arith.constant 32 : index
            %get3A_302 = tpu.vector_load %arg8[%get3A_300, %get3A_301] {strides = array<i32>} : memref<64x256xf32, #tpu.memory_space<vmem>>, vector<16xf32>,
            %swap3A_303 = arith.index_cast %squeeze3A : i32 to index
            %swap3A_304 = arith.constant 32 : index
            %swap3A_305 = tpu.vector_load %arg7[%swap3A_303, %swap3A_304] {strides = array<i32>} : memref<320x256xf32, #tpu.memory_space<vmem>>, vector<16xf32>,
            tpu.vector_store %arg7[%swap3A_303, %swap3A_304], %get3A_302 {add = true, strides = array<i32>} : memref<320x256xf32, #tpu.memory_space<vmem>>, vector<16xf32>,
            %get3A_306 = arith.index_cast %scan3A_284 : i32 to index
            %get3A_307 = arith.constant 48 : index
            %get3A_308 = tpu.vector_load %arg8[%get3A_306, %get3A_307] {strides = array<i32>} : memref<64x256xf32, #tpu.memory_space<vmem>>, vector<16xf32>,
            %swap3A_309 = arith.index_cast %squeeze3A : i32 to index
            %swap3A_310 = arith.constant 48 : index
            %swap3A_311 = tpu.vector_load %arg7[%swap3A_309, %swap3A_310] {strides = array<i32>} : memref<320x256xf32, #tpu.memory_space<vmem>>, vector<16xf32>,
            tpu.vector_store %arg7[%swap3A_309, %swap3A_310], %get3A_308 {add = true, strides = array<i32>} : memref<320x256xf32, #tpu.memory_space<vmem>>, vector<16xf32>,
            %get3A_312 = arith.index_cast %scan3A_284 : i32 to index
            %get3A_313 = arith.constant 64 : index
            %get3A_314 = tpu.vector_load %arg8[%get3A_312, %get3A_313] {strides = array<i32>} : memref<64x256xf32, #tpu.memory_space<vmem>>, vector<16xf32>,
            %swap3A_315 = arith.index_cast %squeeze3A : i32 to index
            %swap3A_316 = arith.constant 64 : index
            %swap3A_317 = tpu.vector_load %arg7[%swap3A_315, %swap3A_316] {strides = array<i32>} : memref<320x256xf32, #tpu.memory_space<vmem>>, vector<16xf32>,
            tpu.vector_store %arg7[%swap3A_315, %swap3A_316], %get3A_314 {add = true, strides = array<i32>} : memref<320x256xf32, #tpu.memory_space<vmem>>, vector<16xf32>,
            %get3A_318 = arith.index_cast %scan3A_284 : i32 to index
            %get3A_319 = arith.constant 80 : index
            %get3A_320 = tpu.vector_load %arg8[%get3A_318, %get3A_319] {strides = array<i32>} : memref<64x256xf32, #tpu.memory_space<vmem>>, vector<16xf32>,
            %swap3A_321 = arith.index_cast %squeeze3A : i32 to index
            %swap3A_322 = arith.constant 80 : index
            %swap3A_323 = tpu.vector_load %arg7[%swap3A_321, %swap3A_322] {strides = array<i32>} : memref<320x256xf32, #tpu.memory_space<vmem>>, vector<16xf32>,
            tpu.vector_store %arg7[%swap3A_321, %swap3A_322], %get3A_320 {add = true, strides = array<i32>} : memref<320x256xf32, #tpu.memory_space<vmem>>, vector<16xf32>,
            %get3A_324 = arith.index_cast %scan3A_284 : i32 to index
            %get3A_325 = arith.constant 96 : index
            %get3A_326 = tpu.vector_load %arg8[%get3A_324, %get3A_325] {strides = array<i32>} : memref<64x256xf32, #tpu.memory_space<vmem>>, vector<16xf32>,
            %swap3A_327 = arith.index_cast %squeeze3A : i32 to index
            %swap3A_328 = arith.constant 96 : index
            %swap3A_329 = tpu.vector_load %arg7[%swap3A_327, %swap3A_328] {strides = array<i32>} : memref<320x256xf32, #tpu.memory_space<vmem>>, vector<16xf32>,
            tpu.vector_store %arg7[%swap3A_327, %swap3A_328], %get3A_326 {add = true, strides = array<i32>} : memref<320x256xf32, #tpu.memory_space<vmem>>, vector<16xf32>,
            %get3A_330 = arith.index_cast %scan3A_284 : i32 to index
            %get3A_331 = arith.constant 112 : index
            %get3A_332 = tpu.vector_load %arg8[%get3A_330, %get3A_331] {strides = array<i32>} : memref<64x256xf32, #tpu.memory_space<vmem>>, vector<16xf32>,
            %swap3A_333 = arith.index_cast %squeeze3A : i32 to index
            %swap3A_334 = arith.constant 112 : index
            %swap3A_335 = tpu.vector_load %arg7[%swap3A_333, %swap3A_334] {strides = array<i32>} : memref<320x256xf32, #tpu.memory_space<vmem>>, vector<16xf32>,
            tpu.vector_store %arg7[%swap3A_333, %swap3A_334], %get3A_332 {add = true, strides = array<i32>} : memref<320x256xf32, #tpu.memory_space<vmem>>, vector<16xf32>,
            %get3A_336 = arith.index_cast %scan3A_284 : i32 to index
            %get3A_337 = arith.constant 128 : index
            %get3A_338 = tpu.vector_load %arg8[%get3A_336, %get3A_337] {strides = array<i32>} : memref<64x256xf32, #tpu.memory_space<vmem>>, vector<16xf32>,
            %swap3A_339 = arith.index_cast %squeeze3A : i32 to index
            %swap3A_340 = arith.constant 128 : index
            %swap3A_341 = tpu.vector_load %arg7[%swap3A_339, %swap3A_340] {strides = array<i32>} : memref<320x256xf32, #tpu.memory_space<vmem>>, vector<16xf32>,
            tpu.vector_store %arg7[%swap3A_339, %swap3A_340], %get3A_338 {add = true, strides = array<i32>} : memref<320x256xf32, #tpu.memory_space<vmem>>, vector<16xf32>,
            %get3A_342 = arith.index_cast %scan3A_284 : i32 to index
            %get3A_343 = arith.constant 144 : index
            %get3A_344 = tpu.vector_load %arg8[%get3A_342, %get3A_343] {strides = array<i32>} : memref<64x256xf32, #tpu.memory_space<vmem>>, vector<16xf32>,
            %swap3A_345 = arith.index_cast %squeeze3A : i32 to index
            %swap3A_346 = arith.constant 144 : index
            %swap3A_347 = tpu.vector_load %arg7[%swap3A_345, %swap3A_346] {strides = array<i32>} : memref<320x256xf32, #tpu.memory_space<vmem>>, vector<16xf32>,
            tpu.vector_store %arg7[%swap3A_345, %swap3A_346], %get3A_344 {add = true, strides = array<i32>} : memref<320x256xf32, #tpu.memory_space<vmem>>, vector<16xf32>,
            %get3A_348 = arith.index_cast %scan3A_284 : i32 to index
            %get3A_349 = arith.constant 160 : index
            %get3A_350 = tpu.vector_load %arg8[%get3A_348, %get3A_349] {strides = array<i32>} : memref<64x256xf32, #tpu.memory_space<vmem>>, vector<16xf32>,
            %swap3A_351 = arith.index_cast %squeeze3A : i32 to index
            %swap3A_352 = arith.constant 160 : index
            %swap3A_353 = tpu.vector_load %arg7[%swap3A_351, %swap3A_352] {strides = array<i32>} : memref<320x256xf32, #tpu.memory_space<vmem>>, vector<16xf32>,
            tpu.vector_store %arg7[%swap3A_351, %swap3A_352], %get3A_350 {add = true, strides = array<i32>} : memref<320x256xf32, #tpu.memory_space<vmem>>, vector<16xf32>,
            %get3A_354 = arith.index_cast %scan3A_284 : i32 to index
            %get3A_355 = arith.constant 176 : index
            %get3A_356 = tpu.vector_load %arg8[%get3A_354, %get3A_355] {strides = array<i32>} : memref<64x256xf32, #tpu.memory_space<vmem>>, vector<16xf32>,
            %swap3A_357 = arith.index_cast %squeeze3A : i32 to index
            %swap3A_358 = arith.constant 176 : index
            %swap3A_359 = tpu.vector_load %arg7[%swap3A_357, %swap3A_358] {strides = array<i32>} : memref<320x256xf32, #tpu.memory_space<vmem>>, vector<16xf32>,
            tpu.vector_store %arg7[%swap3A_357, %swap3A_358], %get3A_356 {add = true, strides = array<i32>} : memref<320x256xf32, #tpu.memory_space<vmem>>, vector<16xf32>,
            %get3A_360 = arith.index_cast %scan3A_284 : i32 to index
            %get3A_361 = arith.constant 192 : index
            %get3A_362 = tpu.vector_load %arg8[%get3A_360, %get3A_361] {strides = array<i32>} : memref<64x256xf32, #tpu.memory_space<vmem>>, vector<16xf32>,
            %swap3A_363 = arith.index_cast %squeeze3A : i32 to index
            %swap3A_364 = arith.constant 192 : index
            %swap3A_365 = tpu.vector_load %arg7[%swap3A_363, %swap3A_364] {strides = array<i32>} : memref<320x256xf32, #tpu.memory_space<vmem>>, vector<16xf32>,
            tpu.vector_store %arg7[%swap3A_363, %swap3A_364], %get3A_362 {add = true, strides = array<i32>} : memref<320x256xf32, #tpu.memory_space<vmem>>, vector<16xf32>,
            %get3A_366 = arith.index_cast %scan3A_284 : i32 to index
            %get3A_367 = arith.constant 208 : index
            %get3A_368 = tpu.vector_load %arg8[%get3A_366, %get3A_367] {strides = array<i32>} : memref<64x256xf32, #tpu.memory_space<vmem>>, vector<16xf32>,
            %swap3A_369 = arith.index_cast %squeeze3A : i32 to index
            %swap3A_370 = arith.constant 208 : index
            %swap3A_371 = tpu.vector_load %arg7[%swap3A_369, %swap3A_370] {strides = array<i32>} : memref<320x256xf32, #tpu.memory_space<vmem>>, vector<16xf32>,
            tpu.vector_store %arg7[%swap3A_369, %swap3A_370], %get3A_368 {add = true, strides = array<i32>} : memref<320x256xf32, #tpu.memory_space<vmem>>, vector<16xf32>,
            %get3A_372 = arith.index_cast %scan3A_284 : i32 to index
            %get3A_373 = arith.constant 224 : index
            %get3A_374 = tpu.vector_load %arg8[%get3A_372, %get3A_373] {strides = array<i32>} : memref<64x256xf32, #tpu.memory_space<vmem>>, vector<16xf32>,
            %swap3A_375 = arith.index_cast %squeeze3A : i32 to index
            %swap3A_376 = arith.constant 224 : index
            %swap3A_377 = tpu.vector_load %arg7[%swap3A_375, %swap3A_376] {strides = array<i32>} : memref<320x256xf32, #tpu.memory_space<vmem>>, vector<16xf32>,
            tpu.vector_store %arg7[%swap3A_375, %swap3A_376], %get3A_374 {add = true, strides = array<i32>} : memref<320x256xf32, #tpu.memory_space<vmem>>, vector<16xf32>,
            %get3A_378 = arith.index_cast %scan3A_284 : i32 to index
            %get3A_379 = arith.constant 240 : index
            %get3A_380 = tpu.vector_load %arg8[%get3A_378, %get3A_379] {strides = array<i32>} : memref<64x256xf32, #tpu.memory_space<vmem>>, vector<16xf32>,
            %swap3A_381 = arith.index_cast %squeeze3A : i32 to index
            %swap3A_382 = arith.constant 240 : index
            %swap3A_383 = tpu.vector_load %arg7[%swap3A_381, %swap3A_382] {strides = array<i32>} : memref<320x256xf32, #tpu.memory_space<vmem>>, vector<16xf32>,
            tpu.vector_store %arg7[%swap3A_381, %swap3A_382], %get3A_380 {add = true, strides = array<i32>} : memref<320x256xf32, #tpu.memory_space<vmem>>, vector<16xf32>,
          }
          %scan3A_283 = arith.constant 64 : i32
        } else {
        }
        %dma_wait3A_234 = tpu.memref_slice %arg14[%add3A_215] : memref<3328xi32, #tpu.memory_space<vmem>> -> memref<64xi32, #tpu.memory_space<vmem>>
        %dma_wait3A_235 = arith.constant 0 : i32
        %dma_wait3A_236 = arith.constant 0 : i32
        %dma_wait3A_237 = tpu.memref_slice %arg2[%dma_wait3A_235, %dma_wait3A_236] : memref<10000x256xf32, #tpu.memory_space<hbm>> -> memref<10000x256xf32, #tpu.memory_space<hbm>>
        tpu.wait_indirect_dma semaphore(%arg23 : memref<!tpu.dma_semaphore, #tpu.memory_space<semaphore_mem>>) src(%dma_wait3A_237 : memref<10000x256xf32, #tpu.memory_space<hbm>>) dst(%arg9 : memref<64x256xf32, #tpu.memory_space<vmem>>)
        %mul3A_238 = arith.constant 2 : i32
        %mul3A_239 = arith.muli %mul3A_238, %while3A_209 : i32
        %add3A_240 = arith.constant 1 : i32
        %add3A_241 = arith.addi %mul3A_239, %add3A_240 : i32
        %lt3A_242 = arith.cmpi slt, %add3A_241, %select_n3A_173 : i32
        %convert_element_type3A_243 = arith.extui %lt3A_242 : i1 to i32
        %cond3A_244 = arith.constant 0 : i32
        %cond3A_245 = arith.cmpi ne, %convert_element_type3A_243, %cond3A_244 : i32
        scf.if %cond3A_245 {
          %add3A_246 = arith.constant 0 : i32
          %add3A_247 = arith.addi %add3A_215, %add3A_246 : i32
          %get3A_248 = arith.index_cast %add3A_247 : i32 to index
          %get3A_249 = tpu.vector_load %arg15[%get3A_248] {strides = array<i32>} : memref<3328xi32, #tpu.memory_space<vmem>>, vector<16xi32>,
          %add3A_250 = vector.broadcast %mul3A_4 : i32 to vector<16xi32>
          %add3A_251 = arith.addi %get3A_249, %add3A_250 : vector<16xi32>
          %swap3A_252 = arith.constant 0 : index
          %swap3A_253 = tpu.vector_load %arg16[%swap3A_252] {strides = array<i32>} : memref<64xi32, #tpu.memory_space<vmem>>, vector<16xi32>,
          tpu.vector_store %arg16[%swap3A_252], %add3A_251 {strides = array<i32>} : memref<64xi32, #tpu.memory_space<vmem>>, vector<16xi32>,
          %add3A_254 = arith.constant 16 : i32
          %add3A_255 = arith.addi %add3A_215, %add3A_254 : i32
          %get3A_256 = arith.index_cast %add3A_255 : i32 to index
          %get3A_257 = tpu.vector_load %arg15[%get3A_256] {strides = array<i32>} : memref<3328xi32, #tpu.memory_space<vmem>>, vector<16xi32>,
          %add3A_258 = vector.broadcast %mul3A_4 : i32 to vector<16xi32>
          %add3A_259 = arith.addi %get3A_257, %add3A_258 : vector<16xi32>
          %swap3A_260 = arith.constant 16 : index
          %swap3A_261 = tpu.vector_load %arg16[%swap3A_260] {strides = array<i32>} : memref<64xi32, #tpu.memory_space<vmem>>, vector<16xi32>,
          tpu.vector_store %arg16[%swap3A_260], %add3A_259 {strides = array<i32>} : memref<64xi32, #tpu.memory_space<vmem>>, vector<16xi32>,
          %add3A_262 = arith.constant 32 : i32
          %add3A_263 = arith.addi %add3A_215, %add3A_262 : i32
          %get3A_264 = arith.index_cast %add3A_263 : i32 to index
          %get3A_265 = tpu.vector_load %arg15[%get3A_264] {strides = array<i32>} : memref<3328xi32, #tpu.memory_space<vmem>>, vector<16xi32>,
          %add3A_266 = vector.broadcast %mul3A_4 : i32 to vector<16xi32>
          %add3A_267 = arith.addi %get3A_265, %add3A_266 : vector<16xi32>
          %swap3A_268 = arith.constant 32 : index
          %swap3A_269 = tpu.vector_load %arg16[%swap3A_268] {strides = array<i32>} : memref<64xi32, #tpu.memory_space<vmem>>, vector<16xi32>,
          tpu.vector_store %arg16[%swap3A_268], %add3A_267 {strides = array<i32>} : memref<64xi32, #tpu.memory_space<vmem>>, vector<16xi32>,
          %add3A_270 = arith.constant 48 : i32
          %add3A_271 = arith.addi %add3A_215, %add3A_270 : i32
          %get3A_272 = arith.index_cast %add3A_271 : i32 to index
          %get3A_273 = tpu.vector_load %arg15[%get3A_272] {strides = array<i32>} : memref<3328xi32, #tpu.memory_space<vmem>>, vector<16xi32>,
          %add3A_274 = vector.broadcast %mul3A_4 : i32 to vector<16xi32>
          %add3A_275 = arith.addi %get3A_273, %add3A_274 : vector<16xi32>
          %swap3A_276 = arith.constant 48 : index
          %swap3A_277 = tpu.vector_load %arg16[%swap3A_276] {strides = array<i32>} : memref<64xi32, #tpu.memory_space<vmem>>, vector<16xi32>,
          tpu.vector_store %arg16[%swap3A_276], %add3A_275 {strides = array<i32>} : memref<64xi32, #tpu.memory_space<vmem>>, vector<16xi32>,
          "tpu.region"() ({
            %run_scoped3A = tpu.sem_alloc : memref<!tpu.dma_semaphore, #tpu.memory_space<semaphore_mem>>
            %dma_start3A_284 = arith.constant 0 : i32
            %dma_start3A_285 = tpu.memref_slice %arg19[%dma_start3A_284] : memref<5120xf32, #tpu.memory_space<vmem_shared>> -> memref<5120xf32, #tpu.memory_space<vmem_shared>>
            tpu.enqueue_indirect_dma source(%arg17 : memref<64xf32, #tpu.memory_space<vmem>>) target(%dma_start3A_285 : memref<5120xf32, #tpu.memory_space<vmem_shared>>) offsets(%arg16 : memref<64xi32, #tpu.memory_space<vmem>>) semaphore(%run_scoped3A : memref<!tpu.dma_semaphore, #tpu.memory_space<semaphore_mem>>) {add = true}
            %dma_wait3A_286 = arith.constant 0 : i32
            %dma_wait3A_287 = tpu.memref_slice %arg19[%dma_wait3A_286] : memref<5120xf32, #tpu.memory_space<vmem_shared>> -> memref<5120xf32, #tpu.memory_space<vmem_shared>>
            tpu.wait_indirect_dma semaphore(%run_scoped3A : memref<!tpu.dma_semaphore, #tpu.memory_space<semaphore_mem>>) src(%arg17 : memref<64xf32, #tpu.memory_space<vmem>>) dst(%dma_wait3A_287 : memref<5120xf32, #tpu.memory_space<vmem_shared>>)
            tpu.yield
          }) : () -> ()
          %scan3A_278 = arith.constant 0 : i32
          %scan3A_279 = arith.constant 0 : i32
          %scan3A_280 = arith.constant 64 : i32
          %scan3A_281 = arith.addi %scan3A_279, %scan3A_280 : i32
          %scan3A_282 = arith.constant 1 : i32
          scf.for %scan3A_284 = %scan3A_279 to %scan3A_281 step %scan3A_282  : i32 {
            %add3A_285 = arith.addi %add3A_215, %scan3A_284 : i32
            %get3A_286 = arith.index_cast %add3A_285 : i32 to index
            %get3A_287 = tpu.vector_load %arg15[%get3A_286] {strides = array<i32>} : memref<3328xi32, #tpu.memory_space<vmem>>, vector<16xi32>,
            %slice3A = vector.extract_strided_slice %get3A_287 {offsets = [0], sizes = [1], strides = [1]} : vector<16xi32> to vector<1xi32>
            %squeeze3A = vector.extract %slice3A[0] : i32 from vector<1xi32>
            %get3A_288 = arith.index_cast %scan3A_284 : i32 to index
            %get3A_289 = arith.constant 0 : index
            %get3A_290 = tpu.vector_load %arg9[%get3A_288, %get3A_289] {strides = array<i32>} : memref<64x256xf32, #tpu.memory_space<vmem>>, vector<16xf32>,
            %swap3A_291 = arith.index_cast %squeeze3A : i32 to index
            %swap3A_292 = arith.constant 0 : index
            %swap3A_293 = tpu.vector_load %arg7[%swap3A_291, %swap3A_292] {strides = array<i32>} : memref<320x256xf32, #tpu.memory_space<vmem>>, vector<16xf32>,
            tpu.vector_store %arg7[%swap3A_291, %swap3A_292], %get3A_290 {add = true, strides = array<i32>} : memref<320x256xf32, #tpu.memory_space<vmem>>, vector<16xf32>,
            %get3A_294 = arith.index_cast %scan3A_284 : i32 to index
            %get3A_295 = arith.constant 16 : index
            %get3A_296 = tpu.vector_load %arg9[%get3A_294, %get3A_295] {strides = array<i32>} : memref<64x256xf32, #tpu.memory_space<vmem>>, vector<16xf32>,
            %swap3A_297 = arith.index_cast %squeeze3A : i32 to index
            %swap3A_298 = arith.constant 16 : index
            %swap3A_299 = tpu.vector_load %arg7[%swap3A_297, %swap3A_298] {strides = array<i32>} : memref<320x256xf32, #tpu.memory_space<vmem>>, vector<16xf32>,
            tpu.vector_store %arg7[%swap3A_297, %swap3A_298], %get3A_296 {add = true, strides = array<i32>} : memref<320x256xf32, #tpu.memory_space<vmem>>, vector<16xf32>,
            %get3A_300 = arith.index_cast %scan3A_284 : i32 to index
            %get3A_301 = arith.constant 32 : index
            %get3A_302 = tpu.vector_load %arg9[%get3A_300, %get3A_301] {strides = array<i32>} : memref<64x256xf32, #tpu.memory_space<vmem>>, vector<16xf32>,
            %swap3A_303 = arith.index_cast %squeeze3A : i32 to index
            %swap3A_304 = arith.constant 32 : index
            %swap3A_305 = tpu.vector_load %arg7[%swap3A_303, %swap3A_304] {strides = array<i32>} : memref<320x256xf32, #tpu.memory_space<vmem>>, vector<16xf32>,
            tpu.vector_store %arg7[%swap3A_303, %swap3A_304], %get3A_302 {add = true, strides = array<i32>} : memref<320x256xf32, #tpu.memory_space<vmem>>, vector<16xf32>,
            %get3A_306 = arith.index_cast %scan3A_284 : i32 to index
            %get3A_307 = arith.constant 48 : index
            %get3A_308 = tpu.vector_load %arg9[%get3A_306, %get3A_307] {strides = array<i32>} : memref<64x256xf32, #tpu.memory_space<vmem>>, vector<16xf32>,
            %swap3A_309 = arith.index_cast %squeeze3A : i32 to index
            %swap3A_310 = arith.constant 48 : index
            %swap3A_311 = tpu.vector_load %arg7[%swap3A_309, %swap3A_310] {strides = array<i32>} : memref<320x256xf32, #tpu.memory_space<vmem>>, vector<16xf32>,
            tpu.vector_store %arg7[%swap3A_309, %swap3A_310], %get3A_308 {add = true, strides = array<i32>} : memref<320x256xf32, #tpu.memory_space<vmem>>, vector<16xf32>,
            %get3A_312 = arith.index_cast %scan3A_284 : i32 to index
            %get3A_313 = arith.constant 64 : index
            %get3A_314 = tpu.vector_load %arg9[%get3A_312, %get3A_313] {strides = array<i32>} : memref<64x256xf32, #tpu.memory_space<vmem>>, vector<16xf32>,
            %swap3A_315 = arith.index_cast %squeeze3A : i32 to index
            %swap3A_316 = arith.constant 64 : index
            %swap3A_317 = tpu.vector_load %arg7[%swap3A_315, %swap3A_316] {strides = array<i32>} : memref<320x256xf32, #tpu.memory_space<vmem>>, vector<16xf32>,
            tpu.vector_store %arg7[%swap3A_315, %swap3A_316], %get3A_314 {add = true, strides = array<i32>} : memref<320x256xf32, #tpu.memory_space<vmem>>, vector<16xf32>,
            %get3A_318 = arith.index_cast %scan3A_284 : i32 to index
            %get3A_319 = arith.constant 80 : index
            %get3A_320 = tpu.vector_load %arg9[%get3A_318, %get3A_319] {strides = array<i32>} : memref<64x256xf32, #tpu.memory_space<vmem>>, vector<16xf32>,
            %swap3A_321 = arith.index_cast %squeeze3A : i32 to index
            %swap3A_322 = arith.constant 80 : index
            %swap3A_323 = tpu.vector_load %arg7[%swap3A_321, %swap3A_322] {strides = array<i32>} : memref<320x256xf32, #tpu.memory_space<vmem>>, vector<16xf32>,
            tpu.vector_store %arg7[%swap3A_321, %swap3A_322], %get3A_320 {add = true, strides = array<i32>} : memref<320x256xf32, #tpu.memory_space<vmem>>, vector<16xf32>,
            %get3A_324 = arith.index_cast %scan3A_284 : i32 to index
            %get3A_325 = arith.constant 96 : index
            %get3A_326 = tpu.vector_load %arg9[%get3A_324, %get3A_325] {strides = array<i32>} : memref<64x256xf32, #tpu.memory_space<vmem>>, vector<16xf32>,
            %swap3A_327 = arith.index_cast %squeeze3A : i32 to index
            %swap3A_328 = arith.constant 96 : index
            %swap3A_329 = tpu.vector_load %arg7[%swap3A_327, %swap3A_328] {strides = array<i32>} : memref<320x256xf32, #tpu.memory_space<vmem>>, vector<16xf32>,
            tpu.vector_store %arg7[%swap3A_327, %swap3A_328], %get3A_326 {add = true, strides = array<i32>} : memref<320x256xf32, #tpu.memory_space<vmem>>, vector<16xf32>,
            %get3A_330 = arith.index_cast %scan3A_284 : i32 to index
            %get3A_331 = arith.constant 112 : index
            %get3A_332 = tpu.vector_load %arg9[%get3A_330, %get3A_331] {strides = array<i32>} : memref<64x256xf32, #tpu.memory_space<vmem>>, vector<16xf32>,
            %swap3A_333 = arith.index_cast %squeeze3A : i32 to index
            %swap3A_334 = arith.constant 112 : index
            %swap3A_335 = tpu.vector_load %arg7[%swap3A_333, %swap3A_334] {strides = array<i32>} : memref<320x256xf32, #tpu.memory_space<vmem>>, vector<16xf32>,
            tpu.vector_store %arg7[%swap3A_333, %swap3A_334], %get3A_332 {add = true, strides = array<i32>} : memref<320x256xf32, #tpu.memory_space<vmem>>, vector<16xf32>,
            %get3A_336 = arith.index_cast %scan3A_284 : i32 to index
            %get3A_337 = arith.constant 128 : index
            %get3A_338 = tpu.vector_load %arg9[%get3A_336, %get3A_337] {strides = array<i32>} : memref<64x256xf32, #tpu.memory_space<vmem>>, vector<16xf32>,
            %swap3A_339 = arith.index_cast %squeeze3A : i32 to index
            %swap3A_340 = arith.constant 128 : index
            %swap3A_341 = tpu.vector_load %arg7[%swap3A_339, %swap3A_340] {strides = array<i32>} : memref<320x256xf32, #tpu.memory_space<vmem>>, vector<16xf32>,
            tpu.vector_store %arg7[%swap3A_339, %swap3A_340], %get3A_338 {add = true, strides = array<i32>} : memref<320x256xf32, #tpu.memory_space<vmem>>, vector<16xf32>,
            %get3A_342 = arith.index_cast %scan3A_284 : i32 to index
            %get3A_343 = arith.constant 144 : index
            %get3A_344 = tpu.vector_load %arg9[%get3A_342, %get3A_343] {strides = array<i32>} : memref<64x256xf32, #tpu.memory_space<vmem>>, vector<16xf32>,
            %swap3A_345 = arith.index_cast %squeeze3A : i32 to index
            %swap3A_346 = arith.constant 144 : index
            %swap3A_347 = tpu.vector_load %arg7[%swap3A_345, %swap3A_346] {strides = array<i32>} : memref<320x256xf32, #tpu.memory_space<vmem>>, vector<16xf32>,
            tpu.vector_store %arg7[%swap3A_345, %swap3A_346], %get3A_344 {add = true, strides = array<i32>} : memref<320x256xf32, #tpu.memory_space<vmem>>, vector<16xf32>,
            %get3A_348 = arith.index_cast %scan3A_284 : i32 to index
            %get3A_349 = arith.constant 160 : index
            %get3A_350 = tpu.vector_load %arg9[%get3A_348, %get3A_349] {strides = array<i32>} : memref<64x256xf32, #tpu.memory_space<vmem>>, vector<16xf32>,
            %swap3A_351 = arith.index_cast %squeeze3A : i32 to index
            %swap3A_352 = arith.constant 160 : index
            %swap3A_353 = tpu.vector_load %arg7[%swap3A_351, %swap3A_352] {strides = array<i32>} : memref<320x256xf32, #tpu.memory_space<vmem>>, vector<16xf32>,
            tpu.vector_store %arg7[%swap3A_351, %swap3A_352], %get3A_350 {add = true, strides = array<i32>} : memref<320x256xf32, #tpu.memory_space<vmem>>, vector<16xf32>,
            %get3A_354 = arith.index_cast %scan3A_284 : i32 to index
            %get3A_355 = arith.constant 176 : index
            %get3A_356 = tpu.vector_load %arg9[%get3A_354, %get3A_355] {strides = array<i32>} : memref<64x256xf32, #tpu.memory_space<vmem>>, vector<16xf32>,
            %swap3A_357 = arith.index_cast %squeeze3A : i32 to index
            %swap3A_358 = arith.constant 176 : index
            %swap3A_359 = tpu.vector_load %arg7[%swap3A_357, %swap3A_358] {strides = array<i32>} : memref<320x256xf32, #tpu.memory_space<vmem>>, vector<16xf32>,
            tpu.vector_store %arg7[%swap3A_357, %swap3A_358], %get3A_356 {add = true, strides = array<i32>} : memref<320x256xf32, #tpu.memory_space<vmem>>, vector<16xf32>,
            %get3A_360 = arith.index_cast %scan3A_284 : i32 to index
            %get3A_361 = arith.constant 192 : index
            %get3A_362 = tpu.vector_load %arg9[%get3A_360, %get3A_361] {strides = array<i32>} : memref<64x256xf32, #tpu.memory_space<vmem>>, vector<16xf32>,
            %swap3A_363 = arith.index_cast %squeeze3A : i32 to index
            %swap3A_364 = arith.constant 192 : index
            %swap3A_365 = tpu.vector_load %arg7[%swap3A_363, %swap3A_364] {strides = array<i32>} : memref<320x256xf32, #tpu.memory_space<vmem>>, vector<16xf32>,
            tpu.vector_store %arg7[%swap3A_363, %swap3A_364], %get3A_362 {add = true, strides = array<i32>} : memref<320x256xf32, #tpu.memory_space<vmem>>, vector<16xf32>,
            %get3A_366 = arith.index_cast %scan3A_284 : i32 to index
            %get3A_367 = arith.constant 208 : index
            %get3A_368 = tpu.vector_load %arg9[%get3A_366, %get3A_367] {strides = array<i32>} : memref<64x256xf32, #tpu.memory_space<vmem>>, vector<16xf32>,
            %swap3A_369 = arith.index_cast %squeeze3A : i32 to index
            %swap3A_370 = arith.constant 208 : index
            %swap3A_371 = tpu.vector_load %arg7[%swap3A_369, %swap3A_370] {strides = array<i32>} : memref<320x256xf32, #tpu.memory_space<vmem>>, vector<16xf32>,
            tpu.vector_store %arg7[%swap3A_369, %swap3A_370], %get3A_368 {add = true, strides = array<i32>} : memref<320x256xf32, #tpu.memory_space<vmem>>, vector<16xf32>,
            %get3A_372 = arith.index_cast %scan3A_284 : i32 to index
            %get3A_373 = arith.constant 224 : index
            %get3A_374 = tpu.vector_load %arg9[%get3A_372, %get3A_373] {strides = array<i32>} : memref<64x256xf32, #tpu.memory_space<vmem>>, vector<16xf32>,
            %swap3A_375 = arith.index_cast %squeeze3A : i32 to index
            %swap3A_376 = arith.constant 224 : index
            %swap3A_377 = tpu.vector_load %arg7[%swap3A_375, %swap3A_376] {strides = array<i32>} : memref<320x256xf32, #tpu.memory_space<vmem>>, vector<16xf32>,
            tpu.vector_store %arg7[%swap3A_375, %swap3A_376], %get3A_374 {add = true, strides = array<i32>} : memref<320x256xf32, #tpu.memory_space<vmem>>, vector<16xf32>,
            %get3A_378 = arith.index_cast %scan3A_284 : i32 to index
            %get3A_379 = arith.constant 240 : index
            %get3A_380 = tpu.vector_load %arg9[%get3A_378, %get3A_379] {strides = array<i32>} : memref<64x256xf32, #tpu.memory_space<vmem>>, vector<16xf32>,
            %swap3A_381 = arith.index_cast %squeeze3A : i32 to index
            %swap3A_382 = arith.constant 240 : index
            %swap3A_383 = tpu.vector_load %arg7[%swap3A_381, %swap3A_382] {strides = array<i32>} : memref<320x256xf32, #tpu.memory_space<vmem>>, vector<16xf32>,
            tpu.vector_store %arg7[%swap3A_381, %swap3A_382], %get3A_380 {add = true, strides = array<i32>} : memref<320x256xf32, #tpu.memory_space<vmem>>, vector<16xf32>,
          }
          %scan3A_283 = arith.constant 64 : i32
        } else {
        }
      }
    } else {
    }
    "tpu.region"() ({
      %run_scoped3A = tpu.sem_alloc : memref<!tpu.dma_semaphore, #tpu.memory_space<semaphore_mem>>
      %dma_start3A_93 = arith.constant 0 : i32
      %dma_start3A_94 = arith.constant 0 : i32
      %dma_start3A_95 = tpu.memref_slice %arg5[%add3A, %dma_start3A_93, %dma_start3A_94] : memref<32x320x256xf32, #tpu.memory_space<hbm>> -> memref<1x320x256xf32, #tpu.memory_space<hbm>>
      %dma_start3A_96 = tpu.memref_squeeze %dma_start3A_95 : memref<1x320x256xf32, #tpu.memory_space<hbm>> -> memref<320x256xf32, #tpu.memory_space<hbm>>
      %dma_start3A_97 = arith.constant 0 : i32
      %dma_start3A_98 = arith.constant 0 : i32
      %dma_start3A_99 = tpu.memref_slice %arg5[%add3A, %dma_start3A_97, %dma_start3A_98] : memref<32x320x256xf32, #tpu.memory_space<hbm>> -> memref<1x320x256xf32, #tpu.memory_space<hbm>>
      %dma_start3A_100 = tpu.memref_squeeze %dma_start3A_99 : memref<1x320x256xf32, #tpu.memory_space<hbm>> -> memref<320x256xf32, #tpu.memory_space<hbm>>
      tpu.enqueue_dma source(%arg7 : memref<320x256xf32, #tpu.memory_space<vmem>>) target(%dma_start3A_100 : memref<320x256xf32, #tpu.memory_space<hbm>>) target_semaphore(%run_scoped3A : memref<!tpu.dma_semaphore, #tpu.memory_space<semaphore_mem>>)
      %dma_wait3A_101 = arith.constant 0 : i32
      %dma_wait3A_102 = arith.constant 0 : i32
      %dma_wait3A_103 = tpu.memref_slice %arg5[%add3A, %dma_wait3A_101, %dma_wait3A_102] : memref<32x320x256xf32, #tpu.memory_space<hbm>> -> memref<1x320x256xf32, #tpu.memory_space<hbm>>
      %dma_wait3A_104 = tpu.memref_squeeze %dma_wait3A_103 : memref<1x320x256xf32, #tpu.memory_space<hbm>> -> memref<320x256xf32, #tpu.memory_space<hbm>>
      %dma_wait3A_105 = arith.constant 0 : i32
      %dma_wait3A_106 = arith.constant 0 : i32
      %dma_wait3A_107 = tpu.memref_slice %arg5[%add3A, %dma_wait3A_105, %dma_wait3A_106] : memref<32x320x256xf32, #tpu.memory_space<hbm>> -> memref<1x320x256xf32, #tpu.memory_space<hbm>>
      %dma_wait3A_108 = tpu.memref_squeeze %dma_wait3A_107 : memref<1x320x256xf32, #tpu.memory_space<hbm>> -> memref<320x256xf32, #tpu.memory_space<hbm>>
      tpu.wait_dma2 semaphore(%run_scoped3A : memref<!tpu.dma_semaphore, #tpu.memory_space<semaphore_mem>>) src(%arg7 : memref<320x256xf32, #tpu.memory_space<vmem>>) dst(%dma_wait3A_108 : memref<320x256xf32, #tpu.memory_space<hbm>>)
      tpu.yield
    }) : () -> ()
    "tpu.region"() ({
      %run_scoped3A = tpu.sem_alloc : memref<!tpu.dma_semaphore, #tpu.memory_space<semaphore_mem>>
      %dma_start3A_93 = tpu.memref_slice %arg19[%mul3A_4] : memref<5120xf32, #tpu.memory_space<vmem_shared>> -> memref<320xf32, #tpu.memory_space<vmem_shared>>
      %dma_start3A_94 = tpu.memref_slice %arg19[%mul3A_4] : memref<5120xf32, #tpu.memory_space<vmem_shared>> -> memref<320xf32, #tpu.memory_space<vmem_shared>>
      tpu.enqueue_dma source(%dma_start3A_94 : memref<320xf32, #tpu.memory_space<vmem_shared>>) target(%arg18 : memref<320xf32, #tpu.memory_space<vmem>>) target_semaphore(%run_scoped3A : memref<!tpu.dma_semaphore, #tpu.memory_space<semaphore_mem>>)
      %dma_wait3A_95 = tpu.memref_slice %arg19[%mul3A_4] : memref<5120xf32, #tpu.memory_space<vmem_shared>> -> memref<320xf32, #tpu.memory_space<vmem_shared>>
      %dma_wait3A_96 = tpu.memref_slice %arg19[%mul3A_4] : memref<5120xf32, #tpu.memory_space<vmem_shared>> -> memref<320xf32, #tpu.memory_space<vmem_shared>>
      tpu.wait_dma2 semaphore(%run_scoped3A : memref<!tpu.dma_semaphore, #tpu.memory_space<semaphore_mem>>) src(%dma_wait3A_96 : memref<320xf32, #tpu.memory_space<vmem_shared>>) dst(%arg18 : memref<320xf32, #tpu.memory_space<vmem>>)
      tpu.yield
    }) : () -> ()
    "tpu.region"() ({
      %run_scoped3A = tpu.sem_alloc : memref<!tpu.dma_semaphore, #tpu.memory_space<semaphore_mem>>
      %dma_start3A_93 = arith.constant 0 : i32
      %dma_start3A_94 = tpu.memref_slice %arg6[%add3A, %dma_start3A_93] : memref<32x320xf32, #tpu.memory_space<hbm>> -> memref<1x320xf32, #tpu.memory_space<hbm>>
      %dma_start3A_95 = tpu.memref_squeeze %dma_start3A_94 : memref<1x320xf32, #tpu.memory_space<hbm>> -> memref<320xf32, #tpu.memory_space<hbm>>
      %dma_start3A_96 = arith.constant 0 : i32
      %dma_start3A_97 = tpu.memref_slice %arg6[%add3A, %dma_start3A_96] : memref<32x320xf32, #tpu.memory_space<hbm>> -> memref<1x320xf32, #tpu.memory_space<hbm>>
      %dma_start3A_98 = tpu.memref_squeeze %dma_start3A_97 : memref<1x320xf32, #tpu.memory_space<hbm>> -> memref<320xf32, #tpu.memory_space<hbm>>
      tpu.enqueue_dma source(%arg18 : memref<320xf32, #tpu.memory_space<vmem>>) target(%dma_start3A_98 : memref<320xf32, #tpu.memory_space<hbm>>) target_semaphore(%run_scoped3A : memref<!tpu.dma_semaphore, #tpu.memory_space<semaphore_mem>>)
      %dma_wait3A_99 = arith.constant 0 : i32
      %dma_wait3A_100 = tpu.memref_slice %arg6[%add3A, %dma_wait3A_99] : memref<32x320xf32, #tpu.memory_space<hbm>> -> memref<1x320xf32, #tpu.memory_space<hbm>>
      %dma_wait3A_101 = tpu.memref_squeeze %dma_wait3A_100 : memref<1x320xf32, #tpu.memory_space<hbm>> -> memref<320xf32, #tpu.memory_space<hbm>>
      %dma_wait3A_102 = arith.constant 0 : i32
      %dma_wait3A_103 = tpu.memref_slice %arg6[%add3A, %dma_wait3A_102] : memref<32x320xf32, #tpu.memory_space<hbm>> -> memref<1x320xf32, #tpu.memory_space<hbm>>
      %dma_wait3A_104 = tpu.memref_squeeze %dma_wait3A_103 : memref<1x320xf32, #tpu.memory_space<hbm>> -> memref<320xf32, #tpu.memory_space<hbm>>
      tpu.wait_dma2 semaphore(%run_scoped3A : memref<!tpu.dma_semaphore, #tpu.memory_space<semaphore_mem>>) src(%arg18 : memref<320xf32, #tpu.memory_space<vmem>>) dst(%dma_wait3A_104 : memref<320xf32, #tpu.memory_space<hbm>>)
      tpu.yield
    }) : () -> ()
    return
  }
}

module attributes {stable_mosaic.version = 14 : i64} {
  func.func @_tc_self_body(%arg0: i32, %arg1: memref<200x256xf32, #tpu.memory_space<vmem>>, %arg2: memref<256x256xf32, #tpu.memory_space<vmem>>, %arg3: memref<1x256xf32, #tpu.memory_space<vmem>>, %arg4: memref<200x256xf32, #tpu.memory_space<vmem>>) attributes {dimension_semantics = [#tpu.dimension_semantics<arbitrary>], iteration_bounds = array<i64: 50>, scalar_prefetch = 0 : i64, scratch_operands = 0 : i64, tpu.core_type = #tpu.core_type<tc>, window_params = [{transform_indices = @transform_0, window_bounds = array<i64: 200, 256>}, {pipeline_mode = #tpu.pipeline_mode<synchronous>, transform_indices = @transform_1, window_bounds = array<i64: 256, 256>}, {pipeline_mode = #tpu.pipeline_mode<synchronous>, transform_indices = @transform_2, window_bounds = array<i64: 1, 256>}, {transform_indices = @transform_3, window_bounds = array<i64: 200, 256>}]} {
    %get3A = arith.constant 0 : index
    %get3A_0 = arith.constant 0 : index
    %get3A_1 = vector.load %arg1[%get3A, %get3A_0] : memref<200x256xf32, #tpu.memory_space<vmem>>, vector<200x256xf32>
    %get3A_2 = arith.constant 0 : index
    %get3A_3 = arith.constant 0 : index
    %get3A_4 = vector.load %arg2[%get3A_2, %get3A_3] : memref<256x256xf32, #tpu.memory_space<vmem>>, vector<256x256xf32>
    %dot_general3A = arith.constant dense<0.000000e+00> : vector<200x256xf32>
    %dot_general3A_5 = tpu.matmul %get3A_1, %get3A_4, %dot_general3A {dimension_numbers = #tpu.dot_dimension_numbers<[1], [0], [0], [1], [0, 0, 1, 1], [], []>, transpose_lhs_hint = false} : vector<200x256xf32>, vector<256x256xf32>, vector<200x256xf32> -> vector<200x256xf32>
    %get3A_6 = arith.constant 0 : index
    %get3A_7 = arith.constant 0 : index
    %get3A_8 = vector.load %arg3[%get3A_6, %get3A_7] : memref<1x256xf32, #tpu.memory_space<vmem>>, vector<1x256xf32>
    %add3A = vector.broadcast %get3A_8 : vector<1x256xf32> to vector<200x256xf32>
    %add3A_9 = arith.addf %dot_general3A_5, %add3A : vector<200x256xf32>
    %swap3A = arith.constant 0 : index
    %swap3A_10 = arith.constant 0 : index
    %swap3A_11 = vector.load %arg4[%swap3A, %swap3A_10] : memref<200x256xf32, #tpu.memory_space<vmem>>, vector<200x256xf32>
    tpu.vector_store %arg4[%swap3A, %swap3A_10], %add3A_9 {strides = array<i32>} : memref<200x256xf32, #tpu.memory_space<vmem>>, vector<200x256xf32>,
    return
  }
  func.func @transform_0(%arg0: i32) -> (i32, i32) {
    %c0_i32 = arith.constant 0 : i32
    %c0_i32_0 = arith.constant 0 : i32
    return %arg0, %c0_i32 : i32, i32
  }
  func.func @transform_1(%arg0: i32) -> (i32, i32) {
    %c0_i32 = arith.constant 0 : i32
    %c0_i32_0 = arith.constant 0 : i32
    %c0_i32_1 = arith.constant 0 : i32
    return %c0_i32, %c0_i32_0 : i32, i32
  }
  func.func @transform_2(%arg0: i32) -> (i32, i32) {
    %c0_i32 = arith.constant 0 : i32
    %c0_i32_0 = arith.constant 0 : i32
    %c0_i32_1 = arith.constant 0 : i32
    return %c0_i32, %c0_i32_0 : i32, i32
  }
  func.func @transform_3(%arg0: i32) -> (i32, i32) {
    %c0_i32 = arith.constant 0 : i32
    %c0_i32_0 = arith.constant 0 : i32
    return %arg0, %c0_i32 : i32, i32
  }
}

module attributes {stable_mosaic.version = 14 : i64} {
  func.func @_tc_neigh_body(%arg0: i32, %arg1: memref<200x256xf32, #tpu.memory_space<vmem>>, %arg2: memref<200x256xf32, #tpu.memory_space<vmem>>, %arg3: memref<200x1xf32, #tpu.memory_space<vmem>>, %arg4: memref<256x256xf32, #tpu.memory_space<vmem>>, %arg5: memref<200x256xf32, #tpu.memory_space<vmem>>) attributes {dimension_semantics = [#tpu.dimension_semantics<arbitrary>], iteration_bounds = array<i64: 50>, scalar_prefetch = 0 : i64, scratch_operands = 0 : i64, tpu.core_type = #tpu.core_type<tc>, window_params = [{transform_indices = @transform_0, window_bounds = array<i64: 200, 256>}, {transform_indices = @transform_1, window_bounds = array<i64: 200, 256>}, {transform_indices = @transform_2, window_bounds = array<i64: 200, 1>}, {pipeline_mode = #tpu.pipeline_mode<synchronous>, transform_indices = @transform_3, window_bounds = array<i64: 256, 256>}, {transform_indices = @transform_4, window_bounds = array<i64: 200, 256>}]} {
    %get3A = arith.constant 0 : index
    %get3A_0 = arith.constant 0 : index
    %get3A_1 = vector.load %arg3[%get3A, %get3A_0] : memref<200x1xf32, #tpu.memory_space<vmem>>, vector<200x1xf32>
    %max3A = arith.constant 1.000000e+00 : f32
    %max3A_2 = vector.broadcast %max3A : f32 to vector<200x1xf32>
    %max3A_3 = arith.maximumf %get3A_1, %max3A_2 : vector<200x1xf32>
    %div3A = arith.constant 1.000000e+00 : f32
    %div3A_4 = vector.broadcast %div3A : f32 to vector<200x1xf32>
    %div3A_5 = arith.divf %div3A_4, %max3A_3 : vector<200x1xf32>
    %get3A_6 = arith.constant 0 : index
    %get3A_7 = arith.constant 0 : index
    %get3A_8 = vector.load %arg2[%get3A_6, %get3A_7] : memref<200x256xf32, #tpu.memory_space<vmem>>, vector<200x256xf32>
    %mul3A = vector.broadcast %div3A_5 : vector<200x1xf32> to vector<200x256xf32>
    %mul3A_9 = arith.mulf %get3A_8, %mul3A : vector<200x256xf32>
    %get3A_10 = arith.constant 0 : index
    %get3A_11 = arith.constant 0 : index
    %get3A_12 = vector.load %arg1[%get3A_10, %get3A_11] : memref<200x256xf32, #tpu.memory_space<vmem>>, vector<200x256xf32>
    %get3A_13 = arith.constant 0 : index
    %get3A_14 = arith.constant 0 : index
    %get3A_15 = vector.load %arg4[%get3A_13, %get3A_14] : memref<256x256xf32, #tpu.memory_space<vmem>>, vector<256x256xf32>
    %dot_general3A = arith.constant dense<0.000000e+00> : vector<200x256xf32>
    %dot_general3A_16 = tpu.matmul %mul3A_9, %get3A_15, %dot_general3A {dimension_numbers = #tpu.dot_dimension_numbers<[1], [0], [0], [1], [0, 0, 1, 1], [], []>, transpose_lhs_hint = false} : vector<200x256xf32>, vector<256x256xf32>, vector<200x256xf32> -> vector<200x256xf32>
    %add3A = arith.addf %get3A_12, %dot_general3A_16 : vector<200x256xf32>
    %swap3A = arith.constant 0 : index
    %swap3A_17 = arith.constant 0 : index
    %swap3A_18 = vector.load %arg5[%swap3A, %swap3A_17] : memref<200x256xf32, #tpu.memory_space<vmem>>, vector<200x256xf32>
    tpu.vector_store %arg5[%swap3A, %swap3A_17], %add3A {strides = array<i32>} : memref<200x256xf32, #tpu.memory_space<vmem>>, vector<200x256xf32>,
    return
  }
  func.func @transform_0(%arg0: i32) -> (i32, i32) {
    %c0_i32 = arith.constant 0 : i32
    %c0_i32_0 = arith.constant 0 : i32
    return %arg0, %c0_i32 : i32, i32
  }
  func.func @transform_1(%arg0: i32) -> (i32, i32) {
    %c0_i32 = arith.constant 0 : i32
    %c0_i32_0 = arith.constant 0 : i32
    return %arg0, %c0_i32 : i32, i32
  }
  func.func @transform_2(%arg0: i32) -> (i32, i32) {
    %c0_i32 = arith.constant 0 : i32
    %c0_i32_0 = arith.constant 0 : i32
    return %arg0, %c0_i32 : i32, i32
  }
  func.func @transform_3(%arg0: i32) -> (i32, i32) {
    %c0_i32 = arith.constant 0 : i32
    %c0_i32_0 = arith.constant 0 : i32
    %c0_i32_1 = arith.constant 0 : i32
    return %c0_i32, %c0_i32_0 : i32, i32
  }
  func.func @transform_4(%arg0: i32) -> (i32, i32) {
    %c0_i32 = arith.constant 0 : i32
    %c0_i32_0 = arith.constant 0 : i32
    return %arg0, %c0_i32 : i32, i32
  }
}

</mosaic_0001>

<sc_bundles>
// kernel: kernel.5.cloned.1.call-start
scs
__scs_entry_jumppad:
0x0: {  	(pc) =	sbr.rel $0x88, $3  }
0x1: {  	(tag) =	ssettag $0x0;
	lr =	simm.s32 $0x1  }
0x2: {  	[smem:$0x3F9C] =	sst lr;
	_ =	strace $0xD0000000  }
0x3: {  	_ = 	snop  }
0x4: {  	_ = 	snop  }
0x5: {  	_ = 	snop  }
0x6: {  	_ = 	snop  }
0x7: {  	_ = 	snop  }
__scs_overlays_trampoline_lowered:
0x8: {  	[smem:$0x3FAB] =	sst s0  }
0x9: {  	[smem:$0x3FAC] =	sst s1  }
0xa: {  	[smem:$0x3FAD] =	sst s2  }
0xb: {  	[smem:$0x3FAE] =	sst s3  }
0xc: {  	[smem:$0x3FAF] =	sst s4  }
0xd: {  	[smem:$0x3FB0] =	sst s5  }
0xe: {  	[smem:$0x3FB1] =	sst s6  }
0xf: {  	[smem:$0x3FB2] =	sst s7  }
0x10: {  	[smem:$0x3FB3] =	sst s8  }
0x11: {  	[smem:$0x3FB4] =	sst s9;
	s0 =	simm.s32 @!p0 $0x0  }
0x12: {  	s1 =	sld [smem:$0x3F9A];
	s0 =	simm.s32 @p0 $0x1  }
0x13: {  	[smem:$0x3FB5] =	sst s0;
	s0 =	simm.s32 @!p1 $0x0  }
0x14: {  	s2 =	sld [smem:$0x3F99];
	s0 =	simm.s32 @p1 $0x1  }
0x15: {  	[smem:$0x3FB6] =	sst s0;
	s0 =	simm.s32 @!p2 $0x0  }
0x16: {  	s3 =	sld [smem:$0x3FDB];
	s0 =	simm.s32 @p2 $0x1  }
0x17: {  	s4 =	simm.s32 $0x1BF5;
	[smem:$0x3FB8] =	sst s0  }
0x18: {  	s0 =	sld [smem:$0x3F9B];
	_ =	swait.ge [sflag:s4], $0x0  }
0x19: {  	s7 =	sld [smem:$0x3F9C]  }
0x1a: {  	s8 =	sadd.s32 $0xFFFFE003, lr  }
0x1b: {  	s9 =	sadd.s32 $0xFFFFFEF7, lr;
	s5 =	simm.s32 $0xFFFFFFFF;
	p2 =	slt.u32 s8, $0xFFFFF086  }
0x1c: {  	p1 =	slt.u32 s9, $0xF7A;
	s5 =	simm.s32 @!p2 $0x0  }
0x1d: {  	s5 =	simm.s32 @p1 $0x1;
	p0 =	seq.s32 s7, s2  }
0x1e: {  	s7 =	smul.u32 @!p0 $0xF7A, s2;
	p2 =	seq.s32 @!p0 s5, $0x0  }
0x1f: {  	s9 =	smul.u32 $0xF7A, s1;
	s8 =	simm.s32 @!p0 $0x1BF5;
	p2 =	por !p2, p0  }
0x20: {  	[sflag:s8] =	ssyncset.s32 @!p0 $0xFFFFF086;
	s6 =	sadd.s32 @!p0 s3, s7;
	s7 =	simm.s32 @!p0 $0x108  }
0x21: {  	s3 =	sadd.s32 s3, s9;
	s6 =	sadd.s32 @!p0 $0x88, s6;
	s7 =	simm.s32 @p2 $0x1082  }
0x22: {  	[simem:s7], [sflag:s8] =	dma.local @!p0 [hbm:s6], $0xF7A  }
0x23: {  	s9 =	sor.u32 $0xD0000000, s2;
	s6 =	simm.s32 $0x108;
	_ =	swait.ge @!p0 [sflag:s8], $0x0  }
0x24: {  	s3 =	sadd.s32 $0x88, s3;
	s6 =	simm.s32 @!p1 $0x1082;
	[sflag:s4] =	ssyncset.s32 $0xFFFFF086  }
0x25: {  	[simem:s6], [sflag:s4] =	dma.local [hbm:s3], $0xF7A  }
0x26: {  	[smem:$0x3F9C] =	sst s1;
	(tag) =	ssettag s2;
	_ =	strace s9  }
0x27: {  	s1 =	sld [smem:$0x3FAC]  }
0x28: {  	s2 =	sld [smem:$0x3FAD]  }
0x29: {  	s4 =	sld [smem:$0x3FAF]  }
0x2a: {  	p0 =	seq.s32 s5, $0x0;
	s5 =	sld [smem:$0x3FB0]  }
0x2b: {  	s6 =	sld [smem:$0x3FB1]  }
0x2c: {  	s7 =	sld [smem:$0x3FB2]  }
0x2d: {  	s3 =	simm.s32 $0x108;
	s8 =	sld [smem:$0x3FB3]  }
0x2e: {  	s3 =	simm.s32 @!p0 $0x1082;
	s9 =	sld [smem:$0x3FB4]  }
0x2f: {  	lr =	sadd.s32 s0, s3;
	s0 =	sld [smem:$0x3FAB]  }
0x30: {  	s3 =	sld [smem:$0x3FAE]  }
0x31: {  	[smem:$0x3FB7] =	sst s10  }
0x32: {  	s10 =	sld [smem:$0x3FB5];
	_ =	sdelay $0x3  }
0x33: {  	p0 =	seq.s32 s10, $0x1;
	s10 =	sld [smem:$0x3FB7];
	_ =	sdelay $0x3  }
0x34: {  	[smem:$0x3FB7] =	sst s10  }
0x35: {  	s10 =	sld [smem:$0x3FB6];
	_ =	sdelay $0x3  }
0x36: {  	p1 =	seq.s32 s10, $0x1;
	s10 =	sld [smem:$0x3FB7];
	_ =	sdelay $0x3  }
0x37: {  	[smem:$0x3FB7] =	sst s10  }
0x38: {  	s10 =	sld [smem:$0x3FB8]  }
0x39: {  	_ = 	snop;
	(pc) =	sbr.ind lr, $3  }
0x3a: {  	_ = 	snop  }
0x3b: {  	_ = 	snop  }
0x3c: {  	p2 =	seq.s32 s10, $0x1;
	s10 =	sld [smem:$0x3FB7]  }
0x3d: {  	_ =	shalt  }
0x3e: {  	_ =	shalt  }
0x3f: {  	_ =	shalt  }
0x40: {  	_ =	shalt  }
0x41: {  	_ =	shalt  }
0x42: {  	_ =	shalt  }
0x43: {  	_ =	shalt  }
0x44: {  	_ =	shalt  }
0x45: {  	_ =	shalt  }
0x46: {  	_ =	shalt  }
0x47: {  	_ =	shalt  }
0x48: {  	_ =	shalt  }
0x49: {  	_ =	shalt  }
0x4a: {  	_ =	shalt  }
0x4b: {  	_ =	shalt  }
0x4c: {  	_ =	shalt  }
0x4d: {  	_ =	shalt  }
0x4e: {  	_ =	shalt  }
0x4f: {  	_ =	shalt  }
0x50: {  	_ =	shalt  }
0x51: {  	_ =	shalt  }
0x52: {  	_ =	shalt  }
0x53: {  	_ =	shalt  }
0x54: {  	_ =	shalt  }
0x55: {  	_ =	shalt  }
0x56: {  	_ =	shalt  }
0x57: {  	_ =	shalt  }
0x58: {  	_ =	shalt  }
0x59: {  	_ =	shalt  }
0x5a: {  	_ =	shalt  }
0x5b: {  	_ =	shalt  }
0x5c: {  	_ =	shalt  }
0x5d: {  	_ =	shalt  }
0x5e: {  	_ =	shalt  }
0x5f: {  	_ =	shalt  }
0x60: {  	_ =	shalt  }
0x61: {  	_ =	shalt  }
0x62: {  	_ =	shalt  }
0x63: {  	_ =	shalt  }
0x64: {  	_ =	shalt  }
0x65: {  	_ =	shalt  }
0x66: {  	_ =	shalt  }
0x67: {  	_ =	shalt  }
0x68: {  	_ =	shalt  }
0x69: {  	_ =	shalt  }
0x6a: {  	_ =	shalt  }
0x6b: {  	_ =	shalt  }
0x6c: {  	_ =	shalt  }
0x6d: {  	_ =	shalt  }
0x6e: {  	_ =	shalt  }
0x6f: {  	_ =	shalt  }
0x70: {  	_ =	shalt  }
0x71: {  	_ =	shalt  }
0x72: {  	_ =	shalt  }
0x73: {  	_ =	shalt  }
0x74: {  	_ =	shalt  }
0x75: {  	_ =	shalt  }
0x76: {  	_ =	shalt  }
0x77: {  	_ =	shalt  }
0x78: {  	_ =	shalt  }
0x79: {  	_ =	shalt  }
0x7a: {  	_ =	shalt  }
0x7b: {  	_ =	shalt  }
0x7c: {  	_ =	shalt  }
0x7d: {  	_ =	shalt  }
0x7e: {  	_ =	shalt  }
0x7f: {  	_ =	shalt  }
0x80: {  	_ =	shalt  }
0x81: {  	_ =	shalt  }
0x82: {  	_ =	shalt  }
0x83: {  	_ =	shalt  }
0x84: {  	_ =	shalt  }
0x85: {  	_ =	shalt  }
0x86: {  	_ =	shalt  }
0x87: {  	_ =	shalt  }
.Lfunc_end0:
.L_simem_size_0:
called_computation_lowered:
.L_overlay_start_0:
0x88: {  	s2 =	sld [smem:$0x3FD9]  }
0x89: {  	s3 =	sld [smem:$0x3FFE];
	_ =	sdelay $0x1  }
0x8a: {  	s1 =	srdreg.scid  }
0x8b: {  	s0 =	sand.u32 $0x1, s1  }
0x8c: {  	s17 =	sshll.u32 s0, $0xA;
	s2 =	sadd.s32 s3, s2  }
0x8d: {  	s2 =	sadd.s32 s2, s17  }
0x8e: {  	[smem:$0x3FC3] =	sst s2  }
0x8f: {  	_ = 	snop  }
0x90: {  	s2 =	sld [smem:$0x3FC9]  }
0x91: {  	s18 =	sld [smem:$0x3FD0];
	(tm) =	ssettm $0x1  }
0x92: {  	s4 =	sld [smem:$0x3FFB];
	_ =	sdelay $0x3  }
0x93: {  	_ =	strace s4  }
0x94: {  	s4 =	sld [smem:$0x3FFC];
	_ =	sdelay $0x3  }
0x95: {  	_ =	strace s4  }
0x96: {  	s4 =	sld [smem:$0x3FFD];
	_ =	sdelay $0x3  }
0x97: {  	_ =	strace s4  }
0x98: {  	_ =	strace $0x8FFFFFFF  }
0x99: {  	s19 =	sld [smem:$0x3FDB];
	_ =	sdelay $0x1  }
0x9a: {  	s5 =	simm.s32 $_scs_section_size  }
0x9b: {  	s6 =	simm.s32 $_size__tile_overlayer_lowered;
	s7 =	simm.s32 $_tile_overlayer_lowered  }
0x9c: {  	s22 =	simm.s32 $0x1BFF;
	s21 =	sshll.u32 s7, $0x1;
	s4 =	sadd.s32 s5, s19  }
0x9d: {  	s8 =	simm.s32 $0x0;
	s20 =	sshll.u32 s6, $0x1;
	s6 =	sadd.s32 s21, s4  }
0x9e: {  	[timem:s8], [sflag:s22] =	dma.local [hbm:s6], s20  }
0x9f: {  	_ =	swait.ge [sflag:s22], s20  }
0xa0: {  	s5 =	ssub.s32 $0x0, s20;
	[sflag:s22] =	ssyncset.done $0x0  }
0xa1: {  	[sflag:s22] =	ssyncadd.s32 s5;
	_ =	sdelay $0x1  }
0xa2: {  	s23 =	simm.s32 $0x1B8B  }
0xa3: {  	_ =	swait.ge [sflag:s23], $0x1  }
0xa4: {  	[sflag:s23] =	ssyncset.done $0x0  }
0xa5: {  	s25 =	simm.s32 $0x1B8E;
	s24 =	sld [smem:$0x3FFE];
	[sflag:s23] =	ssyncadd.s32 $0xFFFFFFFF  }
0xa6: {  	s26 =	simm.s32 $execute0_lowered;
	[smem:$0x3FD2] =	sst s25  }
0xa7: {  	s6 =	sshll.u32 s26, $0x1;
	_ =	strace $0x80000046;
	[dreg:$0x1] =	wrdreg $0xFFFFFFFF  }
0xa8: {  	s28 =	simm.s32 $_size_execute0_lowered;
	s4 =	sadd.s32 s4, s6;
	[dreg:$0x0] =	wrdreg $0x0  }
0xa9: {  	s6 =	sshll.u32 s28, $0x1;
	[dreg:$0x2] =	wrdreg s4  }
0xaa: {  	[dreg:$0x3] =	wrdreg s6  }
0xab: {  	[dreg:$0x4] =	wrdreg $0xC0  }
0xac: {  	_ =	task [dreg:s8], $0x5FFFF  }
0xad: {  	[dreg:$0x1] =	wrdreg $0xFFFFFFFF  }
0xae: {  	[dreg:$0x0] =	wrdreg $0x60  }
0xaf: {  	[dreg:$0x2] =	wrdreg s2  }
0xb0: {  	[dreg:$0x3] =	wrdreg s18  }
0xb1: {  	[dreg:$0x4] =	wrdreg s24  }
0xb2: {  	[dreg:$0x5] =	wrdreg $0x1EC800  }
0xb3: {  	[dreg:$0x6] =	wrdreg $0x9  }
0xb4: {  	_ =	task.clear_ibuf [dreg:s8], $0x7FFFF;
	_ =	strace $0x90000046  }
0xb5: {  	s29 =	simm.s32 $0x9;
	_ =	strace $0x80000048  }
0xb6: {  	_ =	swait.ge [sflag:s29], $0x1  }
0xb7: {  	[sflag:s29] =	ssyncadd.s32 $0xFFFFFFFF  }
0xb8: {  	_ =	strace $0x90000048  }
0xb9: {  	_ =	sfence  }
0xba: {  	s30 =	sld [smem:$0x0];
	_ =	sdelay $0x2  }
0xbb: {  	s31 =	sshll.u32 s1, $0xD;
	s1 =	sshrl.u32 s1, $0x2  }
0xbc: {  	s3 =	sand.u32 $0x4000, s31;
	s1 =	sadd.s32 s1, s30  }
0xbd: {  	s0 =	sor.u32 s3, s0;
	s1 =	sshll.u32 s1, $0x11  }
0xbe: {  	s0 =	sor.u32 s1, s0  }
0xbf: {  	s0 =	sadd.s32 $0x8F2B, s0  }
0xc0: {  	[sflag:s0] =	ssyncadd.remote.s32 $0x1  }
0xc1: {  	_ =	sfence.sel $0xFFFF  }
0xc2: {  	[dreg:$0x0] =	wrdreg $0xFFFFFFFF;
	(pc) =	sbr.abs _section_cstart, $3  }
0xc3: {  	[dreg:$0x1] =	wrdreg $0xFFFFFFFF  }
0xc4: {  	_ =	task.clear_ibuf [dreg:s8], $0x2FFFF;
	_ =	strace $0x9FFFFFFF  }
0xc5: {  	(tm) =	ssettm $0x7FFFFFFF  }
tec
execute0_lowered:
.L_overlay_start_1:
0x0: {  	(tag) =	ssettag $0x1  }
0x1: {  	s1 =	rddreg [dreg:$0x0]  }
0x2: {  	s0 =	rddreg [dreg:$0x2]  }
0x3: {  	s29 =	rddreg [dreg:$0x3]  }
0x4: {  	s2 =	srdreg.scid;
	s8 =	stileid.u32;
	s5 =	simm.s32 $0x0  }
0x5: {  	s20 =	simm.s32 $0x1EB00;
	s12 =	simm.s32 $0x5;
	s18 =	simm.s32 $0x1D000  }
0x6: {  	s19 =	simm.s32 $0x1DD00;
	s28 =	simm.s32 $0x14000;
	s30 =	simm.s32 $0x18800  }
0x7: {  	s31 =	simm.s32 $0x19000;
	s9 =	simm.s32 $0x1B000;
	s10 =	simm.s32 $0x1B800  }
0x8: {  	s11 =	simm.s32 $0x3;
	s15 =	simm.s32 $0x1EA00;
	s16 =	simm.s32 $0x1EA80  }
0x9: {  	s13 =	simm.s32 $0x4;
	s2 =	sand.u32 $0x1, s2;
	s3 =	sshll.u32 s8, $0x1  }
0xa: {  	s4 =	sshrl.u32 s8, $0x2;
	[smem:$0x7FF] =	sst s5;
	s8 =	smul.u32 $0x140, s8  }
0xb: {  	s7 =	sadd.s32 $0x1400, s0;
	s3 =	sor.u32 s2, s3;
	s4 =	smul.u32 $0xC00, s4  }
0xc: {  	_ =	strace $0x80000047;
	[dreg:$0x5] =	wrdreg s7;
	s2 =	ssub.s32 $0x2, s2  }
0xd: {  	s6 =	sshll.u32 s3, $0x7;
	s22 =	smul.u32 $0x2800, s3;
	s23 =	sshrl.u32 s2, $0x1  }
0xe: {  	s3 =	smul.u32 $0x139, s3;
	s24 =	sadd.s32 s8, s29;
	v1 =	vmov s8;
	s8 =	simm.s32 $0x1A800  }
0xf: {  	s6 =	sand.u32 $0x380, s6;
	s2 =	ssub.s32 s2, s23;
	[dreg:$0x6] =	wrdreg s24  }
.Ltmp0:
0x10: {  	s4 =	sor.u32 s4, s6;
	s7 =	sadd.s32 s22, s0;
	(pc) =	sbr.rel .LBB2_1-.Ltmp0, $4  }
0x11: {  	v2 =	vlaneseq.u32;
	v3 =	vimm.f32 $0.0e+00;
	s26 =	smax.u32 s2, $0x1;
	s2 =	simm.s32 $0x1A000;
	s4 =	sshrl.u32 s4, $0x3  }
0x12: {  	v4 =	vimm.f32 $1.000000000e+00;
	v5 =	vimm.s32 $0x0;
	vm0 =	vmmov $0xffff;
	s25 =	sadd.s32 $0x6400, s7;
	[dreg:$0x9] =	wrdreg s26;
	s0 =	sadd.s32 s4, s0  }
0x13: {  	v9 =	vimm.s32 $0x13C;
	v7 =	vshrl.u32 v2, $0x3;
	v6 =	vand.u32 $0x7, v2;
	s7 =	simm.s32 $0x40;
	[dreg:$0x7] =	wrdreg s25;
	s0 =	sadd.s32 $0x56400, s0  }
0x14: {  	v8 =	vor.u32 $0x8, v2;
	v7 =	vmul.u32 $0x8, v7;
	v0 =	vmov s3;
	s4 =	simm.s32 $0x0;
	[dreg:$0x8] =	wrdreg s0;
	s0 =	simm.s32 $0x19800  }
.LBB2_46:
0x15: {  	s3 =	rddreg [dreg:$0x7]  }
0x16: {  	[hbm4b:s3+s5] =	stream.linear.scatter [tilespmem:s5], [sflag:$0x5], $0x14000, $0x38;
	[tilespmem:$0x1EDC0] =	vst v63  }
0x17: {  	_ =	swait.ge [sflag:s12], $0x14000  }
0x18: {  	[sflag:s12] =	ssyncset.done $0x0  }
0x19: {  	s4 =	simm.s32 $0x1EB00;
	s23 =	rddreg [dreg:$0x6];
	[sflag:s12] =	ssyncadd.s32 $0xFFFEC000  }
0x1a: {  	[tilespmem:s4], [sflag:$0x5] =	stream.linear.gather [spmem:s23], $0x140, $0x38;
	[tilespmem:$0x1EDC0] =	vst v63  }
0x1b: {  	_ =	swait.ge [sflag:s12], $0x140  }
0x1c: {  	s6 =	simm.s32 $0x80;
	[sflag:s12] =	ssyncset.done $0x0  }
0x1d: {  	s14 =	simm.s32 $0x400;
	s24 =	rddreg [dreg:$0x8];
	[sflag:s12] =	ssyncadd.s32 $0xFFFFFEC0  }
0x1e: {  	[hbm4b:s24+s6] =	stream.strided.scatter [tilespmem:s4], [sflag:$0x5], $0x180, s14, s6, $0x38;
	[tilespmem:$0x1EDC0] =	vst v63  }
0x1f: {  	_ =	swait.ge [sflag:s12], $0x180  }
0x20: {  	s25 =	rddreg [dreg:$0xa]  }
0x21: {  	s26 =	rddreg [dreg:$0x9];
	s4 =	sadd.s32 $0x1, s25  }
0x22: {  	p0 =	sne.s32 s4, s26  }
.Ltmp1:
0x23: {  	_ = 	snop;
	(pc) =	sbr.rel @!p0 .LBB2_47-.Ltmp1, $3  }
0x24: {  	_ =	sdelay $0x1  }
0x25: {  	[sflag:s12] =	ssyncset.done $0x0  }
0x26: {  	s20 =	simm.s32 $0x1EB00;
	[sflag:s12] =	ssyncadd.s32 $0xFFFFFE80  }
.LBB2_1:
0x27: {  	s3 =	sand.u32 $0x1F800, s5;
	s26 =	sand.u32 $0x380, s5  }
0x28: {  	s3 =	sor.u32 s26, s3  }
0x29: {  	[tilespmem:s3+$0x470] =	vst v3  }
0x2a: {  	[tilespmem:s3+$0x0] =	vst v3  }
0x2b: {  	[tilespmem:s3+$0x10] =	vst v3  }
0x2c: {  	[tilespmem:s3+$0x20] =	vst v3  }
0x2d: {  	[tilespmem:s3+$0x30] =	vst v3  }
0x2e: {  	[tilespmem:s3+$0x40] =	vst v3  }
0x2f: {  	[tilespmem:s3+$0x50] =	vst v3  }
0x30: {  	[tilespmem:s3+$0x60] =	vst v3  }
0x31: {  	[tilespmem:s3+$0x70] =	vst v3  }
0x32: {  	[tilespmem:s3+$0x400] =	vst v3  }
0x33: {  	[tilespmem:s3+$0x410] =	vst v3  }
0x34: {  	[tilespmem:s3+$0x420] =	vst v3  }
0x35: {  	[tilespmem:s3+$0x430] =	vst v3  }
0x36: {  	[dreg:$0xa] =	wrdreg s4;
	s6 =	simm.s32 $0x100;
	s4 =	simm.s32 $0x80;
	[tilespmem:s3+$0x440] =	vst v3  }
0x37: {  	s14 =	sand.u32 $0x1F800, s6;
	s17 =	sand.u32 $0x380, s4;
	s6 =	simm.s32 $0x200;
	[tilespmem:s3+$0x450] =	vst v3  }
.LBB2_2:
0x38: {  	p0 =	sne.s32 s6, $0x13F00;
	[tilespmem:s3+$0x460] =	vst v3;
	s3 =	sor.u32 s17, s14  }
0x39: {  	[tilespmem:s3+$0x470] =	vst v3  }
0x3a: {  	[tilespmem:s3+$0x0] =	vst v3  }
0x3b: {  	[tilespmem:s3+$0x10] =	vst v3  }
0x3c: {  	[tilespmem:s3+$0x20] =	vst v3  }
0x3d: {  	[tilespmem:s3+$0x30] =	vst v3  }
0x3e: {  	[tilespmem:s3+$0x40] =	vst v3  }
0x3f: {  	[tilespmem:s3+$0x50] =	vst v3  }
0x40: {  	[tilespmem:s3+$0x60] =	vst v3  }
0x41: {  	[tilespmem:s3+$0x70] =	vst v3  }
0x42: {  	[tilespmem:s3+$0x400] =	vst v3  }
.Ltmp2:
0x43: {  	[tilespmem:s3+$0x410] =	vst v3;
	(pc) =	sbr.rel @p0 .LBB2_2-.Ltmp2, $4  }
0x44: {  	[tilespmem:s3+$0x420] =	vst v3  }
0x45: {  	[tilespmem:s3+$0x430] =	vst v3  }
0x46: {  	s4 =	sadd.s32 $0x80, s4;
	[tilespmem:s3+$0x440] =	vst v3  }
0x47: {  	s14 =	sand.u32 $0x1F800, s6;
	s6 =	sadd.s32 $0x100, s6;
	s17 =	sand.u32 $0x380, s4;
	[tilespmem:s3+$0x450] =	vst v3  }
0x48: {  	s4 =	sor.u32 s17, s14;
	[tilespmem:s3+$0x460] =	vst v3  }
0x49: {  	[tilespmem:s4+$0x470] =	vst v3  }
0x4a: {  	[tilespmem:s4+$0x0] =	vst v3  }
0x4b: {  	[tilespmem:s4+$0x10] =	vst v3  }
0x4c: {  	[tilespmem:s4+$0x20] =	vst v3  }
0x4d: {  	[tilespmem:s4+$0x30] =	vst v3  }
0x4e: {  	[tilespmem:s4+$0x40] =	vst v3  }
0x4f: {  	[tilespmem:s4+$0x50] =	vst v3  }
0x50: {  	[tilespmem:s4+$0x60] =	vst v3  }
0x51: {  	[tilespmem:s4+$0x70] =	vst v3  }
0x52: {  	[tilespmem:s4+$0x400] =	vst v3  }
0x53: {  	[tilespmem:s4+$0x410] =	vst v3  }
0x54: {  	[tilespmem:s4+$0x420] =	vst v3  }
0x55: {  	[tilespmem:s4+$0x430] =	vst v3  }
0x56: {  	[tilespmem:s4+$0x440] =	vst v3  }
0x57: {  	[tilespmem:s4+$0x450] =	vst v3  }
0x58: {  	[tilespmem:s4+$0x460] =	vst v3  }
0x59: {  	[tilespmem:$0x1EB00] =	vst v3  }
0x5a: {  	[tilespmem:$0x1EB10] =	vst v3  }
0x5b: {  	[tilespmem:$0x1EB20] =	vst v3  }
0x5c: {  	[tilespmem:$0x1EB30] =	vst v3  }
0x5d: {  	[tilespmem:$0x1EB40] =	vst v3  }
0x5e: {  	[tilespmem:$0x1EB50] =	vst v3  }
0x5f: {  	[tilespmem:$0x1EB60] =	vst v3  }
0x60: {  	[tilespmem:$0x1EB70] =	vst v3  }
0x61: {  	[tilespmem:$0x1EB80] =	vst v3  }
0x62: {  	[tilespmem:$0x1EB90] =	vst v3  }
0x63: {  	[tilespmem:$0x1EBA0] =	vst v3  }
0x64: {  	[tilespmem:$0x1EBB0] =	vst v3  }
0x65: {  	[tilespmem:$0x1EBC0] =	vst v3  }
0x66: {  	[tilespmem:$0x1EBD0] =	vst v3  }
0x67: {  	[tilespmem:$0x1EBE0] =	vst v3  }
0x68: {  	[tilespmem:$0x1EBF0] =	vst v3  }
0x69: {  	[tilespmem:$0x1EC00] =	vst v3  }
0x6a: {  	[tilespmem:$0x1EC10] =	vst v3  }
0x6b: {  	[tilespmem:$0x1EC20] =	vst v3  }
0x6c: {  	[tilespmem:$0x1EC30] =	vst v3  }
0x6d: {  	[tilespmem:$0x1EA80] =	vst v4  }
0x6e: {  	[tilespmem:$0x1EA90] =	vst v4  }
0x6f: {  	[tilespmem:$0x1EAA0] =	vst v4  }
0x70: {  	s3 =	simm.s32 $0x40;
	s4 =	simm.s32 $0x0;
	[tilespmem:$0x1EAB0] =	vst v4  }
.LBB2_4:
0x71: {  	p0 =	sne.s32 s3, $0x33C0;
	[tilespmem:s4+$0x1D000] =	vst v5;
	s4 =	smov.u32 s3;
	s3 =	sadd.s32 $0x40, s3  }
.Ltmp3:
0x72: {  	(pc) =	sbr.rel @p0 .LBB2_4-.Ltmp3, $2  }
0x73: {  	_ =	sdelay $0x2  }
0x74: {  	s4 =	sshra.s32 s4, $0x2  }
0x75: {  	[tilespmem:s4+$0x1D000] =	vst v5;
	s3 =	rddreg [dreg:$0x6]  }
0x76: {  	[spmem:s3] =	stream.linear.scatter [tilespmem:s20], [sflag:$0x5], $0x140, $0x38;
	[tilespmem:$0x1EDC0] =	vst v63  }
0x77: {  	s6 =	simm.s32 $0x0;
	_ =	swait.ge [sflag:s12], $0x140  }
.Ltmp4:
0x78: {  	s24 =	simm.s32 $0x1C000;
	[sflag:s12] =	ssyncset.done $0x0;
	(pc) =	sbr.rel .LBB2_6-.Ltmp4, $4  }
0x79: {  	s26 =	simm.s32 $0x1C400;
	s23 =	rddreg [dreg:$0x5];
	[sflag:s12] =	ssyncadd.s32 $0xFFFFFEC0  }
0x7a: {  	[tilespmem:s24], [sflag:$0x1] =	stream.linear.gather [hbm4b:s23+s6], $0x400, $0x38;
	[tilespmem:$0x1EDC0] =	vst v63  }
0x7b: {  	s4 =	simm.s32 $0x0;
	s3 =	simm.s32 $0x0;
	s25 =	rddreg [dreg:$0x1]  }
0x7c: {  	[tilespmem:s26], [sflag:$0x1] =	stream.linear.gather [hbm4b:s25+s6], $0x400, $0x38;
	[tilespmem:$0x1EDC0] =	vst v63  }
.LBB2_33:
0x7d: {  	s3 =	simm.s32 $0x0  }
.LBB2_34:
0x7e: {  	s4 =	rddreg [dreg:$0xb]  }
0x7f: {  	s4 =	sadd.s32 $0x1, s4  }
0x80: {  	p0 =	sne.s32 s4, $0x4F  }
.Ltmp5:
0x81: {  	_ = 	snop;
	(pc) =	sbr.rel @!p0 .LBB2_35-.Ltmp5, $1  }
0x82: {  	_ =	sdelay $0x3  }
.LBB2_6:
0x83: {  	[dreg:$0xb] =	wrdreg s4;
	s21 =	sshll.u32 s4, $0x8  }
0x84: {  	s6 =	rddreg [dreg:$0x5];
	s14 =	simm.s32 $0x1C800;
	s4 =	sor.u32 $0x80, s21  }
0x85: {  	s17 =	simm.s32 $0x0;
	s23 =	rddreg [dreg:$0x1];
	s6 =	sadd.s32 s6, s4  }
0x86: {  	[tilespmem:s14], [sflag:$0x2] =	stream.linear.gather [hbm4b:s6+s17], $0x400, $0x38;
	[tilespmem:$0x1EDC0] =	vst v63  }
0x87: {  	s24 =	simm.s32 $0x1CC00;
	s25 =	simm.s32 $0x1;
	s4 =	sadd.s32 s23, s4  }
0x88: {  	[tilespmem:s24], [sflag:$0x2] =	stream.linear.gather [hbm4b:s4+s17], $0x400, $0x38;
	[tilespmem:$0x1EDC0] =	vst v63  }
0x89: {  	_ =	swait.ge [sflag:s25], $0x400  }
0x8a: {  	[sflag:s25] =	ssyncset.done $0x0  }
0x8b: {  	[sflag:s25] =	ssyncadd.s32 $0xFFFFFC00  }
0x8c: {  	_ =	swait.ge [sflag:s25], $0x400  }
0x8d: {  	[sflag:s25] =	ssyncset.done $0x0  }
0x8e: {  	s26 =	simm.s32 $0x0;
	[sflag:s25] =	ssyncadd.s32 $0xFFFFFC00  }
0x8f: {  	v10 =	vld [tilespmem:s26+$0x1C000];
	_ =	sdelay $0x4  }
0x90: {  	v10 =	vsub.s32 v10, v0  }
0x91: {  	vm1 =	vlt.u32 v10, $0x139  }
0x92: {  	v11 =	vsel vm1, $0x1, v5  }
0x93: {  	(xrf0) =	vadd.scan.msk.s32 $0xffff, v11;
	_ =	sdelay $0x5  }
0x94: {  	v12, _, _ =	vpop (xrf0)  }
0x95: {  	v11 =	vmov s3;
	v13 =	vxor.u32 $0x80000000, v12  }
0x96: {  	v11 =	vadd.s32 $0xFFFFFFFF, v11;
	(xrf0) =	vmax.scan.msk.u32 $0xffff, v13  }
0x97: {  	v11 =	vbroadcast v11, $0x0;
	_ =	sdelay $0x1  }
0x98: {  	v63 =	vld [tilespmem:s26+$0x1C400];
	v11 =	vadd.s32 v12, v11;
	_ =	sdelay $0x2  }
0x99: {  	v13, _, _ =	vpop (xrf0)  }
0x9a: {  	(v2sf) =	vpush v13, $0xF  }
0x9b: {  	[tilespmem:v11+s18+$0x0] =	vst.idx.msk vm1, v63  }
0x9c: {  	s6 =	simm.s32 $0x80;
	s4 =	simm.s32 $0x10;
	[tilespmem:v11+s19+$0x0] =	vst.idx.msk vm1, v10  }
.LBB2_7:
0x9d: {  	p0 =	sne.s32 s6, $0xFC0;
	v10 =	vld [tilespmem:s4+$0x1C000];
	_ =	sdelay $0x4  }
0x9e: {  	v10 =	vsub.s32 v10, v0  }
0x9f: {  	vm1 =	vlt.u32 v10, $0x139  }
0xa0: {  	v11 =	vsel vm1, $0x1, v5  }
0xa1: {  	(xrf0) =	vadd.scan.msk.s32 $0xffff, v11;
	_ =	sdelay $0x3  }
0xa2: {  	s14 =	spop (v2sf)  }
0xa3: {  	s3 =	sadd.s32 s14, s3  }
0xa4: {  	v11, _, _ =	vpop (xrf0);
	s3 =	sadd.s32 $0x80000000, s3  }
0xa5: {  	v12 =	vmov s3;
	v13 =	vxor.u32 $0x80000000, v11  }
0xa6: {  	v12 =	vadd.s32 $0xFFFFFFFF, v12;
	(xrf0) =	vmax.scan.msk.u32 $0xffff, v13  }
0xa7: {  	v12 =	vbroadcast v12, $0x0;
	_ =	sdelay $0x1  }
0xa8: {  	v11 =	vadd.s32 v11, v12;
	v12 =	vld [tilespmem:s4+$0x1C400];
	_ =	sdelay $0x1  }
.Ltmp6:
0xa9: {  	(pc) =	sbr.rel @p0 .LBB2_7-.Ltmp6, $4  }
0xaa: {  	v13, _, _ =	vpop (xrf0)  }
0xab: {  	(v2sf) =	vpush v13, $0xF  }
0xac: {  	[tilespmem:v11+s18+$0x0] =	vst.idx.msk vm1, v12  }
0xad: {  	s4 =	sshra.s32 s6, $0x2;
	s6 =	sadd.s32 $0x40, s6;
	[tilespmem:v11+s19+$0x0] =	vst.idx.msk vm1, v10  }
0xae: {  	v10 =	vld [tilespmem:s4+$0x1C000];
	_ =	sdelay $0x4  }
0xaf: {  	v10 =	vsub.s32 v10, v0  }
0xb0: {  	vm1 =	vlt.u32 v10, $0x139  }
0xb1: {  	v11 =	vsel vm1, $0x1, v5  }
0xb2: {  	(xrf0) =	vadd.scan.msk.s32 $0xffff, v11;
	_ =	sdelay $0x5  }
0xb3: {  	v11, _, _ =	vpop (xrf0)  }
0xb4: {  	v12 =	vxor.u32 $0x80000000, v11  }
0xb5: {  	(xrf0) =	vmax.scan.msk.u32 $0xffff, v12;
	_ =	sdelay $0x5  }
0xb6: {  	v12, _, _ =	vpop (xrf0)  }
0xb7: {  	(v2sf) =	vpush v12, $0xF;
	_ =	sdelay $0xc  }
0xb8: {  	s6 =	spop (v2sf)  }
0xb9: {  	s3 =	sadd.s32 s6, s3  }
0xba: {  	s3 =	sadd.s32 $0x80000000, s3;
	s26 =	spop (v2sf)  }
0xbb: {  	v62 =	vmov s3;
	s3 =	sadd.s32 s26, s3  }
0xbc: {  	s3 =	sadd.s32 $0x80000000, s3  }
0xbd: {  	v12 =	vadd.s32 $0xFFFFFFFF, v62;
	p0 =	slt.s32 s3, $0x800  }
0xbe: {  	v63 =	vld [tilespmem:s4+$0x1C400];
	v12 =	vbroadcast v12, $0x0;
	s4 =	sadd.s32 @!p0 $0x3F, s3  }
0xbf: {  	s6 =	sand.u32 @!p0 $0x3F, s4  }
0xc0: {  	v11 =	vadd.s32 v11, v12;
	p1 =	slt.s32 @!p0 s4, $0x0;
	p2 =	sne.s32 @!p0 s6, $0x0  }
0xc1: {  	s6 =	sshra.s32 @!p0 s4, $0x1F;
	p1 =	por @!p0 !p1, !p2  }
0xc2: {  	s6 =	sshrl.u32 @!p0 s6, $0x1A;
	p1 =	por @!p0 !p1, !p1  }
0xc3: {  	s4 =	sadd.s32 @!p0 s6, s4;
	s6 =	simm.s32 @!p0 $0x1;
	p1 =	por !p1, p0  }
0xc4: {  	s4 =	sshra.s32 @!p0 s4, $0x6;
	s6 =	simm.s32 @p1 $0x0  }
0xc5: {  	[tilespmem:v11+s18+$0x0] =	vst.idx.msk vm1, v63;
	s14 =	ssub.s32 @!p0 s4, s6  }
0xc6: {  	[tilespmem:v11+s19+$0x0] =	vst.idx.msk vm1, v10;
	s20 =	sand.u32 @!p0 $0x7FFFFFF0, s3;
	s4 =	sadd.s32 @!p0 $0x1, s14  }
0xc7: {  	v10 =	vld @!p0 [tilespmem:s20+$0x1D000];
	s6 =	sand.u32 @!p0 $0x1, s4  }
0xc8: {  	v11 =	vld @!p0 [tilespmem:s20+$0x1DD00];
	p1 =	slt.s32 @!p0 s14, $0x0;
	p2 =	seq.s32 @!p0 s6, $0x1  }
0xc9: {  	s17 =	sand.u32 @!p0 $0xF, s3;
	p1 =	por @!p0 !p1, !p2  }
0xca: {  	v13 =	vlaneseq.u32 @!p0;
	v12 =	vmov @!p0 s17;
	s6 =	sshrl.u32 @!p0 s4, $0x1F;
	p1 =	por @!p0 !p1, !p1  }
0xcb: {  	vm1 =	vgt.u32 @!p0 v12, v13;
	s4 =	sadd.s32 @!p0 s6, s4;
	s6 =	simm.s32 @!p0 $0x1;
	p1 =	por !p1, p0  }
0xcc: {  	v10 =	vnsel @!p0 vm1, $0x0, v10;
	s4 =	sshra.s32 @!p0 s4, $0x1;
	s6 =	simm.s32 @p1 $0x0  }
0xcd: {  	[tilespmem:s20+$0x1D000] =	vst @!p0 v10;
	v10 =	vnsel @!p0 vm1, $0x13C, v11;
	s17 =	ssub.s32 @!p0 s4, s6  }
0xce: {  	v11 =	vimm.s32 @!p0 $0x0;
	[tilespmem:s20+$0x1DD00] =	vst @!p0 v10;
	p1 =	slt.s32 @!p0 s17, $0x1  }
0xcf: {  	[tilespmem:s20+$0x1D010] =	vst @!p0 v11;
	p1 =	por p0, p1  }
.Ltmp7:
0xd0: {  	[tilespmem:s20+$0x1D020] =	vst @!p0 v11;
	(pc) =	sbr.rel @p1 .LBB2_48-.Ltmp7, $4  }
0xd1: {  	v10 =	vimm.s32 @!p0 $0x13C;
	[tilespmem:s20+$0x1D030] =	vst @!p0 v11  }
0xd2: {  	[tilespmem:s20+$0x1DD10] =	vst @!p0 v10  }
0xd3: {  	[tilespmem:s20+$0x1DD20] =	vst @!p0 v10  }
0xd4: {  	[tilespmem:s20+$0x1DD30] =	vst @!p0 v10;
	s6 =	simm.s32 @!p0 $0x0  }
.Ltmp8:
0xd5: {  	(pc) =	sbr.rel .LBB2_10-.Ltmp8, $3  }
0xd6: {  	_ =	sdelay $0x1  }
0xd7: {  	[dreg:$0xc] =	wrdreg s21  }
0xd8: {  	s3 =	sadd.s32 @!p0 $0xFFFFFFFF, s14;
	s25 =	simm.s32 @!p0 $0x1DD00;
	s20 =	simm.s32 @!p0 $0x1DD40  }
.LBB2_18:
0xd9: {  	s6 =	sadd.s32 $0x1, s6  }
0xda: {  	p0 =	sne.s32 s6, s17  }
.Ltmp9:
0xdb: {  	_ = 	snop;
	(pc) =	sbr.rel @!p0 .LBB2_19-.Ltmp9, $2  }
0xdc: {  	_ =	sdelay $0x2  }
0xdd: {  	s25 =	sadd.s32 $0x80, s25;
	s20 =	sadd.s32 $0x80, s20  }
.LBB2_10:
0xde: {  	s4 =	sshll.u32 s6, $0x7  }
0xdf: {  	v10 =	vld [tilespmem:s4+$0x1D000];
	_ =	sdelay $0x4  }
0xe0: {  	v11 =	vshll.u32 v10, $0x1  }
0xe1: {  	v10 =	vand.u32 $0x7, v10;
	v11 =	vand.u32 $0xFFFFFFF0, v11  }
0xe2: {  	v10 =	vor.u32 v10, v11  }
0xe3: {  	v11 =	vperm.xlane v10, v6;
	_ =	sdelay $0x1  }
0xe4: {  	v10 =	vperm.xlane v10, v8;
	v11 =	vadd.s32 v7, v11;
	_ =	sdelay $0x1  }
0xe5: {  	v10 =	vadd.s32 v7, v10;
	_ =	sdelay $0x2  }
0xe6: {  	[tilespmem:s28], [sflag:$0x3] =	stream.indirect_vreg.gather [hbm4b:s1+s5], $0x80, v11, vm0, $0xb8;
	[tilespmem:$0x1EDC0] =	vst v63  }
0xe7: {  	s21 =	simm.s32 $0x14800  }
0xe8: {  	[tilespmem:s21], [sflag:$0x3] =	stream.indirect_vreg.gather [hbm4b:s1+s5], $0x80, v10, vm0, $0xb8;
	[tilespmem:$0x1EDC0] =	vst v63  }
0xe9: {  	v10 =	vld [tilespmem:s4+$0x1D010];
	_ =	sdelay $0x4  }
0xea: {  	v11 =	vshll.u32 v10, $0x1  }
0xeb: {  	v10 =	vand.u32 $0x7, v10;
	v11 =	vand.u32 $0xFFFFFFF0, v11  }
0xec: {  	v10 =	vor.u32 v10, v11  }
0xed: {  	v11 =	vperm.xlane v10, v6;
	_ =	sdelay $0x1  }
0xee: {  	v10 =	vperm.xlane v10, v8;
	v11 =	vadd.s32 v7, v11;
	_ =	sdelay $0x1  }
0xef: {  	v10 =	vadd.s32 v7, v10;
	_ =	sdelay $0x1  }
0xf0: {  	s22 =	simm.s32 $0x15000  }
0xf1: {  	[tilespmem:s22], [sflag:$0x3] =	stream.indirect_vreg.gather [hbm4b:s1+s5], $0x80, v11, vm0, $0xb8;
	[tilespmem:$0x1EDC0] =	vst v63  }
0xf2: {  	s23 =	simm.s32 $0x15800  }
0xf3: {  	[tilespmem:s23], [sflag:$0x3] =	stream.indirect_vreg.gather [hbm4b:s1+s5], $0x80, v10, vm0, $0xb8;
	[tilespmem:$0x1EDC0] =	vst v63  }
0xf4: {  	v10 =	vld [tilespmem:s4+$0x1D020];
	_ =	sdelay $0x4  }
0xf5: {  	v11 =	vshll.u32 v10, $0x1  }
0xf6: {  	v10 =	vand.u32 $0x7, v10;
	v11 =	vand.u32 $0xFFFFFFF0, v11  }
0xf7: {  	v10 =	vor.u32 v10, v11  }
0xf8: {  	v11 =	vperm.xlane v10, v6;
	_ =	sdelay $0x1  }
0xf9: {  	v10 =	vperm.xlane v10, v8;
	v11 =	vadd.s32 v7, v11;
	_ =	sdelay $0x1  }
0xfa: {  	v10 =	vadd.s32 v7, v10;
	_ =	sdelay $0x1  }
0xfb: {  	s24 =	simm.s32 $0x16000  }
0xfc: {  	[tilespmem:s24], [sflag:$0x3] =	stream.indirect_vreg.gather [hbm4b:s1+s5], $0x80, v11, vm0, $0xb8;
	[tilespmem:$0x1EDC0] =	vst v63  }
0xfd: {  	s26 =	simm.s32 $0x16800  }
0xfe: {  	[tilespmem:s26], [sflag:$0x3] =	stream.indirect_vreg.gather [hbm4b:s1+s5], $0x80, v10, vm0, $0xb8;
	[tilespmem:$0x1EDC0] =	vst v63  }
0xff: {  	v10 =	vld [tilespmem:s4+$0x1D030];
	_ =	sdelay $0x4  }
0x100: {  	v11 =	vshll.u32 v10, $0x1  }
0x101: {  	v10 =	vand.u32 $0x7, v10;
	v11 =	vand.u32 $0xFFFFFFF0, v11  }
0x102: {  	v10 =	vor.u32 v10, v11  }
0x103: {  	v11 =	vperm.xlane v10, v6;
	_ =	sdelay $0x1  }
0x104: {  	v10 =	vperm.xlane v10, v8;
	v11 =	vadd.s32 v7, v11;
	_ =	sdelay $0x1  }
0x105: {  	v10 =	vadd.s32 v7, v10;
	_ =	sdelay $0x1  }
0x106: {  	s22 =	simm.s32 $0x17000  }
0x107: {  	[tilespmem:s22], [sflag:$0x3] =	stream.indirect_vreg.gather [hbm4b:s1+s5], $0x80, v11, vm0, $0xb8;
	[tilespmem:$0x1EDC0] =	vst v63  }
0x108: {  	s23 =	simm.s32 $0x17800  }
0x109: {  	[tilespmem:s23], [sflag:$0x3] =	stream.indirect_vreg.gather [hbm4b:s1+s5], $0x80, v10, vm0, $0xb8;
	[tilespmem:$0x1EDC0] =	vst v63  }
0x10a: {  	v10 =	vld [tilespmem:s4+$0x1D040];
	_ =	sdelay $0x4  }
0x10b: {  	v11 =	vshll.u32 v10, $0x1  }
0x10c: {  	v10 =	vand.u32 $0x7, v10;
	v11 =	vand.u32 $0xFFFFFFF0, v11  }
0x10d: {  	v10 =	vor.u32 v10, v11  }
0x10e: {  	v11 =	vperm.xlane v10, v6;
	_ =	sdelay $0x1  }
0x10f: {  	v10 =	vperm.xlane v10, v8;
	v11 =	vadd.s32 v7, v11;
	_ =	sdelay $0x1  }
0x110: {  	v10 =	vadd.s32 v7, v10;
	_ =	sdelay $0x1  }
0x111: {  	s24 =	simm.s32 $0x18000  }
0x112: {  	[tilespmem:s24], [sflag:$0x4] =	stream.indirect_vreg.gather [hbm4b:s1+s5], $0x80, v11, vm0, $0xb8;
	[tilespmem:$0x1EDC0] =	vst v63  }
0x113: {  	_ = 	snop  }
0x114: {  	[tilespmem:s30], [sflag:$0x4] =	stream.indirect_vreg.gather [hbm4b:s1+s5], $0x80, v10, vm0, $0xb8;
	[tilespmem:$0x1EDC0] =	vst v63  }
0x115: {  	v10 =	vld [tilespmem:s4+$0x1D050];
	_ =	sdelay $0x4  }
0x116: {  	v11 =	vshll.u32 v10, $0x1  }
0x117: {  	v10 =	vand.u32 $0x7, v10;
	v11 =	vand.u32 $0xFFFFFFF0, v11  }
0x118: {  	v10 =	vor.u32 v10, v11  }
0x119: {  	v11 =	vperm.xlane v10, v6;
	_ =	sdelay $0x1  }
0x11a: {  	v10 =	vperm.xlane v10, v8;
	v11 =	vadd.s32 v7, v11;
	_ =	sdelay $0x1  }
0x11b: {  	v10 =	vadd.s32 v7, v10;
	_ =	sdelay $0x2  }
0x11c: {  	[tilespmem:s31], [sflag:$0x4] =	stream.indirect_vreg.gather [hbm4b:s1+s5], $0x80, v11, vm0, $0xb8;
	[tilespmem:$0x1EDC0] =	vst v63  }
0x11d: {  	_ = 	snop  }
0x11e: {  	[tilespmem:s0], [sflag:$0x4] =	stream.indirect_vreg.gather [hbm4b:s1+s5], $0x80, v10, vm0, $0xb8;
	[tilespmem:$0x1EDC0] =	vst v63  }
0x11f: {  	v10 =	vld [tilespmem:s4+$0x1D060];
	_ =	sdelay $0x4  }
0x120: {  	v11 =	vshll.u32 v10, $0x1  }
0x121: {  	v10 =	vand.u32 $0x7, v10;
	v11 =	vand.u32 $0xFFFFFFF0, v11  }
0x122: {  	v10 =	vor.u32 v10, v11  }
0x123: {  	v11 =	vperm.xlane v10, v6;
	_ =	sdelay $0x1  }
0x124: {  	v10 =	vperm.xlane v10, v8;
	v11 =	vadd.s32 v7, v11;
	_ =	sdelay $0x1  }
0x125: {  	v10 =	vadd.s32 v7, v10;
	_ =	sdelay $0x2  }
0x126: {  	[tilespmem:s2], [sflag:$0x4] =	stream.indirect_vreg.gather [hbm4b:s1+s5], $0x80, v11, vm0, $0xb8;
	[tilespmem:$0x1EDC0] =	vst v63  }
0x127: {  	_ = 	snop  }
0x128: {  	[tilespmem:s8], [sflag:$0x4] =	stream.indirect_vreg.gather [hbm4b:s1+s5], $0x80, v10, vm0, $0xb8;
	[tilespmem:$0x1EDC0] =	vst v63  }
0x129: {  	v10 =	vld [tilespmem:s4+$0x1D070];
	_ =	sdelay $0x4  }
0x12a: {  	v11 =	vshll.u32 v10, $0x1  }
0x12b: {  	v10 =	vand.u32 $0x7, v10;
	v11 =	vand.u32 $0xFFFFFFF0, v11  }
0x12c: {  	v10 =	vor.u32 v10, v11  }
0x12d: {  	v11 =	vperm.xlane v10, v6;
	_ =	sdelay $0x1  }
0x12e: {  	v10 =	vperm.xlane v10, v8;
	v11 =	vadd.s32 v7, v11;
	_ =	sdelay $0x1  }
0x12f: {  	v10 =	vadd.s32 v7, v10  }
0x130: {  	s22 =	sshll.u32 s6, $0x1  }
0x131: {  	p0 =	sge.s32 s22, s14  }
0x132: {  	[tilespmem:s9], [sflag:$0x4] =	stream.indirect_vreg.gather [hbm4b:s1+s5], $0x80, v11, vm0, $0xb8;
	[tilespmem:$0x1EDC0] =	vst v63  }
.Ltmp10:
0x133: {  	_ = 	snop;
	(pc) =	sbr.rel @p0 .LBB2_14-.Ltmp10, $4  }
0x134: {  	[tilespmem:s10], [sflag:$0x4] =	stream.indirect_vreg.gather [hbm4b:s1+s5], $0x80, v10, vm0, $0xb8;
	[tilespmem:$0x1EDC0] =	vst v63  }
0x135: {  	_ =	swait.ge [sflag:s11], $0x4000  }
0x136: {  	s26 =	sshll.u32 s6, $0x9;
	[sflag:s11] =	ssyncset.done $0x0  }
0x137: {  	s21 =	sshra.s32 s26, $0x2;
	[sflag:s11] =	ssyncadd.s32 $0xFFFFC000  }
0x138: {  	v10 =	vld [tilespmem:s21+$0x1DD00];
	_ =	sdelay $0x4  }
0x139: {  	v10 =	vadd.s32 v1, v10  }
0x13a: {  	[tilespmem:$0x1EA00] =	vst v10  }
0x13b: {  	v10 =	vld [tilespmem:s21+$0x1DD10];
	_ =	sdelay $0x4  }
0x13c: {  	v10 =	vadd.s32 v1, v10  }
0x13d: {  	[tilespmem:$0x1EA10] =	vst v10  }
0x13e: {  	v10 =	vld [tilespmem:s21+$0x1DD20];
	_ =	sdelay $0x4  }
0x13f: {  	v10 =	vadd.s32 v1, v10  }
0x140: {  	[tilespmem:$0x1EA20] =	vst v10  }
0x141: {  	v10 =	vld [tilespmem:s21+$0x1DD30];
	_ =	sdelay $0x4  }
0x142: {  	v10 =	vadd.s32 v1, v10  }
0x143: {  	[tilespmem:$0x1EA30] =	vst v10  }
0x144: {  	[spmem:s29] =	stream.indirect.scatter.add.f32 [tilespmem:s16], [sflag:$0x5], $0x1, s15, s7, $0xb8;
	[tilespmem:$0x1EDC0] =	vst v63  }
0x145: {  	_ =	swait.ge [sflag:s12], $0x40  }
0x146: {  	[sflag:s12] =	ssyncset.done $0x0  }
0x147: {  	[sflag:s12] =	ssyncadd.s32 $0xFFFFFFC0  }
0x148: {  	v10 =	vld [tilespmem:s25+$0x0];
	_ =	sdelay $0x4  }
0x149: {  	(v2sf) =	vpush v10, $0x0;
	_ =	sdelay $0xa  }
0x14a: {  	s23 =	simm.s32 $0x0  }
0x14b: {  	s4 =	sand.u32 $0x3800, s23;
	s24 =	sand.u32 $0x380, s23  }
0x14c: {  	s4 =	sor.u32 s24, s4  }
0x14d: {  	v10 =	vld [tilespmem:s4+$0x14000]  }
0x14e: {  	s28 =	spop (v2sf)  }
0x14f: {  	s26 =	sshll.u32 s28, $0x8;
	s24 =	sshll.u32 s28, $0x7  }
0x150: {  	s26 =	sand.u32 $0xFFFFF800, s26;
	s24 =	sand.u32 $0x380, s24  }
0x151: {  	s26 =	sor.u32 s24, s26  }
0x152: {  	[tilespmem:s26+$0x0] =	vst.add.f32.msk $0xffff, v10  }
0x153: {  	v10 =	vld [tilespmem:s4+$0x14010];
	_ =	sdelay $0x3  }
0x154: {  	s24 =	sor.u32 $0x10, s26  }
0x155: {  	[tilespmem:s24+$0x0] =	vst.add.f32.msk $0xffff, v10  }
0x156: {  	v10 =	vld [tilespmem:s4+$0x14020];
	_ =	sdelay $0x3  }
0x157: {  	s29 =	sor.u32 $0x20, s26  }
0x158: {  	[tilespmem:s29+$0x0] =	vst.add.f32.msk $0xffff, v10  }
0x159: {  	v10 =	vld [tilespmem:s4+$0x14030];
	_ =	sdelay $0x3  }
0x15a: {  	s28 =	sor.u32 $0x30, s26  }
0x15b: {  	[tilespmem:s28+$0x0] =	vst.add.f32.msk $0xffff, v10  }
0x15c: {  	v10 =	vld [tilespmem:s4+$0x14040];
	_ =	sdelay $0x3  }
0x15d: {  	s29 =	sor.u32 $0x40, s26  }
0x15e: {  	[tilespmem:s29+$0x0] =	vst.add.f32.msk $0xffff, v10  }
0x15f: {  	v10 =	vld [tilespmem:s4+$0x14050];
	_ =	sdelay $0x3  }
0x160: {  	s28 =	sor.u32 $0x50, s26  }
0x161: {  	[tilespmem:s28+$0x0] =	vst.add.f32.msk $0xffff, v10  }
0x162: {  	v10 =	vld [tilespmem:s4+$0x14060];
	_ =	sdelay $0x3  }
0x163: {  	s29 =	sor.u32 $0x60, s26  }
0x164: {  	[tilespmem:s29+$0x0] =	vst.add.f32.msk $0xffff, v10  }
0x165: {  	v10 =	vld [tilespmem:s4+$0x14070];
	_ =	sdelay $0x3  }
0x166: {  	s28 =	sor.u32 $0x70, s26  }
0x167: {  	[tilespmem:s28+$0x0] =	vst.add.f32.msk $0xffff, v10  }
0x168: {  	v10 =	vld [tilespmem:s4+$0x14400];
	_ =	sdelay $0x3  }
0x169: {  	s29 =	sor.u32 $0x400, s26  }
0x16a: {  	[tilespmem:s29+$0x0] =	vst.add.f32.msk $0xffff, v10  }
0x16b: {  	v10 =	vld [tilespmem:s4+$0x14410];
	_ =	sdelay $0x3  }
0x16c: {  	s28 =	sor.u32 $0x410, s26  }
0x16d: {  	[tilespmem:s28+$0x0] =	vst.add.f32.msk $0xffff, v10  }
0x16e: {  	v10 =	vld [tilespmem:s4+$0x14420];
	_ =	sdelay $0x3  }
0x16f: {  	s29 =	sor.u32 $0x420, s26  }
0x170: {  	[tilespmem:s29+$0x0] =	vst.add.f32.msk $0xffff, v10  }
0x171: {  	v10 =	vld [tilespmem:s4+$0x14430];
	_ =	sdelay $0x3  }
0x172: {  	s28 =	sor.u32 $0x430, s26  }
0x173: {  	[tilespmem:s28+$0x0] =	vst.add.f32.msk $0xffff, v10  }
0x174: {  	v10 =	vld [tilespmem:s4+$0x14440];
	_ =	sdelay $0x3  }
0x175: {  	s29 =	sor.u32 $0x440, s26  }
0x176: {  	[tilespmem:s29+$0x0] =	vst.add.f32.msk $0xffff, v10  }
0x177: {  	v10 =	vld [tilespmem:s4+$0x14450];
	_ =	sdelay $0x3  }
0x178: {  	s28 =	sor.u32 $0x450, s26  }
0x179: {  	[tilespmem:s28+$0x0] =	vst.add.f32.msk $0xffff, v10  }
0x17a: {  	v10 =	vld [tilespmem:s4+$0x14460];
	_ =	sdelay $0x3  }
0x17b: {  	s29 =	sor.u32 $0x460, s26  }
0x17c: {  	[tilespmem:s29+$0x0] =	vst.add.f32.msk $0xffff, v10  }
0x17d: {  	v10 =	vld [tilespmem:s4+$0x14470];
	_ =	sdelay $0x3  }
0x17e: {  	s24 =	simm.s32 $0x100;
	s26 =	sor.u32 $0x470, s26;
	s4 =	smov.u32 s25  }
.LBB2_12:
0x17f: {  	p0 =	sne.s32 s24, $0x3F00;
	[tilespmem:s26+$0x0] =	vst.add.f32.msk $0xffff, v10;
	s23 =	sadd.s32 $0x80, s23;
	s4 =	sadd.s32 $0x1, s4  }
0x180: {  	s26 =	smov.u32 s24;
	s24 =	sadd.s32 $0x100, s24;
	v10 =	vld [tilespmem:s4+$0x0];
	_ =	sdelay $0x4  }
0x181: {  	(v2sf) =	vpush v10, $0x0;
	_ =	sdelay $0xb  }
0x182: {  	s26 =	sand.u32 $0x3800, s26;
	s28 =	sand.u32 $0x380, s23  }
0x183: {  	s26 =	sor.u32 s28, s26  }
0x184: {  	v10 =	vld [tilespmem:s26+$0x14000]  }
0x185: {  	s28 =	spop (v2sf)  }
0x186: {  	s29 =	sshll.u32 s28, $0x8;
	s28 =	sshll.u32 s28, $0x7  }
0x187: {  	s29 =	sand.u32 $0xFFFFF800, s29;
	s28 =	sand.u32 $0x380, s28  }
0x188: {  	s28 =	sor.u32 s28, s29  }
0x189: {  	[tilespmem:s28+$0x0] =	vst.add.f32.msk $0xffff, v10  }
0x18a: {  	v10 =	vld [tilespmem:s26+$0x14010];
	_ =	sdelay $0x3  }
0x18b: {  	s29 =	sor.u32 $0x10, s28  }
0x18c: {  	[tilespmem:s29+$0x0] =	vst.add.f32.msk $0xffff, v10  }
0x18d: {  	v10 =	vld [tilespmem:s26+$0x14020];
	_ =	sdelay $0x3  }
0x18e: {  	s29 =	sor.u32 $0x20, s28  }
0x18f: {  	[tilespmem:s29+$0x0] =	vst.add.f32.msk $0xffff, v10  }
0x190: {  	v10 =	vld [tilespmem:s26+$0x14030];
	_ =	sdelay $0x3  }
0x191: {  	s29 =	sor.u32 $0x30, s28  }
0x192: {  	[tilespmem:s29+$0x0] =	vst.add.f32.msk $0xffff, v10  }
0x193: {  	v10 =	vld [tilespmem:s26+$0x14040];
	_ =	sdelay $0x3  }
0x194: {  	s29 =	sor.u32 $0x40, s28  }
0x195: {  	[tilespmem:s29+$0x0] =	vst.add.f32.msk $0xffff, v10  }
0x196: {  	v10 =	vld [tilespmem:s26+$0x14050];
	_ =	sdelay $0x3  }
0x197: {  	s29 =	sor.u32 $0x50, s28  }
0x198: {  	[tilespmem:s29+$0x0] =	vst.add.f32.msk $0xffff, v10  }
0x199: {  	v10 =	vld [tilespmem:s26+$0x14060];
	_ =	sdelay $0x3  }
0x19a: {  	s29 =	sor.u32 $0x60, s28  }
0x19b: {  	[tilespmem:s29+$0x0] =	vst.add.f32.msk $0xffff, v10  }
0x19c: {  	v10 =	vld [tilespmem:s26+$0x14070];
	_ =	sdelay $0x3  }
0x19d: {  	s29 =	sor.u32 $0x70, s28  }
0x19e: {  	[tilespmem:s29+$0x0] =	vst.add.f32.msk $0xffff, v10  }
0x19f: {  	v10 =	vld [tilespmem:s26+$0x14400];
	_ =	sdelay $0x3  }
0x1a0: {  	s29 =	sor.u32 $0x400, s28  }
0x1a1: {  	[tilespmem:s29+$0x0] =	vst.add.f32.msk $0xffff, v10  }
0x1a2: {  	v10 =	vld [tilespmem:s26+$0x14410];
	_ =	sdelay $0x3  }
0x1a3: {  	s29 =	sor.u32 $0x410, s28  }
0x1a4: {  	[tilespmem:s29+$0x0] =	vst.add.f32.msk $0xffff, v10  }
0x1a5: {  	v10 =	vld [tilespmem:s26+$0x14420];
	_ =	sdelay $0x3  }
0x1a6: {  	s29 =	sor.u32 $0x420, s28  }
0x1a7: {  	[tilespmem:s29+$0x0] =	vst.add.f32.msk $0xffff, v10  }
0x1a8: {  	v10 =	vld [tilespmem:s26+$0x14430];
	_ =	sdelay $0x3  }
0x1a9: {  	s29 =	sor.u32 $0x430, s28  }
0x1aa: {  	[tilespmem:s29+$0x0] =	vst.add.f32.msk $0xffff, v10  }
0x1ab: {  	v10 =	vld [tilespmem:s26+$0x14440];
	_ =	sdelay $0x3  }
0x1ac: {  	s29 =	sor.u32 $0x440, s28  }
0x1ad: {  	[tilespmem:s29+$0x0] =	vst.add.f32.msk $0xffff, v10  }
0x1ae: {  	v10 =	vld [tilespmem:s26+$0x14450];
	_ =	sdelay $0x3  }
0x1af: {  	s29 =	sor.u32 $0x450, s28  }
0x1b0: {  	[tilespmem:s29+$0x0] =	vst.add.f32.msk $0xffff, v10  }
0x1b1: {  	v10 =	vld [tilespmem:s26+$0x14460];
	_ =	sdelay $0x3  }
0x1b2: {  	s29 =	sor.u32 $0x460, s28  }
0x1b3: {  	[tilespmem:s29+$0x0] =	vst.add.f32.msk $0xffff, v10  }
.Ltmp11:
0x1b4: {  	v10 =	vld [tilespmem:s26+$0x14470];
	(pc) =	sbr.rel @p0 .LBB2_12-.Ltmp11, $2  }
0x1b5: {  	_ =	sdelay $0x2  }
0x1b6: {  	s26 =	sor.u32 $0x470, s28  }
0x1b7: {  	[tilespmem:s26+$0x0] =	vst.add.f32.msk $0xffff, v10;
	s29 =	rddreg [dreg:$0x3];
	s28 =	simm.s32 $0x14000  }
.LBB2_14:
0x1b8: {  	p0 =	sge.s32 s22, s3  }
.Ltmp12:
0x1b9: {  	_ = 	snop;
	(pc) =	sbr.rel @p0 .LBB2_18-.Ltmp12, $4  }
0x1ba: {  	_ = 	snop  }
0x1bb: {  	_ =	swait.ge [sflag:s13], $0x4000  }
0x1bc: {  	[sflag:s13] =	ssyncset.done $0x0  }
0x1bd: {  	[sflag:s13] =	ssyncadd.s32 $0xFFFFC000  }
0x1be: {  	v10 =	vld [tilespmem:s21+$0x1DD40];
	_ =	sdelay $0x4  }
0x1bf: {  	v10 =	vadd.s32 v1, v10  }
0x1c0: {  	[tilespmem:$0x1EA00] =	vst v10  }
0x1c1: {  	v10 =	vld [tilespmem:s21+$0x1DD50];
	_ =	sdelay $0x4  }
0x1c2: {  	v10 =	vadd.s32 v1, v10  }
0x1c3: {  	[tilespmem:$0x1EA10] =	vst v10  }
0x1c4: {  	v10 =	vld [tilespmem:s21+$0x1DD60];
	_ =	sdelay $0x4  }
0x1c5: {  	v10 =	vadd.s32 v1, v10  }
0x1c6: {  	[tilespmem:$0x1EA20] =	vst v10  }
0x1c7: {  	v10 =	vld [tilespmem:s21+$0x1DD70];
	_ =	sdelay $0x4  }
0x1c8: {  	v10 =	vadd.s32 v1, v10  }
0x1c9: {  	[tilespmem:$0x1EA30] =	vst v10  }
0x1ca: {  	[spmem:s29] =	stream.indirect.scatter.add.f32 [tilespmem:s16], [sflag:$0x5], $0x1, s15, s7, $0xb8;
	[tilespmem:$0x1EDC0] =	vst v63  }
0x1cb: {  	_ =	swait.ge [sflag:s12], $0x40  }
0x1cc: {  	[sflag:s12] =	ssyncset.done $0x0  }
0x1cd: {  	[sflag:s12] =	ssyncadd.s32 $0xFFFFFFC0  }
0x1ce: {  	v10 =	vld [tilespmem:s20+$0x0];
	_ =	sdelay $0x4  }
0x1cf: {  	(v2sf) =	vpush v10, $0x0;
	_ =	sdelay $0xa  }
0x1d0: {  	s21 =	simm.s32 $0x0  }
0x1d1: {  	s4 =	sand.u32 $0x3800, s21;
	s22 =	sand.u32 $0x380, s21  }
0x1d2: {  	s4 =	sor.u32 s22, s4  }
0x1d3: {  	v10 =	vld [tilespmem:s4+$0x18000]  }
0x1d4: {  	s24 =	spop (v2sf)  }
0x1d5: {  	s23 =	sshll.u32 s24, $0x8;
	s22 =	sshll.u32 s24, $0x7  }
0x1d6: {  	s23 =	sand.u32 $0xFFFFF800, s23;
	s22 =	sand.u32 $0x380, s22  }
0x1d7: {  	s23 =	sor.u32 s22, s23  }
0x1d8: {  	[tilespmem:s23+$0x0] =	vst.add.f32.msk $0xffff, v10  }
0x1d9: {  	v10 =	vld [tilespmem:s4+$0x18010];
	_ =	sdelay $0x3  }
0x1da: {  	s22 =	sor.u32 $0x10, s23  }
0x1db: {  	[tilespmem:s22+$0x0] =	vst.add.f32.msk $0xffff, v10  }
0x1dc: {  	v10 =	vld [tilespmem:s4+$0x18020];
	_ =	sdelay $0x3  }
0x1dd: {  	s26 =	sor.u32 $0x20, s23  }
0x1de: {  	[tilespmem:s26+$0x0] =	vst.add.f32.msk $0xffff, v10  }
0x1df: {  	v10 =	vld [tilespmem:s4+$0x18030];
	_ =	sdelay $0x3  }
0x1e0: {  	s24 =	sor.u32 $0x30, s23  }
0x1e1: {  	[tilespmem:s24+$0x0] =	vst.add.f32.msk $0xffff, v10  }
0x1e2: {  	v10 =	vld [tilespmem:s4+$0x18040];
	_ =	sdelay $0x3  }
0x1e3: {  	s26 =	sor.u32 $0x40, s23  }
0x1e4: {  	[tilespmem:s26+$0x0] =	vst.add.f32.msk $0xffff, v10  }
0x1e5: {  	v10 =	vld [tilespmem:s4+$0x18050];
	_ =	sdelay $0x3  }
0x1e6: {  	s24 =	sor.u32 $0x50, s23  }
0x1e7: {  	[tilespmem:s24+$0x0] =	vst.add.f32.msk $0xffff, v10  }
0x1e8: {  	v10 =	vld [tilespmem:s4+$0x18060];
	_ =	sdelay $0x3  }
0x1e9: {  	s26 =	sor.u32 $0x60, s23  }
0x1ea: {  	[tilespmem:s26+$0x0] =	vst.add.f32.msk $0xffff, v10  }
0x1eb: {  	v10 =	vld [tilespmem:s4+$0x18070];
	_ =	sdelay $0x3  }
0x1ec: {  	s24 =	sor.u32 $0x70, s23  }
0x1ed: {  	[tilespmem:s24+$0x0] =	vst.add.f32.msk $0xffff, v10  }
0x1ee: {  	v10 =	vld [tilespmem:s4+$0x18400];
	_ =	sdelay $0x3  }
0x1ef: {  	s26 =	sor.u32 $0x400, s23  }
0x1f0: {  	[tilespmem:s26+$0x0] =	vst.add.f32.msk $0xffff, v10  }
0x1f1: {  	v10 =	vld [tilespmem:s4+$0x18410];
	_ =	sdelay $0x3  }
0x1f2: {  	s24 =	sor.u32 $0x410, s23  }
0x1f3: {  	[tilespmem:s24+$0x0] =	vst.add.f32.msk $0xffff, v10  }
0x1f4: {  	v10 =	vld [tilespmem:s4+$0x18420];
	_ =	sdelay $0x3  }
0x1f5: {  	s26 =	sor.u32 $0x420, s23  }
0x1f6: {  	[tilespmem:s26+$0x0] =	vst.add.f32.msk $0xffff, v10  }
0x1f7: {  	v10 =	vld [tilespmem:s4+$0x18430];
	_ =	sdelay $0x3  }
0x1f8: {  	s24 =	sor.u32 $0x430, s23  }
0x1f9: {  	[tilespmem:s24+$0x0] =	vst.add.f32.msk $0xffff, v10  }
0x1fa: {  	v10 =	vld [tilespmem:s4+$0x18440];
	_ =	sdelay $0x3  }
0x1fb: {  	s26 =	sor.u32 $0x440, s23  }
0x1fc: {  	[tilespmem:s26+$0x0] =	vst.add.f32.msk $0xffff, v10  }
0x1fd: {  	v10 =	vld [tilespmem:s4+$0x18450];
	_ =	sdelay $0x3  }
0x1fe: {  	s24 =	sor.u32 $0x450, s23  }
0x1ff: {  	[tilespmem:s24+$0x0] =	vst.add.f32.msk $0xffff, v10  }
0x200: {  	v10 =	vld [tilespmem:s4+$0x18460];
	_ =	sdelay $0x3  }
0x201: {  	s26 =	sor.u32 $0x460, s23  }
0x202: {  	[tilespmem:s26+$0x0] =	vst.add.f32.msk $0xffff, v10  }
0x203: {  	v10 =	vld [tilespmem:s4+$0x18470];
	_ =	sdelay $0x3  }
0x204: {  	s22 =	simm.s32 $0x100;
	s23 =	sor.u32 $0x470, s23;
	s4 =	smov.u32 s20  }
.LBB2_16:
0x205: {  	p0 =	sne.s32 s22, $0x3F00;
	[tilespmem:s23+$0x0] =	vst.add.f32.msk $0xffff, v10;
	s21 =	sadd.s32 $0x80, s21;
	s4 =	sadd.s32 $0x1, s4  }
0x206: {  	s23 =	smov.u32 s22;
	s22 =	sadd.s32 $0x100, s22;
	v10 =	vld [tilespmem:s4+$0x0];
	_ =	sdelay $0x4  }
0x207: {  	(v2sf) =	vpush v10, $0x0;
	_ =	sdelay $0xb  }
0x208: {  	s23 =	sand.u32 $0x3800, s23;
	s24 =	sand.u32 $0x380, s21  }
0x209: {  	s23 =	sor.u32 s24, s23  }
0x20a: {  	v10 =	vld [tilespmem:s23+$0x18000]  }
0x20b: {  	s24 =	spop (v2sf)  }
0x20c: {  	s26 =	sshll.u32 s24, $0x8;
	s24 =	sshll.u32 s24, $0x7  }
0x20d: {  	s26 =	sand.u32 $0xFFFFF800, s26;
	s24 =	sand.u32 $0x380, s24  }
0x20e: {  	s24 =	sor.u32 s24, s26  }
0x20f: {  	[tilespmem:s24+$0x0] =	vst.add.f32.msk $0xffff, v10  }
0x210: {  	v10 =	vld [tilespmem:s23+$0x18010];
	_ =	sdelay $0x3  }
0x211: {  	s26 =	sor.u32 $0x10, s24  }
0x212: {  	[tilespmem:s26+$0x0] =	vst.add.f32.msk $0xffff, v10  }
0x213: {  	v10 =	vld [tilespmem:s23+$0x18020];
	_ =	sdelay $0x3  }
0x214: {  	s26 =	sor.u32 $0x20, s24  }
0x215: {  	[tilespmem:s26+$0x0] =	vst.add.f32.msk $0xffff, v10  }
0x216: {  	v10 =	vld [tilespmem:s23+$0x18030];
	_ =	sdelay $0x3  }
0x217: {  	s26 =	sor.u32 $0x30, s24  }
0x218: {  	[tilespmem:s26+$0x0] =	vst.add.f32.msk $0xffff, v10  }
0x219: {  	v10 =	vld [tilespmem:s23+$0x18040];
	_ =	sdelay $0x3  }
0x21a: {  	s26 =	sor.u32 $0x40, s24  }
0x21b: {  	[tilespmem:s26+$0x0] =	vst.add.f32.msk $0xffff, v10  }
0x21c: {  	v10 =	vld [tilespmem:s23+$0x18050];
	_ =	sdelay $0x3  }
0x21d: {  	s26 =	sor.u32 $0x50, s24  }
0x21e: {  	[tilespmem:s26+$0x0] =	vst.add.f32.msk $0xffff, v10  }
0x21f: {  	v10 =	vld [tilespmem:s23+$0x18060];
	_ =	sdelay $0x3  }
0x220: {  	s26 =	sor.u32 $0x60, s24  }
0x221: {  	[tilespmem:s26+$0x0] =	vst.add.f32.msk $0xffff, v10  }
0x222: {  	v10 =	vld [tilespmem:s23+$0x18070];
	_ =	sdelay $0x3  }
0x223: {  	s26 =	sor.u32 $0x70, s24  }
0x224: {  	[tilespmem:s26+$0x0] =	vst.add.f32.msk $0xffff, v10  }
0x225: {  	v10 =	vld [tilespmem:s23+$0x18400];
	_ =	sdelay $0x3  }
0x226: {  	s26 =	sor.u32 $0x400, s24  }
0x227: {  	[tilespmem:s26+$0x0] =	vst.add.f32.msk $0xffff, v10  }
0x228: {  	v10 =	vld [tilespmem:s23+$0x18410];
	_ =	sdelay $0x3  }
0x229: {  	s26 =	sor.u32 $0x410, s24  }
0x22a: {  	[tilespmem:s26+$0x0] =	vst.add.f32.msk $0xffff, v10  }
0x22b: {  	v10 =	vld [tilespmem:s23+$0x18420];
	_ =	sdelay $0x3  }
0x22c: {  	s26 =	sor.u32 $0x420, s24  }
0x22d: {  	[tilespmem:s26+$0x0] =	vst.add.f32.msk $0xffff, v10  }
0x22e: {  	v10 =	vld [tilespmem:s23+$0x18430];
	_ =	sdelay $0x3  }
0x22f: {  	s26 =	sor.u32 $0x430, s24  }
0x230: {  	[tilespmem:s26+$0x0] =	vst.add.f32.msk $0xffff, v10  }
0x231: {  	v10 =	vld [tilespmem:s23+$0x18440];
	_ =	sdelay $0x3  }
0x232: {  	s26 =	sor.u32 $0x440, s24  }
0x233: {  	[tilespmem:s26+$0x0] =	vst.add.f32.msk $0xffff, v10  }
0x234: {  	v10 =	vld [tilespmem:s23+$0x18450];
	_ =	sdelay $0x3  }
0x235: {  	s26 =	sor.u32 $0x450, s24  }
0x236: {  	[tilespmem:s26+$0x0] =	vst.add.f32.msk $0xffff, v10  }
0x237: {  	v10 =	vld [tilespmem:s23+$0x18460];
	_ =	sdelay $0x3  }
0x238: {  	s26 =	sor.u32 $0x460, s24  }
0x239: {  	[tilespmem:s26+$0x0] =	vst.add.f32.msk $0xffff, v10  }
.Ltmp13:
0x23a: {  	v10 =	vld [tilespmem:s23+$0x18470];
	(pc) =	sbr.rel @p0 .LBB2_16-.Ltmp13, $2  }
0x23b: {  	_ =	sdelay $0x2  }
0x23c: {  	s23 =	sor.u32 $0x470, s24  }
.Ltmp14:
0x23d: {  	(pc) =	sbr.rel .LBB2_18-.Ltmp14, $2  }
0x23e: {  	_ =	sdelay $0x2  }
0x23f: {  	[tilespmem:s23+$0x0] =	vst.add.f32.msk $0xffff, v10  }
.LBB2_19:
.Ltmp15:
0x240: {  	(pc) =	sbr.rel .LBB2_20-.Ltmp15, $2  }
0x241: {  	_ =	sdelay $0x2  }
0x242: {  	s3 =	simm.s32 $0x0;
	s21 =	rddreg [dreg:$0xc]  }
.LBB2_48:
0x243: {  	s3 =	simm.s32 @!p0 $0x0  }
.LBB2_20:
0x244: {  	s4 =	sadd.s32 $0x100, s21;
	s6 =	rddreg [dreg:$0x5];
	s14 =	simm.s32 $0x0  }
0x245: {  	s17 =	simm.s32 $0x1C000;
	s23 =	rddreg [dreg:$0x1];
	s6 =	sadd.s32 s6, s4  }
0x246: {  	[tilespmem:s17], [sflag:$0x1] =	stream.linear.gather [hbm4b:s6+s14], $0x400, $0x38;
	[tilespmem:$0x1EDC0] =	vst v63  }
0x247: {  	s24 =	simm.s32 $0x1C400;
	s25 =	simm.s32 $0x2;
	s4 =	sadd.s32 s23, s4  }
0x248: {  	[tilespmem:s24], [sflag:$0x1] =	stream.linear.gather [hbm4b:s4+s14], $0x400, $0x38;
	[tilespmem:$0x1EDC0] =	vst v63  }
0x249: {  	_ =	swait.ge [sflag:s25], $0x400  }
0x24a: {  	[sflag:s25] =	ssyncset.done $0x0  }
0x24b: {  	[sflag:s25] =	ssyncadd.s32 $0xFFFFFC00  }
0x24c: {  	_ =	swait.ge [sflag:s25], $0x400  }
0x24d: {  	[sflag:s25] =	ssyncset.done $0x0  }
0x24e: {  	s26 =	simm.s32 $0x0;
	[sflag:s25] =	ssyncadd.s32 $0xFFFFFC00  }
0x24f: {  	v10 =	vld [tilespmem:s26+$0x1C800];
	_ =	sdelay $0x4  }
0x250: {  	v10 =	vsub.s32 v10, v0  }
0x251: {  	vm1 =	vlt.u32 v10, $0x139  }
0x252: {  	v11 =	vsel vm1, $0x1, v5  }
0x253: {  	(xrf0) =	vadd.scan.msk.s32 $0xffff, v11;
	_ =	sdelay $0x5  }
0x254: {  	v12, _, _ =	vpop (xrf0)  }
0x255: {  	v11 =	vmov s3;
	v13 =	vxor.u32 $0x80000000, v12  }
0x256: {  	v11 =	vadd.s32 $0xFFFFFFFF, v11;
	(xrf0) =	vmax.scan.msk.u32 $0xffff, v13  }
0x257: {  	v11 =	vbroadcast v11, $0x0;
	_ =	sdelay $0x1  }
0x258: {  	v63 =	vld [tilespmem:s26+$0x1CC00];
	v11 =	vadd.s32 v12, v11;
	_ =	sdelay $0x2  }
0x259: {  	v13, _, _ =	vpop (xrf0)  }
0x25a: {  	(v2sf) =	vpush v13, $0xF  }
0x25b: {  	[tilespmem:v11+s18+$0x0] =	vst.idx.msk vm1, v63  }
0x25c: {  	s6 =	simm.s32 $0x80;
	s4 =	simm.s32 $0x10;
	[tilespmem:v11+s19+$0x0] =	vst.idx.msk vm1, v10  }
.LBB2_21:
0x25d: {  	p0 =	sne.s32 s6, $0xFC0;
	v10 =	vld [tilespmem:s4+$0x1C800];
	_ =	sdelay $0x4  }
0x25e: {  	v10 =	vsub.s32 v10, v0  }
0x25f: {  	vm1 =	vlt.u32 v10, $0x139  }
0x260: {  	v11 =	vsel vm1, $0x1, v5  }
0x261: {  	(xrf0) =	vadd.scan.msk.s32 $0xffff, v11;
	_ =	sdelay $0x3  }
0x262: {  	s14 =	spop (v2sf)  }
0x263: {  	s3 =	sadd.s32 s14, s3  }
0x264: {  	v11, _, _ =	vpop (xrf0);
	s3 =	sadd.s32 $0x80000000, s3  }
0x265: {  	v12 =	vmov s3;
	v13 =	vxor.u32 $0x80000000, v11  }
0x266: {  	v12 =	vadd.s32 $0xFFFFFFFF, v12;
	(xrf0) =	vmax.scan.msk.u32 $0xffff, v13  }
0x267: {  	v12 =	vbroadcast v12, $0x0;
	_ =	sdelay $0x1  }
0x268: {  	v11 =	vadd.s32 v11, v12;
	v12 =	vld [tilespmem:s4+$0x1CC00];
	_ =	sdelay $0x1  }
.Ltmp16:
0x269: {  	(pc) =	sbr.rel @p0 .LBB2_21-.Ltmp16, $4  }
0x26a: {  	v13, _, _ =	vpop (xrf0)  }
0x26b: {  	(v2sf) =	vpush v13, $0xF  }
0x26c: {  	[tilespmem:v11+s18+$0x0] =	vst.idx.msk vm1, v12  }
0x26d: {  	s4 =	sshra.s32 s6, $0x2;
	s6 =	sadd.s32 $0x40, s6;
	[tilespmem:v11+s19+$0x0] =	vst.idx.msk vm1, v10  }
0x26e: {  	v10 =	vld [tilespmem:s4+$0x1C800];
	_ =	sdelay $0x4  }
0x26f: {  	v10 =	vsub.s32 v10, v0  }
0x270: {  	vm1 =	vlt.u32 v10, $0x139  }
0x271: {  	v11 =	vsel vm1, $0x1, v5  }
0x272: {  	(xrf0) =	vadd.scan.msk.s32 $0xffff, v11;
	_ =	sdelay $0x5  }
0x273: {  	v11, _, _ =	vpop (xrf0)  }
0x274: {  	v12 =	vxor.u32 $0x80000000, v11  }
0x275: {  	(xrf0) =	vmax.scan.msk.u32 $0xffff, v12;
	_ =	sdelay $0x5  }
0x276: {  	v12, _, _ =	vpop (xrf0)  }
0x277: {  	(v2sf) =	vpush v12, $0xF;
	_ =	sdelay $0xc  }
0x278: {  	s6 =	spop (v2sf)  }
0x279: {  	s3 =	sadd.s32 s6, s3  }
0x27a: {  	s3 =	sadd.s32 $0x80000000, s3;
	s26 =	spop (v2sf)  }
0x27b: {  	v62 =	vmov s3;
	s3 =	sadd.s32 s26, s3  }
0x27c: {  	s3 =	sadd.s32 $0x80000000, s3  }
0x27d: {  	v12 =	vadd.s32 $0xFFFFFFFF, v62;
	p0 =	slt.s32 s3, $0x800  }
0x27e: {  	v63 =	vld [tilespmem:s4+$0x1CC00];
	v12 =	vbroadcast v12, $0x0;
	s4 =	sadd.s32 @!p0 $0x3F, s3  }
0x27f: {  	s6 =	sand.u32 @!p0 $0x3F, s4  }
0x280: {  	v11 =	vadd.s32 v11, v12;
	p1 =	slt.s32 @!p0 s4, $0x0;
	p2 =	sne.s32 @!p0 s6, $0x0  }
0x281: {  	s6 =	sshra.s32 @!p0 s4, $0x1F;
	p1 =	por @!p0 !p1, !p2  }
0x282: {  	s6 =	sshrl.u32 @!p0 s6, $0x1A;
	p1 =	por @!p0 !p1, !p1  }
0x283: {  	s4 =	sadd.s32 @!p0 s6, s4;
	s6 =	simm.s32 @!p0 $0x1;
	p1 =	por !p1, p0  }
0x284: {  	s4 =	sshra.s32 @!p0 s4, $0x6;
	s6 =	simm.s32 @p1 $0x0  }
0x285: {  	[tilespmem:v11+s18+$0x0] =	vst.idx.msk vm1, v63;
	s6 =	ssub.s32 @!p0 s4, s6  }
0x286: {  	[tilespmem:v11+s19+$0x0] =	vst.idx.msk vm1, v10;
	s17 =	sand.u32 @!p0 $0x7FFFFFF0, s3;
	s14 =	sand.u32 @!p0 $0xF, s3;
	s4 =	sadd.s32 @!p0 $0x1, s6  }
0x287: {  	v10 =	vld @!p0 [tilespmem:s17+$0x1D000];
	v12 =	vmov @!p0 s14;
	s14 =	sand.u32 @!p0 $0x1, s4  }
0x288: {  	v11 =	vld @!p0 [tilespmem:s17+$0x1DD00];
	p1 =	slt.s32 @!p0 s6, $0x0;
	p2 =	seq.s32 @!p0 s14, $0x1  }
0x289: {  	p1 =	por @!p0 !p1, !p2  }
0x28a: {  	v13 =	vlaneseq.u32 @!p0;
	s14 =	sshrl.u32 @!p0 s4, $0x1F;
	p1 =	por @!p0 !p1, !p1  }
0x28b: {  	vm1 =	vgt.u32 @!p0 v12, v13;
	s4 =	sadd.s32 @!p0 s14, s4;
	s14 =	simm.s32 @!p0 $0x1;
	p1 =	por !p1, p0  }
0x28c: {  	v10 =	vnsel @!p0 vm1, $0x0, v10;
	s4 =	sshra.s32 @!p0 s4, $0x1;
	s14 =	simm.s32 @p1 $0x0  }
0x28d: {  	[tilespmem:s17+$0x1D000] =	vst @!p0 v10;
	v10 =	vnsel @!p0 vm1, $0x13C, v11;
	s14 =	ssub.s32 @!p0 s4, s14  }
0x28e: {  	v11 =	vimm.s32 @!p0 $0x0;
	[tilespmem:s17+$0x1DD00] =	vst @!p0 v10;
	p1 =	slt.s32 @!p0 s14, $0x1  }
0x28f: {  	[tilespmem:s17+$0x1D010] =	vst @!p0 v11;
	p1 =	por p0, p1  }
.Ltmp17:
0x290: {  	[tilespmem:s17+$0x1D020] =	vst @!p0 v11;
	(pc) =	sbr.rel @p1 .LBB2_49-.Ltmp17, $4  }
0x291: {  	v10 =	vimm.s32 @!p0 $0x13C;
	[tilespmem:s17+$0x1D030] =	vst @!p0 v11  }
0x292: {  	[tilespmem:s17+$0x1DD10] =	vst @!p0 v10  }
0x293: {  	[tilespmem:s17+$0x1DD20] =	vst @!p0 v10  }
0x294: {  	[tilespmem:s17+$0x1DD30] =	vst @!p0 v10;
	s17 =	simm.s32 @!p0 $0x0  }
.Ltmp18:
0x295: {  	(pc) =	sbr.rel .LBB2_24-.Ltmp18, $2  }
0x296: {  	_ =	sdelay $0x2  }
0x297: {  	s3 =	sadd.s32 @!p0 $0xFFFFFFFF, s6;
	s4 =	simm.s32 @!p0 $0x1DD00;
	s20 =	simm.s32 @!p0 $0x1DD40  }
.LBB2_32:
0x298: {  	s17 =	sadd.s32 $0x1, s17  }
0x299: {  	p0 =	sne.s32 s17, s14  }
.Ltmp19:
0x29a: {  	_ = 	snop;
	(pc) =	sbr.rel @!p0 .LBB2_33-.Ltmp19, $2  }
0x29b: {  	_ =	sdelay $0x2  }
0x29c: {  	s4 =	sadd.s32 $0x80, s4;
	s20 =	sadd.s32 $0x80, s20  }
.LBB2_24:
0x29d: {  	s21 =	sshll.u32 s17, $0x7  }
0x29e: {  	v10 =	vld [tilespmem:s21+$0x1D000];
	_ =	sdelay $0x4  }
0x29f: {  	v11 =	vshll.u32 v10, $0x1  }
0x2a0: {  	v10 =	vand.u32 $0x7, v10;
	v11 =	vand.u32 $0xFFFFFFF0, v11  }
0x2a1: {  	v10 =	vor.u32 v10, v11  }
0x2a2: {  	v11 =	vperm.xlane v10, v6;
	_ =	sdelay $0x1  }
0x2a3: {  	v10 =	vperm.xlane v10, v8;
	v11 =	vadd.s32 v7, v11;
	_ =	sdelay $0x1  }
0x2a4: {  	v10 =	vadd.s32 v7, v10;
	_ =	sdelay $0x2  }
0x2a5: {  	[tilespmem:s28], [sflag:$0x3] =	stream.indirect_vreg.gather [hbm4b:s1+s5], $0x80, v11, vm0, $0xb8;
	[tilespmem:$0x1EDC0] =	vst v63  }
0x2a6: {  	s22 =	simm.s32 $0x14800  }
0x2a7: {  	[tilespmem:s22], [sflag:$0x3] =	stream.indirect_vreg.gather [hbm4b:s1+s5], $0x80, v10, vm0, $0xb8;
	[tilespmem:$0x1EDC0] =	vst v63  }
0x2a8: {  	v10 =	vld [tilespmem:s21+$0x1D010];
	_ =	sdelay $0x4  }
0x2a9: {  	v11 =	vshll.u32 v10, $0x1  }
0x2aa: {  	v10 =	vand.u32 $0x7, v10;
	v11 =	vand.u32 $0xFFFFFFF0, v11  }
0x2ab: {  	v10 =	vor.u32 v10, v11  }
0x2ac: {  	v11 =	vperm.xlane v10, v6;
	_ =	sdelay $0x1  }
0x2ad: {  	v10 =	vperm.xlane v10, v8;
	v11 =	vadd.s32 v7, v11;
	_ =	sdelay $0x1  }
0x2ae: {  	v10 =	vadd.s32 v7, v10;
	_ =	sdelay $0x1  }
0x2af: {  	s23 =	simm.s32 $0x15000  }
0x2b0: {  	[tilespmem:s23], [sflag:$0x3] =	stream.indirect_vreg.gather [hbm4b:s1+s5], $0x80, v11, vm0, $0xb8;
	[tilespmem:$0x1EDC0] =	vst v63  }
0x2b1: {  	s24 =	simm.s32 $0x15800  }
0x2b2: {  	[tilespmem:s24], [sflag:$0x3] =	stream.indirect_vreg.gather [hbm4b:s1+s5], $0x80, v10, vm0, $0xb8;
	[tilespmem:$0x1EDC0] =	vst v63  }
0x2b3: {  	v10 =	vld [tilespmem:s21+$0x1D020];
	_ =	sdelay $0x4  }
0x2b4: {  	v11 =	vshll.u32 v10, $0x1  }
0x2b5: {  	v10 =	vand.u32 $0x7, v10;
	v11 =	vand.u32 $0xFFFFFFF0, v11  }
0x2b6: {  	v10 =	vor.u32 v10, v11  }
0x2b7: {  	v11 =	vperm.xlane v10, v6;
	_ =	sdelay $0x1  }
0x2b8: {  	v10 =	vperm.xlane v10, v8;
	v11 =	vadd.s32 v7, v11;
	_ =	sdelay $0x1  }
0x2b9: {  	v10 =	vadd.s32 v7, v10;
	_ =	sdelay $0x1  }
0x2ba: {  	s25 =	simm.s32 $0x16000  }
0x2bb: {  	[tilespmem:s25], [sflag:$0x3] =	stream.indirect_vreg.gather [hbm4b:s1+s5], $0x80, v11, vm0, $0xb8;
	[tilespmem:$0x1EDC0] =	vst v63  }
0x2bc: {  	s26 =	simm.s32 $0x16800  }
0x2bd: {  	[tilespmem:s26], [sflag:$0x3] =	stream.indirect_vreg.gather [hbm4b:s1+s5], $0x80, v10, vm0, $0xb8;
	[tilespmem:$0x1EDC0] =	vst v63  }
0x2be: {  	v10 =	vld [tilespmem:s21+$0x1D030];
	_ =	sdelay $0x4  }
0x2bf: {  	v11 =	vshll.u32 v10, $0x1  }
0x2c0: {  	v10 =	vand.u32 $0x7, v10;
	v11 =	vand.u32 $0xFFFFFFF0, v11  }
0x2c1: {  	v10 =	vor.u32 v10, v11  }
0x2c2: {  	v11 =	vperm.xlane v10, v6;
	_ =	sdelay $0x1  }
0x2c3: {  	v10 =	vperm.xlane v10, v8;
	v11 =	vadd.s32 v7, v11;
	_ =	sdelay $0x1  }
0x2c4: {  	v10 =	vadd.s32 v7, v10;
	_ =	sdelay $0x1  }
0x2c5: {  	s23 =	simm.s32 $0x17000  }
0x2c6: {  	[tilespmem:s23], [sflag:$0x3] =	stream.indirect_vreg.gather [hbm4b:s1+s5], $0x80, v11, vm0, $0xb8;
	[tilespmem:$0x1EDC0] =	vst v63  }
0x2c7: {  	s24 =	simm.s32 $0x17800  }
0x2c8: {  	[tilespmem:s24], [sflag:$0x3] =	stream.indirect_vreg.gather [hbm4b:s1+s5], $0x80, v10, vm0, $0xb8;
	[tilespmem:$0x1EDC0] =	vst v63  }
0x2c9: {  	v10 =	vld [tilespmem:s21+$0x1D040];
	_ =	sdelay $0x4  }
0x2ca: {  	v11 =	vshll.u32 v10, $0x1  }
0x2cb: {  	v10 =	vand.u32 $0x7, v10;
	v11 =	vand.u32 $0xFFFFFFF0, v11  }
0x2cc: {  	v10 =	vor.u32 v10, v11  }
0x2cd: {  	v11 =	vperm.xlane v10, v6;
	_ =	sdelay $0x1  }
0x2ce: {  	v10 =	vperm.xlane v10, v8;
	v11 =	vadd.s32 v7, v11;
	_ =	sdelay $0x1  }
0x2cf: {  	v10 =	vadd.s32 v7, v10;
	_ =	sdelay $0x1  }
0x2d0: {  	s25 =	simm.s32 $0x18000  }
0x2d1: {  	[tilespmem:s25], [sflag:$0x4] =	stream.indirect_vreg.gather [hbm4b:s1+s5], $0x80, v11, vm0, $0xb8;
	[tilespmem:$0x1EDC0] =	vst v63  }
0x2d2: {  	_ = 	snop  }
0x2d3: {  	[tilespmem:s30], [sflag:$0x4] =	stream.indirect_vreg.gather [hbm4b:s1+s5], $0x80, v10, vm0, $0xb8;
	[tilespmem:$0x1EDC0] =	vst v63  }
0x2d4: {  	v10 =	vld [tilespmem:s21+$0x1D050];
	_ =	sdelay $0x4  }
0x2d5: {  	v11 =	vshll.u32 v10, $0x1  }
0x2d6: {  	v10 =	vand.u32 $0x7, v10;
	v11 =	vand.u32 $0xFFFFFFF0, v11  }
0x2d7: {  	v10 =	vor.u32 v10, v11  }
0x2d8: {  	v11 =	vperm.xlane v10, v6;
	_ =	sdelay $0x1  }
0x2d9: {  	v10 =	vperm.xlane v10, v8;
	v11 =	vadd.s32 v7, v11;
	_ =	sdelay $0x1  }
0x2da: {  	v10 =	vadd.s32 v7, v10;
	_ =	sdelay $0x2  }
0x2db: {  	[tilespmem:s31], [sflag:$0x4] =	stream.indirect_vreg.gather [hbm4b:s1+s5], $0x80, v11, vm0, $0xb8;
	[tilespmem:$0x1EDC0] =	vst v63  }
0x2dc: {  	_ = 	snop  }
0x2dd: {  	[tilespmem:s0], [sflag:$0x4] =	stream.indirect_vreg.gather [hbm4b:s1+s5], $0x80, v10, vm0, $0xb8;
	[tilespmem:$0x1EDC0] =	vst v63  }
0x2de: {  	v10 =	vld [tilespmem:s21+$0x1D060];
	_ =	sdelay $0x4  }
0x2df: {  	v11 =	vshll.u32 v10, $0x1  }
0x2e0: {  	v10 =	vand.u32 $0x7, v10;
	v11 =	vand.u32 $0xFFFFFFF0, v11  }
0x2e1: {  	v10 =	vor.u32 v10, v11  }
0x2e2: {  	v11 =	vperm.xlane v10, v6;
	_ =	sdelay $0x1  }
0x2e3: {  	v10 =	vperm.xlane v10, v8;
	v11 =	vadd.s32 v7, v11;
	_ =	sdelay $0x1  }
0x2e4: {  	v10 =	vadd.s32 v7, v10;
	_ =	sdelay $0x2  }
0x2e5: {  	[tilespmem:s2], [sflag:$0x4] =	stream.indirect_vreg.gather [hbm4b:s1+s5], $0x80, v11, vm0, $0xb8;
	[tilespmem:$0x1EDC0] =	vst v63  }
0x2e6: {  	_ = 	snop  }
0x2e7: {  	[tilespmem:s8], [sflag:$0x4] =	stream.indirect_vreg.gather [hbm4b:s1+s5], $0x80, v10, vm0, $0xb8;
	[tilespmem:$0x1EDC0] =	vst v63  }
0x2e8: {  	v10 =	vld [tilespmem:s21+$0x1D070];
	_ =	sdelay $0x4  }
0x2e9: {  	v11 =	vshll.u32 v10, $0x1  }
0x2ea: {  	v10 =	vand.u32 $0x7, v10;
	v11 =	vand.u32 $0xFFFFFFF0, v11  }
0x2eb: {  	v10 =	vor.u32 v10, v11  }
0x2ec: {  	v11 =	vperm.xlane v10, v6;
	_ =	sdelay $0x1  }
0x2ed: {  	v10 =	vperm.xlane v10, v8;
	v11 =	vadd.s32 v7, v11;
	_ =	sdelay $0x1  }
0x2ee: {  	v10 =	vadd.s32 v7, v10  }
0x2ef: {  	s22 =	sshll.u32 s17, $0x1  }
0x2f0: {  	p0 =	sge.s32 s22, s6  }
0x2f1: {  	[tilespmem:s9], [sflag:$0x4] =	stream.indirect_vreg.gather [hbm4b:s1+s5], $0x80, v11, vm0, $0xb8;
	[tilespmem:$0x1EDC0] =	vst v63  }
.Ltmp20:
0x2f2: {  	_ = 	snop;
	(pc) =	sbr.rel @p0 .LBB2_28-.Ltmp20, $4  }
0x2f3: {  	[tilespmem:s10], [sflag:$0x4] =	stream.indirect_vreg.gather [hbm4b:s1+s5], $0x80, v10, vm0, $0xb8;
	[tilespmem:$0x1EDC0] =	vst v63  }
0x2f4: {  	_ =	swait.ge [sflag:s11], $0x4000  }
0x2f5: {  	s26 =	sshll.u32 s17, $0x9;
	[sflag:s11] =	ssyncset.done $0x0  }
0x2f6: {  	s21 =	sshra.s32 s26, $0x2;
	[sflag:s11] =	ssyncadd.s32 $0xFFFFC000  }
0x2f7: {  	v10 =	vld [tilespmem:s21+$0x1DD00];
	_ =	sdelay $0x4  }
0x2f8: {  	v10 =	vadd.s32 v1, v10  }
0x2f9: {  	[tilespmem:$0x1EA00] =	vst v10  }
0x2fa: {  	v10 =	vld [tilespmem:s21+$0x1DD10];
	_ =	sdelay $0x4  }
0x2fb: {  	v10 =	vadd.s32 v1, v10  }
0x2fc: {  	[tilespmem:$0x1EA10] =	vst v10  }
0x2fd: {  	v10 =	vld [tilespmem:s21+$0x1DD20];
	_ =	sdelay $0x4  }
0x2fe: {  	v10 =	vadd.s32 v1, v10  }
0x2ff: {  	[tilespmem:$0x1EA20] =	vst v10  }
0x300: {  	v10 =	vld [tilespmem:s21+$0x1DD30];
	_ =	sdelay $0x4  }
0x301: {  	v10 =	vadd.s32 v1, v10  }
0x302: {  	[tilespmem:$0x1EA30] =	vst v10  }
0x303: {  	[spmem:s29] =	stream.indirect.scatter.add.f32 [tilespmem:s16], [sflag:$0x5], $0x1, s15, s7, $0xb8;
	[tilespmem:$0x1EDC0] =	vst v63  }
0x304: {  	_ =	swait.ge [sflag:s12], $0x40  }
0x305: {  	[sflag:s12] =	ssyncset.done $0x0  }
0x306: {  	[sflag:s12] =	ssyncadd.s32 $0xFFFFFFC0  }
0x307: {  	v10 =	vld [tilespmem:s4+$0x0];
	_ =	sdelay $0x4  }
0x308: {  	(v2sf) =	vpush v10, $0x0;
	_ =	sdelay $0xa  }
0x309: {  	s23 =	simm.s32 $0x0  }
0x30a: {  	s24 =	sand.u32 $0x3800, s23;
	s25 =	sand.u32 $0x380, s23  }
0x30b: {  	s25 =	sor.u32 s25, s24  }
0x30c: {  	v10 =	vld [tilespmem:s25+$0x14000]  }
0x30d: {  	s28 =	spop (v2sf)  }
0x30e: {  	s26 =	sshll.u32 s28, $0x8;
	s24 =	sshll.u32 s28, $0x7  }
0x30f: {  	s26 =	sand.u32 $0xFFFFF800, s26;
	s24 =	sand.u32 $0x380, s24  }
0x310: {  	s26 =	sor.u32 s24, s26  }
0x311: {  	[tilespmem:s26+$0x0] =	vst.add.f32.msk $0xffff, v10  }
0x312: {  	v10 =	vld [tilespmem:s25+$0x14010];
	_ =	sdelay $0x3  }
0x313: {  	s24 =	sor.u32 $0x10, s26  }
0x314: {  	[tilespmem:s24+$0x0] =	vst.add.f32.msk $0xffff, v10  }
0x315: {  	v10 =	vld [tilespmem:s25+$0x14020];
	_ =	sdelay $0x3  }
0x316: {  	s29 =	sor.u32 $0x20, s26  }
0x317: {  	[tilespmem:s29+$0x0] =	vst.add.f32.msk $0xffff, v10  }
0x318: {  	v10 =	vld [tilespmem:s25+$0x14030];
	_ =	sdelay $0x3  }
0x319: {  	s28 =	sor.u32 $0x30, s26  }
0x31a: {  	[tilespmem:s28+$0x0] =	vst.add.f32.msk $0xffff, v10  }
0x31b: {  	v10 =	vld [tilespmem:s25+$0x14040];
	_ =	sdelay $0x3  }
0x31c: {  	s29 =	sor.u32 $0x40, s26  }
0x31d: {  	[tilespmem:s29+$0x0] =	vst.add.f32.msk $0xffff, v10  }
0x31e: {  	v10 =	vld [tilespmem:s25+$0x14050];
	_ =	sdelay $0x3  }
0x31f: {  	s28 =	sor.u32 $0x50, s26  }
0x320: {  	[tilespmem:s28+$0x0] =	vst.add.f32.msk $0xffff, v10  }
0x321: {  	v10 =	vld [tilespmem:s25+$0x14060];
	_ =	sdelay $0x3  }
0x322: {  	s29 =	sor.u32 $0x60, s26  }
0x323: {  	[tilespmem:s29+$0x0] =	vst.add.f32.msk $0xffff, v10  }
0x324: {  	v10 =	vld [tilespmem:s25+$0x14070];
	_ =	sdelay $0x3  }
0x325: {  	s28 =	sor.u32 $0x70, s26  }
0x326: {  	[tilespmem:s28+$0x0] =	vst.add.f32.msk $0xffff, v10  }
0x327: {  	v10 =	vld [tilespmem:s25+$0x14400];
	_ =	sdelay $0x3  }
0x328: {  	s29 =	sor.u32 $0x400, s26  }
0x329: {  	[tilespmem:s29+$0x0] =	vst.add.f32.msk $0xffff, v10  }
0x32a: {  	v10 =	vld [tilespmem:s25+$0x14410];
	_ =	sdelay $0x3  }
0x32b: {  	s28 =	sor.u32 $0x410, s26  }
0x32c: {  	[tilespmem:s28+$0x0] =	vst.add.f32.msk $0xffff, v10  }
0x32d: {  	v10 =	vld [tilespmem:s25+$0x14420];
	_ =	sdelay $0x3  }
0x32e: {  	s29 =	sor.u32 $0x420, s26  }
0x32f: {  	[tilespmem:s29+$0x0] =	vst.add.f32.msk $0xffff, v10  }
0x330: {  	v10 =	vld [tilespmem:s25+$0x14430];
	_ =	sdelay $0x3  }
0x331: {  	s28 =	sor.u32 $0x430, s26  }
0x332: {  	[tilespmem:s28+$0x0] =	vst.add.f32.msk $0xffff, v10  }
0x333: {  	v10 =	vld [tilespmem:s25+$0x14440];
	_ =	sdelay $0x3  }
0x334: {  	s29 =	sor.u32 $0x440, s26  }
0x335: {  	[tilespmem:s29+$0x0] =	vst.add.f32.msk $0xffff, v10  }
0x336: {  	v10 =	vld [tilespmem:s25+$0x14450];
	_ =	sdelay $0x3  }
0x337: {  	s28 =	sor.u32 $0x450, s26  }
0x338: {  	[tilespmem:s28+$0x0] =	vst.add.f32.msk $0xffff, v10  }
0x339: {  	v10 =	vld [tilespmem:s25+$0x14460];
	_ =	sdelay $0x3  }
0x33a: {  	s29 =	sor.u32 $0x460, s26  }
0x33b: {  	[tilespmem:s29+$0x0] =	vst.add.f32.msk $0xffff, v10  }
0x33c: {  	v10 =	vld [tilespmem:s25+$0x14470];
	_ =	sdelay $0x3  }
0x33d: {  	s24 =	simm.s32 $0x100;
	s26 =	sor.u32 $0x470, s26;
	s25 =	smov.u32 s4  }
.LBB2_26:
0x33e: {  	p0 =	sne.s32 s24, $0x3F00;
	[tilespmem:s26+$0x0] =	vst.add.f32.msk $0xffff, v10;
	s23 =	sadd.s32 $0x80, s23;
	s25 =	sadd.s32 $0x1, s25  }
0x33f: {  	s26 =	smov.u32 s24;
	s24 =	sadd.s32 $0x100, s24;
	v10 =	vld [tilespmem:s25+$0x0];
	_ =	sdelay $0x4  }
0x340: {  	(v2sf) =	vpush v10, $0x0;
	_ =	sdelay $0xb  }
0x341: {  	s26 =	sand.u32 $0x3800, s26;
	s28 =	sand.u32 $0x380, s23  }
0x342: {  	s26 =	sor.u32 s28, s26  }
0x343: {  	v10 =	vld [tilespmem:s26+$0x14000]  }
0x344: {  	s28 =	spop (v2sf)  }
0x345: {  	s29 =	sshll.u32 s28, $0x8;
	s28 =	sshll.u32 s28, $0x7  }
0x346: {  	s29 =	sand.u32 $0xFFFFF800, s29;
	s28 =	sand.u32 $0x380, s28  }
0x347: {  	s28 =	sor.u32 s28, s29  }
0x348: {  	[tilespmem:s28+$0x0] =	vst.add.f32.msk $0xffff, v10  }
0x349: {  	v10 =	vld [tilespmem:s26+$0x14010];
	_ =	sdelay $0x3  }
0x34a: {  	s29 =	sor.u32 $0x10, s28  }
0x34b: {  	[tilespmem:s29+$0x0] =	vst.add.f32.msk $0xffff, v10  }
0x34c: {  	v10 =	vld [tilespmem:s26+$0x14020];
	_ =	sdelay $0x3  }
0x34d: {  	s29 =	sor.u32 $0x20, s28  }
0x34e: {  	[tilespmem:s29+$0x0] =	vst.add.f32.msk $0xffff, v10  }
0x34f: {  	v10 =	vld [tilespmem:s26+$0x14030];
	_ =	sdelay $0x3  }
0x350: {  	s29 =	sor.u32 $0x30, s28  }
0x351: {  	[tilespmem:s29+$0x0] =	vst.add.f32.msk $0xffff, v10  }
0x352: {  	v10 =	vld [tilespmem:s26+$0x14040];
	_ =	sdelay $0x3  }
0x353: {  	s29 =	sor.u32 $0x40, s28  }
0x354: {  	[tilespmem:s29+$0x0] =	vst.add.f32.msk $0xffff, v10  }
0x355: {  	v10 =	vld [tilespmem:s26+$0x14050];
	_ =	sdelay $0x3  }
0x356: {  	s29 =	sor.u32 $0x50, s28  }
0x357: {  	[tilespmem:s29+$0x0] =	vst.add.f32.msk $0xffff, v10  }
0x358: {  	v10 =	vld [tilespmem:s26+$0x14060];
	_ =	sdelay $0x3  }
0x359: {  	s29 =	sor.u32 $0x60, s28  }
0x35a: {  	[tilespmem:s29+$0x0] =	vst.add.f32.msk $0xffff, v10  }
0x35b: {  	v10 =	vld [tilespmem:s26+$0x14070];
	_ =	sdelay $0x3  }
0x35c: {  	s29 =	sor.u32 $0x70, s28  }
0x35d: {  	[tilespmem:s29+$0x0] =	vst.add.f32.msk $0xffff, v10  }
0x35e: {  	v10 =	vld [tilespmem:s26+$0x14400];
	_ =	sdelay $0x3  }
0x35f: {  	s29 =	sor.u32 $0x400, s28  }
0x360: {  	[tilespmem:s29+$0x0] =	vst.add.f32.msk $0xffff, v10  }
0x361: {  	v10 =	vld [tilespmem:s26+$0x14410];
	_ =	sdelay $0x3  }
0x362: {  	s29 =	sor.u32 $0x410, s28  }
0x363: {  	[tilespmem:s29+$0x0] =	vst.add.f32.msk $0xffff, v10  }
0x364: {  	v10 =	vld [tilespmem:s26+$0x14420];
	_ =	sdelay $0x3  }
0x365: {  	s29 =	sor.u32 $0x420, s28  }
0x366: {  	[tilespmem:s29+$0x0] =	vst.add.f32.msk $0xffff, v10  }
0x367: {  	v10 =	vld [tilespmem:s26+$0x14430];
	_ =	sdelay $0x3  }
0x368: {  	s29 =	sor.u32 $0x430, s28  }
0x369: {  	[tilespmem:s29+$0x0] =	vst.add.f32.msk $0xffff, v10  }
0x36a: {  	v10 =	vld [tilespmem:s26+$0x14440];
	_ =	sdelay $0x3  }
0x36b: {  	s29 =	sor.u32 $0x440, s28  }
0x36c: {  	[tilespmem:s29+$0x0] =	vst.add.f32.msk $0xffff, v10  }
0x36d: {  	v10 =	vld [tilespmem:s26+$0x14450];
	_ =	sdelay $0x3  }
0x36e: {  	s29 =	sor.u32 $0x450, s28  }
0x36f: {  	[tilespmem:s29+$0x0] =	vst.add.f32.msk $0xffff, v10  }
0x370: {  	v10 =	vld [tilespmem:s26+$0x14460];
	_ =	sdelay $0x3  }
0x371: {  	s29 =	sor.u32 $0x460, s28  }
0x372: {  	[tilespmem:s29+$0x0] =	vst.add.f32.msk $0xffff, v10  }
.Ltmp21:
0x373: {  	v10 =	vld [tilespmem:s26+$0x14470];
	(pc) =	sbr.rel @p0 .LBB2_26-.Ltmp21, $2  }
0x374: {  	_ =	sdelay $0x2  }
0x375: {  	s26 =	sor.u32 $0x470, s28  }
0x376: {  	[tilespmem:s26+$0x0] =	vst.add.f32.msk $0xffff, v10;
	s29 =	rddreg [dreg:$0x3];
	s28 =	simm.s32 $0x14000  }
.LBB2_28:
0x377: {  	p0 =	sge.s32 s22, s3  }
.Ltmp22:
0x378: {  	_ = 	snop;
	(pc) =	sbr.rel @p0 .LBB2_32-.Ltmp22, $4  }
0x379: {  	_ = 	snop  }
0x37a: {  	_ =	swait.ge [sflag:s13], $0x4000  }
0x37b: {  	[sflag:s13] =	ssyncset.done $0x0  }
0x37c: {  	[sflag:s13] =	ssyncadd.s32 $0xFFFFC000  }
0x37d: {  	v10 =	vld [tilespmem:s21+$0x1DD40];
	_ =	sdelay $0x4  }
0x37e: {  	v10 =	vadd.s32 v1, v10  }
0x37f: {  	[tilespmem:$0x1EA00] =	vst v10  }
0x380: {  	v10 =	vld [tilespmem:s21+$0x1DD50];
	_ =	sdelay $0x4  }
0x381: {  	v10 =	vadd.s32 v1, v10  }
0x382: {  	[tilespmem:$0x1EA10] =	vst v10  }
0x383: {  	v10 =	vld [tilespmem:s21+$0x1DD60];
	_ =	sdelay $0x4  }
0x384: {  	v10 =	vadd.s32 v1, v10  }
0x385: {  	[tilespmem:$0x1EA20] =	vst v10  }
0x386: {  	v10 =	vld [tilespmem:s21+$0x1DD70];
	_ =	sdelay $0x4  }
0x387: {  	v10 =	vadd.s32 v1, v10  }
0x388: {  	[tilespmem:$0x1EA30] =	vst v10  }
0x389: {  	[spmem:s29] =	stream.indirect.scatter.add.f32 [tilespmem:s16], [sflag:$0x5], $0x1, s15, s7, $0xb8;
	[tilespmem:$0x1EDC0] =	vst v63  }
0x38a: {  	_ =	swait.ge [sflag:s12], $0x40  }
0x38b: {  	[sflag:s12] =	ssyncset.done $0x0  }
0x38c: {  	[sflag:s12] =	ssyncadd.s32 $0xFFFFFFC0  }
0x38d: {  	v10 =	vld [tilespmem:s20+$0x0];
	_ =	sdelay $0x4  }
0x38e: {  	(v2sf) =	vpush v10, $0x0;
	_ =	sdelay $0xa  }
0x38f: {  	s21 =	simm.s32 $0x0  }
0x390: {  	s22 =	sand.u32 $0x3800, s21;
	s23 =	sand.u32 $0x380, s21  }
0x391: {  	s23 =	sor.u32 s23, s22  }
0x392: {  	v10 =	vld [tilespmem:s23+$0x18000]  }
0x393: {  	s25 =	spop (v2sf)  }
0x394: {  	s24 =	sshll.u32 s25, $0x8;
	s22 =	sshll.u32 s25, $0x7  }
0x395: {  	s24 =	sand.u32 $0xFFFFF800, s24;
	s22 =	sand.u32 $0x380, s22  }
0x396: {  	s24 =	sor.u32 s22, s24  }
0x397: {  	[tilespmem:s24+$0x0] =	vst.add.f32.msk $0xffff, v10  }
0x398: {  	v10 =	vld [tilespmem:s23+$0x18010];
	_ =	sdelay $0x3  }
0x399: {  	s22 =	sor.u32 $0x10, s24  }
0x39a: {  	[tilespmem:s22+$0x0] =	vst.add.f32.msk $0xffff, v10  }
0x39b: {  	v10 =	vld [tilespmem:s23+$0x18020];
	_ =	sdelay $0x3  }
0x39c: {  	s26 =	sor.u32 $0x20, s24  }
0x39d: {  	[tilespmem:s26+$0x0] =	vst.add.f32.msk $0xffff, v10  }
0x39e: {  	v10 =	vld [tilespmem:s23+$0x18030];
	_ =	sdelay $0x3  }
0x39f: {  	s25 =	sor.u32 $0x30, s24  }
0x3a0: {  	[tilespmem:s25+$0x0] =	vst.add.f32.msk $0xffff, v10  }
0x3a1: {  	v10 =	vld [tilespmem:s23+$0x18040];
	_ =	sdelay $0x3  }
0x3a2: {  	s26 =	sor.u32 $0x40, s24  }
0x3a3: {  	[tilespmem:s26+$0x0] =	vst.add.f32.msk $0xffff, v10  }
0x3a4: {  	v10 =	vld [tilespmem:s23+$0x18050];
	_ =	sdelay $0x3  }
0x3a5: {  	s25 =	sor.u32 $0x50, s24  }
0x3a6: {  	[tilespmem:s25+$0x0] =	vst.add.f32.msk $0xffff, v10  }
0x3a7: {  	v10 =	vld [tilespmem:s23+$0x18060];
	_ =	sdelay $0x3  }
0x3a8: {  	s26 =	sor.u32 $0x60, s24  }
0x3a9: {  	[tilespmem:s26+$0x0] =	vst.add.f32.msk $0xffff, v10  }
0x3aa: {  	v10 =	vld [tilespmem:s23+$0x18070];
	_ =	sdelay $0x3  }
0x3ab: {  	s25 =	sor.u32 $0x70, s24  }
0x3ac: {  	[tilespmem:s25+$0x0] =	vst.add.f32.msk $0xffff, v10  }
0x3ad: {  	v10 =	vld [tilespmem:s23+$0x18400];
	_ =	sdelay $0x3  }
0x3ae: {  	s26 =	sor.u32 $0x400, s24  }
0x3af: {  	[tilespmem:s26+$0x0] =	vst.add.f32.msk $0xffff, v10  }
0x3b0: {  	v10 =	vld [tilespmem:s23+$0x18410];
	_ =	sdelay $0x3  }
0x3b1: {  	s25 =	sor.u32 $0x410, s24  }
0x3b2: {  	[tilespmem:s25+$0x0] =	vst.add.f32.msk $0xffff, v10  }
0x3b3: {  	v10 =	vld [tilespmem:s23+$0x18420];
	_ =	sdelay $0x3  }
0x3b4: {  	s26 =	sor.u32 $0x420, s24  }
0x3b5: {  	[tilespmem:s26+$0x0] =	vst.add.f32.msk $0xffff, v10  }
0x3b6: {  	v10 =	vld [tilespmem:s23+$0x18430];
	_ =	sdelay $0x3  }
0x3b7: {  	s25 =	sor.u32 $0x430, s24  }
0x3b8: {  	[tilespmem:s25+$0x0] =	vst.add.f32.msk $0xffff, v10  }
0x3b9: {  	v10 =	vld [tilespmem:s23+$0x18440];
	_ =	sdelay $0x3  }
0x3ba: {  	s26 =	sor.u32 $0x440, s24  }
0x3bb: {  	[tilespmem:s26+$0x0] =	vst.add.f32.msk $0xffff, v10  }
0x3bc: {  	v10 =	vld [tilespmem:s23+$0x18450];
	_ =	sdelay $0x3  }
0x3bd: {  	s25 =	sor.u32 $0x450, s24  }
0x3be: {  	[tilespmem:s25+$0x0] =	vst.add.f32.msk $0xffff, v10  }
0x3bf: {  	v10 =	vld [tilespmem:s23+$0x18460];
	_ =	sdelay $0x3  }
0x3c0: {  	s26 =	sor.u32 $0x460, s24  }
0x3c1: {  	[tilespmem:s26+$0x0] =	vst.add.f32.msk $0xffff, v10  }
0x3c2: {  	v10 =	vld [tilespmem:s23+$0x18470];
	_ =	sdelay $0x3  }
0x3c3: {  	s22 =	simm.s32 $0x100;
	s24 =	sor.u32 $0x470, s24;
	s23 =	smov.u32 s20  }
.LBB2_30:
0x3c4: {  	p0 =	sne.s32 s22, $0x3F00;
	[tilespmem:s24+$0x0] =	vst.add.f32.msk $0xffff, v10;
	s21 =	sadd.s32 $0x80, s21;
	s23 =	sadd.s32 $0x1, s23  }
0x3c5: {  	s24 =	smov.u32 s22;
	s22 =	sadd.s32 $0x100, s22;
	v10 =	vld [tilespmem:s23+$0x0];
	_ =	sdelay $0x4  }
0x3c6: {  	(v2sf) =	vpush v10, $0x0;
	_ =	sdelay $0xb  }
0x3c7: {  	s24 =	sand.u32 $0x3800, s24;
	s25 =	sand.u32 $0x380, s21  }
0x3c8: {  	s24 =	sor.u32 s25, s24  }
0x3c9: {  	v10 =	vld [tilespmem:s24+$0x18000]  }
0x3ca: {  	s25 =	spop (v2sf)  }
0x3cb: {  	s26 =	sshll.u32 s25, $0x8;
	s25 =	sshll.u32 s25, $0x7  }
0x3cc: {  	s26 =	sand.u32 $0xFFFFF800, s26;
	s25 =	sand.u32 $0x380, s25  }
0x3cd: {  	s25 =	sor.u32 s25, s26  }
0x3ce: {  	[tilespmem:s25+$0x0] =	vst.add.f32.msk $0xffff, v10  }
0x3cf: {  	v10 =	vld [tilespmem:s24+$0x18010];
	_ =	sdelay $0x3  }
0x3d0: {  	s26 =	sor.u32 $0x10, s25  }
0x3d1: {  	[tilespmem:s26+$0x0] =	vst.add.f32.msk $0xffff, v10  }
0x3d2: {  	v10 =	vld [tilespmem:s24+$0x18020];
	_ =	sdelay $0x3  }
0x3d3: {  	s26 =	sor.u32 $0x20, s25  }
0x3d4: {  	[tilespmem:s26+$0x0] =	vst.add.f32.msk $0xffff, v10  }
0x3d5: {  	v10 =	vld [tilespmem:s24+$0x18030];
	_ =	sdelay $0x3  }
0x3d6: {  	s26 =	sor.u32 $0x30, s25  }
0x3d7: {  	[tilespmem:s26+$0x0] =	vst.add.f32.msk $0xffff, v10  }
0x3d8: {  	v10 =	vld [tilespmem:s24+$0x18040];
	_ =	sdelay $0x3  }
0x3d9: {  	s26 =	sor.u32 $0x40, s25  }
0x3da: {  	[tilespmem:s26+$0x0] =	vst.add.f32.msk $0xffff, v10  }
0x3db: {  	v10 =	vld [tilespmem:s24+$0x18050];
	_ =	sdelay $0x3  }
0x3dc: {  	s26 =	sor.u32 $0x50, s25  }
0x3dd: {  	[tilespmem:s26+$0x0] =	vst.add.f32.msk $0xffff, v10  }
0x3de: {  	v10 =	vld [tilespmem:s24+$0x18060];
	_ =	sdelay $0x3  }
0x3df: {  	s26 =	sor.u32 $0x60, s25  }
0x3e0: {  	[tilespmem:s26+$0x0] =	vst.add.f32.msk $0xffff, v10  }
0x3e1: {  	v10 =	vld [tilespmem:s24+$0x18070];
	_ =	sdelay $0x3  }
0x3e2: {  	s26 =	sor.u32 $0x70, s25  }
0x3e3: {  	[tilespmem:s26+$0x0] =	vst.add.f32.msk $0xffff, v10  }
0x3e4: {  	v10 =	vld [tilespmem:s24+$0x18400];
	_ =	sdelay $0x3  }
0x3e5: {  	s26 =	sor.u32 $0x400, s25  }
0x3e6: {  	[tilespmem:s26+$0x0] =	vst.add.f32.msk $0xffff, v10  }
0x3e7: {  	v10 =	vld [tilespmem:s24+$0x18410];
	_ =	sdelay $0x3  }
0x3e8: {  	s26 =	sor.u32 $0x410, s25  }
0x3e9: {  	[tilespmem:s26+$0x0] =	vst.add.f32.msk $0xffff, v10  }
0x3ea: {  	v10 =	vld [tilespmem:s24+$0x18420];
	_ =	sdelay $0x3  }
0x3eb: {  	s26 =	sor.u32 $0x420, s25  }
0x3ec: {  	[tilespmem:s26+$0x0] =	vst.add.f32.msk $0xffff, v10  }
0x3ed: {  	v10 =	vld [tilespmem:s24+$0x18430];
	_ =	sdelay $0x3  }
0x3ee: {  	s26 =	sor.u32 $0x430, s25  }
0x3ef: {  	[tilespmem:s26+$0x0] =	vst.add.f32.msk $0xffff, v10  }
0x3f0: {  	v10 =	vld [tilespmem:s24+$0x18440];
	_ =	sdelay $0x3  }
0x3f1: {  	s26 =	sor.u32 $0x440, s25  }
0x3f2: {  	[tilespmem:s26+$0x0] =	vst.add.f32.msk $0xffff, v10  }
0x3f3: {  	v10 =	vld [tilespmem:s24+$0x18450];
	_ =	sdelay $0x3  }
0x3f4: {  	s26 =	sor.u32 $0x450, s25  }
0x3f5: {  	[tilespmem:s26+$0x0] =	vst.add.f32.msk $0xffff, v10  }
0x3f6: {  	v10 =	vld [tilespmem:s24+$0x18460];
	_ =	sdelay $0x3  }
0x3f7: {  	s26 =	sor.u32 $0x460, s25  }
0x3f8: {  	[tilespmem:s26+$0x0] =	vst.add.f32.msk $0xffff, v10  }
.Ltmp23:
0x3f9: {  	v10 =	vld [tilespmem:s24+$0x18470];
	(pc) =	sbr.rel @p0 .LBB2_30-.Ltmp23, $2  }
0x3fa: {  	_ =	sdelay $0x2  }
0x3fb: {  	s24 =	sor.u32 $0x470, s25  }
.Ltmp24:
0x3fc: {  	(pc) =	sbr.rel .LBB2_32-.Ltmp24, $2  }
0x3fd: {  	_ =	sdelay $0x2  }
0x3fe: {  	[tilespmem:s24+$0x0] =	vst.add.f32.msk $0xffff, v10  }
.LBB2_49:
.Ltmp25:
0x3ff: {  	(pc) =	sbr.rel .LBB2_34-.Ltmp25, $2  }
0x400: {  	_ =	sdelay $0x2  }
0x401: {  	s3 =	simm.s32 @!p0 $0x0  }
.LBB2_35:
0x402: {  	s4 =	simm.s32 $0x1  }
0x403: {  	p0 =	slt.s32 s3, $0x1;
	_ =	swait.ge [sflag:s4], $0x400  }
.Ltmp26:
0x404: {  	[sflag:s4] =	ssyncset.done $0x0;
	(pc) =	sbr.rel @p0 .LBB2_46-.Ltmp26, $4  }
0x405: {  	[sflag:s4] =	ssyncadd.s32 $0xFFFFFC00  }
0x406: {  	_ =	swait.ge [sflag:s4], $0x400  }
0x407: {  	[sflag:s4] =	ssyncset.done $0x0  }
0x408: {  	[sflag:s4] =	ssyncadd.s32 $0xFFFFFC00  }
0x409: {  	s4 =	sand.u32 $0x7FFFFFF0, s3  }
0x40a: {  	v10 =	vld [tilespmem:s4+$0x1D000];
	[tilespmem:s4+$0x1D010] =	vst v5  }
0x40b: {  	v11 =	vld [tilespmem:s4+$0x1DD00];
	[tilespmem:s4+$0x1DD10] =	vst v9  }
0x40c: {  	s6 =	sand.u32 $0xF, s3;
	[tilespmem:s4+$0x1D020] =	vst v5  }
.Ltmp27:
0x40d: {  	v12 =	vmov s6;
	[tilespmem:s4+$0x1DD20] =	vst v9;
	(pc) =	sbr.rel .LBB2_37-.Ltmp27, $4  }
0x40e: {  	s25 =	sadd.s32 $0x3F, s3;
	[tilespmem:s4+$0x1D030] =	vst v5;
	vm1 =	vgt.u32 v12, v2  }
0x40f: {  	s17 =	simm.s32 $0x0;
	s3 =	sshrl.u32 s25, $0x6;
	[tilespmem:s4+$0x1DD30] =	vst v9;
	v10 =	vnsel vm1, $0x0, v10  }
0x410: {  	s20 =	simm.s32 $0x1DD40;
	s26 =	sadd.s32 $0x1, s3;
	s14 =	sadd.s32 $0xFFFFFFFF, s3;
	[tilespmem:s4+$0x1D000] =	vst v10;
	v10 =	vnsel vm1, $0x13C, v11  }
0x411: {  	[dreg:$0xd] =	wrdreg s3;
	s26 =	sshrl.u32 s26, $0x1;
	[tilespmem:s4+$0x1DD00] =	vst v10;
	s4 =	simm.s32 $0x1DD00  }
.LBB2_45:
0x412: {  	s17 =	sadd.s32 $0x1, s17  }
0x413: {  	p0 =	sne.s32 s17, s26  }
.Ltmp28:
0x414: {  	_ = 	snop;
	(pc) =	sbr.rel @!p0 .LBB2_46-.Ltmp28, $2  }
0x415: {  	_ =	sdelay $0x2  }
0x416: {  	s4 =	sadd.s32 $0x80, s4;
	s20 =	sadd.s32 $0x80, s20  }
.LBB2_37:
0x417: {  	s6 =	sshll.u32 s17, $0x7  }
0x418: {  	v10 =	vld [tilespmem:s6+$0x1D000];
	_ =	sdelay $0x4  }
0x419: {  	v11 =	vshll.u32 v10, $0x1  }
0x41a: {  	v10 =	vand.u32 $0x7, v10;
	v11 =	vand.u32 $0xFFFFFFF0, v11  }
0x41b: {  	v10 =	vor.u32 v10, v11  }
0x41c: {  	v11 =	vperm.xlane v10, v6;
	_ =	sdelay $0x1  }
0x41d: {  	v10 =	vperm.xlane v10, v8;
	v11 =	vadd.s32 v7, v11;
	_ =	sdelay $0x1  }
0x41e: {  	v10 =	vadd.s32 v7, v10;
	_ =	sdelay $0x2  }
0x41f: {  	[tilespmem:s28], [sflag:$0x3] =	stream.indirect_vreg.gather [hbm4b:s1+s5], $0x80, v11, vm0, $0xb8;
	[tilespmem:$0x1EDC0] =	vst v63  }
0x420: {  	s21 =	simm.s32 $0x14800  }
0x421: {  	[tilespmem:s21], [sflag:$0x3] =	stream.indirect_vreg.gather [hbm4b:s1+s5], $0x80, v10, vm0, $0xb8;
	[tilespmem:$0x1EDC0] =	vst v63  }
0x422: {  	v10 =	vld [tilespmem:s6+$0x1D010];
	_ =	sdelay $0x4  }
0x423: {  	v11 =	vshll.u32 v10, $0x1  }
0x424: {  	v10 =	vand.u32 $0x7, v10;
	v11 =	vand.u32 $0xFFFFFFF0, v11  }
0x425: {  	v10 =	vor.u32 v10, v11  }
0x426: {  	v11 =	vperm.xlane v10, v6;
	_ =	sdelay $0x1  }
0x427: {  	v10 =	vperm.xlane v10, v8;
	v11 =	vadd.s32 v7, v11;
	_ =	sdelay $0x1  }
0x428: {  	v10 =	vadd.s32 v7, v10;
	_ =	sdelay $0x1  }
0x429: {  	s22 =	simm.s32 $0x15000  }
0x42a: {  	[tilespmem:s22], [sflag:$0x3] =	stream.indirect_vreg.gather [hbm4b:s1+s5], $0x80, v11, vm0, $0xb8;
	[tilespmem:$0x1EDC0] =	vst v63  }
0x42b: {  	s23 =	simm.s32 $0x15800  }
0x42c: {  	[tilespmem:s23], [sflag:$0x3] =	stream.indirect_vreg.gather [hbm4b:s1+s5], $0x80, v10, vm0, $0xb8;
	[tilespmem:$0x1EDC0] =	vst v63  }
0x42d: {  	v10 =	vld [tilespmem:s6+$0x1D020];
	_ =	sdelay $0x4  }
0x42e: {  	v11 =	vshll.u32 v10, $0x1  }
0x42f: {  	v10 =	vand.u32 $0x7, v10;
	v11 =	vand.u32 $0xFFFFFFF0, v11  }
0x430: {  	v10 =	vor.u32 v10, v11  }
0x431: {  	v11 =	vperm.xlane v10, v6;
	_ =	sdelay $0x1  }
0x432: {  	v10 =	vperm.xlane v10, v8;
	v11 =	vadd.s32 v7, v11;
	_ =	sdelay $0x1  }
0x433: {  	v10 =	vadd.s32 v7, v10;
	_ =	sdelay $0x1  }
0x434: {  	s24 =	simm.s32 $0x16000  }
0x435: {  	[tilespmem:s24], [sflag:$0x3] =	stream.indirect_vreg.gather [hbm4b:s1+s5], $0x80, v11, vm0, $0xb8;
	[tilespmem:$0x1EDC0] =	vst v63  }
0x436: {  	s25 =	simm.s32 $0x16800  }
0x437: {  	[tilespmem:s25], [sflag:$0x3] =	stream.indirect_vreg.gather [hbm4b:s1+s5], $0x80, v10, vm0, $0xb8;
	[tilespmem:$0x1EDC0] =	vst v63  }
0x438: {  	v10 =	vld [tilespmem:s6+$0x1D030];
	_ =	sdelay $0x4  }
0x439: {  	v11 =	vshll.u32 v10, $0x1  }
0x43a: {  	v10 =	vand.u32 $0x7, v10;
	v11 =	vand.u32 $0xFFFFFFF0, v11  }
0x43b: {  	v10 =	vor.u32 v10, v11  }
0x43c: {  	v11 =	vperm.xlane v10, v6;
	_ =	sdelay $0x1  }
0x43d: {  	v10 =	vperm.xlane v10, v8;
	v11 =	vadd.s32 v7, v11;
	_ =	sdelay $0x1  }
0x43e: {  	v10 =	vadd.s32 v7, v10;
	_ =	sdelay $0x1  }
0x43f: {  	s22 =	simm.s32 $0x17000  }
0x440: {  	[tilespmem:s22], [sflag:$0x3] =	stream.indirect_vreg.gather [hbm4b:s1+s5], $0x80, v11, vm0, $0xb8;
	[tilespmem:$0x1EDC0] =	vst v63  }
0x441: {  	s23 =	simm.s32 $0x17800  }
0x442: {  	[tilespmem:s23], [sflag:$0x3] =	stream.indirect_vreg.gather [hbm4b:s1+s5], $0x80, v10, vm0, $0xb8;
	[tilespmem:$0x1EDC0] =	vst v63  }
0x443: {  	v10 =	vld [tilespmem:s6+$0x1D040];
	_ =	sdelay $0x4  }
0x444: {  	v11 =	vshll.u32 v10, $0x1  }
0x445: {  	v10 =	vand.u32 $0x7, v10;
	v11 =	vand.u32 $0xFFFFFFF0, v11  }
0x446: {  	v10 =	vor.u32 v10, v11  }
0x447: {  	v11 =	vperm.xlane v10, v6;
	_ =	sdelay $0x1  }
0x448: {  	v10 =	vperm.xlane v10, v8;
	v11 =	vadd.s32 v7, v11;
	_ =	sdelay $0x1  }
0x449: {  	v10 =	vadd.s32 v7, v10;
	_ =	sdelay $0x1  }
0x44a: {  	s24 =	simm.s32 $0x18000  }
0x44b: {  	[tilespmem:s24], [sflag:$0x4] =	stream.indirect_vreg.gather [hbm4b:s1+s5], $0x80, v11, vm0, $0xb8;
	[tilespmem:$0x1EDC0] =	vst v63  }
0x44c: {  	_ = 	snop  }
0x44d: {  	[tilespmem:s30], [sflag:$0x4] =	stream.indirect_vreg.gather [hbm4b:s1+s5], $0x80, v10, vm0, $0xb8;
	[tilespmem:$0x1EDC0] =	vst v63  }
0x44e: {  	v10 =	vld [tilespmem:s6+$0x1D050];
	_ =	sdelay $0x4  }
0x44f: {  	v11 =	vshll.u32 v10, $0x1  }
0x450: {  	v10 =	vand.u32 $0x7, v10;
	v11 =	vand.u32 $0xFFFFFFF0, v11  }
0x451: {  	v10 =	vor.u32 v10, v11  }
0x452: {  	v11 =	vperm.xlane v10, v6;
	_ =	sdelay $0x1  }
0x453: {  	v10 =	vperm.xlane v10, v8;
	v11 =	vadd.s32 v7, v11;
	_ =	sdelay $0x1  }
0x454: {  	v10 =	vadd.s32 v7, v10;
	_ =	sdelay $0x2  }
0x455: {  	[tilespmem:s31], [sflag:$0x4] =	stream.indirect_vreg.gather [hbm4b:s1+s5], $0x80, v11, vm0, $0xb8;
	[tilespmem:$0x1EDC0] =	vst v63  }
0x456: {  	_ = 	snop  }
0x457: {  	[tilespmem:s0], [sflag:$0x4] =	stream.indirect_vreg.gather [hbm4b:s1+s5], $0x80, v10, vm0, $0xb8;
	[tilespmem:$0x1EDC0] =	vst v63  }
0x458: {  	v10 =	vld [tilespmem:s6+$0x1D060];
	_ =	sdelay $0x4  }
0x459: {  	v11 =	vshll.u32 v10, $0x1  }
0x45a: {  	v10 =	vand.u32 $0x7, v10;
	v11 =	vand.u32 $0xFFFFFFF0, v11  }
0x45b: {  	v10 =	vor.u32 v10, v11  }
0x45c: {  	v11 =	vperm.xlane v10, v6;
	_ =	sdelay $0x1  }
0x45d: {  	v10 =	vperm.xlane v10, v8;
	v11 =	vadd.s32 v7, v11;
	_ =	sdelay $0x1  }
0x45e: {  	v10 =	vadd.s32 v7, v10;
	_ =	sdelay $0x2  }
0x45f: {  	[tilespmem:s2], [sflag:$0x4] =	stream.indirect_vreg.gather [hbm4b:s1+s5], $0x80, v11, vm0, $0xb8;
	[tilespmem:$0x1EDC0] =	vst v63  }
0x460: {  	_ = 	snop  }
0x461: {  	[tilespmem:s8], [sflag:$0x4] =	stream.indirect_vreg.gather [hbm4b:s1+s5], $0x80, v10, vm0, $0xb8;
	[tilespmem:$0x1EDC0] =	vst v63  }
0x462: {  	v10 =	vld [tilespmem:s6+$0x1D070];
	_ =	sdelay $0x4  }
0x463: {  	v11 =	vshll.u32 v10, $0x1  }
0x464: {  	v10 =	vand.u32 $0x7, v10;
	v11 =	vand.u32 $0xFFFFFFF0, v11  }
0x465: {  	v10 =	vor.u32 v10, v11  }
0x466: {  	v11 =	vperm.xlane v10, v6;
	_ =	sdelay $0x1  }
0x467: {  	v10 =	vperm.xlane v10, v8;
	v11 =	vadd.s32 v7, v11;
	_ =	sdelay $0x1  }
0x468: {  	v10 =	vadd.s32 v7, v10  }
0x469: {  	s21 =	sshll.u32 s17, $0x1  }
0x46a: {  	p0 =	sge.u32 s21, s3  }
0x46b: {  	[tilespmem:s9], [sflag:$0x4] =	stream.indirect_vreg.gather [hbm4b:s1+s5], $0x80, v11, vm0, $0xb8;
	[tilespmem:$0x1EDC0] =	vst v63  }
.Ltmp29:
0x46c: {  	_ = 	snop;
	(pc) =	sbr.rel @p0 .LBB2_41-.Ltmp29, $4  }
0x46d: {  	[tilespmem:s10], [sflag:$0x4] =	stream.indirect_vreg.gather [hbm4b:s1+s5], $0x80, v10, vm0, $0xb8;
	[tilespmem:$0x1EDC0] =	vst v63  }
0x46e: {  	_ =	swait.ge [sflag:s11], $0x4000  }
0x46f: {  	s25 =	sshll.u32 s17, $0x9;
	[sflag:s11] =	ssyncset.done $0x0  }
0x470: {  	s6 =	sshra.s32 s25, $0x2;
	[sflag:s11] =	ssyncadd.s32 $0xFFFFC000  }
0x471: {  	v10 =	vld [tilespmem:s6+$0x1DD00];
	_ =	sdelay $0x4  }
0x472: {  	v10 =	vadd.s32 v1, v10  }
0x473: {  	[tilespmem:$0x1EA00] =	vst v10  }
0x474: {  	v10 =	vld [tilespmem:s6+$0x1DD10];
	_ =	sdelay $0x4  }
0x475: {  	v10 =	vadd.s32 v1, v10  }
0x476: {  	[tilespmem:$0x1EA10] =	vst v10  }
0x477: {  	v10 =	vld [tilespmem:s6+$0x1DD20];
	_ =	sdelay $0x4  }
0x478: {  	v10 =	vadd.s32 v1, v10  }
0x479: {  	[tilespmem:$0x1EA20] =	vst v10  }
0x47a: {  	v10 =	vld [tilespmem:s6+$0x1DD30];
	_ =	sdelay $0x4  }
0x47b: {  	v10 =	vadd.s32 v1, v10  }
0x47c: {  	[tilespmem:$0x1EA30] =	vst v10  }
0x47d: {  	[spmem:s29] =	stream.indirect.scatter.add.f32 [tilespmem:s16], [sflag:$0x5], $0x1, s15, s7, $0xb8;
	[tilespmem:$0x1EDC0] =	vst v63  }
0x47e: {  	_ =	swait.ge [sflag:s12], $0x40  }
0x47f: {  	[sflag:s12] =	ssyncset.done $0x0  }
0x480: {  	[sflag:s12] =	ssyncadd.s32 $0xFFFFFFC0  }
0x481: {  	v10 =	vld [tilespmem:s4+$0x0];
	_ =	sdelay $0x4  }
0x482: {  	(v2sf) =	vpush v10, $0x0;
	_ =	sdelay $0xa  }
0x483: {  	s22 =	simm.s32 $0x0  }
0x484: {  	s23 =	sand.u32 $0x3800, s22;
	s24 =	sand.u32 $0x380, s22  }
0x485: {  	s24 =	sor.u32 s24, s23  }
0x486: {  	v10 =	vld [tilespmem:s24+$0x14000]  }
0x487: {  	s3 =	smov.u32 s14;
	s14 =	smov.u32 s26;
	s26 =	spop (v2sf)  }
0x488: {  	s25 =	sshll.u32 s26, $0x8;
	s23 =	sshll.u32 s26, $0x7  }
0x489: {  	s25 =	sand.u32 $0xFFFFF800, s25;
	s23 =	sand.u32 $0x380, s23  }
0x48a: {  	s25 =	sor.u32 s23, s25  }
0x48b: {  	[tilespmem:s25+$0x0] =	vst.add.f32.msk $0xffff, v10  }
0x48c: {  	v10 =	vld [tilespmem:s24+$0x14010];
	_ =	sdelay $0x3  }
0x48d: {  	s23 =	sor.u32 $0x10, s25  }
0x48e: {  	[tilespmem:s23+$0x0] =	vst.add.f32.msk $0xffff, v10  }
0x48f: {  	v10 =	vld [tilespmem:s24+$0x14020];
	_ =	sdelay $0x3  }
0x490: {  	s28 =	sor.u32 $0x20, s25  }
0x491: {  	[tilespmem:s28+$0x0] =	vst.add.f32.msk $0xffff, v10  }
0x492: {  	v10 =	vld [tilespmem:s24+$0x14030];
	_ =	sdelay $0x3  }
0x493: {  	s26 =	sor.u32 $0x30, s25  }
0x494: {  	[tilespmem:s26+$0x0] =	vst.add.f32.msk $0xffff, v10  }
0x495: {  	v10 =	vld [tilespmem:s24+$0x14040];
	_ =	sdelay $0x3  }
0x496: {  	s28 =	sor.u32 $0x40, s25  }
0x497: {  	[tilespmem:s28+$0x0] =	vst.add.f32.msk $0xffff, v10  }
0x498: {  	v10 =	vld [tilespmem:s24+$0x14050];
	_ =	sdelay $0x3  }
0x499: {  	s26 =	sor.u32 $0x50, s25  }
0x49a: {  	[tilespmem:s26+$0x0] =	vst.add.f32.msk $0xffff, v10  }
0x49b: {  	v10 =	vld [tilespmem:s24+$0x14060];
	_ =	sdelay $0x3  }
0x49c: {  	s28 =	sor.u32 $0x60, s25  }
0x49d: {  	[tilespmem:s28+$0x0] =	vst.add.f32.msk $0xffff, v10  }
0x49e: {  	v10 =	vld [tilespmem:s24+$0x14070];
	_ =	sdelay $0x3  }
0x49f: {  	s26 =	sor.u32 $0x70, s25  }
0x4a0: {  	[tilespmem:s26+$0x0] =	vst.add.f32.msk $0xffff, v10  }
0x4a1: {  	v10 =	vld [tilespmem:s24+$0x14400];
	_ =	sdelay $0x3  }
0x4a2: {  	s28 =	sor.u32 $0x400, s25  }
0x4a3: {  	[tilespmem:s28+$0x0] =	vst.add.f32.msk $0xffff, v10  }
0x4a4: {  	v10 =	vld [tilespmem:s24+$0x14410];
	_ =	sdelay $0x3  }
0x4a5: {  	s26 =	sor.u32 $0x410, s25  }
0x4a6: {  	[tilespmem:s26+$0x0] =	vst.add.f32.msk $0xffff, v10  }
0x4a7: {  	v10 =	vld [tilespmem:s24+$0x14420];
	_ =	sdelay $0x3  }
0x4a8: {  	s28 =	sor.u32 $0x420, s25  }
0x4a9: {  	[tilespmem:s28+$0x0] =	vst.add.f32.msk $0xffff, v10  }
0x4aa: {  	v10 =	vld [tilespmem:s24+$0x14430];
	_ =	sdelay $0x3  }
0x4ab: {  	s26 =	sor.u32 $0x430, s25  }
0x4ac: {  	[tilespmem:s26+$0x0] =	vst.add.f32.msk $0xffff, v10  }
0x4ad: {  	v10 =	vld [tilespmem:s24+$0x14440];
	_ =	sdelay $0x3  }
0x4ae: {  	s28 =	sor.u32 $0x440, s25  }
0x4af: {  	[tilespmem:s28+$0x0] =	vst.add.f32.msk $0xffff, v10  }
0x4b0: {  	v10 =	vld [tilespmem:s24+$0x14450];
	_ =	sdelay $0x3  }
0x4b1: {  	s26 =	sor.u32 $0x450, s25  }
0x4b2: {  	[tilespmem:s26+$0x0] =	vst.add.f32.msk $0xffff, v10  }
0x4b3: {  	v10 =	vld [tilespmem:s24+$0x14460];
	_ =	sdelay $0x3  }
0x4b4: {  	s28 =	sor.u32 $0x460, s25  }
0x4b5: {  	[tilespmem:s28+$0x0] =	vst.add.f32.msk $0xffff, v10  }
0x4b6: {  	v10 =	vld [tilespmem:s24+$0x14470];
	_ =	sdelay $0x3  }
0x4b7: {  	s23 =	simm.s32 $0x100;
	s25 =	sor.u32 $0x470, s25;
	s24 =	smov.u32 s4  }
.LBB2_39:
0x4b8: {  	p0 =	sne.s32 s23, $0x3F00;
	[tilespmem:s25+$0x0] =	vst.add.f32.msk $0xffff, v10;
	s22 =	sadd.s32 $0x80, s22;
	s24 =	sadd.s32 $0x1, s24  }
0x4b9: {  	s25 =	smov.u32 s23;
	s23 =	sadd.s32 $0x100, s23;
	v10 =	vld [tilespmem:s24+$0x0];
	_ =	sdelay $0x4  }
0x4ba: {  	(v2sf) =	vpush v10, $0x0;
	_ =	sdelay $0xb  }
0x4bb: {  	s25 =	sand.u32 $0x3800, s25;
	s26 =	sand.u32 $0x380, s22  }
0x4bc: {  	s25 =	sor.u32 s26, s25  }
0x4bd: {  	v10 =	vld [tilespmem:s25+$0x14000]  }
0x4be: {  	s26 =	spop (v2sf)  }
0x4bf: {  	s28 =	sshll.u32 s26, $0x8;
	s26 =	sshll.u32 s26, $0x7  }
0x4c0: {  	s28 =	sand.u32 $0xFFFFF800, s28;
	s26 =	sand.u32 $0x380, s26  }
0x4c1: {  	s26 =	sor.u32 s26, s28  }
0x4c2: {  	[tilespmem:s26+$0x0] =	vst.add.f32.msk $0xffff, v10  }
0x4c3: {  	v10 =	vld [tilespmem:s25+$0x14010];
	_ =	sdelay $0x3  }
0x4c4: {  	s28 =	sor.u32 $0x10, s26  }
0x4c5: {  	[tilespmem:s28+$0x0] =	vst.add.f32.msk $0xffff, v10  }
0x4c6: {  	v10 =	vld [tilespmem:s25+$0x14020];
	_ =	sdelay $0x3  }
0x4c7: {  	s28 =	sor.u32 $0x20, s26  }
0x4c8: {  	[tilespmem:s28+$0x0] =	vst.add.f32.msk $0xffff, v10  }
0x4c9: {  	v10 =	vld [tilespmem:s25+$0x14030];
	_ =	sdelay $0x3  }
0x4ca: {  	s28 =	sor.u32 $0x30, s26  }
0x4cb: {  	[tilespmem:s28+$0x0] =	vst.add.f32.msk $0xffff, v10  }
0x4cc: {  	v10 =	vld [tilespmem:s25+$0x14040];
	_ =	sdelay $0x3  }
0x4cd: {  	s28 =	sor.u32 $0x40, s26  }
0x4ce: {  	[tilespmem:s28+$0x0] =	vst.add.f32.msk $0xffff, v10  }
0x4cf: {  	v10 =	vld [tilespmem:s25+$0x14050];
	_ =	sdelay $0x3  }
0x4d0: {  	s28 =	sor.u32 $0x50, s26  }
0x4d1: {  	[tilespmem:s28+$0x0] =	vst.add.f32.msk $0xffff, v10  }
0x4d2: {  	v10 =	vld [tilespmem:s25+$0x14060];
	_ =	sdelay $0x3  }
0x4d3: {  	s28 =	sor.u32 $0x60, s26  }
0x4d4: {  	[tilespmem:s28+$0x0] =	vst.add.f32.msk $0xffff, v10  }
0x4d5: {  	v10 =	vld [tilespmem:s25+$0x14070];
	_ =	sdelay $0x3  }
0x4d6: {  	s28 =	sor.u32 $0x70, s26  }
0x4d7: {  	[tilespmem:s28+$0x0] =	vst.add.f32.msk $0xffff, v10  }
0x4d8: {  	v10 =	vld [tilespmem:s25+$0x14400];
	_ =	sdelay $0x3  }
0x4d9: {  	s28 =	sor.u32 $0x400, s26  }
0x4da: {  	[tilespmem:s28+$0x0] =	vst.add.f32.msk $0xffff, v10  }
0x4db: {  	v10 =	vld [tilespmem:s25+$0x14410];
	_ =	sdelay $0x3  }
0x4dc: {  	s28 =	sor.u32 $0x410, s26  }
0x4dd: {  	[tilespmem:s28+$0x0] =	vst.add.f32.msk $0xffff, v10  }
0x4de: {  	v10 =	vld [tilespmem:s25+$0x14420];
	_ =	sdelay $0x3  }
0x4df: {  	s28 =	sor.u32 $0x420, s26  }
0x4e0: {  	[tilespmem:s28+$0x0] =	vst.add.f32.msk $0xffff, v10  }
0x4e1: {  	v10 =	vld [tilespmem:s25+$0x14430];
	_ =	sdelay $0x3  }
0x4e2: {  	s28 =	sor.u32 $0x430, s26  }
0x4e3: {  	[tilespmem:s28+$0x0] =	vst.add.f32.msk $0xffff, v10  }
0x4e4: {  	v10 =	vld [tilespmem:s25+$0x14440];
	_ =	sdelay $0x3  }
0x4e5: {  	s28 =	sor.u32 $0x440, s26  }
0x4e6: {  	[tilespmem:s28+$0x0] =	vst.add.f32.msk $0xffff, v10  }
0x4e7: {  	v10 =	vld [tilespmem:s25+$0x14450];
	_ =	sdelay $0x3  }
0x4e8: {  	s28 =	sor.u32 $0x450, s26  }
0x4e9: {  	[tilespmem:s28+$0x0] =	vst.add.f32.msk $0xffff, v10  }
0x4ea: {  	v10 =	vld [tilespmem:s25+$0x14460];
	_ =	sdelay $0x3  }
0x4eb: {  	s28 =	sor.u32 $0x460, s26  }
0x4ec: {  	[tilespmem:s28+$0x0] =	vst.add.f32.msk $0xffff, v10  }
.Ltmp30:
0x4ed: {  	v10 =	vld [tilespmem:s25+$0x14470];
	(pc) =	sbr.rel @p0 .LBB2_39-.Ltmp30, $2  }
0x4ee: {  	_ =	sdelay $0x2  }
0x4ef: {  	s25 =	sor.u32 $0x470, s26  }
0x4f0: {  	s28 =	simm.s32 $0x14000  }
0x4f1: {  	[tilespmem:s25+$0x0] =	vst.add.f32.msk $0xffff, v10;
	s26 =	smov.u32 s14;
	s14 =	smov.u32 s3;
	s3 =	rddreg [dreg:$0xd]  }
.LBB2_41:
0x4f2: {  	p0 =	sge.s32 s21, s14  }
.Ltmp31:
0x4f3: {  	_ = 	snop;
	(pc) =	sbr.rel @p0 .LBB2_45-.Ltmp31, $4  }
0x4f4: {  	_ = 	snop  }
0x4f5: {  	_ =	swait.ge [sflag:s13], $0x4000  }
0x4f6: {  	[sflag:s13] =	ssyncset.done $0x0  }
0x4f7: {  	[sflag:s13] =	ssyncadd.s32 $0xFFFFC000  }
0x4f8: {  	v10 =	vld [tilespmem:s6+$0x1DD40];
	_ =	sdelay $0x4  }
0x4f9: {  	v10 =	vadd.s32 v1, v10  }
0x4fa: {  	[tilespmem:$0x1EA00] =	vst v10  }
0x4fb: {  	v10 =	vld [tilespmem:s6+$0x1DD50];
	_ =	sdelay $0x4  }
0x4fc: {  	v10 =	vadd.s32 v1, v10  }
0x4fd: {  	[tilespmem:$0x1EA10] =	vst v10  }
0x4fe: {  	v10 =	vld [tilespmem:s6+$0x1DD60];
	_ =	sdelay $0x4  }
0x4ff: {  	v10 =	vadd.s32 v1, v10  }
0x500: {  	[tilespmem:$0x1EA20] =	vst v10  }
0x501: {  	v10 =	vld [tilespmem:s6+$0x1DD70];
	_ =	sdelay $0x4  }
0x502: {  	v10 =	vadd.s32 v1, v10  }
0x503: {  	[tilespmem:$0x1EA30] =	vst v10  }
0x504: {  	[spmem:s29] =	stream.indirect.scatter.add.f32 [tilespmem:s16], [sflag:$0x5], $0x1, s15, s7, $0xb8;
	[tilespmem:$0x1EDC0] =	vst v63  }
0x505: {  	_ =	swait.ge [sflag:s12], $0x40  }
0x506: {  	[sflag:s12] =	ssyncset.done $0x0  }
0x507: {  	[sflag:s12] =	ssyncadd.s32 $0xFFFFFFC0  }
0x508: {  	v10 =	vld [tilespmem:s20+$0x0];
	_ =	sdelay $0x4  }
0x509: {  	(v2sf) =	vpush v10, $0x0;
	_ =	sdelay $0xa  }
0x50a: {  	s6 =	simm.s32 $0x0  }
0x50b: {  	s21 =	sand.u32 $0x3800, s6;
	s22 =	sand.u32 $0x380, s6  }
0x50c: {  	s22 =	sor.u32 s22, s21  }
0x50d: {  	v10 =	vld [tilespmem:s22+$0x18000]  }
0x50e: {  	s24 =	spop (v2sf)  }
0x50f: {  	s23 =	sshll.u32 s24, $0x8;
	s21 =	sshll.u32 s24, $0x7  }
0x510: {  	s23 =	sand.u32 $0xFFFFF800, s23;
	s21 =	sand.u32 $0x380, s21  }
0x511: {  	s23 =	sor.u32 s21, s23  }
0x512: {  	[tilespmem:s23+$0x0] =	vst.add.f32.msk $0xffff, v10  }
0x513: {  	v10 =	vld [tilespmem:s22+$0x18010];
	_ =	sdelay $0x3  }
0x514: {  	s21 =	sor.u32 $0x10, s23  }
0x515: {  	[tilespmem:s21+$0x0] =	vst.add.f32.msk $0xffff, v10  }
0x516: {  	v10 =	vld [tilespmem:s22+$0x18020];
	_ =	sdelay $0x3  }
0x517: {  	s25 =	sor.u32 $0x20, s23  }
0x518: {  	[tilespmem:s25+$0x0] =	vst.add.f32.msk $0xffff, v10  }
0x519: {  	v10 =	vld [tilespmem:s22+$0x18030];
	_ =	sdelay $0x3  }
0x51a: {  	s24 =	sor.u32 $0x30, s23  }
0x51b: {  	[tilespmem:s24+$0x0] =	vst.add.f32.msk $0xffff, v10  }
0x51c: {  	v10 =	vld [tilespmem:s22+$0x18040];
	_ =	sdelay $0x3  }
0x51d: {  	s25 =	sor.u32 $0x40, s23  }
0x51e: {  	[tilespmem:s25+$0x0] =	vst.add.f32.msk $0xffff, v10  }
0x51f: {  	v10 =	vld [tilespmem:s22+$0x18050];
	_ =	sdelay $0x3  }
0x520: {  	s24 =	sor.u32 $0x50, s23  }
0x521: {  	[tilespmem:s24+$0x0] =	vst.add.f32.msk $0xffff, v10  }
0x522: {  	v10 =	vld [tilespmem:s22+$0x18060];
	_ =	sdelay $0x3  }
0x523: {  	s25 =	sor.u32 $0x60, s23  }
0x524: {  	[tilespmem:s25+$0x0] =	vst.add.f32.msk $0xffff, v10  }
0x525: {  	v10 =	vld [tilespmem:s22+$0x18070];
	_ =	sdelay $0x3  }
0x526: {  	s24 =	sor.u32 $0x70, s23  }
0x527: {  	[tilespmem:s24+$0x0] =	vst.add.f32.msk $0xffff, v10  }
0x528: {  	v10 =	vld [tilespmem:s22+$0x18400];
	_ =	sdelay $0x3  }
0x529: {  	s25 =	sor.u32 $0x400, s23  }
0x52a: {  	[tilespmem:s25+$0x0] =	vst.add.f32.msk $0xffff, v10  }
0x52b: {  	v10 =	vld [tilespmem:s22+$0x18410];
	_ =	sdelay $0x3  }
0x52c: {  	s24 =	sor.u32 $0x410, s23  }
0x52d: {  	[tilespmem:s24+$0x0] =	vst.add.f32.msk $0xffff, v10  }
0x52e: {  	v10 =	vld [tilespmem:s22+$0x18420];
	_ =	sdelay $0x3  }
0x52f: {  	s25 =	sor.u32 $0x420, s23  }
0x530: {  	[tilespmem:s25+$0x0] =	vst.add.f32.msk $0xffff, v10  }
0x531: {  	v10 =	vld [tilespmem:s22+$0x18430];
	_ =	sdelay $0x3  }
0x532: {  	s24 =	sor.u32 $0x430, s23  }
0x533: {  	[tilespmem:s24+$0x0] =	vst.add.f32.msk $0xffff, v10  }
0x534: {  	v10 =	vld [tilespmem:s22+$0x18440];
	_ =	sdelay $0x3  }
0x535: {  	s25 =	sor.u32 $0x440, s23  }
0x536: {  	[tilespmem:s25+$0x0] =	vst.add.f32.msk $0xffff, v10  }
0x537: {  	v10 =	vld [tilespmem:s22+$0x18450];
	_ =	sdelay $0x3  }
0x538: {  	s24 =	sor.u32 $0x450, s23  }
0x539: {  	[tilespmem:s24+$0x0] =	vst.add.f32.msk $0xffff, v10  }
0x53a: {  	v10 =	vld [tilespmem:s22+$0x18460];
	_ =	sdelay $0x3  }
0x53b: {  	s25 =	sor.u32 $0x460, s23  }
0x53c: {  	[tilespmem:s25+$0x0] =	vst.add.f32.msk $0xffff, v10  }
0x53d: {  	v10 =	vld [tilespmem:s22+$0x18470];
	_ =	sdelay $0x3  }
0x53e: {  	s21 =	simm.s32 $0x100;
	s23 =	sor.u32 $0x470, s23;
	s22 =	smov.u32 s20  }
.LBB2_43:
0x53f: {  	p0 =	sne.s32 s21, $0x3F00;
	[tilespmem:s23+$0x0] =	vst.add.f32.msk $0xffff, v10;
	s6 =	sadd.s32 $0x80, s6;
	s22 =	sadd.s32 $0x1, s22  }
0x540: {  	s23 =	smov.u32 s21;
	s21 =	sadd.s32 $0x100, s21;
	v10 =	vld [tilespmem:s22+$0x0];
	_ =	sdelay $0x4  }
0x541: {  	(v2sf) =	vpush v10, $0x0;
	_ =	sdelay $0xb  }
0x542: {  	s23 =	sand.u32 $0x3800, s23;
	s24 =	sand.u32 $0x380, s6  }
0x543: {  	s23 =	sor.u32 s24, s23  }
0x544: {  	v10 =	vld [tilespmem:s23+$0x18000]  }
0x545: {  	s24 =	spop (v2sf)  }
0x546: {  	s25 =	sshll.u32 s24, $0x8;
	s24 =	sshll.u32 s24, $0x7  }
0x547: {  	s25 =	sand.u32 $0xFFFFF800, s25;
	s24 =	sand.u32 $0x380, s24  }
0x548: {  	s24 =	sor.u32 s24, s25  }
0x549: {  	[tilespmem:s24+$0x0] =	vst.add.f32.msk $0xffff, v10  }
0x54a: {  	v10 =	vld [tilespmem:s23+$0x18010];
	_ =	sdelay $0x3  }
0x54b: {  	s25 =	sor.u32 $0x10, s24  }
0x54c: {  	[tilespmem:s25+$0x0] =	vst.add.f32.msk $0xffff, v10  }
0x54d: {  	v10 =	vld [tilespmem:s23+$0x18020];
	_ =	sdelay $0x3  }
0x54e: {  	s25 =	sor.u32 $0x20, s24  }
0x54f: {  	[tilespmem:s25+$0x0] =	vst.add.f32.msk $0xffff, v10  }
0x550: {  	v10 =	vld [tilespmem:s23+$0x18030];
	_ =	sdelay $0x3  }
0x551: {  	s25 =	sor.u32 $0x30, s24  }
0x552: {  	[tilespmem:s25+$0x0] =	vst.add.f32.msk $0xffff, v10  }
0x553: {  	v10 =	vld [tilespmem:s23+$0x18040];
	_ =	sdelay $0x3  }
0x554: {  	s25 =	sor.u32 $0x40, s24  }
0x555: {  	[tilespmem:s25+$0x0] =	vst.add.f32.msk $0xffff, v10  }
0x556: {  	v10 =	vld [tilespmem:s23+$0x18050];
	_ =	sdelay $0x3  }
0x557: {  	s25 =	sor.u32 $0x50, s24  }
0x558: {  	[tilespmem:s25+$0x0] =	vst.add.f32.msk $0xffff, v10  }
0x559: {  	v10 =	vld [tilespmem:s23+$0x18060];
	_ =	sdelay $0x3  }
0x55a: {  	s25 =	sor.u32 $0x60, s24  }
0x55b: {  	[tilespmem:s25+$0x0] =	vst.add.f32.msk $0xffff, v10  }
0x55c: {  	v10 =	vld [tilespmem:s23+$0x18070];
	_ =	sdelay $0x3  }
0x55d: {  	s25 =	sor.u32 $0x70, s24  }
0x55e: {  	[tilespmem:s25+$0x0] =	vst.add.f32.msk $0xffff, v10  }
0x55f: {  	v10 =	vld [tilespmem:s23+$0x18400];
	_ =	sdelay $0x3  }
0x560: {  	s25 =	sor.u32 $0x400, s24  }
0x561: {  	[tilespmem:s25+$0x0] =	vst.add.f32.msk $0xffff, v10  }
0x562: {  	v10 =	vld [tilespmem:s23+$0x18410];
	_ =	sdelay $0x3  }
0x563: {  	s25 =	sor.u32 $0x410, s24  }
0x564: {  	[tilespmem:s25+$0x0] =	vst.add.f32.msk $0xffff, v10  }
0x565: {  	v10 =	vld [tilespmem:s23+$0x18420];
	_ =	sdelay $0x3  }
0x566: {  	s25 =	sor.u32 $0x420, s24  }
0x567: {  	[tilespmem:s25+$0x0] =	vst.add.f32.msk $0xffff, v10  }
0x568: {  	v10 =	vld [tilespmem:s23+$0x18430];
	_ =	sdelay $0x3  }
0x569: {  	s25 =	sor.u32 $0x430, s24  }
0x56a: {  	[tilespmem:s25+$0x0] =	vst.add.f32.msk $0xffff, v10  }
0x56b: {  	v10 =	vld [tilespmem:s23+$0x18440];
	_ =	sdelay $0x3  }
0x56c: {  	s25 =	sor.u32 $0x440, s24  }
0x56d: {  	[tilespmem:s25+$0x0] =	vst.add.f32.msk $0xffff, v10  }
0x56e: {  	v10 =	vld [tilespmem:s23+$0x18450];
	_ =	sdelay $0x3  }
0x56f: {  	s25 =	sor.u32 $0x450, s24  }
0x570: {  	[tilespmem:s25+$0x0] =	vst.add.f32.msk $0xffff, v10  }
0x571: {  	v10 =	vld [tilespmem:s23+$0x18460];
	_ =	sdelay $0x3  }
0x572: {  	s25 =	sor.u32 $0x460, s24  }
0x573: {  	[tilespmem:s25+$0x0] =	vst.add.f32.msk $0xffff, v10  }
.Ltmp32:
0x574: {  	v10 =	vld [tilespmem:s23+$0x18470];
	(pc) =	sbr.rel @p0 .LBB2_43-.Ltmp32, $2  }
0x575: {  	_ =	sdelay $0x2  }
0x576: {  	s23 =	sor.u32 $0x470, s24  }
.Ltmp33:
0x577: {  	(pc) =	sbr.rel .LBB2_45-.Ltmp33, $2  }
0x578: {  	_ =	sdelay $0x2  }
0x579: {  	[tilespmem:s23+$0x0] =	vst.add.f32.msk $0xffff, v10  }
.LBB2_47:
0x57a: {  	_ =	sfence.sel $0x180000  }
0x57b: {  	[bflag:$0x0] =	sbarrier.arrive $0xFFFF  }
0x57c: {  	_ =	strace $0x90000047  }
0x57d: {  	s0 =	stileid.u32;
	[bflag:$0x2] =	sbarrier.arrive $0xFFFF  }
0x57e: {  	p0 =	sne.s32 s0, $0x0;
	s0 =	rddreg [dreg:$0x4]  }
0x57f: {  	s0 =	sadd.s32 @!p0 $0x100000, s0  }
0x580: {  	[sflag:s0] =	ssyncadd.tile.s32 @!p0 $0x1;
	_ =	shalt  }
.Lfunc_end2:
_tile_overlayer_lowered:
.L_overlay_start_2:
0x581: {  	(tag) =	ssettag $0x2  }
0x582: {  	s0 =	rddreg [dreg:$0x0];
	s2 =	stileid.u32  }
0x583: {  	s1 =	rddreg [dreg:$0x1];
	p0 =	sne.s32 s2, $0x0  }
0x584: {  	s3 =	rddreg [dreg:$0x2];
	[bflag:$0x3] =	sbarrier.arrive $0xFFFF;
	s2 =	simm.s32 @!p0 $0x1C05  }
0x585: {  	[timem:s3], [sflag:s2] =	dma.local @!p0 [hbm:s0], s1  }
0x586: {  	s0 =	simm.s32 @!p0 $0x5  }
0x587: {  	_ =	swait.ge @!p0 [sflag:s0], s1  }
0x588: {  	s1 =	ssub.s32 @!p0 $0x0, s1;
	[sflag:s0] =	ssyncset.done @!p0 $0x0  }
0x589: {  	[sflag:s0] =	ssyncadd.s32 @!p0 s1  }
0x58a: {  	[bflag:$0x3] =	sbarrier.arrive $0xFFFF  }
0x58b: {  	_ =	shalt  }

</sc_bundles>
